<compile_context>
chip_gen: v7x
topology: tpu7x:2x2x1
jax: 0.10.2.dev20260603
libtpu: 0.0.44.dev20260713+nightly
codegen_flags: <defaults>
</compile_context>

<pallas_src>
import functools

import jax
import jax.numpy as jnp
from jax import lax
from jax.experimental import pallas as pl
from jax.experimental.pallas import tpu as pltpu
from jax.experimental.pallas import tpu_sc as plsc

N = 10000
E = 320000
D_IN = 128
D_HID = 16
D_OUT = 40

NC, NS = 2, 16
CH = 128
IDX_BLK = 8
NPAD = 10240
ROWS_PER_TILE = NPAD // NS
EROWS = E // CH




_SC_MESH = plsc.VectorSubcoreMesh(core_axis_name="c", subcore_axis_name="s")
_SC_PARAMS = pltpu.CompilerParams(use_tc_tiling_on_sc=False)


@functools.partial(
    pl.kernel,
    out_type=jax.ShapeDtypeStruct((NC, NPAD), jnp.float32),
    mesh=_SC_MESH,
    compiler_params=_SC_PARAMS,
    scratch_types=[
        pltpu.VMEM((IDX_BLK, CH), jnp.int32),
        pltpu.VMEM((CH,), jnp.float32),
        pltpu.VMEM_SHARED((NPAD,), jnp.float32),
    ],
)
def _sc_degree(e3_hbm, zero_hbm, out_hbm, didx_v, ones_v, acc_sh):
    c = lax.axis_index("c")
    s = lax.axis_index("s")
    w = c * NS + s
    r0 = s * ROWS_PER_TILE
    for i in range(CH // 16):
        ones_v[pl.ds(i * 16, 16)] = jnp.ones((16,), jnp.float32)
    pltpu.sync_copy(zero_hbm.at[pl.ds(r0, ROWS_PER_TILE)],
                    acc_sh.at[pl.ds(r0, ROWS_PER_TILE)])
    plsc.subcore_barrier()

    base = w * 78

    def blk(i, carry):
        row0 = base + i * IDX_BLK
        pltpu.sync_copy(e3_hbm.at[1, pl.ds(row0, IDX_BLK)], didx_v)
        for j in range(IDX_BLK):
            pltpu.sync_copy(ones_v, acc_sh.at[didx_v.at[j]], add=True)
        return carry

    lax.fori_loop(0, 9, blk, 0)
    pltpu.sync_copy(e3_hbm.at[1, pl.ds(base + 72, 6)],
                    didx_v.at[pl.ds(0, 6)])
    for j in range(6):
        pltpu.sync_copy(ones_v, acc_sh.at[didx_v.at[j]], add=True)

    @pl.when(w < 4)
    def _extra():
        pltpu.sync_copy(e3_hbm.at[1, pl.ds(2496 + w, 1)],
                        didx_v.at[pl.ds(0, 1)])
        pltpu.sync_copy(ones_v, acc_sh.at[didx_v.at[0]], add=True)

    plsc.subcore_barrier()
    pltpu.sync_copy(acc_sh.at[pl.ds(r0, ROWS_PER_TILE)],
                    out_hbm.at[c, pl.ds(r0, ROWS_PER_TILE)])


def _make_sc_agg(depth):

    @functools.partial(
        pl.kernel,
        out_type=jax.ShapeDtypeStruct((NC, NPAD, depth), jnp.float32),
        mesh=_SC_MESH,
        compiler_params=_SC_PARAMS,
        scratch_types=(
            [pltpu.VMEM((IDX_BLK, CH), jnp.int32) for _ in range(4)]
            + [pltpu.VMEM((CH, depth), jnp.float32)
               for _ in range(2 * IDX_BLK)]
            + [pltpu.VMEM_SHARED((NPAD, depth), jnp.float32)]
            + [pltpu.SemaphoreType.DMA for _ in range(2 * IDX_BLK + 4)]
        ),
    )
    def agg(g_hbm, e3_hbm, zero_hbm, out_hbm, *scr):
        sidx = scr[0:2]
        didx = scr[2:4]
        rows = scr[4:4 + 2 * IDX_BLK]
        acc_sh = scr[4 + 2 * IDX_BLK]
        gsem = scr[5 + 2 * IDX_BLK:5 + 4 * IDX_BLK]
        ssem = scr[5 + 4 * IDX_BLK:]
        c = lax.axis_index("c")
        s = lax.axis_index("s")
        r0 = s * ROWS_PER_TILE
        grp = IDX_BLK // 2
        pltpu.sync_copy(zero_hbm.at[pl.ds(r0, ROWS_PER_TILE)],
                        acc_sh.at[pl.ds(r0, ROWS_PER_TILE)])
        plsc.subcore_barrier()

        def drain_scat(g):
            for _ in range(grp):
                pltpu.make_async_copy(
                    g_hbm.at[pl.ds(0, CH)], rows[0], ssem[g]).wait()

        def run_block(i, row0, p):
            pltpu.sync_copy(e3_hbm.at[0, pl.ds(row0, IDX_BLK)], sidx[p])
            pltpu.sync_copy(e3_hbm.at[1, pl.ds(row0, IDX_BLK)], didx[p])
            for g in range(2):
                gg = p * 2 + g
                @pl.when(i >= 2)
                def _(gg=gg):
                    drain_scat(gg)
                cps = []
                for j in range(grp):
                    k = g * grp + j
                    sk = p * IDX_BLK + k
                    cps.append(pltpu.async_copy(
                        g_hbm.at[sidx[p].at[k]], rows[sk], gsem[sk]))
                for j in range(grp):
                    k = g * grp + j
                    sk = p * IDX_BLK + k
                    cps[j].wait()
                    pltpu.async_copy(rows[sk], acc_sh.at[didx[p].at[k]],
                                     ssem[gg], add=True)

        def pipelined(base, nblk):
            def blk(i, carry):
                row0 = base + i * IDX_BLK
                par = lax.rem(i, 2)
                for p in range(2):
                    @pl.when(par == p)
                    def _(p=p):
                        run_block(i, row0, p)
                return carry

            lax.fori_loop(0, nblk, blk, 0)
            for gg in range(4):
                drain_scat(gg)

        def tail(row0, count):
            pltpu.sync_copy(e3_hbm.at[0, pl.ds(row0, count)],
                            sidx[0].at[pl.ds(0, count)])
            pltpu.sync_copy(e3_hbm.at[1, pl.ds(row0, count)],
                            didx[0].at[pl.ds(0, count)])
            for j in range(count):
                pltpu.sync_copy(g_hbm.at[sidx[0].at[j]], rows[0])
                pltpu.sync_copy(rows[0], acc_sh.at[didx[0].at[j]], add=True)

        w = c * NS + s
        pipelined(w * 78, 9)
        tail(w * 78 + 72, 6)

        @pl.when(w < 4)
        def _extra():
            tail(2496 + w, 1)

        plsc.subcore_barrier()
        pltpu.sync_copy(acc_sh.at[pl.ds(r0, ROWS_PER_TILE)],
                        out_hbm.at[c, pl.ds(r0, ROWS_PER_TILE)])

    return agg


_sc_agg_hid = _make_sc_agg(D_HID)
_sc_agg_out = _make_sc_agg(D_OUT)



def _tc0_body(x_ref, w_ref, h_ref):
    h_ref[...] = jnp.dot(x_ref[...], w_ref[...],
                         preferred_element_type=jnp.float32)


_tc0 = pl.pallas_call(
    _tc0_body,
    out_shape=jax.ShapeDtypeStruct((N, D_HID), jnp.float32),
)


def _tc1_body(h_ref, cnt_ref, g_ref, dinv_ref):
    csum = cnt_ref[:, 0:1] + cnt_ref[:, 1:2]
    dinv = jax.lax.rsqrt(csum + 1.0)
    dinv_ref[...] = dinv
    g_ref[...] = h_ref[...] * dinv


_tc1 = pl.pallas_call(
    _tc1_body,
    out_shape=[
        jax.ShapeDtypeStruct((N, D_HID), jnp.float32),
        jax.ShapeDtypeStruct((N, 1), jnp.float32),
    ],
)


def _tc2_body(agg_ref, g1_ref, dinv_ref, b1_ref, w2_ref, g2_ref):
    agg = agg_ref[0, :N] + agg_ref[1, :N] + g1_ref[...]
    dinv = dinv_ref[...]
    h1 = jnp.maximum(agg * dinv + b1_ref[...], 0.0)
    g2_ref[...] = jnp.dot(h1, w2_ref[...],
                          preferred_element_type=jnp.float32) * dinv


_tc2 = pl.pallas_call(
    _tc2_body,
    out_shape=jax.ShapeDtypeStruct((N, D_OUT), jnp.float32),
)


def _tc3_body(agg_ref, g2_ref, dinv_ref, b2_ref, o_ref):
    o = (agg_ref[0, :N] + agg_ref[1, :N] + g2_ref[...]) * dinv_ref[...] \
        + b2_ref[...]
    m = jnp.max(o, axis=1, keepdims=True)
    lse = m + jnp.log(jnp.sum(jnp.exp(o - m), axis=1, keepdims=True))
    o_ref[...] = o - lse


_tc3 = pl.pallas_call(
    _tc3_body,
    out_shape=jax.ShapeDtypeStruct((N, D_OUT), jnp.float32),
)



def kernel(x, edge_index, W1, b1, W2, b2):
    e3 = edge_index.reshape(2, EROWS, CH)

    cnt = _sc_degree(e3, jnp.zeros((NPAD,), jnp.float32))
    h = _tc0(x, W1)
    g1, dinv = _tc1(h, cnt.T[:N])

    agg1 = _sc_agg_hid(g1, e3, jnp.zeros((NPAD, D_HID), jnp.float32))
    g2 = _tc2(agg1, g1, dinv, b1.reshape(1, D_HID), W2)

    agg2 = _sc_agg_out(g2, e3, jnp.zeros((NPAD, D_OUT), jnp.float32))
    return _tc3(agg2, g2, dinv, b2.reshape(1, D_OUT))

# --- scband reference (transcript-rebuilt; emitter-appended) ---
"""Pipeline reference for scband-gcn-4930622456147 (READ-ONLY COPY).

The authoritative reference and input builder live on the scoring server;
editing this copy changes nothing except your own understanding.
"""

import jax, jax.numpy as jnp
import numpy as np

N = 10000
E = 320000
D_IN = 128
D_HID = 16
D_OUT = 40


def setup_inputs(seed: int = 0) -> dict:
    key = jax.random.key(seed)
    k1, k2, k3, k4 = jax.random.split(key, 4)
    x = jax.random.normal(k1, (N, D_IN), dtype=jnp.float32)
    edge_index = jax.random.randint(k2, (2, E), 0, N, dtype=jnp.int32)
    W1 = jax.random.normal(k3, (D_IN, D_HID), dtype=jnp.float32) * (1.0 / np.sqrt(D_IN))
    b1 = jnp.zeros((D_HID,), dtype=jnp.float32)
    W2 = jax.random.normal(k4, (D_HID, D_OUT), dtype=jnp.float32) * (1.0 / np.sqrt(D_HID))
    b2 = jnp.zeros((D_OUT,), dtype=jnp.float32)
    return {"x": x, "edge_index": edge_index, "W1": W1, "b1": b1, "W2": W2, "b2": b2}


def _gcn_conv(x, edge_index, W, b):
    # GCNConv: out = D^{-1/2} (A + I) D^{-1/2} X W + b
    n = x.shape[0]
    loop = jnp.arange(n, dtype=edge_index.dtype)
    src = jnp.concatenate([edge_index[0], loop])
    dst = jnp.concatenate([edge_index[1], loop])
    deg = jax.ops.segment_sum(jnp.ones_like(dst, dtype=x.dtype), dst, num_segments=n)
    dinv = jnp.where(deg > 0, deg ** -0.5, 0.0)
    norm = dinv[src] * dinv[dst]
    h = x @ W
    msg = h[src] * norm[:, None]
    out = jax.ops.segment_sum(msg, dst, num_segments=n)
    return out + b


def reference(x, edge_index, W1, b1, W2, b2):
    h = _gcn_conv(x, edge_index, W1, b1)
    h = jax.nn.relu(h)
    # dropout is identity in eval mode (training=False)
    h = _gcn_conv(h, edge_index, W2, b2)
    return jax.nn.log_softmax(h, axis=1)

if __name__ == "__main__":
    import jax
    _d = setup_inputs()
    print(jax.jit(kernel)(*tuple(_d.values())))

</pallas_src>

<mosaic_0001>
#map = affine_map<(d0, d1) -> (0, 0)>
#map1 = affine_map<(d0, d1) -> (0, 0, 0)>
module attributes {stable_mosaic.version = 14 : i64} {
  func.func @agg(%arg0: i32, %arg1: i32, %arg2: memref<10000x16xf32, #tpu.memory_space<hbm>>, %arg3: memref<2x2500x128xi32, #tpu.memory_space<hbm>>, %arg4: memref<10240x16xf32, #tpu.memory_space<hbm>>, %arg5: memref<2x10240x16xf32, #tpu.memory_space<hbm>>, %arg6: memref<8x128xi32, #tpu.memory_space<vmem>>, %arg7: memref<8x128xi32, #tpu.memory_space<vmem>>, %arg8: memref<8x128xi32, #tpu.memory_space<vmem>>, %arg9: memref<8x128xi32, #tpu.memory_space<vmem>>, %arg10: memref<128x16xf32, #tpu.memory_space<vmem>>, %arg11: memref<128x16xf32, #tpu.memory_space<vmem>>, %arg12: memref<128x16xf32, #tpu.memory_space<vmem>>, %arg13: memref<128x16xf32, #tpu.memory_space<vmem>>, %arg14: memref<128x16xf32, #tpu.memory_space<vmem>>, %arg15: memref<128x16xf32, #tpu.memory_space<vmem>>, %arg16: memref<128x16xf32, #tpu.memory_space<vmem>>, %arg17: memref<128x16xf32, #tpu.memory_space<vmem>>, %arg18: memref<128x16xf32, #tpu.memory_space<vmem>>, %arg19: memref<128x16xf32, #tpu.memory_space<vmem>>, %arg20: memref<128x16xf32, #tpu.memory_space<vmem>>, %arg21: memref<128x16xf32, #tpu.memory_space<vmem>>, %arg22: memref<128x16xf32, #tpu.memory_space<vmem>>, %arg23: memref<128x16xf32, #tpu.memory_space<vmem>>, %arg24: memref<128x16xf32, #tpu.memory_space<vmem>>, %arg25: memref<128x16xf32, #tpu.memory_space<vmem>>, %arg26: memref<10240x16xf32, #tpu.memory_space<vmem_shared>>, %arg27: memref<!tpu.dma_semaphore, #tpu.memory_space<semaphore_mem>>, %arg28: memref<!tpu.dma_semaphore, #tpu.memory_space<semaphore_mem>>, %arg29: memref<!tpu.dma_semaphore, #tpu.memory_space<semaphore_mem>>, %arg30: memref<!tpu.dma_semaphore, #tpu.memory_space<semaphore_mem>>, %arg31: memref<!tpu.dma_semaphore, #tpu.memory_space<semaphore_mem>>, %arg32: memref<!tpu.dma_semaphore, #tpu.memory_space<semaphore_mem>>, %arg33: memref<!tpu.dma_semaphore, #tpu.memory_space<semaphore_mem>>, %arg34: memref<!tpu.dma_semaphore, #tpu.memory_space<semaphore_mem>>, %arg35: memref<!tpu.dma_semaphore, #tpu.memory_space<semaphore_mem>>, %arg36: memref<!tpu.dma_semaphore, #tpu.memory_space<semaphore_mem>>, %arg37: memref<!tpu.dma_semaphore, #tpu.memory_space<semaphore_mem>>, %arg38: memref<!tpu.dma_semaphore, #tpu.memory_space<semaphore_mem>>, %arg39: memref<!tpu.dma_semaphore, #tpu.memory_space<semaphore_mem>>, %arg40: memref<!tpu.dma_semaphore, #tpu.memory_space<semaphore_mem>>, %arg41: memref<!tpu.dma_semaphore, #tpu.memory_space<semaphore_mem>>, %arg42: memref<!tpu.dma_semaphore, #tpu.memory_space<semaphore_mem>>, %arg43: memref<!tpu.dma_semaphore, #tpu.memory_space<semaphore_mem>>, %arg44: memref<!tpu.dma_semaphore, #tpu.memory_space<semaphore_mem>>, %arg45: memref<!tpu.dma_semaphore, #tpu.memory_space<semaphore_mem>>, %arg46: memref<!tpu.dma_semaphore, #tpu.memory_space<semaphore_mem>>) attributes {dimension_semantics = [#tpu.dimension_semantics<core_parallel>, #tpu.dimension_semantics<subcore_parallel>], iteration_bounds = array<i64: 2, 16>, scalar_prefetch = 0 : i64, scratch_operands = 41 : i64, tpu.core_type = #tpu.core_type<sc_vector_subcore>, window_params = [{transform_indices = #map}, {transform_indices = #map1}, {transform_indices = #map}, {transform_indices = #map1}]} {
    %mul3A = arith.constant 640 : i32
    %mul3A_0 = arith.muli %arg1, %mul3A : i32
    "tpu.region"() ({
      %run_scoped3A_125 = tpu.sem_alloc : memref<!tpu.dma_semaphore, #tpu.memory_space<semaphore_mem>>
      %dma_start3A = arith.constant 0 : i32
      %dma_start3A_126 = tpu.memref_slice %arg26[%mul3A_0, %dma_start3A] : memref<10240x16xf32, #tpu.memory_space<vmem_shared>> -> memref<640x16xf32, #tpu.memory_space<vmem_shared>>
      %dma_start3A_127 = arith.constant 0 : i32
      %dma_start3A_128 = tpu.memref_slice %arg4[%mul3A_0, %dma_start3A_127] : memref<10240x16xf32, #tpu.memory_space<hbm>> -> memref<640x16xf32, #tpu.memory_space<hbm>>
      tpu.enqueue_dma source(%dma_start3A_128 : memref<640x16xf32, #tpu.memory_space<hbm>>) target(%dma_start3A_126 : memref<640x16xf32, #tpu.memory_space<vmem_shared>>) target_semaphore(%run_scoped3A_125 : memref<!tpu.dma_semaphore, #tpu.memory_space<semaphore_mem>>)
      %dma_wait3A_129 = arith.constant 0 : i32
      %dma_wait3A_130 = tpu.memref_slice %arg26[%mul3A_0, %dma_wait3A_129] : memref<10240x16xf32, #tpu.memory_space<vmem_shared>> -> memref<640x16xf32, #tpu.memory_space<vmem_shared>>
      %dma_wait3A_131 = arith.constant 0 : i32
      %dma_wait3A_132 = tpu.memref_slice %arg4[%mul3A_0, %dma_wait3A_131] : memref<10240x16xf32, #tpu.memory_space<hbm>> -> memref<640x16xf32, #tpu.memory_space<hbm>>
      tpu.wait_dma2 semaphore(%run_scoped3A_125 : memref<!tpu.dma_semaphore, #tpu.memory_space<semaphore_mem>>) src(%dma_wait3A_132 : memref<640x16xf32, #tpu.memory_space<hbm>>) dst(%dma_wait3A_130 : memref<640x16xf32, #tpu.memory_space<vmem_shared>>)
      tpu.yield
    }) : () -> ()
    %barrier3A = arith.constant 0 : index
    tpu.barrier barrier_id(%barrier3A)
    %mul3A_1 = arith.constant 16 : i32
    %mul3A_2 = arith.muli %arg0, %mul3A_1 : i32
    %add3A = arith.addi %mul3A_2, %arg1 : i32
    %mul3A_3 = arith.constant 78 : i32
    %mul3A_4 = arith.muli %add3A, %mul3A_3 : i32
    %scan3A = arith.constant 0 : i32
    %scan3A_5 = arith.constant 0 : i32
    %scan3A_6 = arith.constant 9 : i32
    %scan3A_7 = arith.addi %scan3A_5, %scan3A_6 : i32
    %scan3A_8 = arith.constant 1 : i32
    scf.for %scan3A_125 = %scan3A_5 to %scan3A_7 step %scan3A_8  : i32 {
      %mul3A_126 = arith.constant 8 : i32
      %mul3A_127 = arith.muli %scan3A_125, %mul3A_126 : i32
      %add3A_128 = arith.addi %mul3A_4, %mul3A_127 : i32
      %rem3A = arith.constant 2 : i32
      %rem3A_129 = arith.remsi %scan3A_125, %rem3A : i32
      %eq3A = arith.constant 0 : i32
      %eq3A_130 = arith.cmpi eq, %rem3A_129, %eq3A : i32
      %convert_element_type3A_131 = arith.extui %eq3A_130 : i1 to i32
      %cond3A_132 = arith.constant 0 : i32
      %cond3A_133 = arith.cmpi ne, %convert_element_type3A_131, %cond3A_132 : i32
      scf.if %cond3A_133 {
        %run_scoped3A_139 = arith.constant 0 : i32
        "tpu.region"() ({
          %run_scoped3A_317 = tpu.sem_alloc : memref<!tpu.dma_semaphore, #tpu.memory_space<semaphore_mem>>
          %dma_start3A_318 = arith.constant 0 : i32
          %dma_start3A_319 = tpu.memref_slice %arg3[%run_scoped3A_139, %add3A_128, %dma_start3A_318] : memref<2x2500x128xi32, #tpu.memory_space<hbm>> -> memref<1x8x128xi32, #tpu.memory_space<hbm>>
          %dma_start3A_320 = tpu.memref_squeeze %dma_start3A_319 : memref<1x8x128xi32, #tpu.memory_space<hbm>> -> memref<8x128xi32, #tpu.memory_space<hbm>>
          %dma_start3A_321 = arith.constant 0 : i32
          %dma_start3A_322 = tpu.memref_slice %arg3[%run_scoped3A_139, %add3A_128, %dma_start3A_321] : memref<2x2500x128xi32, #tpu.memory_space<hbm>> -> memref<1x8x128xi32, #tpu.memory_space<hbm>>
          %dma_start3A_323 = tpu.memref_squeeze %dma_start3A_322 : memref<1x8x128xi32, #tpu.memory_space<hbm>> -> memref<8x128xi32, #tpu.memory_space<hbm>>
          tpu.enqueue_dma source(%dma_start3A_323 : memref<8x128xi32, #tpu.memory_space<hbm>>) target(%arg6 : memref<8x128xi32, #tpu.memory_space<vmem>>) target_semaphore(%run_scoped3A_317 : memref<!tpu.dma_semaphore, #tpu.memory_space<semaphore_mem>>)
          %dma_wait3A_324 = arith.constant 0 : i32
          %dma_wait3A_325 = tpu.memref_slice %arg3[%run_scoped3A_139, %add3A_128, %dma_wait3A_324] : memref<2x2500x128xi32, #tpu.memory_space<hbm>> -> memref<1x8x128xi32, #tpu.memory_space<hbm>>
          %dma_wait3A_326 = tpu.memref_squeeze %dma_wait3A_325 : memref<1x8x128xi32, #tpu.memory_space<hbm>> -> memref<8x128xi32, #tpu.memory_space<hbm>>
          %dma_wait3A_327 = arith.constant 0 : i32
          %dma_wait3A_328 = tpu.memref_slice %arg3[%run_scoped3A_139, %add3A_128, %dma_wait3A_327] : memref<2x2500x128xi32, #tpu.memory_space<hbm>> -> memref<1x8x128xi32, #tpu.memory_space<hbm>>
          %dma_wait3A_329 = tpu.memref_squeeze %dma_wait3A_328 : memref<1x8x128xi32, #tpu.memory_space<hbm>> -> memref<8x128xi32, #tpu.memory_space<hbm>>
          tpu.wait_dma2 semaphore(%run_scoped3A_317 : memref<!tpu.dma_semaphore, #tpu.memory_space<semaphore_mem>>) src(%dma_wait3A_329 : memref<8x128xi32, #tpu.memory_space<hbm>>) dst(%arg6 : memref<8x128xi32, #tpu.memory_space<vmem>>)
          tpu.yield
        }) : () -> ()
        %run_scoped3A_140 = arith.constant 1 : i32
        "tpu.region"() ({
          %run_scoped3A_317 = tpu.sem_alloc : memref<!tpu.dma_semaphore, #tpu.memory_space<semaphore_mem>>
          %dma_start3A_318 = arith.constant 0 : i32
          %dma_start3A_319 = tpu.memref_slice %arg3[%run_scoped3A_140, %add3A_128, %dma_start3A_318] : memref<2x2500x128xi32, #tpu.memory_space<hbm>> -> memref<1x8x128xi32, #tpu.memory_space<hbm>>
          %dma_start3A_320 = tpu.memref_squeeze %dma_start3A_319 : memref<1x8x128xi32, #tpu.memory_space<hbm>> -> memref<8x128xi32, #tpu.memory_space<hbm>>
          %dma_start3A_321 = arith.constant 0 : i32
          %dma_start3A_322 = tpu.memref_slice %arg3[%run_scoped3A_140, %add3A_128, %dma_start3A_321] : memref<2x2500x128xi32, #tpu.memory_space<hbm>> -> memref<1x8x128xi32, #tpu.memory_space<hbm>>
          %dma_start3A_323 = tpu.memref_squeeze %dma_start3A_322 : memref<1x8x128xi32, #tpu.memory_space<hbm>> -> memref<8x128xi32, #tpu.memory_space<hbm>>
          tpu.enqueue_dma source(%dma_start3A_323 : memref<8x128xi32, #tpu.memory_space<hbm>>) target(%arg8 : memref<8x128xi32, #tpu.memory_space<vmem>>) target_semaphore(%run_scoped3A_317 : memref<!tpu.dma_semaphore, #tpu.memory_space<semaphore_mem>>)
          %dma_wait3A_324 = arith.constant 0 : i32
          %dma_wait3A_325 = tpu.memref_slice %arg3[%run_scoped3A_140, %add3A_128, %dma_wait3A_324] : memref<2x2500x128xi32, #tpu.memory_space<hbm>> -> memref<1x8x128xi32, #tpu.memory_space<hbm>>
          %dma_wait3A_326 = tpu.memref_squeeze %dma_wait3A_325 : memref<1x8x128xi32, #tpu.memory_space<hbm>> -> memref<8x128xi32, #tpu.memory_space<hbm>>
          %dma_wait3A_327 = arith.constant 0 : i32
          %dma_wait3A_328 = tpu.memref_slice %arg3[%run_scoped3A_140, %add3A_128, %dma_wait3A_327] : memref<2x2500x128xi32, #tpu.memory_space<hbm>> -> memref<1x8x128xi32, #tpu.memory_space<hbm>>
          %dma_wait3A_329 = tpu.memref_squeeze %dma_wait3A_328 : memref<1x8x128xi32, #tpu.memory_space<hbm>> -> memref<8x128xi32, #tpu.memory_space<hbm>>
          tpu.wait_dma2 semaphore(%run_scoped3A_317 : memref<!tpu.dma_semaphore, #tpu.memory_space<semaphore_mem>>) src(%dma_wait3A_329 : memref<8x128xi32, #tpu.memory_space<hbm>>) dst(%arg8 : memref<8x128xi32, #tpu.memory_space<vmem>>)
          tpu.yield
        }) : () -> ()
        %ge3A = arith.constant 2 : i32
        %ge3A_141 = arith.cmpi sge, %scan3A_125, %ge3A : i32
        %convert_element_type3A_142 = arith.extui %ge3A_141 : i1 to i32
        %cond3A_143 = arith.constant 0 : i32
        %cond3A_144 = arith.cmpi ne, %convert_element_type3A_142, %cond3A_143 : i32
        scf.if %cond3A_144 {
          %dma_wait3A_317 = arith.constant 0 : i32
          %dma_wait3A_318 = arith.constant 0 : i32
          %dma_wait3A_319 = tpu.memref_slice %arg2[%dma_wait3A_317, %dma_wait3A_318] : memref<10000x16xf32, #tpu.memory_space<hbm>> -> memref<128x16xf32, #tpu.memory_space<hbm>>
          %dma_wait3A_320 = arith.constant 0 : i32
          %dma_wait3A_321 = arith.constant 0 : i32
          %dma_wait3A_322 = tpu.memref_slice %arg2[%dma_wait3A_320, %dma_wait3A_321] : memref<10000x16xf32, #tpu.memory_space<hbm>> -> memref<128x16xf32, #tpu.memory_space<hbm>>
          tpu.wait_dma2 semaphore(%arg43 : memref<!tpu.dma_semaphore, #tpu.memory_space<semaphore_mem>>) src(%dma_wait3A_322 : memref<128x16xf32, #tpu.memory_space<hbm>>) dst(%arg10 : memref<128x16xf32, #tpu.memory_space<vmem>>)
          %dma_wait3A_323 = arith.constant 0 : i32
          %dma_wait3A_324 = arith.constant 0 : i32
          %dma_wait3A_325 = tpu.memref_slice %arg2[%dma_wait3A_323, %dma_wait3A_324] : memref<10000x16xf32, #tpu.memory_space<hbm>> -> memref<128x16xf32, #tpu.memory_space<hbm>>
          %dma_wait3A_326 = arith.constant 0 : i32
          %dma_wait3A_327 = arith.constant 0 : i32
          %dma_wait3A_328 = tpu.memref_slice %arg2[%dma_wait3A_326, %dma_wait3A_327] : memref<10000x16xf32, #tpu.memory_space<hbm>> -> memref<128x16xf32, #tpu.memory_space<hbm>>
          tpu.wait_dma2 semaphore(%arg43 : memref<!tpu.dma_semaphore, #tpu.memory_space<semaphore_mem>>) src(%dma_wait3A_328 : memref<128x16xf32, #tpu.memory_space<hbm>>) dst(%arg10 : memref<128x16xf32, #tpu.memory_space<vmem>>)
          %dma_wait3A_329 = arith.constant 0 : i32
          %dma_wait3A_330 = arith.constant 0 : i32
          %dma_wait3A_331 = tpu.memref_slice %arg2[%dma_wait3A_329, %dma_wait3A_330] : memref<10000x16xf32, #tpu.memory_space<hbm>> -> memref<128x16xf32, #tpu.memory_space<hbm>>
          %dma_wait3A_332 = arith.constant 0 : i32
          %dma_wait3A_333 = arith.constant 0 : i32
          %dma_wait3A_334 = tpu.memref_slice %arg2[%dma_wait3A_332, %dma_wait3A_333] : memref<10000x16xf32, #tpu.memory_space<hbm>> -> memref<128x16xf32, #tpu.memory_space<hbm>>
          tpu.wait_dma2 semaphore(%arg43 : memref<!tpu.dma_semaphore, #tpu.memory_space<semaphore_mem>>) src(%dma_wait3A_334 : memref<128x16xf32, #tpu.memory_space<hbm>>) dst(%arg10 : memref<128x16xf32, #tpu.memory_space<vmem>>)
          %dma_wait3A_335 = arith.constant 0 : i32
          %dma_wait3A_336 = arith.constant 0 : i32
          %dma_wait3A_337 = tpu.memref_slice %arg2[%dma_wait3A_335, %dma_wait3A_336] : memref<10000x16xf32, #tpu.memory_space<hbm>> -> memref<128x16xf32, #tpu.memory_space<hbm>>
          %dma_wait3A_338 = arith.constant 0 : i32
          %dma_wait3A_339 = arith.constant 0 : i32
          %dma_wait3A_340 = tpu.memref_slice %arg2[%dma_wait3A_338, %dma_wait3A_339] : memref<10000x16xf32, #tpu.memory_space<hbm>> -> memref<128x16xf32, #tpu.memory_space<hbm>>
          tpu.wait_dma2 semaphore(%arg43 : memref<!tpu.dma_semaphore, #tpu.memory_space<semaphore_mem>>) src(%dma_wait3A_340 : memref<128x16xf32, #tpu.memory_space<hbm>>) dst(%arg10 : memref<128x16xf32, #tpu.memory_space<vmem>>)
        } else {
        }
        %dma_start3A = arith.constant 0 : i32
        %dma_start3A_145 = arith.constant 0 : i32
        %dma_start3A_146 = tpu.memref_slice %arg6[%dma_start3A, %dma_start3A_145] : memref<8x128xi32, #tpu.memory_space<vmem>> -> memref<1x128xi32, #tpu.memory_space<vmem>>
        %dma_start3A_147 = tpu.memref_squeeze %dma_start3A_146 : memref<1x128xi32, #tpu.memory_space<vmem>> -> memref<128xi32, #tpu.memory_space<vmem>>
        %dma_start3A_148 = arith.constant 0 : i32
        %dma_start3A_149 = arith.constant 0 : i32
        %dma_start3A_150 = tpu.memref_slice %arg2[%dma_start3A_148, %dma_start3A_149] : memref<10000x16xf32, #tpu.memory_space<hbm>> -> memref<10000x16xf32, #tpu.memory_space<hbm>>
        tpu.enqueue_indirect_dma source(%dma_start3A_150 : memref<10000x16xf32, #tpu.memory_space<hbm>>) target(%arg10 : memref<128x16xf32, #tpu.memory_space<vmem>>) offsets(%dma_start3A_147 : memref<128xi32, #tpu.memory_space<vmem>>) semaphore(%arg27 : memref<!tpu.dma_semaphore, #tpu.memory_space<semaphore_mem>>)
        %dma_start3A_151 = arith.constant 1 : i32
        %dma_start3A_152 = arith.constant 0 : i32
        %dma_start3A_153 = tpu.memref_slice %arg6[%dma_start3A_151, %dma_start3A_152] : memref<8x128xi32, #tpu.memory_space<vmem>> -> memref<1x128xi32, #tpu.memory_space<vmem>>
        %dma_start3A_154 = tpu.memref_squeeze %dma_start3A_153 : memref<1x128xi32, #tpu.memory_space<vmem>> -> memref<128xi32, #tpu.memory_space<vmem>>
        %dma_start3A_155 = arith.constant 0 : i32
        %dma_start3A_156 = arith.constant 0 : i32
        %dma_start3A_157 = tpu.memref_slice %arg2[%dma_start3A_155, %dma_start3A_156] : memref<10000x16xf32, #tpu.memory_space<hbm>> -> memref<10000x16xf32, #tpu.memory_space<hbm>>
        tpu.enqueue_indirect_dma source(%dma_start3A_157 : memref<10000x16xf32, #tpu.memory_space<hbm>>) target(%arg11 : memref<128x16xf32, #tpu.memory_space<vmem>>) offsets(%dma_start3A_154 : memref<128xi32, #tpu.memory_space<vmem>>) semaphore(%arg28 : memref<!tpu.dma_semaphore, #tpu.memory_space<semaphore_mem>>)
        %dma_start3A_158 = arith.constant 2 : i32
        %dma_start3A_159 = arith.constant 0 : i32
        %dma_start3A_160 = tpu.memref_slice %arg6[%dma_start3A_158, %dma_start3A_159] : memref<8x128xi32, #tpu.memory_space<vmem>> -> memref<1x128xi32, #tpu.memory_space<vmem>>
        %dma_start3A_161 = tpu.memref_squeeze %dma_start3A_160 : memref<1x128xi32, #tpu.memory_space<vmem>> -> memref<128xi32, #tpu.memory_space<vmem>>
        %dma_start3A_162 = arith.constant 0 : i32
        %dma_start3A_163 = arith.constant 0 : i32
        %dma_start3A_164 = tpu.memref_slice %arg2[%dma_start3A_162, %dma_start3A_163] : memref<10000x16xf32, #tpu.memory_space<hbm>> -> memref<10000x16xf32, #tpu.memory_space<hbm>>
        tpu.enqueue_indirect_dma source(%dma_start3A_164 : memref<10000x16xf32, #tpu.memory_space<hbm>>) target(%arg12 : memref<128x16xf32, #tpu.memory_space<vmem>>) offsets(%dma_start3A_161 : memref<128xi32, #tpu.memory_space<vmem>>) semaphore(%arg29 : memref<!tpu.dma_semaphore, #tpu.memory_space<semaphore_mem>>)
        %dma_start3A_165 = arith.constant 3 : i32
        %dma_start3A_166 = arith.constant 0 : i32
        %dma_start3A_167 = tpu.memref_slice %arg6[%dma_start3A_165, %dma_start3A_166] : memref<8x128xi32, #tpu.memory_space<vmem>> -> memref<1x128xi32, #tpu.memory_space<vmem>>
        %dma_start3A_168 = tpu.memref_squeeze %dma_start3A_167 : memref<1x128xi32, #tpu.memory_space<vmem>> -> memref<128xi32, #tpu.memory_space<vmem>>
        %dma_start3A_169 = arith.constant 0 : i32
        %dma_start3A_170 = arith.constant 0 : i32
        %dma_start3A_171 = tpu.memref_slice %arg2[%dma_start3A_169, %dma_start3A_170] : memref<10000x16xf32, #tpu.memory_space<hbm>> -> memref<10000x16xf32, #tpu.memory_space<hbm>>
        tpu.enqueue_indirect_dma source(%dma_start3A_171 : memref<10000x16xf32, #tpu.memory_space<hbm>>) target(%arg13 : memref<128x16xf32, #tpu.memory_space<vmem>>) offsets(%dma_start3A_168 : memref<128xi32, #tpu.memory_space<vmem>>) semaphore(%arg30 : memref<!tpu.dma_semaphore, #tpu.memory_space<semaphore_mem>>)
        %dma_wait3A_172 = arith.constant 0 : i32
        %dma_wait3A_173 = arith.constant 0 : i32
        %dma_wait3A_174 = tpu.memref_slice %arg6[%dma_wait3A_172, %dma_wait3A_173] : memref<8x128xi32, #tpu.memory_space<vmem>> -> memref<1x128xi32, #tpu.memory_space<vmem>>
        %dma_wait3A_175 = tpu.memref_squeeze %dma_wait3A_174 : memref<1x128xi32, #tpu.memory_space<vmem>> -> memref<128xi32, #tpu.memory_space<vmem>>
        %dma_wait3A_176 = arith.constant 0 : i32
        %dma_wait3A_177 = arith.constant 0 : i32
        %dma_wait3A_178 = tpu.memref_slice %arg2[%dma_wait3A_176, %dma_wait3A_177] : memref<10000x16xf32, #tpu.memory_space<hbm>> -> memref<10000x16xf32, #tpu.memory_space<hbm>>
        tpu.wait_indirect_dma semaphore(%arg27 : memref<!tpu.dma_semaphore, #tpu.memory_space<semaphore_mem>>) src(%dma_wait3A_178 : memref<10000x16xf32, #tpu.memory_space<hbm>>) dst(%arg10 : memref<128x16xf32, #tpu.memory_space<vmem>>)
        %dma_start3A_179 = arith.constant 0 : i32
        %dma_start3A_180 = arith.constant 0 : i32
        %dma_start3A_181 = tpu.memref_slice %arg8[%dma_start3A_179, %dma_start3A_180] : memref<8x128xi32, #tpu.memory_space<vmem>> -> memref<1x128xi32, #tpu.memory_space<vmem>>
        %dma_start3A_182 = tpu.memref_squeeze %dma_start3A_181 : memref<1x128xi32, #tpu.memory_space<vmem>> -> memref<128xi32, #tpu.memory_space<vmem>>
        %dma_start3A_183 = arith.constant 0 : i32
        %dma_start3A_184 = arith.constant 0 : i32
        %dma_start3A_185 = tpu.memref_slice %arg26[%dma_start3A_183, %dma_start3A_184] : memref<10240x16xf32, #tpu.memory_space<vmem_shared>> -> memref<10240x16xf32, #tpu.memory_space<vmem_shared>>
        tpu.enqueue_indirect_dma source(%arg10 : memref<128x16xf32, #tpu.memory_space<vmem>>) target(%dma_start3A_185 : memref<10240x16xf32, #tpu.memory_space<vmem_shared>>) offsets(%dma_start3A_182 : memref<128xi32, #tpu.memory_space<vmem>>) semaphore(%arg43 : memref<!tpu.dma_semaphore, #tpu.memory_space<semaphore_mem>>) {add = true}
        %dma_wait3A_186 = arith.constant 1 : i32
        %dma_wait3A_187 = arith.constant 0 : i32
        %dma_wait3A_188 = tpu.memref_slice %arg6[%dma_wait3A_186, %dma_wait3A_187] : memref<8x128xi32, #tpu.memory_space<vmem>> -> memref<1x128xi32, #tpu.memory_space<vmem>>
        %dma_wait3A_189 = tpu.memref_squeeze %dma_wait3A_188 : memref<1x128xi32, #tpu.memory_space<vmem>> -> memref<128xi32, #tpu.memory_space<vmem>>
        %dma_wait3A_190 = arith.constant 0 : i32
        %dma_wait3A_191 = arith.constant 0 : i32
        %dma_wait3A_192 = tpu.memref_slice %arg2[%dma_wait3A_190, %dma_wait3A_191] : memref<10000x16xf32, #tpu.memory_space<hbm>> -> memref<10000x16xf32, #tpu.memory_space<hbm>>
        tpu.wait_indirect_dma semaphore(%arg28 : memref<!tpu.dma_semaphore, #tpu.memory_space<semaphore_mem>>) src(%dma_wait3A_192 : memref<10000x16xf32, #tpu.memory_space<hbm>>) dst(%arg11 : memref<128x16xf32, #tpu.memory_space<vmem>>)
        %dma_start3A_193 = arith.constant 1 : i32
        %dma_start3A_194 = arith.constant 0 : i32
        %dma_start3A_195 = tpu.memref_slice %arg8[%dma_start3A_193, %dma_start3A_194] : memref<8x128xi32, #tpu.memory_space<vmem>> -> memref<1x128xi32, #tpu.memory_space<vmem>>
        %dma_start3A_196 = tpu.memref_squeeze %dma_start3A_195 : memref<1x128xi32, #tpu.memory_space<vmem>> -> memref<128xi32, #tpu.memory_space<vmem>>
        %dma_start3A_197 = arith.constant 0 : i32
        %dma_start3A_198 = arith.constant 0 : i32
        %dma_start3A_199 = tpu.memref_slice %arg26[%dma_start3A_197, %dma_start3A_198] : memref<10240x16xf32, #tpu.memory_space<vmem_shared>> -> memref<10240x16xf32, #tpu.memory_space<vmem_shared>>
        tpu.enqueue_indirect_dma source(%arg11 : memref<128x16xf32, #tpu.memory_space<vmem>>) target(%dma_start3A_199 : memref<10240x16xf32, #tpu.memory_space<vmem_shared>>) offsets(%dma_start3A_196 : memref<128xi32, #tpu.memory_space<vmem>>) semaphore(%arg43 : memref<!tpu.dma_semaphore, #tpu.memory_space<semaphore_mem>>) {add = true}
        %dma_wait3A_200 = arith.constant 2 : i32
        %dma_wait3A_201 = arith.constant 0 : i32
        %dma_wait3A_202 = tpu.memref_slice %arg6[%dma_wait3A_200, %dma_wait3A_201] : memref<8x128xi32, #tpu.memory_space<vmem>> -> memref<1x128xi32, #tpu.memory_space<vmem>>
        %dma_wait3A_203 = tpu.memref_squeeze %dma_wait3A_202 : memref<1x128xi32, #tpu.memory_space<vmem>> -> memref<128xi32, #tpu.memory_space<vmem>>
        %dma_wait3A_204 = arith.constant 0 : i32
        %dma_wait3A_205 = arith.constant 0 : i32
        %dma_wait3A_206 = tpu.memref_slice %arg2[%dma_wait3A_204, %dma_wait3A_205] : memref<10000x16xf32, #tpu.memory_space<hbm>> -> memref<10000x16xf32, #tpu.memory_space<hbm>>
        tpu.wait_indirect_dma semaphore(%arg29 : memref<!tpu.dma_semaphore, #tpu.memory_space<semaphore_mem>>) src(%dma_wait3A_206 : memref<10000x16xf32, #tpu.memory_space<hbm>>) dst(%arg12 : memref<128x16xf32, #tpu.memory_space<vmem>>)
        %dma_start3A_207 = arith.constant 2 : i32
        %dma_start3A_208 = arith.constant 0 : i32
        %dma_start3A_209 = tpu.memref_slice %arg8[%dma_start3A_207, %dma_start3A_208] : memref<8x128xi32, #tpu.memory_space<vmem>> -> memref<1x128xi32, #tpu.memory_space<vmem>>
        %dma_start3A_210 = tpu.memref_squeeze %dma_start3A_209 : memref<1x128xi32, #tpu.memory_space<vmem>> -> memref<128xi32, #tpu.memory_space<vmem>>
        %dma_start3A_211 = arith.constant 0 : i32
        %dma_start3A_212 = arith.constant 0 : i32
        %dma_start3A_213 = tpu.memref_slice %arg26[%dma_start3A_211, %dma_start3A_212] : memref<10240x16xf32, #tpu.memory_space<vmem_shared>> -> memref<10240x16xf32, #tpu.memory_space<vmem_shared>>
        tpu.enqueue_indirect_dma source(%arg12 : memref<128x16xf32, #tpu.memory_space<vmem>>) target(%dma_start3A_213 : memref<10240x16xf32, #tpu.memory_space<vmem_shared>>) offsets(%dma_start3A_210 : memref<128xi32, #tpu.memory_space<vmem>>) semaphore(%arg43 : memref<!tpu.dma_semaphore, #tpu.memory_space<semaphore_mem>>) {add = true}
        %dma_wait3A_214 = arith.constant 3 : i32
        %dma_wait3A_215 = arith.constant 0 : i32
        %dma_wait3A_216 = tpu.memref_slice %arg6[%dma_wait3A_214, %dma_wait3A_215] : memref<8x128xi32, #tpu.memory_space<vmem>> -> memref<1x128xi32, #tpu.memory_space<vmem>>
        %dma_wait3A_217 = tpu.memref_squeeze %dma_wait3A_216 : memref<1x128xi32, #tpu.memory_space<vmem>> -> memref<128xi32, #tpu.memory_space<vmem>>
        %dma_wait3A_218 = arith.constant 0 : i32
        %dma_wait3A_219 = arith.constant 0 : i32
        %dma_wait3A_220 = tpu.memref_slice %arg2[%dma_wait3A_218, %dma_wait3A_219] : memref<10000x16xf32, #tpu.memory_space<hbm>> -> memref<10000x16xf32, #tpu.memory_space<hbm>>
        tpu.wait_indirect_dma semaphore(%arg30 : memref<!tpu.dma_semaphore, #tpu.memory_space<semaphore_mem>>) src(%dma_wait3A_220 : memref<10000x16xf32, #tpu.memory_space<hbm>>) dst(%arg13 : memref<128x16xf32, #tpu.memory_space<vmem>>)
        %dma_start3A_221 = arith.constant 3 : i32
        %dma_start3A_222 = arith.constant 0 : i32
        %dma_start3A_223 = tpu.memref_slice %arg8[%dma_start3A_221, %dma_start3A_222] : memref<8x128xi32, #tpu.memory_space<vmem>> -> memref<1x128xi32, #tpu.memory_space<vmem>>
        %dma_start3A_224 = tpu.memref_squeeze %dma_start3A_223 : memref<1x128xi32, #tpu.memory_space<vmem>> -> memref<128xi32, #tpu.memory_space<vmem>>
        %dma_start3A_225 = arith.constant 0 : i32
        %dma_start3A_226 = arith.constant 0 : i32
        %dma_start3A_227 = tpu.memref_slice %arg26[%dma_start3A_225, %dma_start3A_226] : memref<10240x16xf32, #tpu.memory_space<vmem_shared>> -> memref<10240x16xf32, #tpu.memory_space<vmem_shared>>
        tpu.enqueue_indirect_dma source(%arg13 : memref<128x16xf32, #tpu.memory_space<vmem>>) target(%dma_start3A_227 : memref<10240x16xf32, #tpu.memory_space<vmem_shared>>) offsets(%dma_start3A_224 : memref<128xi32, #tpu.memory_space<vmem>>) semaphore(%arg43 : memref<!tpu.dma_semaphore, #tpu.memory_space<semaphore_mem>>) {add = true}
        %ge3A_228 = arith.constant 2 : i32
        %ge3A_229 = arith.cmpi sge, %scan3A_125, %ge3A_228 : i32
        %convert_element_type3A_230 = arith.extui %ge3A_229 : i1 to i32
        %cond3A_231 = arith.constant 0 : i32
        %cond3A_232 = arith.cmpi ne, %convert_element_type3A_230, %cond3A_231 : i32
        scf.if %cond3A_232 {
          %dma_wait3A_317 = arith.constant 0 : i32
          %dma_wait3A_318 = arith.constant 0 : i32
          %dma_wait3A_319 = tpu.memref_slice %arg2[%dma_wait3A_317, %dma_wait3A_318] : memref<10000x16xf32, #tpu.memory_space<hbm>> -> memref<128x16xf32, #tpu.memory_space<hbm>>
          %dma_wait3A_320 = arith.constant 0 : i32
          %dma_wait3A_321 = arith.constant 0 : i32
          %dma_wait3A_322 = tpu.memref_slice %arg2[%dma_wait3A_320, %dma_wait3A_321] : memref<10000x16xf32, #tpu.memory_space<hbm>> -> memref<128x16xf32, #tpu.memory_space<hbm>>
          tpu.wait_dma2 semaphore(%arg44 : memref<!tpu.dma_semaphore, #tpu.memory_space<semaphore_mem>>) src(%dma_wait3A_322 : memref<128x16xf32, #tpu.memory_space<hbm>>) dst(%arg10 : memref<128x16xf32, #tpu.memory_space<vmem>>)
          %dma_wait3A_323 = arith.constant 0 : i32
          %dma_wait3A_324 = arith.constant 0 : i32
          %dma_wait3A_325 = tpu.memref_slice %arg2[%dma_wait3A_323, %dma_wait3A_324] : memref<10000x16xf32, #tpu.memory_space<hbm>> -> memref<128x16xf32, #tpu.memory_space<hbm>>
          %dma_wait3A_326 = arith.constant 0 : i32
          %dma_wait3A_327 = arith.constant 0 : i32
          %dma_wait3A_328 = tpu.memref_slice %arg2[%dma_wait3A_326, %dma_wait3A_327] : memref<10000x16xf32, #tpu.memory_space<hbm>> -> memref<128x16xf32, #tpu.memory_space<hbm>>
          tpu.wait_dma2 semaphore(%arg44 : memref<!tpu.dma_semaphore, #tpu.memory_space<semaphore_mem>>) src(%dma_wait3A_328 : memref<128x16xf32, #tpu.memory_space<hbm>>) dst(%arg10 : memref<128x16xf32, #tpu.memory_space<vmem>>)
          %dma_wait3A_329 = arith.constant 0 : i32
          %dma_wait3A_330 = arith.constant 0 : i32
          %dma_wait3A_331 = tpu.memref_slice %arg2[%dma_wait3A_329, %dma_wait3A_330] : memref<10000x16xf32, #tpu.memory_space<hbm>> -> memref<128x16xf32, #tpu.memory_space<hbm>>
          %dma_wait3A_332 = arith.constant 0 : i32
          %dma_wait3A_333 = arith.constant 0 : i32
          %dma_wait3A_334 = tpu.memref_slice %arg2[%dma_wait3A_332, %dma_wait3A_333] : memref<10000x16xf32, #tpu.memory_space<hbm>> -> memref<128x16xf32, #tpu.memory_space<hbm>>
          tpu.wait_dma2 semaphore(%arg44 : memref<!tpu.dma_semaphore, #tpu.memory_space<semaphore_mem>>) src(%dma_wait3A_334 : memref<128x16xf32, #tpu.memory_space<hbm>>) dst(%arg10 : memref<128x16xf32, #tpu.memory_space<vmem>>)
          %dma_wait3A_335 = arith.constant 0 : i32
          %dma_wait3A_336 = arith.constant 0 : i32
          %dma_wait3A_337 = tpu.memref_slice %arg2[%dma_wait3A_335, %dma_wait3A_336] : memref<10000x16xf32, #tpu.memory_space<hbm>> -> memref<128x16xf32, #tpu.memory_space<hbm>>
          %dma_wait3A_338 = arith.constant 0 : i32
          %dma_wait3A_339 = arith.constant 0 : i32
          %dma_wait3A_340 = tpu.memref_slice %arg2[%dma_wait3A_338, %dma_wait3A_339] : memref<10000x16xf32, #tpu.memory_space<hbm>> -> memref<128x16xf32, #tpu.memory_space<hbm>>
          tpu.wait_dma2 semaphore(%arg44 : memref<!tpu.dma_semaphore, #tpu.memory_space<semaphore_mem>>) src(%dma_wait3A_340 : memref<128x16xf32, #tpu.memory_space<hbm>>) dst(%arg10 : memref<128x16xf32, #tpu.memory_space<vmem>>)
        } else {
        }
        %dma_start3A_233 = arith.constant 4 : i32
        %dma_start3A_234 = arith.constant 0 : i32
        %dma_start3A_235 = tpu.memref_slice %arg6[%dma_start3A_233, %dma_start3A_234] : memref<8x128xi32, #tpu.memory_space<vmem>> -> memref<1x128xi32, #tpu.memory_space<vmem>>
        %dma_start3A_236 = tpu.memref_squeeze %dma_start3A_235 : memref<1x128xi32, #tpu.memory_space<vmem>> -> memref<128xi32, #tpu.memory_space<vmem>>
        %dma_start3A_237 = arith.constant 0 : i32
        %dma_start3A_238 = arith.constant 0 : i32
        %dma_start3A_239 = tpu.memref_slice %arg2[%dma_start3A_237, %dma_start3A_238] : memref<10000x16xf32, #tpu.memory_space<hbm>> -> memref<10000x16xf32, #tpu.memory_space<hbm>>
        tpu.enqueue_indirect_dma source(%dma_start3A_239 : memref<10000x16xf32, #tpu.memory_space<hbm>>) target(%arg14 : memref<128x16xf32, #tpu.memory_space<vmem>>) offsets(%dma_start3A_236 : memref<128xi32, #tpu.memory_space<vmem>>) semaphore(%arg31 : memref<!tpu.dma_semaphore, #tpu.memory_space<semaphore_mem>>)
        %dma_start3A_240 = arith.constant 5 : i32
        %dma_start3A_241 = arith.constant 0 : i32
        %dma_start3A_242 = tpu.memref_slice %arg6[%dma_start3A_240, %dma_start3A_241] : memref<8x128xi32, #tpu.memory_space<vmem>> -> memref<1x128xi32, #tpu.memory_space<vmem>>
        %dma_start3A_243 = tpu.memref_squeeze %dma_start3A_242 : memref<1x128xi32, #tpu.memory_space<vmem>> -> memref<128xi32, #tpu.memory_space<vmem>>
        %dma_start3A_244 = arith.constant 0 : i32
        %dma_start3A_245 = arith.constant 0 : i32
        %dma_start3A_246 = tpu.memref_slice %arg2[%dma_start3A_244, %dma_start3A_245] : memref<10000x16xf32, #tpu.memory_space<hbm>> -> memref<10000x16xf32, #tpu.memory_space<hbm>>
        tpu.enqueue_indirect_dma source(%dma_start3A_246 : memref<10000x16xf32, #tpu.memory_space<hbm>>) target(%arg15 : memref<128x16xf32, #tpu.memory_space<vmem>>) offsets(%dma_start3A_243 : memref<128xi32, #tpu.memory_space<vmem>>) semaphore(%arg32 : memref<!tpu.dma_semaphore, #tpu.memory_space<semaphore_mem>>)
        %dma_start3A_247 = arith.constant 6 : i32
        %dma_start3A_248 = arith.constant 0 : i32
        %dma_start3A_249 = tpu.memref_slice %arg6[%dma_start3A_247, %dma_start3A_248] : memref<8x128xi32, #tpu.memory_space<vmem>> -> memref<1x128xi32, #tpu.memory_space<vmem>>
        %dma_start3A_250 = tpu.memref_squeeze %dma_start3A_249 : memref<1x128xi32, #tpu.memory_space<vmem>> -> memref<128xi32, #tpu.memory_space<vmem>>
        %dma_start3A_251 = arith.constant 0 : i32
        %dma_start3A_252 = arith.constant 0 : i32
        %dma_start3A_253 = tpu.memref_slice %arg2[%dma_start3A_251, %dma_start3A_252] : memref<10000x16xf32, #tpu.memory_space<hbm>> -> memref<10000x16xf32, #tpu.memory_space<hbm>>
        tpu.enqueue_indirect_dma source(%dma_start3A_253 : memref<10000x16xf32, #tpu.memory_space<hbm>>) target(%arg16 : memref<128x16xf32, #tpu.memory_space<vmem>>) offsets(%dma_start3A_250 : memref<128xi32, #tpu.memory_space<vmem>>) semaphore(%arg33 : memref<!tpu.dma_semaphore, #tpu.memory_space<semaphore_mem>>)
        %dma_start3A_254 = arith.constant 7 : i32
        %dma_start3A_255 = arith.constant 0 : i32
        %dma_start3A_256 = tpu.memref_slice %arg6[%dma_start3A_254, %dma_start3A_255] : memref<8x128xi32, #tpu.memory_space<vmem>> -> memref<1x128xi32, #tpu.memory_space<vmem>>
        %dma_start3A_257 = tpu.memref_squeeze %dma_start3A_256 : memref<1x128xi32, #tpu.memory_space<vmem>> -> memref<128xi32, #tpu.memory_space<vmem>>
        %dma_start3A_258 = arith.constant 0 : i32
        %dma_start3A_259 = arith.constant 0 : i32
        %dma_start3A_260 = tpu.memref_slice %arg2[%dma_start3A_258, %dma_start3A_259] : memref<10000x16xf32, #tpu.memory_space<hbm>> -> memref<10000x16xf32, #tpu.memory_space<hbm>>
        tpu.enqueue_indirect_dma source(%dma_start3A_260 : memref<10000x16xf32, #tpu.memory_space<hbm>>) target(%arg17 : memref<128x16xf32, #tpu.memory_space<vmem>>) offsets(%dma_start3A_257 : memref<128xi32, #tpu.memory_space<vmem>>) semaphore(%arg34 : memref<!tpu.dma_semaphore, #tpu.memory_space<semaphore_mem>>)
        %dma_wait3A_261 = arith.constant 4 : i32
        %dma_wait3A_262 = arith.constant 0 : i32
        %dma_wait3A_263 = tpu.memref_slice %arg6[%dma_wait3A_261, %dma_wait3A_262] : memref<8x128xi32, #tpu.memory_space<vmem>> -> memref<1x128xi32, #tpu.memory_space<vmem>>
        %dma_wait3A_264 = tpu.memref_squeeze %dma_wait3A_263 : memref<1x128xi32, #tpu.memory_space<vmem>> -> memref<128xi32, #tpu.memory_space<vmem>>
        %dma_wait3A_265 = arith.constant 0 : i32
        %dma_wait3A_266 = arith.constant 0 : i32
        %dma_wait3A_267 = tpu.memref_slice %arg2[%dma_wait3A_265, %dma_wait3A_266] : memref<10000x16xf32, #tpu.memory_space<hbm>> -> memref<10000x16xf32, #tpu.memory_space<hbm>>
        tpu.wait_indirect_dma semaphore(%arg31 : memref<!tpu.dma_semaphore, #tpu.memory_space<semaphore_mem>>) src(%dma_wait3A_267 : memref<10000x16xf32, #tpu.memory_space<hbm>>) dst(%arg14 : memref<128x16xf32, #tpu.memory_space<vmem>>)
        %dma_start3A_268 = arith.constant 4 : i32
        %dma_start3A_269 = arith.constant 0 : i32
        %dma_start3A_270 = tpu.memref_slice %arg8[%dma_start3A_268, %dma_start3A_269] : memref<8x128xi32, #tpu.memory_space<vmem>> -> memref<1x128xi32, #tpu.memory_space<vmem>>
        %dma_start3A_271 = tpu.memref_squeeze %dma_start3A_270 : memref<1x128xi32, #tpu.memory_space<vmem>> -> memref<128xi32, #tpu.memory_space<vmem>>
        %dma_start3A_272 = arith.constant 0 : i32
        %dma_start3A_273 = arith.constant 0 : i32
        %dma_start3A_274 = tpu.memref_slice %arg26[%dma_start3A_272, %dma_start3A_273] : memref<10240x16xf32, #tpu.memory_space<vmem_shared>> -> memref<10240x16xf32, #tpu.memory_space<vmem_shared>>
        tpu.enqueue_indirect_dma source(%arg14 : memref<128x16xf32, #tpu.memory_space<vmem>>) target(%dma_start3A_274 : memref<10240x16xf32, #tpu.memory_space<vmem_shared>>) offsets(%dma_start3A_271 : memref<128xi32, #tpu.memory_space<vmem>>) semaphore(%arg44 : memref<!tpu.dma_semaphore, #tpu.memory_space<semaphore_mem>>) {add = true}
        %dma_wait3A_275 = arith.constant 5 : i32
        %dma_wait3A_276 = arith.constant 0 : i32
        %dma_wait3A_277 = tpu.memref_slice %arg6[%dma_wait3A_275, %dma_wait3A_276] : memref<8x128xi32, #tpu.memory_space<vmem>> -> memref<1x128xi32, #tpu.memory_space<vmem>>
        %dma_wait3A_278 = tpu.memref_squeeze %dma_wait3A_277 : memref<1x128xi32, #tpu.memory_space<vmem>> -> memref<128xi32, #tpu.memory_space<vmem>>
        %dma_wait3A_279 = arith.constant 0 : i32
        %dma_wait3A_280 = arith.constant 0 : i32
        %dma_wait3A_281 = tpu.memref_slice %arg2[%dma_wait3A_279, %dma_wait3A_280] : memref<10000x16xf32, #tpu.memory_space<hbm>> -> memref<10000x16xf32, #tpu.memory_space<hbm>>
        tpu.wait_indirect_dma semaphore(%arg32 : memref<!tpu.dma_semaphore, #tpu.memory_space<semaphore_mem>>) src(%dma_wait3A_281 : memref<10000x16xf32, #tpu.memory_space<hbm>>) dst(%arg15 : memref<128x16xf32, #tpu.memory_space<vmem>>)
        %dma_start3A_282 = arith.constant 5 : i32
        %dma_start3A_283 = arith.constant 0 : i32
        %dma_start3A_284 = tpu.memref_slice %arg8[%dma_start3A_282, %dma_start3A_283] : memref<8x128xi32, #tpu.memory_space<vmem>> -> memref<1x128xi32, #tpu.memory_space<vmem>>
        %dma_start3A_285 = tpu.memref_squeeze %dma_start3A_284 : memref<1x128xi32, #tpu.memory_space<vmem>> -> memref<128xi32, #tpu.memory_space<vmem>>
        %dma_start3A_286 = arith.constant 0 : i32
        %dma_start3A_287 = arith.constant 0 : i32
        %dma_start3A_288 = tpu.memref_slice %arg26[%dma_start3A_286, %dma_start3A_287] : memref<10240x16xf32, #tpu.memory_space<vmem_shared>> -> memref<10240x16xf32, #tpu.memory_space<vmem_shared>>
        tpu.enqueue_indirect_dma source(%arg15 : memref<128x16xf32, #tpu.memory_space<vmem>>) target(%dma_start3A_288 : memref<10240x16xf32, #tpu.memory_space<vmem_shared>>) offsets(%dma_start3A_285 : memref<128xi32, #tpu.memory_space<vmem>>) semaphore(%arg44 : memref<!tpu.dma_semaphore, #tpu.memory_space<semaphore_mem>>) {add = true}
        %dma_wait3A_289 = arith.constant 6 : i32
        %dma_wait3A_290 = arith.constant 0 : i32
        %dma_wait3A_291 = tpu.memref_slice %arg6[%dma_wait3A_289, %dma_wait3A_290] : memref<8x128xi32, #tpu.memory_space<vmem>> -> memref<1x128xi32, #tpu.memory_space<vmem>>
        %dma_wait3A_292 = tpu.memref_squeeze %dma_wait3A_291 : memref<1x128xi32, #tpu.memory_space<vmem>> -> memref<128xi32, #tpu.memory_space<vmem>>
        %dma_wait3A_293 = arith.constant 0 : i32
        %dma_wait3A_294 = arith.constant 0 : i32
        %dma_wait3A_295 = tpu.memref_slice %arg2[%dma_wait3A_293, %dma_wait3A_294] : memref<10000x16xf32, #tpu.memory_space<hbm>> -> memref<10000x16xf32, #tpu.memory_space<hbm>>
        tpu.wait_indirect_dma semaphore(%arg33 : memref<!tpu.dma_semaphore, #tpu.memory_space<semaphore_mem>>) src(%dma_wait3A_295 : memref<10000x16xf32, #tpu.memory_space<hbm>>) dst(%arg16 : memref<128x16xf32, #tpu.memory_space<vmem>>)
        %dma_start3A_296 = arith.constant 6 : i32
        %dma_start3A_297 = arith.constant 0 : i32
        %dma_start3A_298 = tpu.memref_slice %arg8[%dma_start3A_296, %dma_start3A_297] : memref<8x128xi32, #tpu.memory_space<vmem>> -> memref<1x128xi32, #tpu.memory_space<vmem>>
        %dma_start3A_299 = tpu.memref_squeeze %dma_start3A_298 : memref<1x128xi32, #tpu.memory_space<vmem>> -> memref<128xi32, #tpu.memory_space<vmem>>
        %dma_start3A_300 = arith.constant 0 : i32
        %dma_start3A_301 = arith.constant 0 : i32
        %dma_start3A_302 = tpu.memref_slice %arg26[%dma_start3A_300, %dma_start3A_301] : memref<10240x16xf32, #tpu.memory_space<vmem_shared>> -> memref<10240x16xf32, #tpu.memory_space<vmem_shared>>
        tpu.enqueue_indirect_dma source(%arg16 : memref<128x16xf32, #tpu.memory_space<vmem>>) target(%dma_start3A_302 : memref<10240x16xf32, #tpu.memory_space<vmem_shared>>) offsets(%dma_start3A_299 : memref<128xi32, #tpu.memory_space<vmem>>) semaphore(%arg44 : memref<!tpu.dma_semaphore, #tpu.memory_space<semaphore_mem>>) {add = true}
        %dma_wait3A_303 = arith.constant 7 : i32
        %dma_wait3A_304 = arith.constant 0 : i32
        %dma_wait3A_305 = tpu.memref_slice %arg6[%dma_wait3A_303, %dma_wait3A_304] : memref<8x128xi32, #tpu.memory_space<vmem>> -> memref<1x128xi32, #tpu.memory_space<vmem>>
        %dma_wait3A_306 = tpu.memref_squeeze %dma_wait3A_305 : memref<1x128xi32, #tpu.memory_space<vmem>> -> memref<128xi32, #tpu.memory_space<vmem>>
        %dma_wait3A_307 = arith.constant 0 : i32
        %dma_wait3A_308 = arith.constant 0 : i32
        %dma_wait3A_309 = tpu.memref_slice %arg2[%dma_wait3A_307, %dma_wait3A_308] : memref<10000x16xf32, #tpu.memory_space<hbm>> -> memref<10000x16xf32, #tpu.memory_space<hbm>>
        tpu.wait_indirect_dma semaphore(%arg34 : memref<!tpu.dma_semaphore, #tpu.memory_space<semaphore_mem>>) src(%dma_wait3A_309 : memref<10000x16xf32, #tpu.memory_space<hbm>>) dst(%arg17 : memref<128x16xf32, #tpu.memory_space<vmem>>)
        %dma_start3A_310 = arith.constant 7 : i32
        %dma_start3A_311 = arith.constant 0 : i32
        %dma_start3A_312 = tpu.memref_slice %arg8[%dma_start3A_310, %dma_start3A_311] : memref<8x128xi32, #tpu.memory_space<vmem>> -> memref<1x128xi32, #tpu.memory_space<vmem>>
        %dma_start3A_313 = tpu.memref_squeeze %dma_start3A_312 : memref<1x128xi32, #tpu.memory_space<vmem>> -> memref<128xi32, #tpu.memory_space<vmem>>
        %dma_start3A_314 = arith.constant 0 : i32
        %dma_start3A_315 = arith.constant 0 : i32
        %dma_start3A_316 = tpu.memref_slice %arg26[%dma_start3A_314, %dma_start3A_315] : memref<10240x16xf32, #tpu.memory_space<vmem_shared>> -> memref<10240x16xf32, #tpu.memory_space<vmem_shared>>
        tpu.enqueue_indirect_dma source(%arg17 : memref<128x16xf32, #tpu.memory_space<vmem>>) target(%dma_start3A_316 : memref<10240x16xf32, #tpu.memory_space<vmem_shared>>) offsets(%dma_start3A_313 : memref<128xi32, #tpu.memory_space<vmem>>) semaphore(%arg44 : memref<!tpu.dma_semaphore, #tpu.memory_space<semaphore_mem>>) {add = true}
      } else {
      }
      %eq3A_134 = arith.constant 1 : i32
      %eq3A_135 = arith.cmpi eq, %rem3A_129, %eq3A_134 : i32
      %convert_element_type3A_136 = arith.extui %eq3A_135 : i1 to i32
      %cond3A_137 = arith.constant 0 : i32
      %cond3A_138 = arith.cmpi ne, %convert_element_type3A_136, %cond3A_137 : i32
      scf.if %cond3A_138 {
        %run_scoped3A_139 = arith.constant 0 : i32
        "tpu.region"() ({
          %run_scoped3A_317 = tpu.sem_alloc : memref<!tpu.dma_semaphore, #tpu.memory_space<semaphore_mem>>
          %dma_start3A_318 = arith.constant 0 : i32
          %dma_start3A_319 = tpu.memref_slice %arg3[%run_scoped3A_139, %add3A_128, %dma_start3A_318] : memref<2x2500x128xi32, #tpu.memory_space<hbm>> -> memref<1x8x128xi32, #tpu.memory_space<hbm>>
          %dma_start3A_320 = tpu.memref_squeeze %dma_start3A_319 : memref<1x8x128xi32, #tpu.memory_space<hbm>> -> memref<8x128xi32, #tpu.memory_space<hbm>>
          %dma_start3A_321 = arith.constant 0 : i32
          %dma_start3A_322 = tpu.memref_slice %arg3[%run_scoped3A_139, %add3A_128, %dma_start3A_321] : memref<2x2500x128xi32, #tpu.memory_space<hbm>> -> memref<1x8x128xi32, #tpu.memory_space<hbm>>
          %dma_start3A_323 = tpu.memref_squeeze %dma_start3A_322 : memref<1x8x128xi32, #tpu.memory_space<hbm>> -> memref<8x128xi32, #tpu.memory_space<hbm>>
          tpu.enqueue_dma source(%dma_start3A_323 : memref<8x128xi32, #tpu.memory_space<hbm>>) target(%arg7 : memref<8x128xi32, #tpu.memory_space<vmem>>) target_semaphore(%run_scoped3A_317 : memref<!tpu.dma_semaphore, #tpu.memory_space<semaphore_mem>>)
          %dma_wait3A_324 = arith.constant 0 : i32
          %dma_wait3A_325 = tpu.memref_slice %arg3[%run_scoped3A_139, %add3A_128, %dma_wait3A_324] : memref<2x2500x128xi32, #tpu.memory_space<hbm>> -> memref<1x8x128xi32, #tpu.memory_space<hbm>>
          %dma_wait3A_326 = tpu.memref_squeeze %dma_wait3A_325 : memref<1x8x128xi32, #tpu.memory_space<hbm>> -> memref<8x128xi32, #tpu.memory_space<hbm>>
          %dma_wait3A_327 = arith.constant 0 : i32
          %dma_wait3A_328 = tpu.memref_slice %arg3[%run_scoped3A_139, %add3A_128, %dma_wait3A_327] : memref<2x2500x128xi32, #tpu.memory_space<hbm>> -> memref<1x8x128xi32, #tpu.memory_space<hbm>>
          %dma_wait3A_329 = tpu.memref_squeeze %dma_wait3A_328 : memref<1x8x128xi32, #tpu.memory_space<hbm>> -> memref<8x128xi32, #tpu.memory_space<hbm>>
          tpu.wait_dma2 semaphore(%run_scoped3A_317 : memref<!tpu.dma_semaphore, #tpu.memory_space<semaphore_mem>>) src(%dma_wait3A_329 : memref<8x128xi32, #tpu.memory_space<hbm>>) dst(%arg7 : memref<8x128xi32, #tpu.memory_space<vmem>>)
          tpu.yield
        }) : () -> ()
        %run_scoped3A_140 = arith.constant 1 : i32
        "tpu.region"() ({
          %run_scoped3A_317 = tpu.sem_alloc : memref<!tpu.dma_semaphore, #tpu.memory_space<semaphore_mem>>
          %dma_start3A_318 = arith.constant 0 : i32
          %dma_start3A_319 = tpu.memref_slice %arg3[%run_scoped3A_140, %add3A_128, %dma_start3A_318] : memref<2x2500x128xi32, #tpu.memory_space<hbm>> -> memref<1x8x128xi32, #tpu.memory_space<hbm>>
          %dma_start3A_320 = tpu.memref_squeeze %dma_start3A_319 : memref<1x8x128xi32, #tpu.memory_space<hbm>> -> memref<8x128xi32, #tpu.memory_space<hbm>>
          %dma_start3A_321 = arith.constant 0 : i32
          %dma_start3A_322 = tpu.memref_slice %arg3[%run_scoped3A_140, %add3A_128, %dma_start3A_321] : memref<2x2500x128xi32, #tpu.memory_space<hbm>> -> memref<1x8x128xi32, #tpu.memory_space<hbm>>
          %dma_start3A_323 = tpu.memref_squeeze %dma_start3A_322 : memref<1x8x128xi32, #tpu.memory_space<hbm>> -> memref<8x128xi32, #tpu.memory_space<hbm>>
          tpu.enqueue_dma source(%dma_start3A_323 : memref<8x128xi32, #tpu.memory_space<hbm>>) target(%arg9 : memref<8x128xi32, #tpu.memory_space<vmem>>) target_semaphore(%run_scoped3A_317 : memref<!tpu.dma_semaphore, #tpu.memory_space<semaphore_mem>>)
          %dma_wait3A_324 = arith.constant 0 : i32
          %dma_wait3A_325 = tpu.memref_slice %arg3[%run_scoped3A_140, %add3A_128, %dma_wait3A_324] : memref<2x2500x128xi32, #tpu.memory_space<hbm>> -> memref<1x8x128xi32, #tpu.memory_space<hbm>>
          %dma_wait3A_326 = tpu.memref_squeeze %dma_wait3A_325 : memref<1x8x128xi32, #tpu.memory_space<hbm>> -> memref<8x128xi32, #tpu.memory_space<hbm>>
          %dma_wait3A_327 = arith.constant 0 : i32
          %dma_wait3A_328 = tpu.memref_slice %arg3[%run_scoped3A_140, %add3A_128, %dma_wait3A_327] : memref<2x2500x128xi32, #tpu.memory_space<hbm>> -> memref<1x8x128xi32, #tpu.memory_space<hbm>>
          %dma_wait3A_329 = tpu.memref_squeeze %dma_wait3A_328 : memref<1x8x128xi32, #tpu.memory_space<hbm>> -> memref<8x128xi32, #tpu.memory_space<hbm>>
          tpu.wait_dma2 semaphore(%run_scoped3A_317 : memref<!tpu.dma_semaphore, #tpu.memory_space<semaphore_mem>>) src(%dma_wait3A_329 : memref<8x128xi32, #tpu.memory_space<hbm>>) dst(%arg9 : memref<8x128xi32, #tpu.memory_space<vmem>>)
          tpu.yield
        }) : () -> ()
        %ge3A = arith.constant 2 : i32
        %ge3A_141 = arith.cmpi sge, %scan3A_125, %ge3A : i32
        %convert_element_type3A_142 = arith.extui %ge3A_141 : i1 to i32
        %cond3A_143 = arith.constant 0 : i32
        %cond3A_144 = arith.cmpi ne, %convert_element_type3A_142, %cond3A_143 : i32
        scf.if %cond3A_144 {
          %dma_wait3A_317 = arith.constant 0 : i32
          %dma_wait3A_318 = arith.constant 0 : i32
          %dma_wait3A_319 = tpu.memref_slice %arg2[%dma_wait3A_317, %dma_wait3A_318] : memref<10000x16xf32, #tpu.memory_space<hbm>> -> memref<128x16xf32, #tpu.memory_space<hbm>>
          %dma_wait3A_320 = arith.constant 0 : i32
          %dma_wait3A_321 = arith.constant 0 : i32
          %dma_wait3A_322 = tpu.memref_slice %arg2[%dma_wait3A_320, %dma_wait3A_321] : memref<10000x16xf32, #tpu.memory_space<hbm>> -> memref<128x16xf32, #tpu.memory_space<hbm>>
          tpu.wait_dma2 semaphore(%arg45 : memref<!tpu.dma_semaphore, #tpu.memory_space<semaphore_mem>>) src(%dma_wait3A_322 : memref<128x16xf32, #tpu.memory_space<hbm>>) dst(%arg10 : memref<128x16xf32, #tpu.memory_space<vmem>>)
          %dma_wait3A_323 = arith.constant 0 : i32
          %dma_wait3A_324 = arith.constant 0 : i32
          %dma_wait3A_325 = tpu.memref_slice %arg2[%dma_wait3A_323, %dma_wait3A_324] : memref<10000x16xf32, #tpu.memory_space<hbm>> -> memref<128x16xf32, #tpu.memory_space<hbm>>
          %dma_wait3A_326 = arith.constant 0 : i32
          %dma_wait3A_327 = arith.constant 0 : i32
          %dma_wait3A_328 = tpu.memref_slice %arg2[%dma_wait3A_326, %dma_wait3A_327] : memref<10000x16xf32, #tpu.memory_space<hbm>> -> memref<128x16xf32, #tpu.memory_space<hbm>>
          tpu.wait_dma2 semaphore(%arg45 : memref<!tpu.dma_semaphore, #tpu.memory_space<semaphore_mem>>) src(%dma_wait3A_328 : memref<128x16xf32, #tpu.memory_space<hbm>>) dst(%arg10 : memref<128x16xf32, #tpu.memory_space<vmem>>)
          %dma_wait3A_329 = arith.constant 0 : i32
          %dma_wait3A_330 = arith.constant 0 : i32
          %dma_wait3A_331 = tpu.memref_slice %arg2[%dma_wait3A_329, %dma_wait3A_330] : memref<10000x16xf32, #tpu.memory_space<hbm>> -> memref<128x16xf32, #tpu.memory_space<hbm>>
          %dma_wait3A_332 = arith.constant 0 : i32
          %dma_wait3A_333 = arith.constant 0 : i32
          %dma_wait3A_334 = tpu.memref_slice %arg2[%dma_wait3A_332, %dma_wait3A_333] : memref<10000x16xf32, #tpu.memory_space<hbm>> -> memref<128x16xf32, #tpu.memory_space<hbm>>
          tpu.wait_dma2 semaphore(%arg45 : memref<!tpu.dma_semaphore, #tpu.memory_space<semaphore_mem>>) src(%dma_wait3A_334 : memref<128x16xf32, #tpu.memory_space<hbm>>) dst(%arg10 : memref<128x16xf32, #tpu.memory_space<vmem>>)
          %dma_wait3A_335 = arith.constant 0 : i32
          %dma_wait3A_336 = arith.constant 0 : i32
          %dma_wait3A_337 = tpu.memref_slice %arg2[%dma_wait3A_335, %dma_wait3A_336] : memref<10000x16xf32, #tpu.memory_space<hbm>> -> memref<128x16xf32, #tpu.memory_space<hbm>>
          %dma_wait3A_338 = arith.constant 0 : i32
          %dma_wait3A_339 = arith.constant 0 : i32
          %dma_wait3A_340 = tpu.memref_slice %arg2[%dma_wait3A_338, %dma_wait3A_339] : memref<10000x16xf32, #tpu.memory_space<hbm>> -> memref<128x16xf32, #tpu.memory_space<hbm>>
          tpu.wait_dma2 semaphore(%arg45 : memref<!tpu.dma_semaphore, #tpu.memory_space<semaphore_mem>>) src(%dma_wait3A_340 : memref<128x16xf32, #tpu.memory_space<hbm>>) dst(%arg10 : memref<128x16xf32, #tpu.memory_space<vmem>>)
        } else {
        }
        %dma_start3A = arith.constant 0 : i32
        %dma_start3A_145 = arith.constant 0 : i32
        %dma_start3A_146 = tpu.memref_slice %arg7[%dma_start3A, %dma_start3A_145] : memref<8x128xi32, #tpu.memory_space<vmem>> -> memref<1x128xi32, #tpu.memory_space<vmem>>
        %dma_start3A_147 = tpu.memref_squeeze %dma_start3A_146 : memref<1x128xi32, #tpu.memory_space<vmem>> -> memref<128xi32, #tpu.memory_space<vmem>>
        %dma_start3A_148 = arith.constant 0 : i32
        %dma_start3A_149 = arith.constant 0 : i32
        %dma_start3A_150 = tpu.memref_slice %arg2[%dma_start3A_148, %dma_start3A_149] : memref<10000x16xf32, #tpu.memory_space<hbm>> -> memref<10000x16xf32, #tpu.memory_space<hbm>>
        tpu.enqueue_indirect_dma source(%dma_start3A_150 : memref<10000x16xf32, #tpu.memory_space<hbm>>) target(%arg18 : memref<128x16xf32, #tpu.memory_space<vmem>>) offsets(%dma_start3A_147 : memref<128xi32, #tpu.memory_space<vmem>>) semaphore(%arg35 : memref<!tpu.dma_semaphore, #tpu.memory_space<semaphore_mem>>)
        %dma_start3A_151 = arith.constant 1 : i32
        %dma_start3A_152 = arith.constant 0 : i32
        %dma_start3A_153 = tpu.memref_slice %arg7[%dma_start3A_151, %dma_start3A_152] : memref<8x128xi32, #tpu.memory_space<vmem>> -> memref<1x128xi32, #tpu.memory_space<vmem>>
        %dma_start3A_154 = tpu.memref_squeeze %dma_start3A_153 : memref<1x128xi32, #tpu.memory_space<vmem>> -> memref<128xi32, #tpu.memory_space<vmem>>
        %dma_start3A_155 = arith.constant 0 : i32
        %dma_start3A_156 = arith.constant 0 : i32
        %dma_start3A_157 = tpu.memref_slice %arg2[%dma_start3A_155, %dma_start3A_156] : memref<10000x16xf32, #tpu.memory_space<hbm>> -> memref<10000x16xf32, #tpu.memory_space<hbm>>
        tpu.enqueue_indirect_dma source(%dma_start3A_157 : memref<10000x16xf32, #tpu.memory_space<hbm>>) target(%arg19 : memref<128x16xf32, #tpu.memory_space<vmem>>) offsets(%dma_start3A_154 : memref<128xi32, #tpu.memory_space<vmem>>) semaphore(%arg36 : memref<!tpu.dma_semaphore, #tpu.memory_space<semaphore_mem>>)
        %dma_start3A_158 = arith.constant 2 : i32
        %dma_start3A_159 = arith.constant 0 : i32
        %dma_start3A_160 = tpu.memref_slice %arg7[%dma_start3A_158, %dma_start3A_159] : memref<8x128xi32, #tpu.memory_space<vmem>> -> memref<1x128xi32, #tpu.memory_space<vmem>>
        %dma_start3A_161 = tpu.memref_squeeze %dma_start3A_160 : memref<1x128xi32, #tpu.memory_space<vmem>> -> memref<128xi32, #tpu.memory_space<vmem>>
        %dma_start3A_162 = arith.constant 0 : i32
        %dma_start3A_163 = arith.constant 0 : i32
        %dma_start3A_164 = tpu.memref_slice %arg2[%dma_start3A_162, %dma_start3A_163] : memref<10000x16xf32, #tpu.memory_space<hbm>> -> memref<10000x16xf32, #tpu.memory_space<hbm>>
        tpu.enqueue_indirect_dma source(%dma_start3A_164 : memref<10000x16xf32, #tpu.memory_space<hbm>>) target(%arg20 : memref<128x16xf32, #tpu.memory_space<vmem>>) offsets(%dma_start3A_161 : memref<128xi32, #tpu.memory_space<vmem>>) semaphore(%arg37 : memref<!tpu.dma_semaphore, #tpu.memory_space<semaphore_mem>>)
        %dma_start3A_165 = arith.constant 3 : i32
        %dma_start3A_166 = arith.constant 0 : i32
        %dma_start3A_167 = tpu.memref_slice %arg7[%dma_start3A_165, %dma_start3A_166] : memref<8x128xi32, #tpu.memory_space<vmem>> -> memref<1x128xi32, #tpu.memory_space<vmem>>
        %dma_start3A_168 = tpu.memref_squeeze %dma_start3A_167 : memref<1x128xi32, #tpu.memory_space<vmem>> -> memref<128xi32, #tpu.memory_space<vmem>>
        %dma_start3A_169 = arith.constant 0 : i32
        %dma_start3A_170 = arith.constant 0 : i32
        %dma_start3A_171 = tpu.memref_slice %arg2[%dma_start3A_169, %dma_start3A_170] : memref<10000x16xf32, #tpu.memory_space<hbm>> -> memref<10000x16xf32, #tpu.memory_space<hbm>>
        tpu.enqueue_indirect_dma source(%dma_start3A_171 : memref<10000x16xf32, #tpu.memory_space<hbm>>) target(%arg21 : memref<128x16xf32, #tpu.memory_space<vmem>>) offsets(%dma_start3A_168 : memref<128xi32, #tpu.memory_space<vmem>>) semaphore(%arg38 : memref<!tpu.dma_semaphore, #tpu.memory_space<semaphore_mem>>)
        %dma_wait3A_172 = arith.constant 0 : i32
        %dma_wait3A_173 = arith.constant 0 : i32
        %dma_wait3A_174 = tpu.memref_slice %arg7[%dma_wait3A_172, %dma_wait3A_173] : memref<8x128xi32, #tpu.memory_space<vmem>> -> memref<1x128xi32, #tpu.memory_space<vmem>>
        %dma_wait3A_175 = tpu.memref_squeeze %dma_wait3A_174 : memref<1x128xi32, #tpu.memory_space<vmem>> -> memref<128xi32, #tpu.memory_space<vmem>>
        %dma_wait3A_176 = arith.constant 0 : i32
        %dma_wait3A_177 = arith.constant 0 : i32
        %dma_wait3A_178 = tpu.memref_slice %arg2[%dma_wait3A_176, %dma_wait3A_177] : memref<10000x16xf32, #tpu.memory_space<hbm>> -> memref<10000x16xf32, #tpu.memory_space<hbm>>
        tpu.wait_indirect_dma semaphore(%arg35 : memref<!tpu.dma_semaphore, #tpu.memory_space<semaphore_mem>>) src(%dma_wait3A_178 : memref<10000x16xf32, #tpu.memory_space<hbm>>) dst(%arg18 : memref<128x16xf32, #tpu.memory_space<vmem>>)
        %dma_start3A_179 = arith.constant 0 : i32
        %dma_start3A_180 = arith.constant 0 : i32
        %dma_start3A_181 = tpu.memref_slice %arg9[%dma_start3A_179, %dma_start3A_180] : memref<8x128xi32, #tpu.memory_space<vmem>> -> memref<1x128xi32, #tpu.memory_space<vmem>>
        %dma_start3A_182 = tpu.memref_squeeze %dma_start3A_181 : memref<1x128xi32, #tpu.memory_space<vmem>> -> memref<128xi32, #tpu.memory_space<vmem>>
        %dma_start3A_183 = arith.constant 0 : i32
        %dma_start3A_184 = arith.constant 0 : i32
        %dma_start3A_185 = tpu.memref_slice %arg26[%dma_start3A_183, %dma_start3A_184] : memref<10240x16xf32, #tpu.memory_space<vmem_shared>> -> memref<10240x16xf32, #tpu.memory_space<vmem_shared>>
        tpu.enqueue_indirect_dma source(%arg18 : memref<128x16xf32, #tpu.memory_space<vmem>>) target(%dma_start3A_185 : memref<10240x16xf32, #tpu.memory_space<vmem_shared>>) offsets(%dma_start3A_182 : memref<128xi32, #tpu.memory_space<vmem>>) semaphore(%arg45 : memref<!tpu.dma_semaphore, #tpu.memory_space<semaphore_mem>>) {add = true}
        %dma_wait3A_186 = arith.constant 1 : i32
        %dma_wait3A_187 = arith.constant 0 : i32
        %dma_wait3A_188 = tpu.memref_slice %arg7[%dma_wait3A_186, %dma_wait3A_187] : memref<8x128xi32, #tpu.memory_space<vmem>> -> memref<1x128xi32, #tpu.memory_space<vmem>>
        %dma_wait3A_189 = tpu.memref_squeeze %dma_wait3A_188 : memref<1x128xi32, #tpu.memory_space<vmem>> -> memref<128xi32, #tpu.memory_space<vmem>>
        %dma_wait3A_190 = arith.constant 0 : i32
        %dma_wait3A_191 = arith.constant 0 : i32
        %dma_wait3A_192 = tpu.memref_slice %arg2[%dma_wait3A_190, %dma_wait3A_191] : memref<10000x16xf32, #tpu.memory_space<hbm>> -> memref<10000x16xf32, #tpu.memory_space<hbm>>
        tpu.wait_indirect_dma semaphore(%arg36 : memref<!tpu.dma_semaphore, #tpu.memory_space<semaphore_mem>>) src(%dma_wait3A_192 : memref<10000x16xf32, #tpu.memory_space<hbm>>) dst(%arg19 : memref<128x16xf32, #tpu.memory_space<vmem>>)
        %dma_start3A_193 = arith.constant 1 : i32
        %dma_start3A_194 = arith.constant 0 : i32
        %dma_start3A_195 = tpu.memref_slice %arg9[%dma_start3A_193, %dma_start3A_194] : memref<8x128xi32, #tpu.memory_space<vmem>> -> memref<1x128xi32, #tpu.memory_space<vmem>>
        %dma_start3A_196 = tpu.memref_squeeze %dma_start3A_195 : memref<1x128xi32, #tpu.memory_space<vmem>> -> memref<128xi32, #tpu.memory_space<vmem>>
        %dma_start3A_197 = arith.constant 0 : i32
        %dma_start3A_198 = arith.constant 0 : i32
        %dma_start3A_199 = tpu.memref_slice %arg26[%dma_start3A_197, %dma_start3A_198] : memref<10240x16xf32, #tpu.memory_space<vmem_shared>> -> memref<10240x16xf32, #tpu.memory_space<vmem_shared>>
        tpu.enqueue_indirect_dma source(%arg19 : memref<128x16xf32, #tpu.memory_space<vmem>>) target(%dma_start3A_199 : memref<10240x16xf32, #tpu.memory_space<vmem_shared>>) offsets(%dma_start3A_196 : memref<128xi32, #tpu.memory_space<vmem>>) semaphore(%arg45 : memref<!tpu.dma_semaphore, #tpu.memory_space<semaphore_mem>>) {add = true}
        %dma_wait3A_200 = arith.constant 2 : i32
        %dma_wait3A_201 = arith.constant 0 : i32
        %dma_wait3A_202 = tpu.memref_slice %arg7[%dma_wait3A_200, %dma_wait3A_201] : memref<8x128xi32, #tpu.memory_space<vmem>> -> memref<1x128xi32, #tpu.memory_space<vmem>>
        %dma_wait3A_203 = tpu.memref_squeeze %dma_wait3A_202 : memref<1x128xi32, #tpu.memory_space<vmem>> -> memref<128xi32, #tpu.memory_space<vmem>>
        %dma_wait3A_204 = arith.constant 0 : i32
        %dma_wait3A_205 = arith.constant 0 : i32
        %dma_wait3A_206 = tpu.memref_slice %arg2[%dma_wait3A_204, %dma_wait3A_205] : memref<10000x16xf32, #tpu.memory_space<hbm>> -> memref<10000x16xf32, #tpu.memory_space<hbm>>
        tpu.wait_indirect_dma semaphore(%arg37 : memref<!tpu.dma_semaphore, #tpu.memory_space<semaphore_mem>>) src(%dma_wait3A_206 : memref<10000x16xf32, #tpu.memory_space<hbm>>) dst(%arg20 : memref<128x16xf32, #tpu.memory_space<vmem>>)
        %dma_start3A_207 = arith.constant 2 : i32
        %dma_start3A_208 = arith.constant 0 : i32
        %dma_start3A_209 = tpu.memref_slice %arg9[%dma_start3A_207, %dma_start3A_208] : memref<8x128xi32, #tpu.memory_space<vmem>> -> memref<1x128xi32, #tpu.memory_space<vmem>>
        %dma_start3A_210 = tpu.memref_squeeze %dma_start3A_209 : memref<1x128xi32, #tpu.memory_space<vmem>> -> memref<128xi32, #tpu.memory_space<vmem>>
        %dma_start3A_211 = arith.constant 0 : i32
        %dma_start3A_212 = arith.constant 0 : i32
        %dma_start3A_213 = tpu.memref_slice %arg26[%dma_start3A_211, %dma_start3A_212] : memref<10240x16xf32, #tpu.memory_space<vmem_shared>> -> memref<10240x16xf32, #tpu.memory_space<vmem_shared>>
        tpu.enqueue_indirect_dma source(%arg20 : memref<128x16xf32, #tpu.memory_space<vmem>>) target(%dma_start3A_213 : memref<10240x16xf32, #tpu.memory_space<vmem_shared>>) offsets(%dma_start3A_210 : memref<128xi32, #tpu.memory_space<vmem>>) semaphore(%arg45 : memref<!tpu.dma_semaphore, #tpu.memory_space<semaphore_mem>>) {add = true}
        %dma_wait3A_214 = arith.constant 3 : i32
        %dma_wait3A_215 = arith.constant 0 : i32
        %dma_wait3A_216 = tpu.memref_slice %arg7[%dma_wait3A_214, %dma_wait3A_215] : memref<8x128xi32, #tpu.memory_space<vmem>> -> memref<1x128xi32, #tpu.memory_space<vmem>>
        %dma_wait3A_217 = tpu.memref_squeeze %dma_wait3A_216 : memref<1x128xi32, #tpu.memory_space<vmem>> -> memref<128xi32, #tpu.memory_space<vmem>>
        %dma_wait3A_218 = arith.constant 0 : i32
        %dma_wait3A_219 = arith.constant 0 : i32
        %dma_wait3A_220 = tpu.memref_slice %arg2[%dma_wait3A_218, %dma_wait3A_219] : memref<10000x16xf32, #tpu.memory_space<hbm>> -> memref<10000x16xf32, #tpu.memory_space<hbm>>
        tpu.wait_indirect_dma semaphore(%arg38 : memref<!tpu.dma_semaphore, #tpu.memory_space<semaphore_mem>>) src(%dma_wait3A_220 : memref<10000x16xf32, #tpu.memory_space<hbm>>) dst(%arg21 : memref<128x16xf32, #tpu.memory_space<vmem>>)
        %dma_start3A_221 = arith.constant 3 : i32
        %dma_start3A_222 = arith.constant 0 : i32
        %dma_start3A_223 = tpu.memref_slice %arg9[%dma_start3A_221, %dma_start3A_222] : memref<8x128xi32, #tpu.memory_space<vmem>> -> memref<1x128xi32, #tpu.memory_space<vmem>>
        %dma_start3A_224 = tpu.memref_squeeze %dma_start3A_223 : memref<1x128xi32, #tpu.memory_space<vmem>> -> memref<128xi32, #tpu.memory_space<vmem>>
        %dma_start3A_225 = arith.constant 0 : i32
        %dma_start3A_226 = arith.constant 0 : i32
        %dma_start3A_227 = tpu.memref_slice %arg26[%dma_start3A_225, %dma_start3A_226] : memref<10240x16xf32, #tpu.memory_space<vmem_shared>> -> memref<10240x16xf32, #tpu.memory_space<vmem_shared>>
        tpu.enqueue_indirect_dma source(%arg21 : memref<128x16xf32, #tpu.memory_space<vmem>>) target(%dma_start3A_227 : memref<10240x16xf32, #tpu.memory_space<vmem_shared>>) offsets(%dma_start3A_224 : memref<128xi32, #tpu.memory_space<vmem>>) semaphore(%arg45 : memref<!tpu.dma_semaphore, #tpu.memory_space<semaphore_mem>>) {add = true}
        %ge3A_228 = arith.constant 2 : i32
        %ge3A_229 = arith.cmpi sge, %scan3A_125, %ge3A_228 : i32
        %convert_element_type3A_230 = arith.extui %ge3A_229 : i1 to i32
        %cond3A_231 = arith.constant 0 : i32
        %cond3A_232 = arith.cmpi ne, %convert_element_type3A_230, %cond3A_231 : i32
        scf.if %cond3A_232 {
          %dma_wait3A_317 = arith.constant 0 : i32
          %dma_wait3A_318 = arith.constant 0 : i32
          %dma_wait3A_319 = tpu.memref_slice %arg2[%dma_wait3A_317, %dma_wait3A_318] : memref<10000x16xf32, #tpu.memory_space<hbm>> -> memref<128x16xf32, #tpu.memory_space<hbm>>
          %dma_wait3A_320 = arith.constant 0 : i32
          %dma_wait3A_321 = arith.constant 0 : i32
          %dma_wait3A_322 = tpu.memref_slice %arg2[%dma_wait3A_320, %dma_wait3A_321] : memref<10000x16xf32, #tpu.memory_space<hbm>> -> memref<128x16xf32, #tpu.memory_space<hbm>>
          tpu.wait_dma2 semaphore(%arg46 : memref<!tpu.dma_semaphore, #tpu.memory_space<semaphore_mem>>) src(%dma_wait3A_322 : memref<128x16xf32, #tpu.memory_space<hbm>>) dst(%arg10 : memref<128x16xf32, #tpu.memory_space<vmem>>)
          %dma_wait3A_323 = arith.constant 0 : i32
          %dma_wait3A_324 = arith.constant 0 : i32
          %dma_wait3A_325 = tpu.memref_slice %arg2[%dma_wait3A_323, %dma_wait3A_324] : memref<10000x16xf32, #tpu.memory_space<hbm>> -> memref<128x16xf32, #tpu.memory_space<hbm>>
          %dma_wait3A_326 = arith.constant 0 : i32
          %dma_wait3A_327 = arith.constant 0 : i32
          %dma_wait3A_328 = tpu.memref_slice %arg2[%dma_wait3A_326, %dma_wait3A_327] : memref<10000x16xf32, #tpu.memory_space<hbm>> -> memref<128x16xf32, #tpu.memory_space<hbm>>
          tpu.wait_dma2 semaphore(%arg46 : memref<!tpu.dma_semaphore, #tpu.memory_space<semaphore_mem>>) src(%dma_wait3A_328 : memref<128x16xf32, #tpu.memory_space<hbm>>) dst(%arg10 : memref<128x16xf32, #tpu.memory_space<vmem>>)
          %dma_wait3A_329 = arith.constant 0 : i32
          %dma_wait3A_330 = arith.constant 0 : i32
          %dma_wait3A_331 = tpu.memref_slice %arg2[%dma_wait3A_329, %dma_wait3A_330] : memref<10000x16xf32, #tpu.memory_space<hbm>> -> memref<128x16xf32, #tpu.memory_space<hbm>>
          %dma_wait3A_332 = arith.constant 0 : i32
          %dma_wait3A_333 = arith.constant 0 : i32
          %dma_wait3A_334 = tpu.memref_slice %arg2[%dma_wait3A_332, %dma_wait3A_333] : memref<10000x16xf32, #tpu.memory_space<hbm>> -> memref<128x16xf32, #tpu.memory_space<hbm>>
          tpu.wait_dma2 semaphore(%arg46 : memref<!tpu.dma_semaphore, #tpu.memory_space<semaphore_mem>>) src(%dma_wait3A_334 : memref<128x16xf32, #tpu.memory_space<hbm>>) dst(%arg10 : memref<128x16xf32, #tpu.memory_space<vmem>>)
          %dma_wait3A_335 = arith.constant 0 : i32
          %dma_wait3A_336 = arith.constant 0 : i32
          %dma_wait3A_337 = tpu.memref_slice %arg2[%dma_wait3A_335, %dma_wait3A_336] : memref<10000x16xf32, #tpu.memory_space<hbm>> -> memref<128x16xf32, #tpu.memory_space<hbm>>
          %dma_wait3A_338 = arith.constant 0 : i32
          %dma_wait3A_339 = arith.constant 0 : i32
          %dma_wait3A_340 = tpu.memref_slice %arg2[%dma_wait3A_338, %dma_wait3A_339] : memref<10000x16xf32, #tpu.memory_space<hbm>> -> memref<128x16xf32, #tpu.memory_space<hbm>>
          tpu.wait_dma2 semaphore(%arg46 : memref<!tpu.dma_semaphore, #tpu.memory_space<semaphore_mem>>) src(%dma_wait3A_340 : memref<128x16xf32, #tpu.memory_space<hbm>>) dst(%arg10 : memref<128x16xf32, #tpu.memory_space<vmem>>)
        } else {
        }
        %dma_start3A_233 = arith.constant 4 : i32
        %dma_start3A_234 = arith.constant 0 : i32
        %dma_start3A_235 = tpu.memref_slice %arg7[%dma_start3A_233, %dma_start3A_234] : memref<8x128xi32, #tpu.memory_space<vmem>> -> memref<1x128xi32, #tpu.memory_space<vmem>>
        %dma_start3A_236 = tpu.memref_squeeze %dma_start3A_235 : memref<1x128xi32, #tpu.memory_space<vmem>> -> memref<128xi32, #tpu.memory_space<vmem>>
        %dma_start3A_237 = arith.constant 0 : i32
        %dma_start3A_238 = arith.constant 0 : i32
        %dma_start3A_239 = tpu.memref_slice %arg2[%dma_start3A_237, %dma_start3A_238] : memref<10000x16xf32, #tpu.memory_space<hbm>> -> memref<10000x16xf32, #tpu.memory_space<hbm>>
        tpu.enqueue_indirect_dma source(%dma_start3A_239 : memref<10000x16xf32, #tpu.memory_space<hbm>>) target(%arg22 : memref<128x16xf32, #tpu.memory_space<vmem>>) offsets(%dma_start3A_236 : memref<128xi32, #tpu.memory_space<vmem>>) semaphore(%arg39 : memref<!tpu.dma_semaphore, #tpu.memory_space<semaphore_mem>>)
        %dma_start3A_240 = arith.constant 5 : i32
        %dma_start3A_241 = arith.constant 0 : i32
        %dma_start3A_242 = tpu.memref_slice %arg7[%dma_start3A_240, %dma_start3A_241] : memref<8x128xi32, #tpu.memory_space<vmem>> -> memref<1x128xi32, #tpu.memory_space<vmem>>
        %dma_start3A_243 = tpu.memref_squeeze %dma_start3A_242 : memref<1x128xi32, #tpu.memory_space<vmem>> -> memref<128xi32, #tpu.memory_space<vmem>>
        %dma_start3A_244 = arith.constant 0 : i32
        %dma_start3A_245 = arith.constant 0 : i32
        %dma_start3A_246 = tpu.memref_slice %arg2[%dma_start3A_244, %dma_start3A_245] : memref<10000x16xf32, #tpu.memory_space<hbm>> -> memref<10000x16xf32, #tpu.memory_space<hbm>>
        tpu.enqueue_indirect_dma source(%dma_start3A_246 : memref<10000x16xf32, #tpu.memory_space<hbm>>) target(%arg23 : memref<128x16xf32, #tpu.memory_space<vmem>>) offsets(%dma_start3A_243 : memref<128xi32, #tpu.memory_space<vmem>>) semaphore(%arg40 : memref<!tpu.dma_semaphore, #tpu.memory_space<semaphore_mem>>)
        %dma_start3A_247 = arith.constant 6 : i32
        %dma_start3A_248 = arith.constant 0 : i32
        %dma_start3A_249 = tpu.memref_slice %arg7[%dma_start3A_247, %dma_start3A_248] : memref<8x128xi32, #tpu.memory_space<vmem>> -> memref<1x128xi32, #tpu.memory_space<vmem>>
        %dma_start3A_250 = tpu.memref_squeeze %dma_start3A_249 : memref<1x128xi32, #tpu.memory_space<vmem>> -> memref<128xi32, #tpu.memory_space<vmem>>
        %dma_start3A_251 = arith.constant 0 : i32
        %dma_start3A_252 = arith.constant 0 : i32
        %dma_start3A_253 = tpu.memref_slice %arg2[%dma_start3A_251, %dma_start3A_252] : memref<10000x16xf32, #tpu.memory_space<hbm>> -> memref<10000x16xf32, #tpu.memory_space<hbm>>
        tpu.enqueue_indirect_dma source(%dma_start3A_253 : memref<10000x16xf32, #tpu.memory_space<hbm>>) target(%arg24 : memref<128x16xf32, #tpu.memory_space<vmem>>) offsets(%dma_start3A_250 : memref<128xi32, #tpu.memory_space<vmem>>) semaphore(%arg41 : memref<!tpu.dma_semaphore, #tpu.memory_space<semaphore_mem>>)
        %dma_start3A_254 = arith.constant 7 : i32
        %dma_start3A_255 = arith.constant 0 : i32
        %dma_start3A_256 = tpu.memref_slice %arg7[%dma_start3A_254, %dma_start3A_255] : memref<8x128xi32, #tpu.memory_space<vmem>> -> memref<1x128xi32, #tpu.memory_space<vmem>>
        %dma_start3A_257 = tpu.memref_squeeze %dma_start3A_256 : memref<1x128xi32, #tpu.memory_space<vmem>> -> memref<128xi32, #tpu.memory_space<vmem>>
        %dma_start3A_258 = arith.constant 0 : i32
        %dma_start3A_259 = arith.constant 0 : i32
        %dma_start3A_260 = tpu.memref_slice %arg2[%dma_start3A_258, %dma_start3A_259] : memref<10000x16xf32, #tpu.memory_space<hbm>> -> memref<10000x16xf32, #tpu.memory_space<hbm>>
        tpu.enqueue_indirect_dma source(%dma_start3A_260 : memref<10000x16xf32, #tpu.memory_space<hbm>>) target(%arg25 : memref<128x16xf32, #tpu.memory_space<vmem>>) offsets(%dma_start3A_257 : memref<128xi32, #tpu.memory_space<vmem>>) semaphore(%arg42 : memref<!tpu.dma_semaphore, #tpu.memory_space<semaphore_mem>>)
        %dma_wait3A_261 = arith.constant 4 : i32
        %dma_wait3A_262 = arith.constant 0 : i32
        %dma_wait3A_263 = tpu.memref_slice %arg7[%dma_wait3A_261, %dma_wait3A_262] : memref<8x128xi32, #tpu.memory_space<vmem>> -> memref<1x128xi32, #tpu.memory_space<vmem>>
        %dma_wait3A_264 = tpu.memref_squeeze %dma_wait3A_263 : memref<1x128xi32, #tpu.memory_space<vmem>> -> memref<128xi32, #tpu.memory_space<vmem>>
        %dma_wait3A_265 = arith.constant 0 : i32
        %dma_wait3A_266 = arith.constant 0 : i32
        %dma_wait3A_267 = tpu.memref_slice %arg2[%dma_wait3A_265, %dma_wait3A_266] : memref<10000x16xf32, #tpu.memory_space<hbm>> -> memref<10000x16xf32, #tpu.memory_space<hbm>>
        tpu.wait_indirect_dma semaphore(%arg39 : memref<!tpu.dma_semaphore, #tpu.memory_space<semaphore_mem>>) src(%dma_wait3A_267 : memref<10000x16xf32, #tpu.memory_space<hbm>>) dst(%arg22 : memref<128x16xf32, #tpu.memory_space<vmem>>)
        %dma_start3A_268 = arith.constant 4 : i32
        %dma_start3A_269 = arith.constant 0 : i32
        %dma_start3A_270 = tpu.memref_slice %arg9[%dma_start3A_268, %dma_start3A_269] : memref<8x128xi32, #tpu.memory_space<vmem>> -> memref<1x128xi32, #tpu.memory_space<vmem>>
        %dma_start3A_271 = tpu.memref_squeeze %dma_start3A_270 : memref<1x128xi32, #tpu.memory_space<vmem>> -> memref<128xi32, #tpu.memory_space<vmem>>
        %dma_start3A_272 = arith.constant 0 : i32
        %dma_start3A_273 = arith.constant 0 : i32
        %dma_start3A_274 = tpu.memref_slice %arg26[%dma_start3A_272, %dma_start3A_273] : memref<10240x16xf32, #tpu.memory_space<vmem_shared>> -> memref<10240x16xf32, #tpu.memory_space<vmem_shared>>
        tpu.enqueue_indirect_dma source(%arg22 : memref<128x16xf32, #tpu.memory_space<vmem>>) target(%dma_start3A_274 : memref<10240x16xf32, #tpu.memory_space<vmem_shared>>) offsets(%dma_start3A_271 : memref<128xi32, #tpu.memory_space<vmem>>) semaphore(%arg46 : memref<!tpu.dma_semaphore, #tpu.memory_space<semaphore_mem>>) {add = true}
        %dma_wait3A_275 = arith.constant 5 : i32
        %dma_wait3A_276 = arith.constant 0 : i32
        %dma_wait3A_277 = tpu.memref_slice %arg7[%dma_wait3A_275, %dma_wait3A_276] : memref<8x128xi32, #tpu.memory_space<vmem>> -> memref<1x128xi32, #tpu.memory_space<vmem>>
        %dma_wait3A_278 = tpu.memref_squeeze %dma_wait3A_277 : memref<1x128xi32, #tpu.memory_space<vmem>> -> memref<128xi32, #tpu.memory_space<vmem>>
        %dma_wait3A_279 = arith.constant 0 : i32
        %dma_wait3A_280 = arith.constant 0 : i32
        %dma_wait3A_281 = tpu.memref_slice %arg2[%dma_wait3A_279, %dma_wait3A_280] : memref<10000x16xf32, #tpu.memory_space<hbm>> -> memref<10000x16xf32, #tpu.memory_space<hbm>>
        tpu.wait_indirect_dma semaphore(%arg40 : memref<!tpu.dma_semaphore, #tpu.memory_space<semaphore_mem>>) src(%dma_wait3A_281 : memref<10000x16xf32, #tpu.memory_space<hbm>>) dst(%arg23 : memref<128x16xf32, #tpu.memory_space<vmem>>)
        %dma_start3A_282 = arith.constant 5 : i32
        %dma_start3A_283 = arith.constant 0 : i32
        %dma_start3A_284 = tpu.memref_slice %arg9[%dma_start3A_282, %dma_start3A_283] : memref<8x128xi32, #tpu.memory_space<vmem>> -> memref<1x128xi32, #tpu.memory_space<vmem>>
        %dma_start3A_285 = tpu.memref_squeeze %dma_start3A_284 : memref<1x128xi32, #tpu.memory_space<vmem>> -> memref<128xi32, #tpu.memory_space<vmem>>
        %dma_start3A_286 = arith.constant 0 : i32
        %dma_start3A_287 = arith.constant 0 : i32
        %dma_start3A_288 = tpu.memref_slice %arg26[%dma_start3A_286, %dma_start3A_287] : memref<10240x16xf32, #tpu.memory_space<vmem_shared>> -> memref<10240x16xf32, #tpu.memory_space<vmem_shared>>
        tpu.enqueue_indirect_dma source(%arg23 : memref<128x16xf32, #tpu.memory_space<vmem>>) target(%dma_start3A_288 : memref<10240x16xf32, #tpu.memory_space<vmem_shared>>) offsets(%dma_start3A_285 : memref<128xi32, #tpu.memory_space<vmem>>) semaphore(%arg46 : memref<!tpu.dma_semaphore, #tpu.memory_space<semaphore_mem>>) {add = true}
        %dma_wait3A_289 = arith.constant 6 : i32
        %dma_wait3A_290 = arith.constant 0 : i32
        %dma_wait3A_291 = tpu.memref_slice %arg7[%dma_wait3A_289, %dma_wait3A_290] : memref<8x128xi32, #tpu.memory_space<vmem>> -> memref<1x128xi32, #tpu.memory_space<vmem>>
        %dma_wait3A_292 = tpu.memref_squeeze %dma_wait3A_291 : memref<1x128xi32, #tpu.memory_space<vmem>> -> memref<128xi32, #tpu.memory_space<vmem>>
        %dma_wait3A_293 = arith.constant 0 : i32
        %dma_wait3A_294 = arith.constant 0 : i32
        %dma_wait3A_295 = tpu.memref_slice %arg2[%dma_wait3A_293, %dma_wait3A_294] : memref<10000x16xf32, #tpu.memory_space<hbm>> -> memref<10000x16xf32, #tpu.memory_space<hbm>>
        tpu.wait_indirect_dma semaphore(%arg41 : memref<!tpu.dma_semaphore, #tpu.memory_space<semaphore_mem>>) src(%dma_wait3A_295 : memref<10000x16xf32, #tpu.memory_space<hbm>>) dst(%arg24 : memref<128x16xf32, #tpu.memory_space<vmem>>)
        %dma_start3A_296 = arith.constant 6 : i32
        %dma_start3A_297 = arith.constant 0 : i32
        %dma_start3A_298 = tpu.memref_slice %arg9[%dma_start3A_296, %dma_start3A_297] : memref<8x128xi32, #tpu.memory_space<vmem>> -> memref<1x128xi32, #tpu.memory_space<vmem>>
        %dma_start3A_299 = tpu.memref_squeeze %dma_start3A_298 : memref<1x128xi32, #tpu.memory_space<vmem>> -> memref<128xi32, #tpu.memory_space<vmem>>
        %dma_start3A_300 = arith.constant 0 : i32
        %dma_start3A_301 = arith.constant 0 : i32
        %dma_start3A_302 = tpu.memref_slice %arg26[%dma_start3A_300, %dma_start3A_301] : memref<10240x16xf32, #tpu.memory_space<vmem_shared>> -> memref<10240x16xf32, #tpu.memory_space<vmem_shared>>
        tpu.enqueue_indirect_dma source(%arg24 : memref<128x16xf32, #tpu.memory_space<vmem>>) target(%dma_start3A_302 : memref<10240x16xf32, #tpu.memory_space<vmem_shared>>) offsets(%dma_start3A_299 : memref<128xi32, #tpu.memory_space<vmem>>) semaphore(%arg46 : memref<!tpu.dma_semaphore, #tpu.memory_space<semaphore_mem>>) {add = true}
        %dma_wait3A_303 = arith.constant 7 : i32
        %dma_wait3A_304 = arith.constant 0 : i32
        %dma_wait3A_305 = tpu.memref_slice %arg7[%dma_wait3A_303, %dma_wait3A_304] : memref<8x128xi32, #tpu.memory_space<vmem>> -> memref<1x128xi32, #tpu.memory_space<vmem>>
        %dma_wait3A_306 = tpu.memref_squeeze %dma_wait3A_305 : memref<1x128xi32, #tpu.memory_space<vmem>> -> memref<128xi32, #tpu.memory_space<vmem>>
        %dma_wait3A_307 = arith.constant 0 : i32
        %dma_wait3A_308 = arith.constant 0 : i32
        %dma_wait3A_309 = tpu.memref_slice %arg2[%dma_wait3A_307, %dma_wait3A_308] : memref<10000x16xf32, #tpu.memory_space<hbm>> -> memref<10000x16xf32, #tpu.memory_space<hbm>>
        tpu.wait_indirect_dma semaphore(%arg42 : memref<!tpu.dma_semaphore, #tpu.memory_space<semaphore_mem>>) src(%dma_wait3A_309 : memref<10000x16xf32, #tpu.memory_space<hbm>>) dst(%arg25 : memref<128x16xf32, #tpu.memory_space<vmem>>)
        %dma_start3A_310 = arith.constant 7 : i32
        %dma_start3A_311 = arith.constant 0 : i32
        %dma_start3A_312 = tpu.memref_slice %arg9[%dma_start3A_310, %dma_start3A_311] : memref<8x128xi32, #tpu.memory_space<vmem>> -> memref<1x128xi32, #tpu.memory_space<vmem>>
        %dma_start3A_313 = tpu.memref_squeeze %dma_start3A_312 : memref<1x128xi32, #tpu.memory_space<vmem>> -> memref<128xi32, #tpu.memory_space<vmem>>
        %dma_start3A_314 = arith.constant 0 : i32
        %dma_start3A_315 = arith.constant 0 : i32
        %dma_start3A_316 = tpu.memref_slice %arg26[%dma_start3A_314, %dma_start3A_315] : memref<10240x16xf32, #tpu.memory_space<vmem_shared>> -> memref<10240x16xf32, #tpu.memory_space<vmem_shared>>
        tpu.enqueue_indirect_dma source(%arg25 : memref<128x16xf32, #tpu.memory_space<vmem>>) target(%dma_start3A_316 : memref<10240x16xf32, #tpu.memory_space<vmem_shared>>) offsets(%dma_start3A_313 : memref<128xi32, #tpu.memory_space<vmem>>) semaphore(%arg46 : memref<!tpu.dma_semaphore, #tpu.memory_space<semaphore_mem>>) {add = true}
      } else {
      }
    }
    %scan3A_9 = arith.constant 9 : i32
    %dma_wait3A = arith.constant 0 : i32
    %dma_wait3A_10 = arith.constant 0 : i32
    %dma_wait3A_11 = tpu.memref_slice %arg2[%dma_wait3A, %dma_wait3A_10] : memref<10000x16xf32, #tpu.memory_space<hbm>> -> memref<128x16xf32, #tpu.memory_space<hbm>>
    %dma_wait3A_12 = arith.constant 0 : i32
    %dma_wait3A_13 = arith.constant 0 : i32
    %dma_wait3A_14 = tpu.memref_slice %arg2[%dma_wait3A_12, %dma_wait3A_13] : memref<10000x16xf32, #tpu.memory_space<hbm>> -> memref<128x16xf32, #tpu.memory_space<hbm>>
    tpu.wait_dma2 semaphore(%arg43 : memref<!tpu.dma_semaphore, #tpu.memory_space<semaphore_mem>>) src(%dma_wait3A_14 : memref<128x16xf32, #tpu.memory_space<hbm>>) dst(%arg10 : memref<128x16xf32, #tpu.memory_space<vmem>>)
    %dma_wait3A_15 = arith.constant 0 : i32
    %dma_wait3A_16 = arith.constant 0 : i32
    %dma_wait3A_17 = tpu.memref_slice %arg2[%dma_wait3A_15, %dma_wait3A_16] : memref<10000x16xf32, #tpu.memory_space<hbm>> -> memref<128x16xf32, #tpu.memory_space<hbm>>
    %dma_wait3A_18 = arith.constant 0 : i32
    %dma_wait3A_19 = arith.constant 0 : i32
    %dma_wait3A_20 = tpu.memref_slice %arg2[%dma_wait3A_18, %dma_wait3A_19] : memref<10000x16xf32, #tpu.memory_space<hbm>> -> memref<128x16xf32, #tpu.memory_space<hbm>>
    tpu.wait_dma2 semaphore(%arg43 : memref<!tpu.dma_semaphore, #tpu.memory_space<semaphore_mem>>) src(%dma_wait3A_20 : memref<128x16xf32, #tpu.memory_space<hbm>>) dst(%arg10 : memref<128x16xf32, #tpu.memory_space<vmem>>)
    %dma_wait3A_21 = arith.constant 0 : i32
    %dma_wait3A_22 = arith.constant 0 : i32
    %dma_wait3A_23 = tpu.memref_slice %arg2[%dma_wait3A_21, %dma_wait3A_22] : memref<10000x16xf32, #tpu.memory_space<hbm>> -> memref<128x16xf32, #tpu.memory_space<hbm>>
    %dma_wait3A_24 = arith.constant 0 : i32
    %dma_wait3A_25 = arith.constant 0 : i32
    %dma_wait3A_26 = tpu.memref_slice %arg2[%dma_wait3A_24, %dma_wait3A_25] : memref<10000x16xf32, #tpu.memory_space<hbm>> -> memref<128x16xf32, #tpu.memory_space<hbm>>
    tpu.wait_dma2 semaphore(%arg43 : memref<!tpu.dma_semaphore, #tpu.memory_space<semaphore_mem>>) src(%dma_wait3A_26 : memref<128x16xf32, #tpu.memory_space<hbm>>) dst(%arg10 : memref<128x16xf32, #tpu.memory_space<vmem>>)
    %dma_wait3A_27 = arith.constant 0 : i32
    %dma_wait3A_28 = arith.constant 0 : i32
    %dma_wait3A_29 = tpu.memref_slice %arg2[%dma_wait3A_27, %dma_wait3A_28] : memref<10000x16xf32, #tpu.memory_space<hbm>> -> memref<128x16xf32, #tpu.memory_space<hbm>>
    %dma_wait3A_30 = arith.constant 0 : i32
    %dma_wait3A_31 = arith.constant 0 : i32
    %dma_wait3A_32 = tpu.memref_slice %arg2[%dma_wait3A_30, %dma_wait3A_31] : memref<10000x16xf32, #tpu.memory_space<hbm>> -> memref<128x16xf32, #tpu.memory_space<hbm>>
    tpu.wait_dma2 semaphore(%arg43 : memref<!tpu.dma_semaphore, #tpu.memory_space<semaphore_mem>>) src(%dma_wait3A_32 : memref<128x16xf32, #tpu.memory_space<hbm>>) dst(%arg10 : memref<128x16xf32, #tpu.memory_space<vmem>>)
    %dma_wait3A_33 = arith.constant 0 : i32
    %dma_wait3A_34 = arith.constant 0 : i32
    %dma_wait3A_35 = tpu.memref_slice %arg2[%dma_wait3A_33, %dma_wait3A_34] : memref<10000x16xf32, #tpu.memory_space<hbm>> -> memref<128x16xf32, #tpu.memory_space<hbm>>
    %dma_wait3A_36 = arith.constant 0 : i32
    %dma_wait3A_37 = arith.constant 0 : i32
    %dma_wait3A_38 = tpu.memref_slice %arg2[%dma_wait3A_36, %dma_wait3A_37] : memref<10000x16xf32, #tpu.memory_space<hbm>> -> memref<128x16xf32, #tpu.memory_space<hbm>>
    tpu.wait_dma2 semaphore(%arg44 : memref<!tpu.dma_semaphore, #tpu.memory_space<semaphore_mem>>) src(%dma_wait3A_38 : memref<128x16xf32, #tpu.memory_space<hbm>>) dst(%arg10 : memref<128x16xf32, #tpu.memory_space<vmem>>)
    %dma_wait3A_39 = arith.constant 0 : i32
    %dma_wait3A_40 = arith.constant 0 : i32
    %dma_wait3A_41 = tpu.memref_slice %arg2[%dma_wait3A_39, %dma_wait3A_40] : memref<10000x16xf32, #tpu.memory_space<hbm>> -> memref<128x16xf32, #tpu.memory_space<hbm>>
    %dma_wait3A_42 = arith.constant 0 : i32
    %dma_wait3A_43 = arith.constant 0 : i32
    %dma_wait3A_44 = tpu.memref_slice %arg2[%dma_wait3A_42, %dma_wait3A_43] : memref<10000x16xf32, #tpu.memory_space<hbm>> -> memref<128x16xf32, #tpu.memory_space<hbm>>
    tpu.wait_dma2 semaphore(%arg44 : memref<!tpu.dma_semaphore, #tpu.memory_space<semaphore_mem>>) src(%dma_wait3A_44 : memref<128x16xf32, #tpu.memory_space<hbm>>) dst(%arg10 : memref<128x16xf32, #tpu.memory_space<vmem>>)
    %dma_wait3A_45 = arith.constant 0 : i32
    %dma_wait3A_46 = arith.constant 0 : i32
    %dma_wait3A_47 = tpu.memref_slice %arg2[%dma_wait3A_45, %dma_wait3A_46] : memref<10000x16xf32, #tpu.memory_space<hbm>> -> memref<128x16xf32, #tpu.memory_space<hbm>>
    %dma_wait3A_48 = arith.constant 0 : i32
    %dma_wait3A_49 = arith.constant 0 : i32
    %dma_wait3A_50 = tpu.memref_slice %arg2[%dma_wait3A_48, %dma_wait3A_49] : memref<10000x16xf32, #tpu.memory_space<hbm>> -> memref<128x16xf32, #tpu.memory_space<hbm>>
    tpu.wait_dma2 semaphore(%arg44 : memref<!tpu.dma_semaphore, #tpu.memory_space<semaphore_mem>>) src(%dma_wait3A_50 : memref<128x16xf32, #tpu.memory_space<hbm>>) dst(%arg10 : memref<128x16xf32, #tpu.memory_space<vmem>>)
    %dma_wait3A_51 = arith.constant 0 : i32
    %dma_wait3A_52 = arith.constant 0 : i32
    %dma_wait3A_53 = tpu.memref_slice %arg2[%dma_wait3A_51, %dma_wait3A_52] : memref<10000x16xf32, #tpu.memory_space<hbm>> -> memref<128x16xf32, #tpu.memory_space<hbm>>
    %dma_wait3A_54 = arith.constant 0 : i32
    %dma_wait3A_55 = arith.constant 0 : i32
    %dma_wait3A_56 = tpu.memref_slice %arg2[%dma_wait3A_54, %dma_wait3A_55] : memref<10000x16xf32, #tpu.memory_space<hbm>> -> memref<128x16xf32, #tpu.memory_space<hbm>>
    tpu.wait_dma2 semaphore(%arg44 : memref<!tpu.dma_semaphore, #tpu.memory_space<semaphore_mem>>) src(%dma_wait3A_56 : memref<128x16xf32, #tpu.memory_space<hbm>>) dst(%arg10 : memref<128x16xf32, #tpu.memory_space<vmem>>)
    %dma_wait3A_57 = arith.constant 0 : i32
    %dma_wait3A_58 = arith.constant 0 : i32
    %dma_wait3A_59 = tpu.memref_slice %arg2[%dma_wait3A_57, %dma_wait3A_58] : memref<10000x16xf32, #tpu.memory_space<hbm>> -> memref<128x16xf32, #tpu.memory_space<hbm>>
    %dma_wait3A_60 = arith.constant 0 : i32
    %dma_wait3A_61 = arith.constant 0 : i32
    %dma_wait3A_62 = tpu.memref_slice %arg2[%dma_wait3A_60, %dma_wait3A_61] : memref<10000x16xf32, #tpu.memory_space<hbm>> -> memref<128x16xf32, #tpu.memory_space<hbm>>
    tpu.wait_dma2 semaphore(%arg45 : memref<!tpu.dma_semaphore, #tpu.memory_space<semaphore_mem>>) src(%dma_wait3A_62 : memref<128x16xf32, #tpu.memory_space<hbm>>) dst(%arg10 : memref<128x16xf32, #tpu.memory_space<vmem>>)
    %dma_wait3A_63 = arith.constant 0 : i32
    %dma_wait3A_64 = arith.constant 0 : i32
    %dma_wait3A_65 = tpu.memref_slice %arg2[%dma_wait3A_63, %dma_wait3A_64] : memref<10000x16xf32, #tpu.memory_space<hbm>> -> memref<128x16xf32, #tpu.memory_space<hbm>>
    %dma_wait3A_66 = arith.constant 0 : i32
    %dma_wait3A_67 = arith.constant 0 : i32
    %dma_wait3A_68 = tpu.memref_slice %arg2[%dma_wait3A_66, %dma_wait3A_67] : memref<10000x16xf32, #tpu.memory_space<hbm>> -> memref<128x16xf32, #tpu.memory_space<hbm>>
    tpu.wait_dma2 semaphore(%arg45 : memref<!tpu.dma_semaphore, #tpu.memory_space<semaphore_mem>>) src(%dma_wait3A_68 : memref<128x16xf32, #tpu.memory_space<hbm>>) dst(%arg10 : memref<128x16xf32, #tpu.memory_space<vmem>>)
    %dma_wait3A_69 = arith.constant 0 : i32
    %dma_wait3A_70 = arith.constant 0 : i32
    %dma_wait3A_71 = tpu.memref_slice %arg2[%dma_wait3A_69, %dma_wait3A_70] : memref<10000x16xf32, #tpu.memory_space<hbm>> -> memref<128x16xf32, #tpu.memory_space<hbm>>
    %dma_wait3A_72 = arith.constant 0 : i32
    %dma_wait3A_73 = arith.constant 0 : i32
    %dma_wait3A_74 = tpu.memref_slice %arg2[%dma_wait3A_72, %dma_wait3A_73] : memref<10000x16xf32, #tpu.memory_space<hbm>> -> memref<128x16xf32, #tpu.memory_space<hbm>>
    tpu.wait_dma2 semaphore(%arg45 : memref<!tpu.dma_semaphore, #tpu.memory_space<semaphore_mem>>) src(%dma_wait3A_74 : memref<128x16xf32, #tpu.memory_space<hbm>>) dst(%arg10 : memref<128x16xf32, #tpu.memory_space<vmem>>)
    %dma_wait3A_75 = arith.constant 0 : i32
    %dma_wait3A_76 = arith.constant 0 : i32
    %dma_wait3A_77 = tpu.memref_slice %arg2[%dma_wait3A_75, %dma_wait3A_76] : memref<10000x16xf32, #tpu.memory_space<hbm>> -> memref<128x16xf32, #tpu.memory_space<hbm>>
    %dma_wait3A_78 = arith.constant 0 : i32
    %dma_wait3A_79 = arith.constant 0 : i32
    %dma_wait3A_80 = tpu.memref_slice %arg2[%dma_wait3A_78, %dma_wait3A_79] : memref<10000x16xf32, #tpu.memory_space<hbm>> -> memref<128x16xf32, #tpu.memory_space<hbm>>
    tpu.wait_dma2 semaphore(%arg45 : memref<!tpu.dma_semaphore, #tpu.memory_space<semaphore_mem>>) src(%dma_wait3A_80 : memref<128x16xf32, #tpu.memory_space<hbm>>) dst(%arg10 : memref<128x16xf32, #tpu.memory_space<vmem>>)
    %dma_wait3A_81 = arith.constant 0 : i32
    %dma_wait3A_82 = arith.constant 0 : i32
    %dma_wait3A_83 = tpu.memref_slice %arg2[%dma_wait3A_81, %dma_wait3A_82] : memref<10000x16xf32, #tpu.memory_space<hbm>> -> memref<128x16xf32, #tpu.memory_space<hbm>>
    %dma_wait3A_84 = arith.constant 0 : i32
    %dma_wait3A_85 = arith.constant 0 : i32
    %dma_wait3A_86 = tpu.memref_slice %arg2[%dma_wait3A_84, %dma_wait3A_85] : memref<10000x16xf32, #tpu.memory_space<hbm>> -> memref<128x16xf32, #tpu.memory_space<hbm>>
    tpu.wait_dma2 semaphore(%arg46 : memref<!tpu.dma_semaphore, #tpu.memory_space<semaphore_mem>>) src(%dma_wait3A_86 : memref<128x16xf32, #tpu.memory_space<hbm>>) dst(%arg10 : memref<128x16xf32, #tpu.memory_space<vmem>>)
    %dma_wait3A_87 = arith.constant 0 : i32
    %dma_wait3A_88 = arith.constant 0 : i32
    %dma_wait3A_89 = tpu.memref_slice %arg2[%dma_wait3A_87, %dma_wait3A_88] : memref<10000x16xf32, #tpu.memory_space<hbm>> -> memref<128x16xf32, #tpu.memory_space<hbm>>
    %dma_wait3A_90 = arith.constant 0 : i32
    %dma_wait3A_91 = arith.constant 0 : i32
    %dma_wait3A_92 = tpu.memref_slice %arg2[%dma_wait3A_90, %dma_wait3A_91] : memref<10000x16xf32, #tpu.memory_space<hbm>> -> memref<128x16xf32, #tpu.memory_space<hbm>>
    tpu.wait_dma2 semaphore(%arg46 : memref<!tpu.dma_semaphore, #tpu.memory_space<semaphore_mem>>) src(%dma_wait3A_92 : memref<128x16xf32, #tpu.memory_space<hbm>>) dst(%arg10 : memref<128x16xf32, #tpu.memory_space<vmem>>)
    %dma_wait3A_93 = arith.constant 0 : i32
    %dma_wait3A_94 = arith.constant 0 : i32
    %dma_wait3A_95 = tpu.memref_slice %arg2[%dma_wait3A_93, %dma_wait3A_94] : memref<10000x16xf32, #tpu.memory_space<hbm>> -> memref<128x16xf32, #tpu.memory_space<hbm>>
    %dma_wait3A_96 = arith.constant 0 : i32
    %dma_wait3A_97 = arith.constant 0 : i32
    %dma_wait3A_98 = tpu.memref_slice %arg2[%dma_wait3A_96, %dma_wait3A_97] : memref<10000x16xf32, #tpu.memory_space<hbm>> -> memref<128x16xf32, #tpu.memory_space<hbm>>
    tpu.wait_dma2 semaphore(%arg46 : memref<!tpu.dma_semaphore, #tpu.memory_space<semaphore_mem>>) src(%dma_wait3A_98 : memref<128x16xf32, #tpu.memory_space<hbm>>) dst(%arg10 : memref<128x16xf32, #tpu.memory_space<vmem>>)
    %dma_wait3A_99 = arith.constant 0 : i32
    %dma_wait3A_100 = arith.constant 0 : i32
    %dma_wait3A_101 = tpu.memref_slice %arg2[%dma_wait3A_99, %dma_wait3A_100] : memref<10000x16xf32, #tpu.memory_space<hbm>> -> memref<128x16xf32, #tpu.memory_space<hbm>>
    %dma_wait3A_102 = arith.constant 0 : i32
    %dma_wait3A_103 = arith.constant 0 : i32
    %dma_wait3A_104 = tpu.memref_slice %arg2[%dma_wait3A_102, %dma_wait3A_103] : memref<10000x16xf32, #tpu.memory_space<hbm>> -> memref<128x16xf32, #tpu.memory_space<hbm>>
    tpu.wait_dma2 semaphore(%arg46 : memref<!tpu.dma_semaphore, #tpu.memory_space<semaphore_mem>>) src(%dma_wait3A_104 : memref<128x16xf32, #tpu.memory_space<hbm>>) dst(%arg10 : memref<128x16xf32, #tpu.memory_space<vmem>>)
    %mul3A_105 = arith.constant 78 : i32
    %mul3A_106 = arith.muli %add3A, %mul3A_105 : i32
    %add3A_107 = arith.constant 72 : i32
    %add3A_108 = arith.addi %mul3A_106, %add3A_107 : i32
    %run_scoped3A = arith.constant 0 : i32
    "tpu.region"() ({
      %run_scoped3A_125 = tpu.sem_alloc : memref<!tpu.dma_semaphore, #tpu.memory_space<semaphore_mem>>
      %dma_start3A = arith.constant 0 : i32
      %dma_start3A_126 = arith.constant 0 : i32
      %dma_start3A_127 = tpu.memref_slice %arg6[%dma_start3A, %dma_start3A_126] : memref<8x128xi32, #tpu.memory_space<vmem>> -> memref<6x128xi32, #tpu.memory_space<vmem>>
      %dma_start3A_128 = arith.constant 0 : i32
      %dma_start3A_129 = tpu.memref_slice %arg3[%run_scoped3A, %add3A_108, %dma_start3A_128] : memref<2x2500x128xi32, #tpu.memory_space<hbm>> -> memref<1x6x128xi32, #tpu.memory_space<hbm>>
      %dma_start3A_130 = tpu.memref_squeeze %dma_start3A_129 : memref<1x6x128xi32, #tpu.memory_space<hbm>> -> memref<6x128xi32, #tpu.memory_space<hbm>>
      %dma_start3A_131 = arith.constant 0 : i32
      %dma_start3A_132 = arith.constant 0 : i32
      %dma_start3A_133 = tpu.memref_slice %arg6[%dma_start3A_131, %dma_start3A_132] : memref<8x128xi32, #tpu.memory_space<vmem>> -> memref<6x128xi32, #tpu.memory_space<vmem>>
      %dma_start3A_134 = arith.constant 0 : i32
      %dma_start3A_135 = tpu.memref_slice %arg3[%run_scoped3A, %add3A_108, %dma_start3A_134] : memref<2x2500x128xi32, #tpu.memory_space<hbm>> -> memref<1x6x128xi32, #tpu.memory_space<hbm>>
      %dma_start3A_136 = tpu.memref_squeeze %dma_start3A_135 : memref<1x6x128xi32, #tpu.memory_space<hbm>> -> memref<6x128xi32, #tpu.memory_space<hbm>>
      tpu.enqueue_dma source(%dma_start3A_136 : memref<6x128xi32, #tpu.memory_space<hbm>>) target(%dma_start3A_133 : memref<6x128xi32, #tpu.memory_space<vmem>>) target_semaphore(%run_scoped3A_125 : memref<!tpu.dma_semaphore, #tpu.memory_space<semaphore_mem>>)
      %dma_wait3A_137 = arith.constant 0 : i32
      %dma_wait3A_138 = arith.constant 0 : i32
      %dma_wait3A_139 = tpu.memref_slice %arg6[%dma_wait3A_137, %dma_wait3A_138] : memref<8x128xi32, #tpu.memory_space<vmem>> -> memref<6x128xi32, #tpu.memory_space<vmem>>
      %dma_wait3A_140 = arith.constant 0 : i32
      %dma_wait3A_141 = tpu.memref_slice %arg3[%run_scoped3A, %add3A_108, %dma_wait3A_140] : memref<2x2500x128xi32, #tpu.memory_space<hbm>> -> memref<1x6x128xi32, #tpu.memory_space<hbm>>
      %dma_wait3A_142 = tpu.memref_squeeze %dma_wait3A_141 : memref<1x6x128xi32, #tpu.memory_space<hbm>> -> memref<6x128xi32, #tpu.memory_space<hbm>>
      %dma_wait3A_143 = arith.constant 0 : i32
      %dma_wait3A_144 = arith.constant 0 : i32
      %dma_wait3A_145 = tpu.memref_slice %arg6[%dma_wait3A_143, %dma_wait3A_144] : memref<8x128xi32, #tpu.memory_space<vmem>> -> memref<6x128xi32, #tpu.memory_space<vmem>>
      %dma_wait3A_146 = arith.constant 0 : i32
      %dma_wait3A_147 = tpu.memref_slice %arg3[%run_scoped3A, %add3A_108, %dma_wait3A_146] : memref<2x2500x128xi32, #tpu.memory_space<hbm>> -> memref<1x6x128xi32, #tpu.memory_space<hbm>>
      %dma_wait3A_148 = tpu.memref_squeeze %dma_wait3A_147 : memref<1x6x128xi32, #tpu.memory_space<hbm>> -> memref<6x128xi32, #tpu.memory_space<hbm>>
      tpu.wait_dma2 semaphore(%run_scoped3A_125 : memref<!tpu.dma_semaphore, #tpu.memory_space<semaphore_mem>>) src(%dma_wait3A_148 : memref<6x128xi32, #tpu.memory_space<hbm>>) dst(%dma_wait3A_145 : memref<6x128xi32, #tpu.memory_space<vmem>>)
      tpu.yield
    }) : () -> ()
    %run_scoped3A_109 = arith.constant 1 : i32
    "tpu.region"() ({
      %run_scoped3A_125 = tpu.sem_alloc : memref<!tpu.dma_semaphore, #tpu.memory_space<semaphore_mem>>
      %dma_start3A = arith.constant 0 : i32
      %dma_start3A_126 = arith.constant 0 : i32
      %dma_start3A_127 = tpu.memref_slice %arg8[%dma_start3A, %dma_start3A_126] : memref<8x128xi32, #tpu.memory_space<vmem>> -> memref<6x128xi32, #tpu.memory_space<vmem>>
      %dma_start3A_128 = arith.constant 0 : i32
      %dma_start3A_129 = tpu.memref_slice %arg3[%run_scoped3A_109, %add3A_108, %dma_start3A_128] : memref<2x2500x128xi32, #tpu.memory_space<hbm>> -> memref<1x6x128xi32, #tpu.memory_space<hbm>>
      %dma_start3A_130 = tpu.memref_squeeze %dma_start3A_129 : memref<1x6x128xi32, #tpu.memory_space<hbm>> -> memref<6x128xi32, #tpu.memory_space<hbm>>
      %dma_start3A_131 = arith.constant 0 : i32
      %dma_start3A_132 = arith.constant 0 : i32
      %dma_start3A_133 = tpu.memref_slice %arg8[%dma_start3A_131, %dma_start3A_132] : memref<8x128xi32, #tpu.memory_space<vmem>> -> memref<6x128xi32, #tpu.memory_space<vmem>>
      %dma_start3A_134 = arith.constant 0 : i32
      %dma_start3A_135 = tpu.memref_slice %arg3[%run_scoped3A_109, %add3A_108, %dma_start3A_134] : memref<2x2500x128xi32, #tpu.memory_space<hbm>> -> memref<1x6x128xi32, #tpu.memory_space<hbm>>
      %dma_start3A_136 = tpu.memref_squeeze %dma_start3A_135 : memref<1x6x128xi32, #tpu.memory_space<hbm>> -> memref<6x128xi32, #tpu.memory_space<hbm>>
      tpu.enqueue_dma source(%dma_start3A_136 : memref<6x128xi32, #tpu.memory_space<hbm>>) target(%dma_start3A_133 : memref<6x128xi32, #tpu.memory_space<vmem>>) target_semaphore(%run_scoped3A_125 : memref<!tpu.dma_semaphore, #tpu.memory_space<semaphore_mem>>)
      %dma_wait3A_137 = arith.constant 0 : i32
      %dma_wait3A_138 = arith.constant 0 : i32
      %dma_wait3A_139 = tpu.memref_slice %arg8[%dma_wait3A_137, %dma_wait3A_138] : memref<8x128xi32, #tpu.memory_space<vmem>> -> memref<6x128xi32, #tpu.memory_space<vmem>>
      %dma_wait3A_140 = arith.constant 0 : i32
      %dma_wait3A_141 = tpu.memref_slice %arg3[%run_scoped3A_109, %add3A_108, %dma_wait3A_140] : memref<2x2500x128xi32, #tpu.memory_space<hbm>> -> memref<1x6x128xi32, #tpu.memory_space<hbm>>
      %dma_wait3A_142 = tpu.memref_squeeze %dma_wait3A_141 : memref<1x6x128xi32, #tpu.memory_space<hbm>> -> memref<6x128xi32, #tpu.memory_space<hbm>>
      %dma_wait3A_143 = arith.constant 0 : i32
      %dma_wait3A_144 = arith.constant 0 : i32
      %dma_wait3A_145 = tpu.memref_slice %arg8[%dma_wait3A_143, %dma_wait3A_144] : memref<8x128xi32, #tpu.memory_space<vmem>> -> memref<6x128xi32, #tpu.memory_space<vmem>>
      %dma_wait3A_146 = arith.constant 0 : i32
      %dma_wait3A_147 = tpu.memref_slice %arg3[%run_scoped3A_109, %add3A_108, %dma_wait3A_146] : memref<2x2500x128xi32, #tpu.memory_space<hbm>> -> memref<1x6x128xi32, #tpu.memory_space<hbm>>
      %dma_wait3A_148 = tpu.memref_squeeze %dma_wait3A_147 : memref<1x6x128xi32, #tpu.memory_space<hbm>> -> memref<6x128xi32, #tpu.memory_space<hbm>>
      tpu.wait_dma2 semaphore(%run_scoped3A_125 : memref<!tpu.dma_semaphore, #tpu.memory_space<semaphore_mem>>) src(%dma_wait3A_148 : memref<6x128xi32, #tpu.memory_space<hbm>>) dst(%dma_wait3A_145 : memref<6x128xi32, #tpu.memory_space<vmem>>)
      tpu.yield
    }) : () -> ()
    %run_scoped3A_110 = arith.constant 0 : i32
    "tpu.region"() ({
      %run_scoped3A_125 = tpu.sem_alloc : memref<!tpu.dma_semaphore, #tpu.memory_space<semaphore_mem>>
      %dma_start3A = arith.constant 0 : i32
      %dma_start3A_126 = tpu.memref_slice %arg6[%run_scoped3A_110, %dma_start3A] : memref<8x128xi32, #tpu.memory_space<vmem>> -> memref<1x128xi32, #tpu.memory_space<vmem>>
      %dma_start3A_127 = tpu.memref_squeeze %dma_start3A_126 : memref<1x128xi32, #tpu.memory_space<vmem>> -> memref<128xi32, #tpu.memory_space<vmem>>
      %dma_start3A_128 = arith.constant 0 : i32
      %dma_start3A_129 = arith.constant 0 : i32
      %dma_start3A_130 = tpu.memref_slice %arg2[%dma_start3A_128, %dma_start3A_129] : memref<10000x16xf32, #tpu.memory_space<hbm>> -> memref<10000x16xf32, #tpu.memory_space<hbm>>
      tpu.enqueue_indirect_dma source(%dma_start3A_130 : memref<10000x16xf32, #tpu.memory_space<hbm>>) target(%arg10 : memref<128x16xf32, #tpu.memory_space<vmem>>) offsets(%dma_start3A_127 : memref<128xi32, #tpu.memory_space<vmem>>) semaphore(%run_scoped3A_125 : memref<!tpu.dma_semaphore, #tpu.memory_space<semaphore_mem>>)
      %dma_wait3A_131 = arith.constant 0 : i32
      %dma_wait3A_132 = tpu.memref_slice %arg6[%run_scoped3A_110, %dma_wait3A_131] : memref<8x128xi32, #tpu.memory_space<vmem>> -> memref<1x128xi32, #tpu.memory_space<vmem>>
      %dma_wait3A_133 = tpu.memref_squeeze %dma_wait3A_132 : memref<1x128xi32, #tpu.memory_space<vmem>> -> memref<128xi32, #tpu.memory_space<vmem>>
      %dma_wait3A_134 = arith.constant 0 : i32
      %dma_wait3A_135 = arith.constant 0 : i32
      %dma_wait3A_136 = tpu.memref_slice %arg2[%dma_wait3A_134, %dma_wait3A_135] : memref<10000x16xf32, #tpu.memory_space<hbm>> -> memref<10000x16xf32, #tpu.memory_space<hbm>>
      tpu.wait_indirect_dma semaphore(%run_scoped3A_125 : memref<!tpu.dma_semaphore, #tpu.memory_space<semaphore_mem>>) src(%dma_wait3A_136 : memref<10000x16xf32, #tpu.memory_space<hbm>>) dst(%arg10 : memref<128x16xf32, #tpu.memory_space<vmem>>)
      tpu.yield
    }) : () -> ()
    %run_scoped3A_111 = arith.constant 0 : i32
    "tpu.region"() ({
      %run_scoped3A_125 = tpu.sem_alloc : memref<!tpu.dma_semaphore, #tpu.memory_space<semaphore_mem>>
      %dma_start3A = arith.constant 0 : i32
      %dma_start3A_126 = tpu.memref_slice %arg8[%run_scoped3A_111, %dma_start3A] : memref<8x128xi32, #tpu.memory_space<vmem>> -> memref<1x128xi32, #tpu.memory_space<vmem>>
      %dma_start3A_127 = tpu.memref_squeeze %dma_start3A_126 : memref<1x128xi32, #tpu.memory_space<vmem>> -> memref<128xi32, #tpu.memory_space<vmem>>
      %dma_start3A_128 = arith.constant 0 : i32
      %dma_start3A_129 = arith.constant 0 : i32
      %dma_start3A_130 = tpu.memref_slice %arg26[%dma_start3A_128, %dma_start3A_129] : memref<10240x16xf32, #tpu.memory_space<vmem_shared>> -> memref<10240x16xf32, #tpu.memory_space<vmem_shared>>
      tpu.enqueue_indirect_dma source(%arg10 : memref<128x16xf32, #tpu.memory_space<vmem>>) target(%dma_start3A_130 : memref<10240x16xf32, #tpu.memory_space<vmem_shared>>) offsets(%dma_start3A_127 : memref<128xi32, #tpu.memory_space<vmem>>) semaphore(%run_scoped3A_125 : memref<!tpu.dma_semaphore, #tpu.memory_space<semaphore_mem>>) {add = true}
      %dma_wait3A_131 = arith.constant 0 : i32
      %dma_wait3A_132 = tpu.memref_slice %arg8[%run_scoped3A_111, %dma_wait3A_131] : memref<8x128xi32, #tpu.memory_space<vmem>> -> memref<1x128xi32, #tpu.memory_space<vmem>>
      %dma_wait3A_133 = tpu.memref_squeeze %dma_wait3A_132 : memref<1x128xi32, #tpu.memory_space<vmem>> -> memref<128xi32, #tpu.memory_space<vmem>>
      %dma_wait3A_134 = arith.constant 0 : i32
      %dma_wait3A_135 = arith.constant 0 : i32
      %dma_wait3A_136 = tpu.memref_slice %arg26[%dma_wait3A_134, %dma_wait3A_135] : memref<10240x16xf32, #tpu.memory_space<vmem_shared>> -> memref<10240x16xf32, #tpu.memory_space<vmem_shared>>
      tpu.wait_indirect_dma semaphore(%run_scoped3A_125 : memref<!tpu.dma_semaphore, #tpu.memory_space<semaphore_mem>>) src(%arg10 : memref<128x16xf32, #tpu.memory_space<vmem>>) dst(%dma_wait3A_136 : memref<10240x16xf32, #tpu.memory_space<vmem_shared>>)
      tpu.yield
    }) : () -> ()
    %run_scoped3A_112 = arith.constant 1 : i32
    "tpu.region"() ({
      %run_scoped3A_125 = tpu.sem_alloc : memref<!tpu.dma_semaphore, #tpu.memory_space<semaphore_mem>>
      %dma_start3A = arith.constant 0 : i32
      %dma_start3A_126 = tpu.memref_slice %arg6[%run_scoped3A_112, %dma_start3A] : memref<8x128xi32, #tpu.memory_space<vmem>> -> memref<1x128xi32, #tpu.memory_space<vmem>>
      %dma_start3A_127 = tpu.memref_squeeze %dma_start3A_126 : memref<1x128xi32, #tpu.memory_space<vmem>> -> memref<128xi32, #tpu.memory_space<vmem>>
      %dma_start3A_128 = arith.constant 0 : i32
      %dma_start3A_129 = arith.constant 0 : i32
      %dma_start3A_130 = tpu.memref_slice %arg2[%dma_start3A_128, %dma_start3A_129] : memref<10000x16xf32, #tpu.memory_space<hbm>> -> memref<10000x16xf32, #tpu.memory_space<hbm>>
      tpu.enqueue_indirect_dma source(%dma_start3A_130 : memref<10000x16xf32, #tpu.memory_space<hbm>>) target(%arg10 : memref<128x16xf32, #tpu.memory_space<vmem>>) offsets(%dma_start3A_127 : memref<128xi32, #tpu.memory_space<vmem>>) semaphore(%run_scoped3A_125 : memref<!tpu.dma_semaphore, #tpu.memory_space<semaphore_mem>>)
      %dma_wait3A_131 = arith.constant 0 : i32
      %dma_wait3A_132 = tpu.memref_slice %arg6[%run_scoped3A_112, %dma_wait3A_131] : memref<8x128xi32, #tpu.memory_space<vmem>> -> memref<1x128xi32, #tpu.memory_space<vmem>>
      %dma_wait3A_133 = tpu.memref_squeeze %dma_wait3A_132 : memref<1x128xi32, #tpu.memory_space<vmem>> -> memref<128xi32, #tpu.memory_space<vmem>>
      %dma_wait3A_134 = arith.constant 0 : i32
      %dma_wait3A_135 = arith.constant 0 : i32
      %dma_wait3A_136 = tpu.memref_slice %arg2[%dma_wait3A_134, %dma_wait3A_135] : memref<10000x16xf32, #tpu.memory_space<hbm>> -> memref<10000x16xf32, #tpu.memory_space<hbm>>
      tpu.wait_indirect_dma semaphore(%run_scoped3A_125 : memref<!tpu.dma_semaphore, #tpu.memory_space<semaphore_mem>>) src(%dma_wait3A_136 : memref<10000x16xf32, #tpu.memory_space<hbm>>) dst(%arg10 : memref<128x16xf32, #tpu.memory_space<vmem>>)
      tpu.yield
    }) : () -> ()
    %run_scoped3A_113 = arith.constant 1 : i32
    "tpu.region"() ({
      %run_scoped3A_125 = tpu.sem_alloc : memref<!tpu.dma_semaphore, #tpu.memory_space<semaphore_mem>>
      %dma_start3A = arith.constant 0 : i32
      %dma_start3A_126 = tpu.memref_slice %arg8[%run_scoped3A_113, %dma_start3A] : memref<8x128xi32, #tpu.memory_space<vmem>> -> memref<1x128xi32, #tpu.memory_space<vmem>>
      %dma_start3A_127 = tpu.memref_squeeze %dma_start3A_126 : memref<1x128xi32, #tpu.memory_space<vmem>> -> memref<128xi32, #tpu.memory_space<vmem>>
      %dma_start3A_128 = arith.constant 0 : i32
      %dma_start3A_129 = arith.constant 0 : i32
      %dma_start3A_130 = tpu.memref_slice %arg26[%dma_start3A_128, %dma_start3A_129] : memref<10240x16xf32, #tpu.memory_space<vmem_shared>> -> memref<10240x16xf32, #tpu.memory_space<vmem_shared>>
      tpu.enqueue_indirect_dma source(%arg10 : memref<128x16xf32, #tpu.memory_space<vmem>>) target(%dma_start3A_130 : memref<10240x16xf32, #tpu.memory_space<vmem_shared>>) offsets(%dma_start3A_127 : memref<128xi32, #tpu.memory_space<vmem>>) semaphore(%run_scoped3A_125 : memref<!tpu.dma_semaphore, #tpu.memory_space<semaphore_mem>>) {add = true}
      %dma_wait3A_131 = arith.constant 0 : i32
      %dma_wait3A_132 = tpu.memref_slice %arg8[%run_scoped3A_113, %dma_wait3A_131] : memref<8x128xi32, #tpu.memory_space<vmem>> -> memref<1x128xi32, #tpu.memory_space<vmem>>
      %dma_wait3A_133 = tpu.memref_squeeze %dma_wait3A_132 : memref<1x128xi32, #tpu.memory_space<vmem>> -> memref<128xi32, #tpu.memory_space<vmem>>
      %dma_wait3A_134 = arith.constant 0 : i32
      %dma_wait3A_135 = arith.constant 0 : i32
      %dma_wait3A_136 = tpu.memref_slice %arg26[%dma_wait3A_134, %dma_wait3A_135] : memref<10240x16xf32, #tpu.memory_space<vmem_shared>> -> memref<10240x16xf32, #tpu.memory_space<vmem_shared>>
      tpu.wait_indirect_dma semaphore(%run_scoped3A_125 : memref<!tpu.dma_semaphore, #tpu.memory_space<semaphore_mem>>) src(%arg10 : memref<128x16xf32, #tpu.memory_space<vmem>>) dst(%dma_wait3A_136 : memref<10240x16xf32, #tpu.memory_space<vmem_shared>>)
      tpu.yield
    }) : () -> ()
    %run_scoped3A_114 = arith.constant 2 : i32
    "tpu.region"() ({
      %run_scoped3A_125 = tpu.sem_alloc : memref<!tpu.dma_semaphore, #tpu.memory_space<semaphore_mem>>
      %dma_start3A = arith.constant 0 : i32
      %dma_start3A_126 = tpu.memref_slice %arg6[%run_scoped3A_114, %dma_start3A] : memref<8x128xi32, #tpu.memory_space<vmem>> -> memref<1x128xi32, #tpu.memory_space<vmem>>
      %dma_start3A_127 = tpu.memref_squeeze %dma_start3A_126 : memref<1x128xi32, #tpu.memory_space<vmem>> -> memref<128xi32, #tpu.memory_space<vmem>>
      %dma_start3A_128 = arith.constant 0 : i32
      %dma_start3A_129 = arith.constant 0 : i32
      %dma_start3A_130 = tpu.memref_slice %arg2[%dma_start3A_128, %dma_start3A_129] : memref<10000x16xf32, #tpu.memory_space<hbm>> -> memref<10000x16xf32, #tpu.memory_space<hbm>>
      tpu.enqueue_indirect_dma source(%dma_start3A_130 : memref<10000x16xf32, #tpu.memory_space<hbm>>) target(%arg10 : memref<128x16xf32, #tpu.memory_space<vmem>>) offsets(%dma_start3A_127 : memref<128xi32, #tpu.memory_space<vmem>>) semaphore(%run_scoped3A_125 : memref<!tpu.dma_semaphore, #tpu.memory_space<semaphore_mem>>)
      %dma_wait3A_131 = arith.constant 0 : i32
      %dma_wait3A_132 = tpu.memref_slice %arg6[%run_scoped3A_114, %dma_wait3A_131] : memref<8x128xi32, #tpu.memory_space<vmem>> -> memref<1x128xi32, #tpu.memory_space<vmem>>
      %dma_wait3A_133 = tpu.memref_squeeze %dma_wait3A_132 : memref<1x128xi32, #tpu.memory_space<vmem>> -> memref<128xi32, #tpu.memory_space<vmem>>
      %dma_wait3A_134 = arith.constant 0 : i32
      %dma_wait3A_135 = arith.constant 0 : i32
      %dma_wait3A_136 = tpu.memref_slice %arg2[%dma_wait3A_134, %dma_wait3A_135] : memref<10000x16xf32, #tpu.memory_space<hbm>> -> memref<10000x16xf32, #tpu.memory_space<hbm>>
      tpu.wait_indirect_dma semaphore(%run_scoped3A_125 : memref<!tpu.dma_semaphore, #tpu.memory_space<semaphore_mem>>) src(%dma_wait3A_136 : memref<10000x16xf32, #tpu.memory_space<hbm>>) dst(%arg10 : memref<128x16xf32, #tpu.memory_space<vmem>>)
      tpu.yield
    }) : () -> ()
    %run_scoped3A_115 = arith.constant 2 : i32
    "tpu.region"() ({
      %run_scoped3A_125 = tpu.sem_alloc : memref<!tpu.dma_semaphore, #tpu.memory_space<semaphore_mem>>
      %dma_start3A = arith.constant 0 : i32
      %dma_start3A_126 = tpu.memref_slice %arg8[%run_scoped3A_115, %dma_start3A] : memref<8x128xi32, #tpu.memory_space<vmem>> -> memref<1x128xi32, #tpu.memory_space<vmem>>
      %dma_start3A_127 = tpu.memref_squeeze %dma_start3A_126 : memref<1x128xi32, #tpu.memory_space<vmem>> -> memref<128xi32, #tpu.memory_space<vmem>>
      %dma_start3A_128 = arith.constant 0 : i32
      %dma_start3A_129 = arith.constant 0 : i32
      %dma_start3A_130 = tpu.memref_slice %arg26[%dma_start3A_128, %dma_start3A_129] : memref<10240x16xf32, #tpu.memory_space<vmem_shared>> -> memref<10240x16xf32, #tpu.memory_space<vmem_shared>>
      tpu.enqueue_indirect_dma source(%arg10 : memref<128x16xf32, #tpu.memory_space<vmem>>) target(%dma_start3A_130 : memref<10240x16xf32, #tpu.memory_space<vmem_shared>>) offsets(%dma_start3A_127 : memref<128xi32, #tpu.memory_space<vmem>>) semaphore(%run_scoped3A_125 : memref<!tpu.dma_semaphore, #tpu.memory_space<semaphore_mem>>) {add = true}
      %dma_wait3A_131 = arith.constant 0 : i32
      %dma_wait3A_132 = tpu.memref_slice %arg8[%run_scoped3A_115, %dma_wait3A_131] : memref<8x128xi32, #tpu.memory_space<vmem>> -> memref<1x128xi32, #tpu.memory_space<vmem>>
      %dma_wait3A_133 = tpu.memref_squeeze %dma_wait3A_132 : memref<1x128xi32, #tpu.memory_space<vmem>> -> memref<128xi32, #tpu.memory_space<vmem>>
      %dma_wait3A_134 = arith.constant 0 : i32
      %dma_wait3A_135 = arith.constant 0 : i32
      %dma_wait3A_136 = tpu.memref_slice %arg26[%dma_wait3A_134, %dma_wait3A_135] : memref<10240x16xf32, #tpu.memory_space<vmem_shared>> -> memref<10240x16xf32, #tpu.memory_space<vmem_shared>>
      tpu.wait_indirect_dma semaphore(%run_scoped3A_125 : memref<!tpu.dma_semaphore, #tpu.memory_space<semaphore_mem>>) src(%arg10 : memref<128x16xf32, #tpu.memory_space<vmem>>) dst(%dma_wait3A_136 : memref<10240x16xf32, #tpu.memory_space<vmem_shared>>)
      tpu.yield
    }) : () -> ()
    %run_scoped3A_116 = arith.constant 3 : i32
    "tpu.region"() ({
      %run_scoped3A_125 = tpu.sem_alloc : memref<!tpu.dma_semaphore, #tpu.memory_space<semaphore_mem>>
      %dma_start3A = arith.constant 0 : i32
      %dma_start3A_126 = tpu.memref_slice %arg6[%run_scoped3A_116, %dma_start3A] : memref<8x128xi32, #tpu.memory_space<vmem>> -> memref<1x128xi32, #tpu.memory_space<vmem>>
      %dma_start3A_127 = tpu.memref_squeeze %dma_start3A_126 : memref<1x128xi32, #tpu.memory_space<vmem>> -> memref<128xi32, #tpu.memory_space<vmem>>
      %dma_start3A_128 = arith.constant 0 : i32
      %dma_start3A_129 = arith.constant 0 : i32
      %dma_start3A_130 = tpu.memref_slice %arg2[%dma_start3A_128, %dma_start3A_129] : memref<10000x16xf32, #tpu.memory_space<hbm>> -> memref<10000x16xf32, #tpu.memory_space<hbm>>
      tpu.enqueue_indirect_dma source(%dma_start3A_130 : memref<10000x16xf32, #tpu.memory_space<hbm>>) target(%arg10 : memref<128x16xf32, #tpu.memory_space<vmem>>) offsets(%dma_start3A_127 : memref<128xi32, #tpu.memory_space<vmem>>) semaphore(%run_scoped3A_125 : memref<!tpu.dma_semaphore, #tpu.memory_space<semaphore_mem>>)
      %dma_wait3A_131 = arith.constant 0 : i32
      %dma_wait3A_132 = tpu.memref_slice %arg6[%run_scoped3A_116, %dma_wait3A_131] : memref<8x128xi32, #tpu.memory_space<vmem>> -> memref<1x128xi32, #tpu.memory_space<vmem>>
      %dma_wait3A_133 = tpu.memref_squeeze %dma_wait3A_132 : memref<1x128xi32, #tpu.memory_space<vmem>> -> memref<128xi32, #tpu.memory_space<vmem>>
      %dma_wait3A_134 = arith.constant 0 : i32
      %dma_wait3A_135 = arith.constant 0 : i32
      %dma_wait3A_136 = tpu.memref_slice %arg2[%dma_wait3A_134, %dma_wait3A_135] : memref<10000x16xf32, #tpu.memory_space<hbm>> -> memref<10000x16xf32, #tpu.memory_space<hbm>>
      tpu.wait_indirect_dma semaphore(%run_scoped3A_125 : memref<!tpu.dma_semaphore, #tpu.memory_space<semaphore_mem>>) src(%dma_wait3A_136 : memref<10000x16xf32, #tpu.memory_space<hbm>>) dst(%arg10 : memref<128x16xf32, #tpu.memory_space<vmem>>)
      tpu.yield
    }) : () -> ()
    %run_scoped3A_117 = arith.constant 3 : i32
    "tpu.region"() ({
      %run_scoped3A_125 = tpu.sem_alloc : memref<!tpu.dma_semaphore, #tpu.memory_space<semaphore_mem>>
      %dma_start3A = arith.constant 0 : i32
      %dma_start3A_126 = tpu.memref_slice %arg8[%run_scoped3A_117, %dma_start3A] : memref<8x128xi32, #tpu.memory_space<vmem>> -> memref<1x128xi32, #tpu.memory_space<vmem>>
      %dma_start3A_127 = tpu.memref_squeeze %dma_start3A_126 : memref<1x128xi32, #tpu.memory_space<vmem>> -> memref<128xi32, #tpu.memory_space<vmem>>
      %dma_start3A_128 = arith.constant 0 : i32
      %dma_start3A_129 = arith.constant 0 : i32
      %dma_start3A_130 = tpu.memref_slice %arg26[%dma_start3A_128, %dma_start3A_129] : memref<10240x16xf32, #tpu.memory_space<vmem_shared>> -> memref<10240x16xf32, #tpu.memory_space<vmem_shared>>
      tpu.enqueue_indirect_dma source(%arg10 : memref<128x16xf32, #tpu.memory_space<vmem>>) target(%dma_start3A_130 : memref<10240x16xf32, #tpu.memory_space<vmem_shared>>) offsets(%dma_start3A_127 : memref<128xi32, #tpu.memory_space<vmem>>) semaphore(%run_scoped3A_125 : memref<!tpu.dma_semaphore, #tpu.memory_space<semaphore_mem>>) {add = true}
      %dma_wait3A_131 = arith.constant 0 : i32
      %dma_wait3A_132 = tpu.memref_slice %arg8[%run_scoped3A_117, %dma_wait3A_131] : memref<8x128xi32, #tpu.memory_space<vmem>> -> memref<1x128xi32, #tpu.memory_space<vmem>>
      %dma_wait3A_133 = tpu.memref_squeeze %dma_wait3A_132 : memref<1x128xi32, #tpu.memory_space<vmem>> -> memref<128xi32, #tpu.memory_space<vmem>>
      %dma_wait3A_134 = arith.constant 0 : i32
      %dma_wait3A_135 = arith.constant 0 : i32
      %dma_wait3A_136 = tpu.memref_slice %arg26[%dma_wait3A_134, %dma_wait3A_135] : memref<10240x16xf32, #tpu.memory_space<vmem_shared>> -> memref<10240x16xf32, #tpu.memory_space<vmem_shared>>
      tpu.wait_indirect_dma semaphore(%run_scoped3A_125 : memref<!tpu.dma_semaphore, #tpu.memory_space<semaphore_mem>>) src(%arg10 : memref<128x16xf32, #tpu.memory_space<vmem>>) dst(%dma_wait3A_136 : memref<10240x16xf32, #tpu.memory_space<vmem_shared>>)
      tpu.yield
    }) : () -> ()
    %run_scoped3A_118 = arith.constant 4 : i32
    "tpu.region"() ({
      %run_scoped3A_125 = tpu.sem_alloc : memref<!tpu.dma_semaphore, #tpu.memory_space<semaphore_mem>>
      %dma_start3A = arith.constant 0 : i32
      %dma_start3A_126 = tpu.memref_slice %arg6[%run_scoped3A_118, %dma_start3A] : memref<8x128xi32, #tpu.memory_space<vmem>> -> memref<1x128xi32, #tpu.memory_space<vmem>>
      %dma_start3A_127 = tpu.memref_squeeze %dma_start3A_126 : memref<1x128xi32, #tpu.memory_space<vmem>> -> memref<128xi32, #tpu.memory_space<vmem>>
      %dma_start3A_128 = arith.constant 0 : i32
      %dma_start3A_129 = arith.constant 0 : i32
      %dma_start3A_130 = tpu.memref_slice %arg2[%dma_start3A_128, %dma_start3A_129] : memref<10000x16xf32, #tpu.memory_space<hbm>> -> memref<10000x16xf32, #tpu.memory_space<hbm>>
      tpu.enqueue_indirect_dma source(%dma_start3A_130 : memref<10000x16xf32, #tpu.memory_space<hbm>>) target(%arg10 : memref<128x16xf32, #tpu.memory_space<vmem>>) offsets(%dma_start3A_127 : memref<128xi32, #tpu.memory_space<vmem>>) semaphore(%run_scoped3A_125 : memref<!tpu.dma_semaphore, #tpu.memory_space<semaphore_mem>>)
      %dma_wait3A_131 = arith.constant 0 : i32
      %dma_wait3A_132 = tpu.memref_slice %arg6[%run_scoped3A_118, %dma_wait3A_131] : memref<8x128xi32, #tpu.memory_space<vmem>> -> memref<1x128xi32, #tpu.memory_space<vmem>>
      %dma_wait3A_133 = tpu.memref_squeeze %dma_wait3A_132 : memref<1x128xi32, #tpu.memory_space<vmem>> -> memref<128xi32, #tpu.memory_space<vmem>>
      %dma_wait3A_134 = arith.constant 0 : i32
      %dma_wait3A_135 = arith.constant 0 : i32
      %dma_wait3A_136 = tpu.memref_slice %arg2[%dma_wait3A_134, %dma_wait3A_135] : memref<10000x16xf32, #tpu.memory_space<hbm>> -> memref<10000x16xf32, #tpu.memory_space<hbm>>
      tpu.wait_indirect_dma semaphore(%run_scoped3A_125 : memref<!tpu.dma_semaphore, #tpu.memory_space<semaphore_mem>>) src(%dma_wait3A_136 : memref<10000x16xf32, #tpu.memory_space<hbm>>) dst(%arg10 : memref<128x16xf32, #tpu.memory_space<vmem>>)
      tpu.yield
    }) : () -> ()
    %run_scoped3A_119 = arith.constant 4 : i32
    "tpu.region"() ({
      %run_scoped3A_125 = tpu.sem_alloc : memref<!tpu.dma_semaphore, #tpu.memory_space<semaphore_mem>>
      %dma_start3A = arith.constant 0 : i32
      %dma_start3A_126 = tpu.memref_slice %arg8[%run_scoped3A_119, %dma_start3A] : memref<8x128xi32, #tpu.memory_space<vmem>> -> memref<1x128xi32, #tpu.memory_space<vmem>>
      %dma_start3A_127 = tpu.memref_squeeze %dma_start3A_126 : memref<1x128xi32, #tpu.memory_space<vmem>> -> memref<128xi32, #tpu.memory_space<vmem>>
      %dma_start3A_128 = arith.constant 0 : i32
      %dma_start3A_129 = arith.constant 0 : i32
      %dma_start3A_130 = tpu.memref_slice %arg26[%dma_start3A_128, %dma_start3A_129] : memref<10240x16xf32, #tpu.memory_space<vmem_shared>> -> memref<10240x16xf32, #tpu.memory_space<vmem_shared>>
      tpu.enqueue_indirect_dma source(%arg10 : memref<128x16xf32, #tpu.memory_space<vmem>>) target(%dma_start3A_130 : memref<10240x16xf32, #tpu.memory_space<vmem_shared>>) offsets(%dma_start3A_127 : memref<128xi32, #tpu.memory_space<vmem>>) semaphore(%run_scoped3A_125 : memref<!tpu.dma_semaphore, #tpu.memory_space<semaphore_mem>>) {add = true}
      %dma_wait3A_131 = arith.constant 0 : i32
      %dma_wait3A_132 = tpu.memref_slice %arg8[%run_scoped3A_119, %dma_wait3A_131] : memref<8x128xi32, #tpu.memory_space<vmem>> -> memref<1x128xi32, #tpu.memory_space<vmem>>
      %dma_wait3A_133 = tpu.memref_squeeze %dma_wait3A_132 : memref<1x128xi32, #tpu.memory_space<vmem>> -> memref<128xi32, #tpu.memory_space<vmem>>
      %dma_wait3A_134 = arith.constant 0 : i32
      %dma_wait3A_135 = arith.constant 0 : i32
      %dma_wait3A_136 = tpu.memref_slice %arg26[%dma_wait3A_134, %dma_wait3A_135] : memref<10240x16xf32, #tpu.memory_space<vmem_shared>> -> memref<10240x16xf32, #tpu.memory_space<vmem_shared>>
      tpu.wait_indirect_dma semaphore(%run_scoped3A_125 : memref<!tpu.dma_semaphore, #tpu.memory_space<semaphore_mem>>) src(%arg10 : memref<128x16xf32, #tpu.memory_space<vmem>>) dst(%dma_wait3A_136 : memref<10240x16xf32, #tpu.memory_space<vmem_shared>>)
      tpu.yield
    }) : () -> ()
    %run_scoped3A_120 = arith.constant 5 : i32
    "tpu.region"() ({
      %run_scoped3A_125 = tpu.sem_alloc : memref<!tpu.dma_semaphore, #tpu.memory_space<semaphore_mem>>
      %dma_start3A = arith.constant 0 : i32
      %dma_start3A_126 = tpu.memref_slice %arg6[%run_scoped3A_120, %dma_start3A] : memref<8x128xi32, #tpu.memory_space<vmem>> -> memref<1x128xi32, #tpu.memory_space<vmem>>
      %dma_start3A_127 = tpu.memref_squeeze %dma_start3A_126 : memref<1x128xi32, #tpu.memory_space<vmem>> -> memref<128xi32, #tpu.memory_space<vmem>>
      %dma_start3A_128 = arith.constant 0 : i32
      %dma_start3A_129 = arith.constant 0 : i32
      %dma_start3A_130 = tpu.memref_slice %arg2[%dma_start3A_128, %dma_start3A_129] : memref<10000x16xf32, #tpu.memory_space<hbm>> -> memref<10000x16xf32, #tpu.memory_space<hbm>>
      tpu.enqueue_indirect_dma source(%dma_start3A_130 : memref<10000x16xf32, #tpu.memory_space<hbm>>) target(%arg10 : memref<128x16xf32, #tpu.memory_space<vmem>>) offsets(%dma_start3A_127 : memref<128xi32, #tpu.memory_space<vmem>>) semaphore(%run_scoped3A_125 : memref<!tpu.dma_semaphore, #tpu.memory_space<semaphore_mem>>)
      %dma_wait3A_131 = arith.constant 0 : i32
      %dma_wait3A_132 = tpu.memref_slice %arg6[%run_scoped3A_120, %dma_wait3A_131] : memref<8x128xi32, #tpu.memory_space<vmem>> -> memref<1x128xi32, #tpu.memory_space<vmem>>
      %dma_wait3A_133 = tpu.memref_squeeze %dma_wait3A_132 : memref<1x128xi32, #tpu.memory_space<vmem>> -> memref<128xi32, #tpu.memory_space<vmem>>
      %dma_wait3A_134 = arith.constant 0 : i32
      %dma_wait3A_135 = arith.constant 0 : i32
      %dma_wait3A_136 = tpu.memref_slice %arg2[%dma_wait3A_134, %dma_wait3A_135] : memref<10000x16xf32, #tpu.memory_space<hbm>> -> memref<10000x16xf32, #tpu.memory_space<hbm>>
      tpu.wait_indirect_dma semaphore(%run_scoped3A_125 : memref<!tpu.dma_semaphore, #tpu.memory_space<semaphore_mem>>) src(%dma_wait3A_136 : memref<10000x16xf32, #tpu.memory_space<hbm>>) dst(%arg10 : memref<128x16xf32, #tpu.memory_space<vmem>>)
      tpu.yield
    }) : () -> ()
    %run_scoped3A_121 = arith.constant 5 : i32
    "tpu.region"() ({
      %run_scoped3A_125 = tpu.sem_alloc : memref<!tpu.dma_semaphore, #tpu.memory_space<semaphore_mem>>
      %dma_start3A = arith.constant 0 : i32
      %dma_start3A_126 = tpu.memref_slice %arg8[%run_scoped3A_121, %dma_start3A] : memref<8x128xi32, #tpu.memory_space<vmem>> -> memref<1x128xi32, #tpu.memory_space<vmem>>
      %dma_start3A_127 = tpu.memref_squeeze %dma_start3A_126 : memref<1x128xi32, #tpu.memory_space<vmem>> -> memref<128xi32, #tpu.memory_space<vmem>>
      %dma_start3A_128 = arith.constant 0 : i32
      %dma_start3A_129 = arith.constant 0 : i32
      %dma_start3A_130 = tpu.memref_slice %arg26[%dma_start3A_128, %dma_start3A_129] : memref<10240x16xf32, #tpu.memory_space<vmem_shared>> -> memref<10240x16xf32, #tpu.memory_space<vmem_shared>>
      tpu.enqueue_indirect_dma source(%arg10 : memref<128x16xf32, #tpu.memory_space<vmem>>) target(%dma_start3A_130 : memref<10240x16xf32, #tpu.memory_space<vmem_shared>>) offsets(%dma_start3A_127 : memref<128xi32, #tpu.memory_space<vmem>>) semaphore(%run_scoped3A_125 : memref<!tpu.dma_semaphore, #tpu.memory_space<semaphore_mem>>) {add = true}
      %dma_wait3A_131 = arith.constant 0 : i32
      %dma_wait3A_132 = tpu.memref_slice %arg8[%run_scoped3A_121, %dma_wait3A_131] : memref<8x128xi32, #tpu.memory_space<vmem>> -> memref<1x128xi32, #tpu.memory_space<vmem>>
      %dma_wait3A_133 = tpu.memref_squeeze %dma_wait3A_132 : memref<1x128xi32, #tpu.memory_space<vmem>> -> memref<128xi32, #tpu.memory_space<vmem>>
      %dma_wait3A_134 = arith.constant 0 : i32
      %dma_wait3A_135 = arith.constant 0 : i32
      %dma_wait3A_136 = tpu.memref_slice %arg26[%dma_wait3A_134, %dma_wait3A_135] : memref<10240x16xf32, #tpu.memory_space<vmem_shared>> -> memref<10240x16xf32, #tpu.memory_space<vmem_shared>>
      tpu.wait_indirect_dma semaphore(%run_scoped3A_125 : memref<!tpu.dma_semaphore, #tpu.memory_space<semaphore_mem>>) src(%arg10 : memref<128x16xf32, #tpu.memory_space<vmem>>) dst(%dma_wait3A_136 : memref<10240x16xf32, #tpu.memory_space<vmem_shared>>)
      tpu.yield
    }) : () -> ()
    %lt3A = arith.constant 4 : i32
    %lt3A_122 = arith.cmpi slt, %add3A, %lt3A : i32
    %convert_element_type3A = arith.extui %lt3A_122 : i1 to i32
    %cond3A = arith.constant 0 : i32
    %cond3A_123 = arith.cmpi ne, %convert_element_type3A, %cond3A : i32
    scf.if %cond3A_123 {
      %add3A_125 = arith.constant 2496 : i32
      %add3A_126 = arith.addi %add3A_125, %add3A : i32
      %run_scoped3A_127 = arith.constant 0 : i32
      "tpu.region"() ({
        %run_scoped3A_131 = tpu.sem_alloc : memref<!tpu.dma_semaphore, #tpu.memory_space<semaphore_mem>>
        %dma_start3A = arith.constant 0 : i32
        %dma_start3A_132 = arith.constant 0 : i32
        %dma_start3A_133 = tpu.memref_slice %arg6[%dma_start3A, %dma_start3A_132] : memref<8x128xi32, #tpu.memory_space<vmem>> -> memref<1x128xi32, #tpu.memory_space<vmem>>
        %dma_start3A_134 = arith.constant 0 : i32
        %dma_start3A_135 = tpu.memref_slice %arg3[%run_scoped3A_127, %add3A_126, %dma_start3A_134] : memref<2x2500x128xi32, #tpu.memory_space<hbm>> -> memref<1x1x128xi32, #tpu.memory_space<hbm>>
        %dma_start3A_136 = tpu.memref_squeeze %dma_start3A_135 : memref<1x1x128xi32, #tpu.memory_space<hbm>> -> memref<1x128xi32, #tpu.memory_space<hbm>>
        %dma_start3A_137 = arith.constant 0 : i32
        %dma_start3A_138 = arith.constant 0 : i32
        %dma_start3A_139 = tpu.memref_slice %arg6[%dma_start3A_137, %dma_start3A_138] : memref<8x128xi32, #tpu.memory_space<vmem>> -> memref<1x128xi32, #tpu.memory_space<vmem>>
        %dma_start3A_140 = arith.constant 0 : i32
        %dma_start3A_141 = tpu.memref_slice %arg3[%run_scoped3A_127, %add3A_126, %dma_start3A_140] : memref<2x2500x128xi32, #tpu.memory_space<hbm>> -> memref<1x1x128xi32, #tpu.memory_space<hbm>>
        %dma_start3A_142 = tpu.memref_squeeze %dma_start3A_141 : memref<1x1x128xi32, #tpu.memory_space<hbm>> -> memref<1x128xi32, #tpu.memory_space<hbm>>
        tpu.enqueue_dma source(%dma_start3A_142 : memref<1x128xi32, #tpu.memory_space<hbm>>) target(%dma_start3A_139 : memref<1x128xi32, #tpu.memory_space<vmem>>) target_semaphore(%run_scoped3A_131 : memref<!tpu.dma_semaphore, #tpu.memory_space<semaphore_mem>>)
        %dma_wait3A_143 = arith.constant 0 : i32
        %dma_wait3A_144 = arith.constant 0 : i32
        %dma_wait3A_145 = tpu.memref_slice %arg6[%dma_wait3A_143, %dma_wait3A_144] : memref<8x128xi32, #tpu.memory_space<vmem>> -> memref<1x128xi32, #tpu.memory_space<vmem>>
        %dma_wait3A_146 = arith.constant 0 : i32
        %dma_wait3A_147 = tpu.memref_slice %arg3[%run_scoped3A_127, %add3A_126, %dma_wait3A_146] : memref<2x2500x128xi32, #tpu.memory_space<hbm>> -> memref<1x1x128xi32, #tpu.memory_space<hbm>>
        %dma_wait3A_148 = tpu.memref_squeeze %dma_wait3A_147 : memref<1x1x128xi32, #tpu.memory_space<hbm>> -> memref<1x128xi32, #tpu.memory_space<hbm>>
        %dma_wait3A_149 = arith.constant 0 : i32
        %dma_wait3A_150 = arith.constant 0 : i32
        %dma_wait3A_151 = tpu.memref_slice %arg6[%dma_wait3A_149, %dma_wait3A_150] : memref<8x128xi32, #tpu.memory_space<vmem>> -> memref<1x128xi32, #tpu.memory_space<vmem>>
        %dma_wait3A_152 = arith.constant 0 : i32
        %dma_wait3A_153 = tpu.memref_slice %arg3[%run_scoped3A_127, %add3A_126, %dma_wait3A_152] : memref<2x2500x128xi32, #tpu.memory_space<hbm>> -> memref<1x1x128xi32, #tpu.memory_space<hbm>>
        %dma_wait3A_154 = tpu.memref_squeeze %dma_wait3A_153 : memref<1x1x128xi32, #tpu.memory_space<hbm>> -> memref<1x128xi32, #tpu.memory_space<hbm>>
        tpu.wait_dma2 semaphore(%run_scoped3A_131 : memref<!tpu.dma_semaphore, #tpu.memory_space<semaphore_mem>>) src(%dma_wait3A_154 : memref<1x128xi32, #tpu.memory_space<hbm>>) dst(%dma_wait3A_151 : memref<1x128xi32, #tpu.memory_space<vmem>>)
        tpu.yield
      }) : () -> ()
      %run_scoped3A_128 = arith.constant 1 : i32
      "tpu.region"() ({
        %run_scoped3A_131 = tpu.sem_alloc : memref<!tpu.dma_semaphore, #tpu.memory_space<semaphore_mem>>
        %dma_start3A = arith.constant 0 : i32
        %dma_start3A_132 = arith.constant 0 : i32
        %dma_start3A_133 = tpu.memref_slice %arg8[%dma_start3A, %dma_start3A_132] : memref<8x128xi32, #tpu.memory_space<vmem>> -> memref<1x128xi32, #tpu.memory_space<vmem>>
        %dma_start3A_134 = arith.constant 0 : i32
        %dma_start3A_135 = tpu.memref_slice %arg3[%run_scoped3A_128, %add3A_126, %dma_start3A_134] : memref<2x2500x128xi32, #tpu.memory_space<hbm>> -> memref<1x1x128xi32, #tpu.memory_space<hbm>>
        %dma_start3A_136 = tpu.memref_squeeze %dma_start3A_135 : memref<1x1x128xi32, #tpu.memory_space<hbm>> -> memref<1x128xi32, #tpu.memory_space<hbm>>
        %dma_start3A_137 = arith.constant 0 : i32
        %dma_start3A_138 = arith.constant 0 : i32
        %dma_start3A_139 = tpu.memref_slice %arg8[%dma_start3A_137, %dma_start3A_138] : memref<8x128xi32, #tpu.memory_space<vmem>> -> memref<1x128xi32, #tpu.memory_space<vmem>>
        %dma_start3A_140 = arith.constant 0 : i32
        %dma_start3A_141 = tpu.memref_slice %arg3[%run_scoped3A_128, %add3A_126, %dma_start3A_140] : memref<2x2500x128xi32, #tpu.memory_space<hbm>> -> memref<1x1x128xi32, #tpu.memory_space<hbm>>
        %dma_start3A_142 = tpu.memref_squeeze %dma_start3A_141 : memref<1x1x128xi32, #tpu.memory_space<hbm>> -> memref<1x128xi32, #tpu.memory_space<hbm>>
        tpu.enqueue_dma source(%dma_start3A_142 : memref<1x128xi32, #tpu.memory_space<hbm>>) target(%dma_start3A_139 : memref<1x128xi32, #tpu.memory_space<vmem>>) target_semaphore(%run_scoped3A_131 : memref<!tpu.dma_semaphore, #tpu.memory_space<semaphore_mem>>)
        %dma_wait3A_143 = arith.constant 0 : i32
        %dma_wait3A_144 = arith.constant 0 : i32
        %dma_wait3A_145 = tpu.memref_slice %arg8[%dma_wait3A_143, %dma_wait3A_144] : memref<8x128xi32, #tpu.memory_space<vmem>> -> memref<1x128xi32, #tpu.memory_space<vmem>>
        %dma_wait3A_146 = arith.constant 0 : i32
        %dma_wait3A_147 = tpu.memref_slice %arg3[%run_scoped3A_128, %add3A_126, %dma_wait3A_146] : memref<2x2500x128xi32, #tpu.memory_space<hbm>> -> memref<1x1x128xi32, #tpu.memory_space<hbm>>
        %dma_wait3A_148 = tpu.memref_squeeze %dma_wait3A_147 : memref<1x1x128xi32, #tpu.memory_space<hbm>> -> memref<1x128xi32, #tpu.memory_space<hbm>>
        %dma_wait3A_149 = arith.constant 0 : i32
        %dma_wait3A_150 = arith.constant 0 : i32
        %dma_wait3A_151 = tpu.memref_slice %arg8[%dma_wait3A_149, %dma_wait3A_150] : memref<8x128xi32, #tpu.memory_space<vmem>> -> memref<1x128xi32, #tpu.memory_space<vmem>>
        %dma_wait3A_152 = arith.constant 0 : i32
        %dma_wait3A_153 = tpu.memref_slice %arg3[%run_scoped3A_128, %add3A_126, %dma_wait3A_152] : memref<2x2500x128xi32, #tpu.memory_space<hbm>> -> memref<1x1x128xi32, #tpu.memory_space<hbm>>
        %dma_wait3A_154 = tpu.memref_squeeze %dma_wait3A_153 : memref<1x1x128xi32, #tpu.memory_space<hbm>> -> memref<1x128xi32, #tpu.memory_space<hbm>>
        tpu.wait_dma2 semaphore(%run_scoped3A_131 : memref<!tpu.dma_semaphore, #tpu.memory_space<semaphore_mem>>) src(%dma_wait3A_154 : memref<1x128xi32, #tpu.memory_space<hbm>>) dst(%dma_wait3A_151 : memref<1x128xi32, #tpu.memory_space<vmem>>)
        tpu.yield
      }) : () -> ()
      %run_scoped3A_129 = arith.constant 0 : i32
      "tpu.region"() ({
        %run_scoped3A_131 = tpu.sem_alloc : memref<!tpu.dma_semaphore, #tpu.memory_space<semaphore_mem>>
        %dma_start3A = arith.constant 0 : i32
        %dma_start3A_132 = tpu.memref_slice %arg6[%run_scoped3A_129, %dma_start3A] : memref<8x128xi32, #tpu.memory_space<vmem>> -> memref<1x128xi32, #tpu.memory_space<vmem>>
        %dma_start3A_133 = tpu.memref_squeeze %dma_start3A_132 : memref<1x128xi32, #tpu.memory_space<vmem>> -> memref<128xi32, #tpu.memory_space<vmem>>
        %dma_start3A_134 = arith.constant 0 : i32
        %dma_start3A_135 = arith.constant 0 : i32
        %dma_start3A_136 = tpu.memref_slice %arg2[%dma_start3A_134, %dma_start3A_135] : memref<10000x16xf32, #tpu.memory_space<hbm>> -> memref<10000x16xf32, #tpu.memory_space<hbm>>
        tpu.enqueue_indirect_dma source(%dma_start3A_136 : memref<10000x16xf32, #tpu.memory_space<hbm>>) target(%arg10 : memref<128x16xf32, #tpu.memory_space<vmem>>) offsets(%dma_start3A_133 : memref<128xi32, #tpu.memory_space<vmem>>) semaphore(%run_scoped3A_131 : memref<!tpu.dma_semaphore, #tpu.memory_space<semaphore_mem>>)
        %dma_wait3A_137 = arith.constant 0 : i32
        %dma_wait3A_138 = tpu.memref_slice %arg6[%run_scoped3A_129, %dma_wait3A_137] : memref<8x128xi32, #tpu.memory_space<vmem>> -> memref<1x128xi32, #tpu.memory_space<vmem>>
        %dma_wait3A_139 = tpu.memref_squeeze %dma_wait3A_138 : memref<1x128xi32, #tpu.memory_space<vmem>> -> memref<128xi32, #tpu.memory_space<vmem>>
        %dma_wait3A_140 = arith.constant 0 : i32
        %dma_wait3A_141 = arith.constant 0 : i32
        %dma_wait3A_142 = tpu.memref_slice %arg2[%dma_wait3A_140, %dma_wait3A_141] : memref<10000x16xf32, #tpu.memory_space<hbm>> -> memref<10000x16xf32, #tpu.memory_space<hbm>>
        tpu.wait_indirect_dma semaphore(%run_scoped3A_131 : memref<!tpu.dma_semaphore, #tpu.memory_space<semaphore_mem>>) src(%dma_wait3A_142 : memref<10000x16xf32, #tpu.memory_space<hbm>>) dst(%arg10 : memref<128x16xf32, #tpu.memory_space<vmem>>)
        tpu.yield
      }) : () -> ()
      %run_scoped3A_130 = arith.constant 0 : i32
      "tpu.region"() ({
        %run_scoped3A_131 = tpu.sem_alloc : memref<!tpu.dma_semaphore, #tpu.memory_space<semaphore_mem>>
        %dma_start3A = arith.constant 0 : i32
        %dma_start3A_132 = tpu.memref_slice %arg8[%run_scoped3A_130, %dma_start3A] : memref<8x128xi32, #tpu.memory_space<vmem>> -> memref<1x128xi32, #tpu.memory_space<vmem>>
        %dma_start3A_133 = tpu.memref_squeeze %dma_start3A_132 : memref<1x128xi32, #tpu.memory_space<vmem>> -> memref<128xi32, #tpu.memory_space<vmem>>
        %dma_start3A_134 = arith.constant 0 : i32
        %dma_start3A_135 = arith.constant 0 : i32
        %dma_start3A_136 = tpu.memref_slice %arg26[%dma_start3A_134, %dma_start3A_135] : memref<10240x16xf32, #tpu.memory_space<vmem_shared>> -> memref<10240x16xf32, #tpu.memory_space<vmem_shared>>
        tpu.enqueue_indirect_dma source(%arg10 : memref<128x16xf32, #tpu.memory_space<vmem>>) target(%dma_start3A_136 : memref<10240x16xf32, #tpu.memory_space<vmem_shared>>) offsets(%dma_start3A_133 : memref<128xi32, #tpu.memory_space<vmem>>) semaphore(%run_scoped3A_131 : memref<!tpu.dma_semaphore, #tpu.memory_space<semaphore_mem>>) {add = true}
        %dma_wait3A_137 = arith.constant 0 : i32
        %dma_wait3A_138 = tpu.memref_slice %arg8[%run_scoped3A_130, %dma_wait3A_137] : memref<8x128xi32, #tpu.memory_space<vmem>> -> memref<1x128xi32, #tpu.memory_space<vmem>>
        %dma_wait3A_139 = tpu.memref_squeeze %dma_wait3A_138 : memref<1x128xi32, #tpu.memory_space<vmem>> -> memref<128xi32, #tpu.memory_space<vmem>>
        %dma_wait3A_140 = arith.constant 0 : i32
        %dma_wait3A_141 = arith.constant 0 : i32
        %dma_wait3A_142 = tpu.memref_slice %arg26[%dma_wait3A_140, %dma_wait3A_141] : memref<10240x16xf32, #tpu.memory_space<vmem_shared>> -> memref<10240x16xf32, #tpu.memory_space<vmem_shared>>
        tpu.wait_indirect_dma semaphore(%run_scoped3A_131 : memref<!tpu.dma_semaphore, #tpu.memory_space<semaphore_mem>>) src(%arg10 : memref<128x16xf32, #tpu.memory_space<vmem>>) dst(%dma_wait3A_142 : memref<10240x16xf32, #tpu.memory_space<vmem_shared>>)
        tpu.yield
      }) : () -> ()
    } else {
    }
    %barrier3A_124 = arith.constant 0 : index
    tpu.barrier barrier_id(%barrier3A_124)
    "tpu.region"() ({
      %run_scoped3A_125 = tpu.sem_alloc : memref<!tpu.dma_semaphore, #tpu.memory_space<semaphore_mem>>
      %dma_start3A = arith.constant 0 : i32
      %dma_start3A_126 = tpu.memref_slice %arg5[%arg0, %mul3A_0, %dma_start3A] : memref<2x10240x16xf32, #tpu.memory_space<hbm>> -> memref<1x640x16xf32, #tpu.memory_space<hbm>>
      %dma_start3A_127 = tpu.memref_squeeze %dma_start3A_126 : memref<1x640x16xf32, #tpu.memory_space<hbm>> -> memref<640x16xf32, #tpu.memory_space<hbm>>
      %dma_start3A_128 = arith.constant 0 : i32
      %dma_start3A_129 = tpu.memref_slice %arg26[%mul3A_0, %dma_start3A_128] : memref<10240x16xf32, #tpu.memory_space<vmem_shared>> -> memref<640x16xf32, #tpu.memory_space<vmem_shared>>
      tpu.enqueue_dma source(%dma_start3A_129 : memref<640x16xf32, #tpu.memory_space<vmem_shared>>) target(%dma_start3A_127 : memref<640x16xf32, #tpu.memory_space<hbm>>) target_semaphore(%run_scoped3A_125 : memref<!tpu.dma_semaphore, #tpu.memory_space<semaphore_mem>>)
      %dma_wait3A_130 = arith.constant 0 : i32
      %dma_wait3A_131 = tpu.memref_slice %arg5[%arg0, %mul3A_0, %dma_wait3A_130] : memref<2x10240x16xf32, #tpu.memory_space<hbm>> -> memref<1x640x16xf32, #tpu.memory_space<hbm>>
      %dma_wait3A_132 = tpu.memref_squeeze %dma_wait3A_131 : memref<1x640x16xf32, #tpu.memory_space<hbm>> -> memref<640x16xf32, #tpu.memory_space<hbm>>
      %dma_wait3A_133 = arith.constant 0 : i32
      %dma_wait3A_134 = tpu.memref_slice %arg26[%mul3A_0, %dma_wait3A_133] : memref<10240x16xf32, #tpu.memory_space<vmem_shared>> -> memref<640x16xf32, #tpu.memory_space<vmem_shared>>
      tpu.wait_dma2 semaphore(%run_scoped3A_125 : memref<!tpu.dma_semaphore, #tpu.memory_space<semaphore_mem>>) src(%dma_wait3A_134 : memref<640x16xf32, #tpu.memory_space<vmem_shared>>) dst(%dma_wait3A_132 : memref<640x16xf32, #tpu.memory_space<hbm>>)
      tpu.yield
    }) : () -> ()
    return
  }
}

#map = affine_map<(d0, d1) -> (0, 0, 0)>
#map1 = affine_map<(d0, d1) -> (0)>
#map2 = affine_map<(d0, d1) -> (0, 0)>
module attributes {stable_mosaic.version = 14 : i64} {
  func.func @_sc_degree(%arg0: i32, %arg1: i32, %arg2: memref<2x2500x128xi32, #tpu.memory_space<hbm>>, %arg3: memref<10240xf32, #tpu.memory_space<hbm>>, %arg4: memref<2x10240xf32, #tpu.memory_space<hbm>>, %arg5: memref<8x128xi32, #tpu.memory_space<vmem>>, %arg6: memref<128xf32, #tpu.memory_space<vmem>>, %arg7: memref<10240xf32, #tpu.memory_space<vmem_shared>>) attributes {dimension_semantics = [#tpu.dimension_semantics<core_parallel>, #tpu.dimension_semantics<subcore_parallel>], iteration_bounds = array<i64: 2, 16>, scalar_prefetch = 0 : i64, scratch_operands = 3 : i64, tpu.core_type = #tpu.core_type<sc_vector_subcore>, window_params = [{transform_indices = #map}, {transform_indices = #map1}, {transform_indices = #map2}]} {
    %mul3A = arith.constant 16 : i32
    %mul3A_0 = arith.muli %arg0, %mul3A : i32
    %add3A = arith.addi %mul3A_0, %arg1 : i32
    %mul3A_1 = arith.constant 640 : i32
    %mul3A_2 = arith.muli %arg1, %mul3A_1 : i32
    %broadcast_in_dim3A = arith.constant 1.000000e+00 : f32
    %broadcast_in_dim3A_3 = vector.broadcast %broadcast_in_dim3A : f32 to vector<16xf32>
    %swap3A = arith.constant 0 : index
    %swap3A_4 = tpu.vector_load %arg6[%swap3A] {strides = array<i32>} : memref<128xf32, #tpu.memory_space<vmem>>, vector<16xf32>,
    %swap3A_5 = vector.shape_cast %swap3A_4 : vector<16xf32> to vector<16xf32>
    %swap3A_6 = vector.shape_cast %broadcast_in_dim3A_3 : vector<16xf32> to vector<16xf32>
    tpu.vector_store %arg6[%swap3A], %swap3A_6 {strides = array<i32>} : memref<128xf32, #tpu.memory_space<vmem>>, vector<16xf32>,
    %broadcast_in_dim3A_7 = arith.constant 1.000000e+00 : f32
    %broadcast_in_dim3A_8 = vector.broadcast %broadcast_in_dim3A_7 : f32 to vector<16xf32>
    %swap3A_9 = arith.constant 16 : index
    %swap3A_10 = tpu.vector_load %arg6[%swap3A_9] {strides = array<i32>} : memref<128xf32, #tpu.memory_space<vmem>>, vector<16xf32>,
    %swap3A_11 = vector.shape_cast %swap3A_10 : vector<16xf32> to vector<16xf32>
    %swap3A_12 = vector.shape_cast %broadcast_in_dim3A_8 : vector<16xf32> to vector<16xf32>
    tpu.vector_store %arg6[%swap3A_9], %swap3A_12 {strides = array<i32>} : memref<128xf32, #tpu.memory_space<vmem>>, vector<16xf32>,
    %broadcast_in_dim3A_13 = arith.constant 1.000000e+00 : f32
    %broadcast_in_dim3A_14 = vector.broadcast %broadcast_in_dim3A_13 : f32 to vector<16xf32>
    %swap3A_15 = arith.constant 32 : index
    %swap3A_16 = tpu.vector_load %arg6[%swap3A_15] {strides = array<i32>} : memref<128xf32, #tpu.memory_space<vmem>>, vector<16xf32>,
    %swap3A_17 = vector.shape_cast %swap3A_16 : vector<16xf32> to vector<16xf32>
    %swap3A_18 = vector.shape_cast %broadcast_in_dim3A_14 : vector<16xf32> to vector<16xf32>
    tpu.vector_store %arg6[%swap3A_15], %swap3A_18 {strides = array<i32>} : memref<128xf32, #tpu.memory_space<vmem>>, vector<16xf32>,
    %broadcast_in_dim3A_19 = arith.constant 1.000000e+00 : f32
    %broadcast_in_dim3A_20 = vector.broadcast %broadcast_in_dim3A_19 : f32 to vector<16xf32>
    %swap3A_21 = arith.constant 48 : index
    %swap3A_22 = tpu.vector_load %arg6[%swap3A_21] {strides = array<i32>} : memref<128xf32, #tpu.memory_space<vmem>>, vector<16xf32>,
    %swap3A_23 = vector.shape_cast %swap3A_22 : vector<16xf32> to vector<16xf32>
    %swap3A_24 = vector.shape_cast %broadcast_in_dim3A_20 : vector<16xf32> to vector<16xf32>
    tpu.vector_store %arg6[%swap3A_21], %swap3A_24 {strides = array<i32>} : memref<128xf32, #tpu.memory_space<vmem>>, vector<16xf32>,
    %broadcast_in_dim3A_25 = arith.constant 1.000000e+00 : f32
    %broadcast_in_dim3A_26 = vector.broadcast %broadcast_in_dim3A_25 : f32 to vector<16xf32>
    %swap3A_27 = arith.constant 64 : index
    %swap3A_28 = tpu.vector_load %arg6[%swap3A_27] {strides = array<i32>} : memref<128xf32, #tpu.memory_space<vmem>>, vector<16xf32>,
    %swap3A_29 = vector.shape_cast %swap3A_28 : vector<16xf32> to vector<16xf32>
    %swap3A_30 = vector.shape_cast %broadcast_in_dim3A_26 : vector<16xf32> to vector<16xf32>
    tpu.vector_store %arg6[%swap3A_27], %swap3A_30 {strides = array<i32>} : memref<128xf32, #tpu.memory_space<vmem>>, vector<16xf32>,
    %broadcast_in_dim3A_31 = arith.constant 1.000000e+00 : f32
    %broadcast_in_dim3A_32 = vector.broadcast %broadcast_in_dim3A_31 : f32 to vector<16xf32>
    %swap3A_33 = arith.constant 80 : index
    %swap3A_34 = tpu.vector_load %arg6[%swap3A_33] {strides = array<i32>} : memref<128xf32, #tpu.memory_space<vmem>>, vector<16xf32>,
    %swap3A_35 = vector.shape_cast %swap3A_34 : vector<16xf32> to vector<16xf32>
    %swap3A_36 = vector.shape_cast %broadcast_in_dim3A_32 : vector<16xf32> to vector<16xf32>
    tpu.vector_store %arg6[%swap3A_33], %swap3A_36 {strides = array<i32>} : memref<128xf32, #tpu.memory_space<vmem>>, vector<16xf32>,
    %broadcast_in_dim3A_37 = arith.constant 1.000000e+00 : f32
    %broadcast_in_dim3A_38 = vector.broadcast %broadcast_in_dim3A_37 : f32 to vector<16xf32>
    %swap3A_39 = arith.constant 96 : index
    %swap3A_40 = tpu.vector_load %arg6[%swap3A_39] {strides = array<i32>} : memref<128xf32, #tpu.memory_space<vmem>>, vector<16xf32>,
    %swap3A_41 = vector.shape_cast %swap3A_40 : vector<16xf32> to vector<16xf32>
    %swap3A_42 = vector.shape_cast %broadcast_in_dim3A_38 : vector<16xf32> to vector<16xf32>
    tpu.vector_store %arg6[%swap3A_39], %swap3A_42 {strides = array<i32>} : memref<128xf32, #tpu.memory_space<vmem>>, vector<16xf32>,
    %broadcast_in_dim3A_43 = arith.constant 1.000000e+00 : f32
    %broadcast_in_dim3A_44 = vector.broadcast %broadcast_in_dim3A_43 : f32 to vector<16xf32>
    %swap3A_45 = arith.constant 112 : index
    %swap3A_46 = tpu.vector_load %arg6[%swap3A_45] {strides = array<i32>} : memref<128xf32, #tpu.memory_space<vmem>>, vector<16xf32>,
    %swap3A_47 = vector.shape_cast %swap3A_46 : vector<16xf32> to vector<16xf32>
    %swap3A_48 = vector.shape_cast %broadcast_in_dim3A_44 : vector<16xf32> to vector<16xf32>
    tpu.vector_store %arg6[%swap3A_45], %swap3A_48 {strides = array<i32>} : memref<128xf32, #tpu.memory_space<vmem>>, vector<16xf32>,
    "tpu.region"() ({
      %run_scoped3A_67 = tpu.sem_alloc : memref<!tpu.dma_semaphore, #tpu.memory_space<semaphore_mem>>
      %dma_start3A = tpu.memref_slice %arg7[%mul3A_2] : memref<10240xf32, #tpu.memory_space<vmem_shared>> -> memref<640xf32, #tpu.memory_space<vmem_shared>>
      %dma_start3A_68 = tpu.memref_slice %arg3[%mul3A_2] : memref<10240xf32, #tpu.memory_space<hbm>> -> memref<640xf32, #tpu.memory_space<hbm>>
      tpu.enqueue_dma source(%dma_start3A_68 : memref<640xf32, #tpu.memory_space<hbm>>) target(%dma_start3A : memref<640xf32, #tpu.memory_space<vmem_shared>>) target_semaphore(%run_scoped3A_67 : memref<!tpu.dma_semaphore, #tpu.memory_space<semaphore_mem>>)
      %dma_wait3A = tpu.memref_slice %arg7[%mul3A_2] : memref<10240xf32, #tpu.memory_space<vmem_shared>> -> memref<640xf32, #tpu.memory_space<vmem_shared>>
      %dma_wait3A_69 = tpu.memref_slice %arg3[%mul3A_2] : memref<10240xf32, #tpu.memory_space<hbm>> -> memref<640xf32, #tpu.memory_space<hbm>>
      tpu.wait_dma2 semaphore(%run_scoped3A_67 : memref<!tpu.dma_semaphore, #tpu.memory_space<semaphore_mem>>) src(%dma_wait3A_69 : memref<640xf32, #tpu.memory_space<hbm>>) dst(%dma_wait3A : memref<640xf32, #tpu.memory_space<vmem_shared>>)
      tpu.yield
    }) : () -> ()
    %barrier3A = arith.constant 0 : index
    tpu.barrier barrier_id(%barrier3A)
    %mul3A_49 = arith.constant 78 : i32
    %mul3A_50 = arith.muli %add3A, %mul3A_49 : i32
    %scan3A = arith.constant 0 : i32
    %scan3A_51 = arith.constant 0 : i32
    %scan3A_52 = arith.constant 9 : i32
    %scan3A_53 = arith.addi %scan3A_51, %scan3A_52 : i32
    %scan3A_54 = arith.constant 1 : i32
    scf.for %scan3A_67 = %scan3A_51 to %scan3A_53 step %scan3A_54  : i32 {
      %mul3A_68 = arith.constant 8 : i32
      %mul3A_69 = arith.muli %scan3A_67, %mul3A_68 : i32
      %add3A_70 = arith.addi %mul3A_50, %mul3A_69 : i32
      %run_scoped3A_71 = arith.constant 1 : i32
      "tpu.region"() ({
        %run_scoped3A_80 = tpu.sem_alloc : memref<!tpu.dma_semaphore, #tpu.memory_space<semaphore_mem>>
        %dma_start3A = arith.constant 0 : i32
        %dma_start3A_81 = tpu.memref_slice %arg2[%run_scoped3A_71, %add3A_70, %dma_start3A] : memref<2x2500x128xi32, #tpu.memory_space<hbm>> -> memref<1x8x128xi32, #tpu.memory_space<hbm>>
        %dma_start3A_82 = tpu.memref_squeeze %dma_start3A_81 : memref<1x8x128xi32, #tpu.memory_space<hbm>> -> memref<8x128xi32, #tpu.memory_space<hbm>>
        %dma_start3A_83 = arith.constant 0 : i32
        %dma_start3A_84 = tpu.memref_slice %arg2[%run_scoped3A_71, %add3A_70, %dma_start3A_83] : memref<2x2500x128xi32, #tpu.memory_space<hbm>> -> memref<1x8x128xi32, #tpu.memory_space<hbm>>
        %dma_start3A_85 = tpu.memref_squeeze %dma_start3A_84 : memref<1x8x128xi32, #tpu.memory_space<hbm>> -> memref<8x128xi32, #tpu.memory_space<hbm>>
        tpu.enqueue_dma source(%dma_start3A_85 : memref<8x128xi32, #tpu.memory_space<hbm>>) target(%arg5 : memref<8x128xi32, #tpu.memory_space<vmem>>) target_semaphore(%run_scoped3A_80 : memref<!tpu.dma_semaphore, #tpu.memory_space<semaphore_mem>>)
        %dma_wait3A = arith.constant 0 : i32
        %dma_wait3A_86 = tpu.memref_slice %arg2[%run_scoped3A_71, %add3A_70, %dma_wait3A] : memref<2x2500x128xi32, #tpu.memory_space<hbm>> -> memref<1x8x128xi32, #tpu.memory_space<hbm>>
        %dma_wait3A_87 = tpu.memref_squeeze %dma_wait3A_86 : memref<1x8x128xi32, #tpu.memory_space<hbm>> -> memref<8x128xi32, #tpu.memory_space<hbm>>
        %dma_wait3A_88 = arith.constant 0 : i32
        %dma_wait3A_89 = tpu.memref_slice %arg2[%run_scoped3A_71, %add3A_70, %dma_wait3A_88] : memref<2x2500x128xi32, #tpu.memory_space<hbm>> -> memref<1x8x128xi32, #tpu.memory_space<hbm>>
        %dma_wait3A_90 = tpu.memref_squeeze %dma_wait3A_89 : memref<1x8x128xi32, #tpu.memory_space<hbm>> -> memref<8x128xi32, #tpu.memory_space<hbm>>
        tpu.wait_dma2 semaphore(%run_scoped3A_80 : memref<!tpu.dma_semaphore, #tpu.memory_space<semaphore_mem>>) src(%dma_wait3A_90 : memref<8x128xi32, #tpu.memory_space<hbm>>) dst(%arg5 : memref<8x128xi32, #tpu.memory_space<vmem>>)
        tpu.yield
      }) : () -> ()
      %run_scoped3A_72 = arith.constant 0 : i32
      "tpu.region"() ({
        %run_scoped3A_80 = tpu.sem_alloc : memref<!tpu.dma_semaphore, #tpu.memory_space<semaphore_mem>>
        %dma_start3A = arith.constant 0 : i32
        %dma_start3A_81 = tpu.memref_slice %arg5[%run_scoped3A_72, %dma_start3A] : memref<8x128xi32, #tpu.memory_space<vmem>> -> memref<1x128xi32, #tpu.memory_space<vmem>>
        %dma_start3A_82 = tpu.memref_squeeze %dma_start3A_81 : memref<1x128xi32, #tpu.memory_space<vmem>> -> memref<128xi32, #tpu.memory_space<vmem>>
        %dma_start3A_83 = arith.constant 0 : i32
        %dma_start3A_84 = tpu.memref_slice %arg7[%dma_start3A_83] : memref<10240xf32, #tpu.memory_space<vmem_shared>> -> memref<10240xf32, #tpu.memory_space<vmem_shared>>
        tpu.enqueue_indirect_dma source(%arg6 : memref<128xf32, #tpu.memory_space<vmem>>) target(%dma_start3A_84 : memref<10240xf32, #tpu.memory_space<vmem_shared>>) offsets(%dma_start3A_82 : memref<128xi32, #tpu.memory_space<vmem>>) semaphore(%run_scoped3A_80 : memref<!tpu.dma_semaphore, #tpu.memory_space<semaphore_mem>>) {add = true}
        %dma_wait3A = arith.constant 0 : i32
        %dma_wait3A_85 = tpu.memref_slice %arg5[%run_scoped3A_72, %dma_wait3A] : memref<8x128xi32, #tpu.memory_space<vmem>> -> memref<1x128xi32, #tpu.memory_space<vmem>>
        %dma_wait3A_86 = tpu.memref_squeeze %dma_wait3A_85 : memref<1x128xi32, #tpu.memory_space<vmem>> -> memref<128xi32, #tpu.memory_space<vmem>>
        %dma_wait3A_87 = arith.constant 0 : i32
        %dma_wait3A_88 = tpu.memref_slice %arg7[%dma_wait3A_87] : memref<10240xf32, #tpu.memory_space<vmem_shared>> -> memref<10240xf32, #tpu.memory_space<vmem_shared>>
        tpu.wait_indirect_dma semaphore(%run_scoped3A_80 : memref<!tpu.dma_semaphore, #tpu.memory_space<semaphore_mem>>) src(%arg6 : memref<128xf32, #tpu.memory_space<vmem>>) dst(%dma_wait3A_88 : memref<10240xf32, #tpu.memory_space<vmem_shared>>)
        tpu.yield
      }) : () -> ()
      %run_scoped3A_73 = arith.constant 1 : i32
      "tpu.region"() ({
        %run_scoped3A_80 = tpu.sem_alloc : memref<!tpu.dma_semaphore, #tpu.memory_space<semaphore_mem>>
        %dma_start3A = arith.constant 0 : i32
        %dma_start3A_81 = tpu.memref_slice %arg5[%run_scoped3A_73, %dma_start3A] : memref<8x128xi32, #tpu.memory_space<vmem>> -> memref<1x128xi32, #tpu.memory_space<vmem>>
        %dma_start3A_82 = tpu.memref_squeeze %dma_start3A_81 : memref<1x128xi32, #tpu.memory_space<vmem>> -> memref<128xi32, #tpu.memory_space<vmem>>
        %dma_start3A_83 = arith.constant 0 : i32
        %dma_start3A_84 = tpu.memref_slice %arg7[%dma_start3A_83] : memref<10240xf32, #tpu.memory_space<vmem_shared>> -> memref<10240xf32, #tpu.memory_space<vmem_shared>>
        tpu.enqueue_indirect_dma source(%arg6 : memref<128xf32, #tpu.memory_space<vmem>>) target(%dma_start3A_84 : memref<10240xf32, #tpu.memory_space<vmem_shared>>) offsets(%dma_start3A_82 : memref<128xi32, #tpu.memory_space<vmem>>) semaphore(%run_scoped3A_80 : memref<!tpu.dma_semaphore, #tpu.memory_space<semaphore_mem>>) {add = true}
        %dma_wait3A = arith.constant 0 : i32
        %dma_wait3A_85 = tpu.memref_slice %arg5[%run_scoped3A_73, %dma_wait3A] : memref<8x128xi32, #tpu.memory_space<vmem>> -> memref<1x128xi32, #tpu.memory_space<vmem>>
        %dma_wait3A_86 = tpu.memref_squeeze %dma_wait3A_85 : memref<1x128xi32, #tpu.memory_space<vmem>> -> memref<128xi32, #tpu.memory_space<vmem>>
        %dma_wait3A_87 = arith.constant 0 : i32
        %dma_wait3A_88 = tpu.memref_slice %arg7[%dma_wait3A_87] : memref<10240xf32, #tpu.memory_space<vmem_shared>> -> memref<10240xf32, #tpu.memory_space<vmem_shared>>
        tpu.wait_indirect_dma semaphore(%run_scoped3A_80 : memref<!tpu.dma_semaphore, #tpu.memory_space<semaphore_mem>>) src(%arg6 : memref<128xf32, #tpu.memory_space<vmem>>) dst(%dma_wait3A_88 : memref<10240xf32, #tpu.memory_space<vmem_shared>>)
        tpu.yield
      }) : () -> ()
      %run_scoped3A_74 = arith.constant 2 : i32
      "tpu.region"() ({
        %run_scoped3A_80 = tpu.sem_alloc : memref<!tpu.dma_semaphore, #tpu.memory_space<semaphore_mem>>
        %dma_start3A = arith.constant 0 : i32
        %dma_start3A_81 = tpu.memref_slice %arg5[%run_scoped3A_74, %dma_start3A] : memref<8x128xi32, #tpu.memory_space<vmem>> -> memref<1x128xi32, #tpu.memory_space<vmem>>
        %dma_start3A_82 = tpu.memref_squeeze %dma_start3A_81 : memref<1x128xi32, #tpu.memory_space<vmem>> -> memref<128xi32, #tpu.memory_space<vmem>>
        %dma_start3A_83 = arith.constant 0 : i32
        %dma_start3A_84 = tpu.memref_slice %arg7[%dma_start3A_83] : memref<10240xf32, #tpu.memory_space<vmem_shared>> -> memref<10240xf32, #tpu.memory_space<vmem_shared>>
        tpu.enqueue_indirect_dma source(%arg6 : memref<128xf32, #tpu.memory_space<vmem>>) target(%dma_start3A_84 : memref<10240xf32, #tpu.memory_space<vmem_shared>>) offsets(%dma_start3A_82 : memref<128xi32, #tpu.memory_space<vmem>>) semaphore(%run_scoped3A_80 : memref<!tpu.dma_semaphore, #tpu.memory_space<semaphore_mem>>) {add = true}
        %dma_wait3A = arith.constant 0 : i32
        %dma_wait3A_85 = tpu.memref_slice %arg5[%run_scoped3A_74, %dma_wait3A] : memref<8x128xi32, #tpu.memory_space<vmem>> -> memref<1x128xi32, #tpu.memory_space<vmem>>
        %dma_wait3A_86 = tpu.memref_squeeze %dma_wait3A_85 : memref<1x128xi32, #tpu.memory_space<vmem>> -> memref<128xi32, #tpu.memory_space<vmem>>
        %dma_wait3A_87 = arith.constant 0 : i32
        %dma_wait3A_88 = tpu.memref_slice %arg7[%dma_wait3A_87] : memref<10240xf32, #tpu.memory_space<vmem_shared>> -> memref<10240xf32, #tpu.memory_space<vmem_shared>>
        tpu.wait_indirect_dma semaphore(%run_scoped3A_80 : memref<!tpu.dma_semaphore, #tpu.memory_space<semaphore_mem>>) src(%arg6 : memref<128xf32, #tpu.memory_space<vmem>>) dst(%dma_wait3A_88 : memref<10240xf32, #tpu.memory_space<vmem_shared>>)
        tpu.yield
      }) : () -> ()
      %run_scoped3A_75 = arith.constant 3 : i32
      "tpu.region"() ({
        %run_scoped3A_80 = tpu.sem_alloc : memref<!tpu.dma_semaphore, #tpu.memory_space<semaphore_mem>>
        %dma_start3A = arith.constant 0 : i32
        %dma_start3A_81 = tpu.memref_slice %arg5[%run_scoped3A_75, %dma_start3A] : memref<8x128xi32, #tpu.memory_space<vmem>> -> memref<1x128xi32, #tpu.memory_space<vmem>>
        %dma_start3A_82 = tpu.memref_squeeze %dma_start3A_81 : memref<1x128xi32, #tpu.memory_space<vmem>> -> memref<128xi32, #tpu.memory_space<vmem>>
        %dma_start3A_83 = arith.constant 0 : i32
        %dma_start3A_84 = tpu.memref_slice %arg7[%dma_start3A_83] : memref<10240xf32, #tpu.memory_space<vmem_shared>> -> memref<10240xf32, #tpu.memory_space<vmem_shared>>
        tpu.enqueue_indirect_dma source(%arg6 : memref<128xf32, #tpu.memory_space<vmem>>) target(%dma_start3A_84 : memref<10240xf32, #tpu.memory_space<vmem_shared>>) offsets(%dma_start3A_82 : memref<128xi32, #tpu.memory_space<vmem>>) semaphore(%run_scoped3A_80 : memref<!tpu.dma_semaphore, #tpu.memory_space<semaphore_mem>>) {add = true}
        %dma_wait3A = arith.constant 0 : i32
        %dma_wait3A_85 = tpu.memref_slice %arg5[%run_scoped3A_75, %dma_wait3A] : memref<8x128xi32, #tpu.memory_space<vmem>> -> memref<1x128xi32, #tpu.memory_space<vmem>>
        %dma_wait3A_86 = tpu.memref_squeeze %dma_wait3A_85 : memref<1x128xi32, #tpu.memory_space<vmem>> -> memref<128xi32, #tpu.memory_space<vmem>>
        %dma_wait3A_87 = arith.constant 0 : i32
        %dma_wait3A_88 = tpu.memref_slice %arg7[%dma_wait3A_87] : memref<10240xf32, #tpu.memory_space<vmem_shared>> -> memref<10240xf32, #tpu.memory_space<vmem_shared>>
        tpu.wait_indirect_dma semaphore(%run_scoped3A_80 : memref<!tpu.dma_semaphore, #tpu.memory_space<semaphore_mem>>) src(%arg6 : memref<128xf32, #tpu.memory_space<vmem>>) dst(%dma_wait3A_88 : memref<10240xf32, #tpu.memory_space<vmem_shared>>)
        tpu.yield
      }) : () -> ()
      %run_scoped3A_76 = arith.constant 4 : i32
      "tpu.region"() ({
        %run_scoped3A_80 = tpu.sem_alloc : memref<!tpu.dma_semaphore, #tpu.memory_space<semaphore_mem>>
        %dma_start3A = arith.constant 0 : i32
        %dma_start3A_81 = tpu.memref_slice %arg5[%run_scoped3A_76, %dma_start3A] : memref<8x128xi32, #tpu.memory_space<vmem>> -> memref<1x128xi32, #tpu.memory_space<vmem>>
        %dma_start3A_82 = tpu.memref_squeeze %dma_start3A_81 : memref<1x128xi32, #tpu.memory_space<vmem>> -> memref<128xi32, #tpu.memory_space<vmem>>
        %dma_start3A_83 = arith.constant 0 : i32
        %dma_start3A_84 = tpu.memref_slice %arg7[%dma_start3A_83] : memref<10240xf32, #tpu.memory_space<vmem_shared>> -> memref<10240xf32, #tpu.memory_space<vmem_shared>>
        tpu.enqueue_indirect_dma source(%arg6 : memref<128xf32, #tpu.memory_space<vmem>>) target(%dma_start3A_84 : memref<10240xf32, #tpu.memory_space<vmem_shared>>) offsets(%dma_start3A_82 : memref<128xi32, #tpu.memory_space<vmem>>) semaphore(%run_scoped3A_80 : memref<!tpu.dma_semaphore, #tpu.memory_space<semaphore_mem>>) {add = true}
        %dma_wait3A = arith.constant 0 : i32
        %dma_wait3A_85 = tpu.memref_slice %arg5[%run_scoped3A_76, %dma_wait3A] : memref<8x128xi32, #tpu.memory_space<vmem>> -> memref<1x128xi32, #tpu.memory_space<vmem>>
        %dma_wait3A_86 = tpu.memref_squeeze %dma_wait3A_85 : memref<1x128xi32, #tpu.memory_space<vmem>> -> memref<128xi32, #tpu.memory_space<vmem>>
        %dma_wait3A_87 = arith.constant 0 : i32
        %dma_wait3A_88 = tpu.memref_slice %arg7[%dma_wait3A_87] : memref<10240xf32, #tpu.memory_space<vmem_shared>> -> memref<10240xf32, #tpu.memory_space<vmem_shared>>
        tpu.wait_indirect_dma semaphore(%run_scoped3A_80 : memref<!tpu.dma_semaphore, #tpu.memory_space<semaphore_mem>>) src(%arg6 : memref<128xf32, #tpu.memory_space<vmem>>) dst(%dma_wait3A_88 : memref<10240xf32, #tpu.memory_space<vmem_shared>>)
        tpu.yield
      }) : () -> ()
      %run_scoped3A_77 = arith.constant 5 : i32
      "tpu.region"() ({
        %run_scoped3A_80 = tpu.sem_alloc : memref<!tpu.dma_semaphore, #tpu.memory_space<semaphore_mem>>
        %dma_start3A = arith.constant 0 : i32
        %dma_start3A_81 = tpu.memref_slice %arg5[%run_scoped3A_77, %dma_start3A] : memref<8x128xi32, #tpu.memory_space<vmem>> -> memref<1x128xi32, #tpu.memory_space<vmem>>
        %dma_start3A_82 = tpu.memref_squeeze %dma_start3A_81 : memref<1x128xi32, #tpu.memory_space<vmem>> -> memref<128xi32, #tpu.memory_space<vmem>>
        %dma_start3A_83 = arith.constant 0 : i32
        %dma_start3A_84 = tpu.memref_slice %arg7[%dma_start3A_83] : memref<10240xf32, #tpu.memory_space<vmem_shared>> -> memref<10240xf32, #tpu.memory_space<vmem_shared>>
        tpu.enqueue_indirect_dma source(%arg6 : memref<128xf32, #tpu.memory_space<vmem>>) target(%dma_start3A_84 : memref<10240xf32, #tpu.memory_space<vmem_shared>>) offsets(%dma_start3A_82 : memref<128xi32, #tpu.memory_space<vmem>>) semaphore(%run_scoped3A_80 : memref<!tpu.dma_semaphore, #tpu.memory_space<semaphore_mem>>) {add = true}
        %dma_wait3A = arith.constant 0 : i32
        %dma_wait3A_85 = tpu.memref_slice %arg5[%run_scoped3A_77, %dma_wait3A] : memref<8x128xi32, #tpu.memory_space<vmem>> -> memref<1x128xi32, #tpu.memory_space<vmem>>
        %dma_wait3A_86 = tpu.memref_squeeze %dma_wait3A_85 : memref<1x128xi32, #tpu.memory_space<vmem>> -> memref<128xi32, #tpu.memory_space<vmem>>
        %dma_wait3A_87 = arith.constant 0 : i32
        %dma_wait3A_88 = tpu.memref_slice %arg7[%dma_wait3A_87] : memref<10240xf32, #tpu.memory_space<vmem_shared>> -> memref<10240xf32, #tpu.memory_space<vmem_shared>>
        tpu.wait_indirect_dma semaphore(%run_scoped3A_80 : memref<!tpu.dma_semaphore, #tpu.memory_space<semaphore_mem>>) src(%arg6 : memref<128xf32, #tpu.memory_space<vmem>>) dst(%dma_wait3A_88 : memref<10240xf32, #tpu.memory_space<vmem_shared>>)
        tpu.yield
      }) : () -> ()
      %run_scoped3A_78 = arith.constant 6 : i32
      "tpu.region"() ({
        %run_scoped3A_80 = tpu.sem_alloc : memref<!tpu.dma_semaphore, #tpu.memory_space<semaphore_mem>>
        %dma_start3A = arith.constant 0 : i32
        %dma_start3A_81 = tpu.memref_slice %arg5[%run_scoped3A_78, %dma_start3A] : memref<8x128xi32, #tpu.memory_space<vmem>> -> memref<1x128xi32, #tpu.memory_space<vmem>>
        %dma_start3A_82 = tpu.memref_squeeze %dma_start3A_81 : memref<1x128xi32, #tpu.memory_space<vmem>> -> memref<128xi32, #tpu.memory_space<vmem>>
        %dma_start3A_83 = arith.constant 0 : i32
        %dma_start3A_84 = tpu.memref_slice %arg7[%dma_start3A_83] : memref<10240xf32, #tpu.memory_space<vmem_shared>> -> memref<10240xf32, #tpu.memory_space<vmem_shared>>
        tpu.enqueue_indirect_dma source(%arg6 : memref<128xf32, #tpu.memory_space<vmem>>) target(%dma_start3A_84 : memref<10240xf32, #tpu.memory_space<vmem_shared>>) offsets(%dma_start3A_82 : memref<128xi32, #tpu.memory_space<vmem>>) semaphore(%run_scoped3A_80 : memref<!tpu.dma_semaphore, #tpu.memory_space<semaphore_mem>>) {add = true}
        %dma_wait3A = arith.constant 0 : i32
        %dma_wait3A_85 = tpu.memref_slice %arg5[%run_scoped3A_78, %dma_wait3A] : memref<8x128xi32, #tpu.memory_space<vmem>> -> memref<1x128xi32, #tpu.memory_space<vmem>>
        %dma_wait3A_86 = tpu.memref_squeeze %dma_wait3A_85 : memref<1x128xi32, #tpu.memory_space<vmem>> -> memref<128xi32, #tpu.memory_space<vmem>>
        %dma_wait3A_87 = arith.constant 0 : i32
        %dma_wait3A_88 = tpu.memref_slice %arg7[%dma_wait3A_87] : memref<10240xf32, #tpu.memory_space<vmem_shared>> -> memref<10240xf32, #tpu.memory_space<vmem_shared>>
        tpu.wait_indirect_dma semaphore(%run_scoped3A_80 : memref<!tpu.dma_semaphore, #tpu.memory_space<semaphore_mem>>) src(%arg6 : memref<128xf32, #tpu.memory_space<vmem>>) dst(%dma_wait3A_88 : memref<10240xf32, #tpu.memory_space<vmem_shared>>)
        tpu.yield
      }) : () -> ()
      %run_scoped3A_79 = arith.constant 7 : i32
      "tpu.region"() ({
        %run_scoped3A_80 = tpu.sem_alloc : memref<!tpu.dma_semaphore, #tpu.memory_space<semaphore_mem>>
        %dma_start3A = arith.constant 0 : i32
        %dma_start3A_81 = tpu.memref_slice %arg5[%run_scoped3A_79, %dma_start3A] : memref<8x128xi32, #tpu.memory_space<vmem>> -> memref<1x128xi32, #tpu.memory_space<vmem>>
        %dma_start3A_82 = tpu.memref_squeeze %dma_start3A_81 : memref<1x128xi32, #tpu.memory_space<vmem>> -> memref<128xi32, #tpu.memory_space<vmem>>
        %dma_start3A_83 = arith.constant 0 : i32
        %dma_start3A_84 = tpu.memref_slice %arg7[%dma_start3A_83] : memref<10240xf32, #tpu.memory_space<vmem_shared>> -> memref<10240xf32, #tpu.memory_space<vmem_shared>>
        tpu.enqueue_indirect_dma source(%arg6 : memref<128xf32, #tpu.memory_space<vmem>>) target(%dma_start3A_84 : memref<10240xf32, #tpu.memory_space<vmem_shared>>) offsets(%dma_start3A_82 : memref<128xi32, #tpu.memory_space<vmem>>) semaphore(%run_scoped3A_80 : memref<!tpu.dma_semaphore, #tpu.memory_space<semaphore_mem>>) {add = true}
        %dma_wait3A = arith.constant 0 : i32
        %dma_wait3A_85 = tpu.memref_slice %arg5[%run_scoped3A_79, %dma_wait3A] : memref<8x128xi32, #tpu.memory_space<vmem>> -> memref<1x128xi32, #tpu.memory_space<vmem>>
        %dma_wait3A_86 = tpu.memref_squeeze %dma_wait3A_85 : memref<1x128xi32, #tpu.memory_space<vmem>> -> memref<128xi32, #tpu.memory_space<vmem>>
        %dma_wait3A_87 = arith.constant 0 : i32
        %dma_wait3A_88 = tpu.memref_slice %arg7[%dma_wait3A_87] : memref<10240xf32, #tpu.memory_space<vmem_shared>> -> memref<10240xf32, #tpu.memory_space<vmem_shared>>
        tpu.wait_indirect_dma semaphore(%run_scoped3A_80 : memref<!tpu.dma_semaphore, #tpu.memory_space<semaphore_mem>>) src(%arg6 : memref<128xf32, #tpu.memory_space<vmem>>) dst(%dma_wait3A_88 : memref<10240xf32, #tpu.memory_space<vmem_shared>>)
        tpu.yield
      }) : () -> ()
    }
    %scan3A_55 = arith.constant 9 : i32
    %add3A_56 = arith.constant 72 : i32
    %add3A_57 = arith.addi %mul3A_50, %add3A_56 : i32
    %run_scoped3A = arith.constant 1 : i32
    "tpu.region"() ({
      %run_scoped3A_67 = tpu.sem_alloc : memref<!tpu.dma_semaphore, #tpu.memory_space<semaphore_mem>>
      %dma_start3A = arith.constant 0 : i32
      %dma_start3A_68 = arith.constant 0 : i32
      %dma_start3A_69 = tpu.memref_slice %arg5[%dma_start3A, %dma_start3A_68] : memref<8x128xi32, #tpu.memory_space<vmem>> -> memref<6x128xi32, #tpu.memory_space<vmem>>
      %dma_start3A_70 = arith.constant 0 : i32
      %dma_start3A_71 = tpu.memref_slice %arg2[%run_scoped3A, %add3A_57, %dma_start3A_70] : memref<2x2500x128xi32, #tpu.memory_space<hbm>> -> memref<1x6x128xi32, #tpu.memory_space<hbm>>
      %dma_start3A_72 = tpu.memref_squeeze %dma_start3A_71 : memref<1x6x128xi32, #tpu.memory_space<hbm>> -> memref<6x128xi32, #tpu.memory_space<hbm>>
      %dma_start3A_73 = arith.constant 0 : i32
      %dma_start3A_74 = arith.constant 0 : i32
      %dma_start3A_75 = tpu.memref_slice %arg5[%dma_start3A_73, %dma_start3A_74] : memref<8x128xi32, #tpu.memory_space<vmem>> -> memref<6x128xi32, #tpu.memory_space<vmem>>
      %dma_start3A_76 = arith.constant 0 : i32
      %dma_start3A_77 = tpu.memref_slice %arg2[%run_scoped3A, %add3A_57, %dma_start3A_76] : memref<2x2500x128xi32, #tpu.memory_space<hbm>> -> memref<1x6x128xi32, #tpu.memory_space<hbm>>
      %dma_start3A_78 = tpu.memref_squeeze %dma_start3A_77 : memref<1x6x128xi32, #tpu.memory_space<hbm>> -> memref<6x128xi32, #tpu.memory_space<hbm>>
      tpu.enqueue_dma source(%dma_start3A_78 : memref<6x128xi32, #tpu.memory_space<hbm>>) target(%dma_start3A_75 : memref<6x128xi32, #tpu.memory_space<vmem>>) target_semaphore(%run_scoped3A_67 : memref<!tpu.dma_semaphore, #tpu.memory_space<semaphore_mem>>)
      %dma_wait3A = arith.constant 0 : i32
      %dma_wait3A_79 = arith.constant 0 : i32
      %dma_wait3A_80 = tpu.memref_slice %arg5[%dma_wait3A, %dma_wait3A_79] : memref<8x128xi32, #tpu.memory_space<vmem>> -> memref<6x128xi32, #tpu.memory_space<vmem>>
      %dma_wait3A_81 = arith.constant 0 : i32
      %dma_wait3A_82 = tpu.memref_slice %arg2[%run_scoped3A, %add3A_57, %dma_wait3A_81] : memref<2x2500x128xi32, #tpu.memory_space<hbm>> -> memref<1x6x128xi32, #tpu.memory_space<hbm>>
      %dma_wait3A_83 = tpu.memref_squeeze %dma_wait3A_82 : memref<1x6x128xi32, #tpu.memory_space<hbm>> -> memref<6x128xi32, #tpu.memory_space<hbm>>
      %dma_wait3A_84 = arith.constant 0 : i32
      %dma_wait3A_85 = arith.constant 0 : i32
      %dma_wait3A_86 = tpu.memref_slice %arg5[%dma_wait3A_84, %dma_wait3A_85] : memref<8x128xi32, #tpu.memory_space<vmem>> -> memref<6x128xi32, #tpu.memory_space<vmem>>
      %dma_wait3A_87 = arith.constant 0 : i32
      %dma_wait3A_88 = tpu.memref_slice %arg2[%run_scoped3A, %add3A_57, %dma_wait3A_87] : memref<2x2500x128xi32, #tpu.memory_space<hbm>> -> memref<1x6x128xi32, #tpu.memory_space<hbm>>
      %dma_wait3A_89 = tpu.memref_squeeze %dma_wait3A_88 : memref<1x6x128xi32, #tpu.memory_space<hbm>> -> memref<6x128xi32, #tpu.memory_space<hbm>>
      tpu.wait_dma2 semaphore(%run_scoped3A_67 : memref<!tpu.dma_semaphore, #tpu.memory_space<semaphore_mem>>) src(%dma_wait3A_89 : memref<6x128xi32, #tpu.memory_space<hbm>>) dst(%dma_wait3A_86 : memref<6x128xi32, #tpu.memory_space<vmem>>)
      tpu.yield
    }) : () -> ()
    %run_scoped3A_58 = arith.constant 0 : i32
    "tpu.region"() ({
      %run_scoped3A_67 = tpu.sem_alloc : memref<!tpu.dma_semaphore, #tpu.memory_space<semaphore_mem>>
      %dma_start3A = arith.constant 0 : i32
      %dma_start3A_68 = tpu.memref_slice %arg5[%run_scoped3A_58, %dma_start3A] : memref<8x128xi32, #tpu.memory_space<vmem>> -> memref<1x128xi32, #tpu.memory_space<vmem>>
      %dma_start3A_69 = tpu.memref_squeeze %dma_start3A_68 : memref<1x128xi32, #tpu.memory_space<vmem>> -> memref<128xi32, #tpu.memory_space<vmem>>
      %dma_start3A_70 = arith.constant 0 : i32
      %dma_start3A_71 = tpu.memref_slice %arg7[%dma_start3A_70] : memref<10240xf32, #tpu.memory_space<vmem_shared>> -> memref<10240xf32, #tpu.memory_space<vmem_shared>>
      tpu.enqueue_indirect_dma source(%arg6 : memref<128xf32, #tpu.memory_space<vmem>>) target(%dma_start3A_71 : memref<10240xf32, #tpu.memory_space<vmem_shared>>) offsets(%dma_start3A_69 : memref<128xi32, #tpu.memory_space<vmem>>) semaphore(%run_scoped3A_67 : memref<!tpu.dma_semaphore, #tpu.memory_space<semaphore_mem>>) {add = true}
      %dma_wait3A = arith.constant 0 : i32
      %dma_wait3A_72 = tpu.memref_slice %arg5[%run_scoped3A_58, %dma_wait3A] : memref<8x128xi32, #tpu.memory_space<vmem>> -> memref<1x128xi32, #tpu.memory_space<vmem>>
      %dma_wait3A_73 = tpu.memref_squeeze %dma_wait3A_72 : memref<1x128xi32, #tpu.memory_space<vmem>> -> memref<128xi32, #tpu.memory_space<vmem>>
      %dma_wait3A_74 = arith.constant 0 : i32
      %dma_wait3A_75 = tpu.memref_slice %arg7[%dma_wait3A_74] : memref<10240xf32, #tpu.memory_space<vmem_shared>> -> memref<10240xf32, #tpu.memory_space<vmem_shared>>
      tpu.wait_indirect_dma semaphore(%run_scoped3A_67 : memref<!tpu.dma_semaphore, #tpu.memory_space<semaphore_mem>>) src(%arg6 : memref<128xf32, #tpu.memory_space<vmem>>) dst(%dma_wait3A_75 : memref<10240xf32, #tpu.memory_space<vmem_shared>>)
      tpu.yield
    }) : () -> ()
    %run_scoped3A_59 = arith.constant 1 : i32
    "tpu.region"() ({
      %run_scoped3A_67 = tpu.sem_alloc : memref<!tpu.dma_semaphore, #tpu.memory_space<semaphore_mem>>
      %dma_start3A = arith.constant 0 : i32
      %dma_start3A_68 = tpu.memref_slice %arg5[%run_scoped3A_59, %dma_start3A] : memref<8x128xi32, #tpu.memory_space<vmem>> -> memref<1x128xi32, #tpu.memory_space<vmem>>
      %dma_start3A_69 = tpu.memref_squeeze %dma_start3A_68 : memref<1x128xi32, #tpu.memory_space<vmem>> -> memref<128xi32, #tpu.memory_space<vmem>>
      %dma_start3A_70 = arith.constant 0 : i32
      %dma_start3A_71 = tpu.memref_slice %arg7[%dma_start3A_70] : memref<10240xf32, #tpu.memory_space<vmem_shared>> -> memref<10240xf32, #tpu.memory_space<vmem_shared>>
      tpu.enqueue_indirect_dma source(%arg6 : memref<128xf32, #tpu.memory_space<vmem>>) target(%dma_start3A_71 : memref<10240xf32, #tpu.memory_space<vmem_shared>>) offsets(%dma_start3A_69 : memref<128xi32, #tpu.memory_space<vmem>>) semaphore(%run_scoped3A_67 : memref<!tpu.dma_semaphore, #tpu.memory_space<semaphore_mem>>) {add = true}
      %dma_wait3A = arith.constant 0 : i32
      %dma_wait3A_72 = tpu.memref_slice %arg5[%run_scoped3A_59, %dma_wait3A] : memref<8x128xi32, #tpu.memory_space<vmem>> -> memref<1x128xi32, #tpu.memory_space<vmem>>
      %dma_wait3A_73 = tpu.memref_squeeze %dma_wait3A_72 : memref<1x128xi32, #tpu.memory_space<vmem>> -> memref<128xi32, #tpu.memory_space<vmem>>
      %dma_wait3A_74 = arith.constant 0 : i32
      %dma_wait3A_75 = tpu.memref_slice %arg7[%dma_wait3A_74] : memref<10240xf32, #tpu.memory_space<vmem_shared>> -> memref<10240xf32, #tpu.memory_space<vmem_shared>>
      tpu.wait_indirect_dma semaphore(%run_scoped3A_67 : memref<!tpu.dma_semaphore, #tpu.memory_space<semaphore_mem>>) src(%arg6 : memref<128xf32, #tpu.memory_space<vmem>>) dst(%dma_wait3A_75 : memref<10240xf32, #tpu.memory_space<vmem_shared>>)
      tpu.yield
    }) : () -> ()
    %run_scoped3A_60 = arith.constant 2 : i32
    "tpu.region"() ({
      %run_scoped3A_67 = tpu.sem_alloc : memref<!tpu.dma_semaphore, #tpu.memory_space<semaphore_mem>>
      %dma_start3A = arith.constant 0 : i32
      %dma_start3A_68 = tpu.memref_slice %arg5[%run_scoped3A_60, %dma_start3A] : memref<8x128xi32, #tpu.memory_space<vmem>> -> memref<1x128xi32, #tpu.memory_space<vmem>>
      %dma_start3A_69 = tpu.memref_squeeze %dma_start3A_68 : memref<1x128xi32, #tpu.memory_space<vmem>> -> memref<128xi32, #tpu.memory_space<vmem>>
      %dma_start3A_70 = arith.constant 0 : i32
      %dma_start3A_71 = tpu.memref_slice %arg7[%dma_start3A_70] : memref<10240xf32, #tpu.memory_space<vmem_shared>> -> memref<10240xf32, #tpu.memory_space<vmem_shared>>
      tpu.enqueue_indirect_dma source(%arg6 : memref<128xf32, #tpu.memory_space<vmem>>) target(%dma_start3A_71 : memref<10240xf32, #tpu.memory_space<vmem_shared>>) offsets(%dma_start3A_69 : memref<128xi32, #tpu.memory_space<vmem>>) semaphore(%run_scoped3A_67 : memref<!tpu.dma_semaphore, #tpu.memory_space<semaphore_mem>>) {add = true}
      %dma_wait3A = arith.constant 0 : i32
      %dma_wait3A_72 = tpu.memref_slice %arg5[%run_scoped3A_60, %dma_wait3A] : memref<8x128xi32, #tpu.memory_space<vmem>> -> memref<1x128xi32, #tpu.memory_space<vmem>>
      %dma_wait3A_73 = tpu.memref_squeeze %dma_wait3A_72 : memref<1x128xi32, #tpu.memory_space<vmem>> -> memref<128xi32, #tpu.memory_space<vmem>>
      %dma_wait3A_74 = arith.constant 0 : i32
      %dma_wait3A_75 = tpu.memref_slice %arg7[%dma_wait3A_74] : memref<10240xf32, #tpu.memory_space<vmem_shared>> -> memref<10240xf32, #tpu.memory_space<vmem_shared>>
      tpu.wait_indirect_dma semaphore(%run_scoped3A_67 : memref<!tpu.dma_semaphore, #tpu.memory_space<semaphore_mem>>) src(%arg6 : memref<128xf32, #tpu.memory_space<vmem>>) dst(%dma_wait3A_75 : memref<10240xf32, #tpu.memory_space<vmem_shared>>)
      tpu.yield
    }) : () -> ()
    %run_scoped3A_61 = arith.constant 3 : i32
    "tpu.region"() ({
      %run_scoped3A_67 = tpu.sem_alloc : memref<!tpu.dma_semaphore, #tpu.memory_space<semaphore_mem>>
      %dma_start3A = arith.constant 0 : i32
      %dma_start3A_68 = tpu.memref_slice %arg5[%run_scoped3A_61, %dma_start3A] : memref<8x128xi32, #tpu.memory_space<vmem>> -> memref<1x128xi32, #tpu.memory_space<vmem>>
      %dma_start3A_69 = tpu.memref_squeeze %dma_start3A_68 : memref<1x128xi32, #tpu.memory_space<vmem>> -> memref<128xi32, #tpu.memory_space<vmem>>
      %dma_start3A_70 = arith.constant 0 : i32
      %dma_start3A_71 = tpu.memref_slice %arg7[%dma_start3A_70] : memref<10240xf32, #tpu.memory_space<vmem_shared>> -> memref<10240xf32, #tpu.memory_space<vmem_shared>>
      tpu.enqueue_indirect_dma source(%arg6 : memref<128xf32, #tpu.memory_space<vmem>>) target(%dma_start3A_71 : memref<10240xf32, #tpu.memory_space<vmem_shared>>) offsets(%dma_start3A_69 : memref<128xi32, #tpu.memory_space<vmem>>) semaphore(%run_scoped3A_67 : memref<!tpu.dma_semaphore, #tpu.memory_space<semaphore_mem>>) {add = true}
      %dma_wait3A = arith.constant 0 : i32
      %dma_wait3A_72 = tpu.memref_slice %arg5[%run_scoped3A_61, %dma_wait3A] : memref<8x128xi32, #tpu.memory_space<vmem>> -> memref<1x128xi32, #tpu.memory_space<vmem>>
      %dma_wait3A_73 = tpu.memref_squeeze %dma_wait3A_72 : memref<1x128xi32, #tpu.memory_space<vmem>> -> memref<128xi32, #tpu.memory_space<vmem>>
      %dma_wait3A_74 = arith.constant 0 : i32
      %dma_wait3A_75 = tpu.memref_slice %arg7[%dma_wait3A_74] : memref<10240xf32, #tpu.memory_space<vmem_shared>> -> memref<10240xf32, #tpu.memory_space<vmem_shared>>
      tpu.wait_indirect_dma semaphore(%run_scoped3A_67 : memref<!tpu.dma_semaphore, #tpu.memory_space<semaphore_mem>>) src(%arg6 : memref<128xf32, #tpu.memory_space<vmem>>) dst(%dma_wait3A_75 : memref<10240xf32, #tpu.memory_space<vmem_shared>>)
      tpu.yield
    }) : () -> ()
    %run_scoped3A_62 = arith.constant 4 : i32
    "tpu.region"() ({
      %run_scoped3A_67 = tpu.sem_alloc : memref<!tpu.dma_semaphore, #tpu.memory_space<semaphore_mem>>
      %dma_start3A = arith.constant 0 : i32
      %dma_start3A_68 = tpu.memref_slice %arg5[%run_scoped3A_62, %dma_start3A] : memref<8x128xi32, #tpu.memory_space<vmem>> -> memref<1x128xi32, #tpu.memory_space<vmem>>
      %dma_start3A_69 = tpu.memref_squeeze %dma_start3A_68 : memref<1x128xi32, #tpu.memory_space<vmem>> -> memref<128xi32, #tpu.memory_space<vmem>>
      %dma_start3A_70 = arith.constant 0 : i32
      %dma_start3A_71 = tpu.memref_slice %arg7[%dma_start3A_70] : memref<10240xf32, #tpu.memory_space<vmem_shared>> -> memref<10240xf32, #tpu.memory_space<vmem_shared>>
      tpu.enqueue_indirect_dma source(%arg6 : memref<128xf32, #tpu.memory_space<vmem>>) target(%dma_start3A_71 : memref<10240xf32, #tpu.memory_space<vmem_shared>>) offsets(%dma_start3A_69 : memref<128xi32, #tpu.memory_space<vmem>>) semaphore(%run_scoped3A_67 : memref<!tpu.dma_semaphore, #tpu.memory_space<semaphore_mem>>) {add = true}
      %dma_wait3A = arith.constant 0 : i32
      %dma_wait3A_72 = tpu.memref_slice %arg5[%run_scoped3A_62, %dma_wait3A] : memref<8x128xi32, #tpu.memory_space<vmem>> -> memref<1x128xi32, #tpu.memory_space<vmem>>
      %dma_wait3A_73 = tpu.memref_squeeze %dma_wait3A_72 : memref<1x128xi32, #tpu.memory_space<vmem>> -> memref<128xi32, #tpu.memory_space<vmem>>
      %dma_wait3A_74 = arith.constant 0 : i32
      %dma_wait3A_75 = tpu.memref_slice %arg7[%dma_wait3A_74] : memref<10240xf32, #tpu.memory_space<vmem_shared>> -> memref<10240xf32, #tpu.memory_space<vmem_shared>>
      tpu.wait_indirect_dma semaphore(%run_scoped3A_67 : memref<!tpu.dma_semaphore, #tpu.memory_space<semaphore_mem>>) src(%arg6 : memref<128xf32, #tpu.memory_space<vmem>>) dst(%dma_wait3A_75 : memref<10240xf32, #tpu.memory_space<vmem_shared>>)
      tpu.yield
    }) : () -> ()
    %run_scoped3A_63 = arith.constant 5 : i32
    "tpu.region"() ({
      %run_scoped3A_67 = tpu.sem_alloc : memref<!tpu.dma_semaphore, #tpu.memory_space<semaphore_mem>>
      %dma_start3A = arith.constant 0 : i32
      %dma_start3A_68 = tpu.memref_slice %arg5[%run_scoped3A_63, %dma_start3A] : memref<8x128xi32, #tpu.memory_space<vmem>> -> memref<1x128xi32, #tpu.memory_space<vmem>>
      %dma_start3A_69 = tpu.memref_squeeze %dma_start3A_68 : memref<1x128xi32, #tpu.memory_space<vmem>> -> memref<128xi32, #tpu.memory_space<vmem>>
      %dma_start3A_70 = arith.constant 0 : i32
      %dma_start3A_71 = tpu.memref_slice %arg7[%dma_start3A_70] : memref<10240xf32, #tpu.memory_space<vmem_shared>> -> memref<10240xf32, #tpu.memory_space<vmem_shared>>
      tpu.enqueue_indirect_dma source(%arg6 : memref<128xf32, #tpu.memory_space<vmem>>) target(%dma_start3A_71 : memref<10240xf32, #tpu.memory_space<vmem_shared>>) offsets(%dma_start3A_69 : memref<128xi32, #tpu.memory_space<vmem>>) semaphore(%run_scoped3A_67 : memref<!tpu.dma_semaphore, #tpu.memory_space<semaphore_mem>>) {add = true}
      %dma_wait3A = arith.constant 0 : i32
      %dma_wait3A_72 = tpu.memref_slice %arg5[%run_scoped3A_63, %dma_wait3A] : memref<8x128xi32, #tpu.memory_space<vmem>> -> memref<1x128xi32, #tpu.memory_space<vmem>>
      %dma_wait3A_73 = tpu.memref_squeeze %dma_wait3A_72 : memref<1x128xi32, #tpu.memory_space<vmem>> -> memref<128xi32, #tpu.memory_space<vmem>>
      %dma_wait3A_74 = arith.constant 0 : i32
      %dma_wait3A_75 = tpu.memref_slice %arg7[%dma_wait3A_74] : memref<10240xf32, #tpu.memory_space<vmem_shared>> -> memref<10240xf32, #tpu.memory_space<vmem_shared>>
      tpu.wait_indirect_dma semaphore(%run_scoped3A_67 : memref<!tpu.dma_semaphore, #tpu.memory_space<semaphore_mem>>) src(%arg6 : memref<128xf32, #tpu.memory_space<vmem>>) dst(%dma_wait3A_75 : memref<10240xf32, #tpu.memory_space<vmem_shared>>)
      tpu.yield
    }) : () -> ()
    %lt3A = arith.constant 4 : i32
    %lt3A_64 = arith.cmpi slt, %add3A, %lt3A : i32
    %convert_element_type3A = arith.extui %lt3A_64 : i1 to i32
    %cond3A = arith.constant 0 : i32
    %cond3A_65 = arith.cmpi ne, %convert_element_type3A, %cond3A : i32
    scf.if %cond3A_65 {
      %add3A_67 = arith.constant 2496 : i32
      %add3A_68 = arith.addi %add3A_67, %add3A : i32
      %run_scoped3A_69 = arith.constant 1 : i32
      "tpu.region"() ({
        %run_scoped3A_71 = tpu.sem_alloc : memref<!tpu.dma_semaphore, #tpu.memory_space<semaphore_mem>>
        %dma_start3A = arith.constant 0 : i32
        %dma_start3A_72 = arith.constant 0 : i32
        %dma_start3A_73 = tpu.memref_slice %arg5[%dma_start3A, %dma_start3A_72] : memref<8x128xi32, #tpu.memory_space<vmem>> -> memref<1x128xi32, #tpu.memory_space<vmem>>
        %dma_start3A_74 = arith.constant 0 : i32
        %dma_start3A_75 = tpu.memref_slice %arg2[%run_scoped3A_69, %add3A_68, %dma_start3A_74] : memref<2x2500x128xi32, #tpu.memory_space<hbm>> -> memref<1x1x128xi32, #tpu.memory_space<hbm>>
        %dma_start3A_76 = tpu.memref_squeeze %dma_start3A_75 : memref<1x1x128xi32, #tpu.memory_space<hbm>> -> memref<1x128xi32, #tpu.memory_space<hbm>>
        %dma_start3A_77 = arith.constant 0 : i32
        %dma_start3A_78 = arith.constant 0 : i32
        %dma_start3A_79 = tpu.memref_slice %arg5[%dma_start3A_77, %dma_start3A_78] : memref<8x128xi32, #tpu.memory_space<vmem>> -> memref<1x128xi32, #tpu.memory_space<vmem>>
        %dma_start3A_80 = arith.constant 0 : i32
        %dma_start3A_81 = tpu.memref_slice %arg2[%run_scoped3A_69, %add3A_68, %dma_start3A_80] : memref<2x2500x128xi32, #tpu.memory_space<hbm>> -> memref<1x1x128xi32, #tpu.memory_space<hbm>>
        %dma_start3A_82 = tpu.memref_squeeze %dma_start3A_81 : memref<1x1x128xi32, #tpu.memory_space<hbm>> -> memref<1x128xi32, #tpu.memory_space<hbm>>
        tpu.enqueue_dma source(%dma_start3A_82 : memref<1x128xi32, #tpu.memory_space<hbm>>) target(%dma_start3A_79 : memref<1x128xi32, #tpu.memory_space<vmem>>) target_semaphore(%run_scoped3A_71 : memref<!tpu.dma_semaphore, #tpu.memory_space<semaphore_mem>>)
        %dma_wait3A = arith.constant 0 : i32
        %dma_wait3A_83 = arith.constant 0 : i32
        %dma_wait3A_84 = tpu.memref_slice %arg5[%dma_wait3A, %dma_wait3A_83] : memref<8x128xi32, #tpu.memory_space<vmem>> -> memref<1x128xi32, #tpu.memory_space<vmem>>
        %dma_wait3A_85 = arith.constant 0 : i32
        %dma_wait3A_86 = tpu.memref_slice %arg2[%run_scoped3A_69, %add3A_68, %dma_wait3A_85] : memref<2x2500x128xi32, #tpu.memory_space<hbm>> -> memref<1x1x128xi32, #tpu.memory_space<hbm>>
        %dma_wait3A_87 = tpu.memref_squeeze %dma_wait3A_86 : memref<1x1x128xi32, #tpu.memory_space<hbm>> -> memref<1x128xi32, #tpu.memory_space<hbm>>
        %dma_wait3A_88 = arith.constant 0 : i32
        %dma_wait3A_89 = arith.constant 0 : i32
        %dma_wait3A_90 = tpu.memref_slice %arg5[%dma_wait3A_88, %dma_wait3A_89] : memref<8x128xi32, #tpu.memory_space<vmem>> -> memref<1x128xi32, #tpu.memory_space<vmem>>
        %dma_wait3A_91 = arith.constant 0 : i32
        %dma_wait3A_92 = tpu.memref_slice %arg2[%run_scoped3A_69, %add3A_68, %dma_wait3A_91] : memref<2x2500x128xi32, #tpu.memory_space<hbm>> -> memref<1x1x128xi32, #tpu.memory_space<hbm>>
        %dma_wait3A_93 = tpu.memref_squeeze %dma_wait3A_92 : memref<1x1x128xi32, #tpu.memory_space<hbm>> -> memref<1x128xi32, #tpu.memory_space<hbm>>
        tpu.wait_dma2 semaphore(%run_scoped3A_71 : memref<!tpu.dma_semaphore, #tpu.memory_space<semaphore_mem>>) src(%dma_wait3A_93 : memref<1x128xi32, #tpu.memory_space<hbm>>) dst(%dma_wait3A_90 : memref<1x128xi32, #tpu.memory_space<vmem>>)
        tpu.yield
      }) : () -> ()
      %run_scoped3A_70 = arith.constant 0 : i32
      "tpu.region"() ({
        %run_scoped3A_71 = tpu.sem_alloc : memref<!tpu.dma_semaphore, #tpu.memory_space<semaphore_mem>>
        %dma_start3A = arith.constant 0 : i32
        %dma_start3A_72 = tpu.memref_slice %arg5[%run_scoped3A_70, %dma_start3A] : memref<8x128xi32, #tpu.memory_space<vmem>> -> memref<1x128xi32, #tpu.memory_space<vmem>>
        %dma_start3A_73 = tpu.memref_squeeze %dma_start3A_72 : memref<1x128xi32, #tpu.memory_space<vmem>> -> memref<128xi32, #tpu.memory_space<vmem>>
        %dma_start3A_74 = arith.constant 0 : i32
        %dma_start3A_75 = tpu.memref_slice %arg7[%dma_start3A_74] : memref<10240xf32, #tpu.memory_space<vmem_shared>> -> memref<10240xf32, #tpu.memory_space<vmem_shared>>
        tpu.enqueue_indirect_dma source(%arg6 : memref<128xf32, #tpu.memory_space<vmem>>) target(%dma_start3A_75 : memref<10240xf32, #tpu.memory_space<vmem_shared>>) offsets(%dma_start3A_73 : memref<128xi32, #tpu.memory_space<vmem>>) semaphore(%run_scoped3A_71 : memref<!tpu.dma_semaphore, #tpu.memory_space<semaphore_mem>>) {add = true}
        %dma_wait3A = arith.constant 0 : i32
        %dma_wait3A_76 = tpu.memref_slice %arg5[%run_scoped3A_70, %dma_wait3A] : memref<8x128xi32, #tpu.memory_space<vmem>> -> memref<1x128xi32, #tpu.memory_space<vmem>>
        %dma_wait3A_77 = tpu.memref_squeeze %dma_wait3A_76 : memref<1x128xi32, #tpu.memory_space<vmem>> -> memref<128xi32, #tpu.memory_space<vmem>>
        %dma_wait3A_78 = arith.constant 0 : i32
        %dma_wait3A_79 = tpu.memref_slice %arg7[%dma_wait3A_78] : memref<10240xf32, #tpu.memory_space<vmem_shared>> -> memref<10240xf32, #tpu.memory_space<vmem_shared>>
        tpu.wait_indirect_dma semaphore(%run_scoped3A_71 : memref<!tpu.dma_semaphore, #tpu.memory_space<semaphore_mem>>) src(%arg6 : memref<128xf32, #tpu.memory_space<vmem>>) dst(%dma_wait3A_79 : memref<10240xf32, #tpu.memory_space<vmem_shared>>)
        tpu.yield
      }) : () -> ()
    } else {
    }
    %barrier3A_66 = arith.constant 0 : index
    tpu.barrier barrier_id(%barrier3A_66)
    "tpu.region"() ({
      %run_scoped3A_67 = tpu.sem_alloc : memref<!tpu.dma_semaphore, #tpu.memory_space<semaphore_mem>>
      %dma_start3A = tpu.memref_slice %arg4[%arg0, %mul3A_2] : memref<2x10240xf32, #tpu.memory_space<hbm>> -> memref<1x640xf32, #tpu.memory_space<hbm>>
      %dma_start3A_68 = tpu.memref_squeeze %dma_start3A : memref<1x640xf32, #tpu.memory_space<hbm>> -> memref<640xf32, #tpu.memory_space<hbm>>
      %dma_start3A_69 = tpu.memref_slice %arg7[%mul3A_2] : memref<10240xf32, #tpu.memory_space<vmem_shared>> -> memref<640xf32, #tpu.memory_space<vmem_shared>>
      tpu.enqueue_dma source(%dma_start3A_69 : memref<640xf32, #tpu.memory_space<vmem_shared>>) target(%dma_start3A_68 : memref<640xf32, #tpu.memory_space<hbm>>) target_semaphore(%run_scoped3A_67 : memref<!tpu.dma_semaphore, #tpu.memory_space<semaphore_mem>>)
      %dma_wait3A = tpu.memref_slice %arg4[%arg0, %mul3A_2] : memref<2x10240xf32, #tpu.memory_space<hbm>> -> memref<1x640xf32, #tpu.memory_space<hbm>>
      %dma_wait3A_70 = tpu.memref_squeeze %dma_wait3A : memref<1x640xf32, #tpu.memory_space<hbm>> -> memref<640xf32, #tpu.memory_space<hbm>>
      %dma_wait3A_71 = tpu.memref_slice %arg7[%mul3A_2] : memref<10240xf32, #tpu.memory_space<vmem_shared>> -> memref<640xf32, #tpu.memory_space<vmem_shared>>
      tpu.wait_dma2 semaphore(%run_scoped3A_67 : memref<!tpu.dma_semaphore, #tpu.memory_space<semaphore_mem>>) src(%dma_wait3A_71 : memref<640xf32, #tpu.memory_space<vmem_shared>>) dst(%dma_wait3A_70 : memref<640xf32, #tpu.memory_space<hbm>>)
      tpu.yield
    }) : () -> ()
    return
  }
}

#map = affine_map<(d0, d1) -> (0, 0)>
#map1 = affine_map<(d0, d1) -> (0, 0, 0)>
module attributes {stable_mosaic.version = 14 : i64} {
  func.func @agg(%arg0: i32, %arg1: i32, %arg2: memref<10000x40xf32, #tpu.memory_space<hbm>>, %arg3: memref<2x2500x128xi32, #tpu.memory_space<hbm>>, %arg4: memref<10240x40xf32, #tpu.memory_space<hbm>>, %arg5: memref<2x10240x40xf32, #tpu.memory_space<hbm>>, %arg6: memref<8x128xi32, #tpu.memory_space<vmem>>, %arg7: memref<8x128xi32, #tpu.memory_space<vmem>>, %arg8: memref<8x128xi32, #tpu.memory_space<vmem>>, %arg9: memref<8x128xi32, #tpu.memory_space<vmem>>, %arg10: memref<128x40xf32, #tpu.memory_space<vmem>>, %arg11: memref<128x40xf32, #tpu.memory_space<vmem>>, %arg12: memref<128x40xf32, #tpu.memory_space<vmem>>, %arg13: memref<128x40xf32, #tpu.memory_space<vmem>>, %arg14: memref<128x40xf32, #tpu.memory_space<vmem>>, %arg15: memref<128x40xf32, #tpu.memory_space<vmem>>, %arg16: memref<128x40xf32, #tpu.memory_space<vmem>>, %arg17: memref<128x40xf32, #tpu.memory_space<vmem>>, %arg18: memref<128x40xf32, #tpu.memory_space<vmem>>, %arg19: memref<128x40xf32, #tpu.memory_space<vmem>>, %arg20: memref<128x40xf32, #tpu.memory_space<vmem>>, %arg21: memref<128x40xf32, #tpu.memory_space<vmem>>, %arg22: memref<128x40xf32, #tpu.memory_space<vmem>>, %arg23: memref<128x40xf32, #tpu.memory_space<vmem>>, %arg24: memref<128x40xf32, #tpu.memory_space<vmem>>, %arg25: memref<128x40xf32, #tpu.memory_space<vmem>>, %arg26: memref<10240x40xf32, #tpu.memory_space<vmem_shared>>, %arg27: memref<!tpu.dma_semaphore, #tpu.memory_space<semaphore_mem>>, %arg28: memref<!tpu.dma_semaphore, #tpu.memory_space<semaphore_mem>>, %arg29: memref<!tpu.dma_semaphore, #tpu.memory_space<semaphore_mem>>, %arg30: memref<!tpu.dma_semaphore, #tpu.memory_space<semaphore_mem>>, %arg31: memref<!tpu.dma_semaphore, #tpu.memory_space<semaphore_mem>>, %arg32: memref<!tpu.dma_semaphore, #tpu.memory_space<semaphore_mem>>, %arg33: memref<!tpu.dma_semaphore, #tpu.memory_space<semaphore_mem>>, %arg34: memref<!tpu.dma_semaphore, #tpu.memory_space<semaphore_mem>>, %arg35: memref<!tpu.dma_semaphore, #tpu.memory_space<semaphore_mem>>, %arg36: memref<!tpu.dma_semaphore, #tpu.memory_space<semaphore_mem>>, %arg37: memref<!tpu.dma_semaphore, #tpu.memory_space<semaphore_mem>>, %arg38: memref<!tpu.dma_semaphore, #tpu.memory_space<semaphore_mem>>, %arg39: memref<!tpu.dma_semaphore, #tpu.memory_space<semaphore_mem>>, %arg40: memref<!tpu.dma_semaphore, #tpu.memory_space<semaphore_mem>>, %arg41: memref<!tpu.dma_semaphore, #tpu.memory_space<semaphore_mem>>, %arg42: memref<!tpu.dma_semaphore, #tpu.memory_space<semaphore_mem>>, %arg43: memref<!tpu.dma_semaphore, #tpu.memory_space<semaphore_mem>>, %arg44: memref<!tpu.dma_semaphore, #tpu.memory_space<semaphore_mem>>, %arg45: memref<!tpu.dma_semaphore, #tpu.memory_space<semaphore_mem>>, %arg46: memref<!tpu.dma_semaphore, #tpu.memory_space<semaphore_mem>>) attributes {dimension_semantics = [#tpu.dimension_semantics<core_parallel>, #tpu.dimension_semantics<subcore_parallel>], iteration_bounds = array<i64: 2, 16>, scalar_prefetch = 0 : i64, scratch_operands = 41 : i64, tpu.core_type = #tpu.core_type<sc_vector_subcore>, window_params = [{transform_indices = #map}, {transform_indices = #map1}, {transform_indices = #map}, {transform_indices = #map1}]} {
    %mul3A = arith.constant 640 : i32
    %mul3A_0 = arith.muli %arg1, %mul3A : i32
    "tpu.region"() ({
      %run_scoped3A_125 = tpu.sem_alloc : memref<!tpu.dma_semaphore, #tpu.memory_space<semaphore_mem>>
      %dma_start3A = arith.constant 0 : i32
      %dma_start3A_126 = tpu.memref_slice %arg26[%mul3A_0, %dma_start3A] : memref<10240x40xf32, #tpu.memory_space<vmem_shared>> -> memref<640x40xf32, #tpu.memory_space<vmem_shared>>
      %dma_start3A_127 = arith.constant 0 : i32
      %dma_start3A_128 = tpu.memref_slice %arg4[%mul3A_0, %dma_start3A_127] : memref<10240x40xf32, #tpu.memory_space<hbm>> -> memref<640x40xf32, #tpu.memory_space<hbm>>
      tpu.enqueue_dma source(%dma_start3A_128 : memref<640x40xf32, #tpu.memory_space<hbm>>) target(%dma_start3A_126 : memref<640x40xf32, #tpu.memory_space<vmem_shared>>) target_semaphore(%run_scoped3A_125 : memref<!tpu.dma_semaphore, #tpu.memory_space<semaphore_mem>>)
      %dma_wait3A_129 = arith.constant 0 : i32
      %dma_wait3A_130 = tpu.memref_slice %arg26[%mul3A_0, %dma_wait3A_129] : memref<10240x40xf32, #tpu.memory_space<vmem_shared>> -> memref<640x40xf32, #tpu.memory_space<vmem_shared>>
      %dma_wait3A_131 = arith.constant 0 : i32
      %dma_wait3A_132 = tpu.memref_slice %arg4[%mul3A_0, %dma_wait3A_131] : memref<10240x40xf32, #tpu.memory_space<hbm>> -> memref<640x40xf32, #tpu.memory_space<hbm>>
      tpu.wait_dma2 semaphore(%run_scoped3A_125 : memref<!tpu.dma_semaphore, #tpu.memory_space<semaphore_mem>>) src(%dma_wait3A_132 : memref<640x40xf32, #tpu.memory_space<hbm>>) dst(%dma_wait3A_130 : memref<640x40xf32, #tpu.memory_space<vmem_shared>>)
      tpu.yield
    }) : () -> ()
    %barrier3A = arith.constant 0 : index
    tpu.barrier barrier_id(%barrier3A)
    %mul3A_1 = arith.constant 16 : i32
    %mul3A_2 = arith.muli %arg0, %mul3A_1 : i32
    %add3A = arith.addi %mul3A_2, %arg1 : i32
    %mul3A_3 = arith.constant 78 : i32
    %mul3A_4 = arith.muli %add3A, %mul3A_3 : i32
    %scan3A = arith.constant 0 : i32
    %scan3A_5 = arith.constant 0 : i32
    %scan3A_6 = arith.constant 9 : i32
    %scan3A_7 = arith.addi %scan3A_5, %scan3A_6 : i32
    %scan3A_8 = arith.constant 1 : i32
    scf.for %scan3A_125 = %scan3A_5 to %scan3A_7 step %scan3A_8  : i32 {
      %mul3A_126 = arith.constant 8 : i32
      %mul3A_127 = arith.muli %scan3A_125, %mul3A_126 : i32
      %add3A_128 = arith.addi %mul3A_4, %mul3A_127 : i32
      %rem3A = arith.constant 2 : i32
      %rem3A_129 = arith.remsi %scan3A_125, %rem3A : i32
      %eq3A = arith.constant 0 : i32
      %eq3A_130 = arith.cmpi eq, %rem3A_129, %eq3A : i32
      %convert_element_type3A_131 = arith.extui %eq3A_130 : i1 to i32
      %cond3A_132 = arith.constant 0 : i32
      %cond3A_133 = arith.cmpi ne, %convert_element_type3A_131, %cond3A_132 : i32
      scf.if %cond3A_133 {
        %run_scoped3A_139 = arith.constant 0 : i32
        "tpu.region"() ({
          %run_scoped3A_317 = tpu.sem_alloc : memref<!tpu.dma_semaphore, #tpu.memory_space<semaphore_mem>>
          %dma_start3A_318 = arith.constant 0 : i32
          %dma_start3A_319 = tpu.memref_slice %arg3[%run_scoped3A_139, %add3A_128, %dma_start3A_318] : memref<2x2500x128xi32, #tpu.memory_space<hbm>> -> memref<1x8x128xi32, #tpu.memory_space<hbm>>
          %dma_start3A_320 = tpu.memref_squeeze %dma_start3A_319 : memref<1x8x128xi32, #tpu.memory_space<hbm>> -> memref<8x128xi32, #tpu.memory_space<hbm>>
          %dma_start3A_321 = arith.constant 0 : i32
          %dma_start3A_322 = tpu.memref_slice %arg3[%run_scoped3A_139, %add3A_128, %dma_start3A_321] : memref<2x2500x128xi32, #tpu.memory_space<hbm>> -> memref<1x8x128xi32, #tpu.memory_space<hbm>>
          %dma_start3A_323 = tpu.memref_squeeze %dma_start3A_322 : memref<1x8x128xi32, #tpu.memory_space<hbm>> -> memref<8x128xi32, #tpu.memory_space<hbm>>
          tpu.enqueue_dma source(%dma_start3A_323 : memref<8x128xi32, #tpu.memory_space<hbm>>) target(%arg6 : memref<8x128xi32, #tpu.memory_space<vmem>>) target_semaphore(%run_scoped3A_317 : memref<!tpu.dma_semaphore, #tpu.memory_space<semaphore_mem>>)
          %dma_wait3A_324 = arith.constant 0 : i32
          %dma_wait3A_325 = tpu.memref_slice %arg3[%run_scoped3A_139, %add3A_128, %dma_wait3A_324] : memref<2x2500x128xi32, #tpu.memory_space<hbm>> -> memref<1x8x128xi32, #tpu.memory_space<hbm>>
          %dma_wait3A_326 = tpu.memref_squeeze %dma_wait3A_325 : memref<1x8x128xi32, #tpu.memory_space<hbm>> -> memref<8x128xi32, #tpu.memory_space<hbm>>
          %dma_wait3A_327 = arith.constant 0 : i32
          %dma_wait3A_328 = tpu.memref_slice %arg3[%run_scoped3A_139, %add3A_128, %dma_wait3A_327] : memref<2x2500x128xi32, #tpu.memory_space<hbm>> -> memref<1x8x128xi32, #tpu.memory_space<hbm>>
          %dma_wait3A_329 = tpu.memref_squeeze %dma_wait3A_328 : memref<1x8x128xi32, #tpu.memory_space<hbm>> -> memref<8x128xi32, #tpu.memory_space<hbm>>
          tpu.wait_dma2 semaphore(%run_scoped3A_317 : memref<!tpu.dma_semaphore, #tpu.memory_space<semaphore_mem>>) src(%dma_wait3A_329 : memref<8x128xi32, #tpu.memory_space<hbm>>) dst(%arg6 : memref<8x128xi32, #tpu.memory_space<vmem>>)
          tpu.yield
        }) : () -> ()
        %run_scoped3A_140 = arith.constant 1 : i32
        "tpu.region"() ({
          %run_scoped3A_317 = tpu.sem_alloc : memref<!tpu.dma_semaphore, #tpu.memory_space<semaphore_mem>>
          %dma_start3A_318 = arith.constant 0 : i32
          %dma_start3A_319 = tpu.memref_slice %arg3[%run_scoped3A_140, %add3A_128, %dma_start3A_318] : memref<2x2500x128xi32, #tpu.memory_space<hbm>> -> memref<1x8x128xi32, #tpu.memory_space<hbm>>
          %dma_start3A_320 = tpu.memref_squeeze %dma_start3A_319 : memref<1x8x128xi32, #tpu.memory_space<hbm>> -> memref<8x128xi32, #tpu.memory_space<hbm>>
          %dma_start3A_321 = arith.constant 0 : i32
          %dma_start3A_322 = tpu.memref_slice %arg3[%run_scoped3A_140, %add3A_128, %dma_start3A_321] : memref<2x2500x128xi32, #tpu.memory_space<hbm>> -> memref<1x8x128xi32, #tpu.memory_space<hbm>>
          %dma_start3A_323 = tpu.memref_squeeze %dma_start3A_322 : memref<1x8x128xi32, #tpu.memory_space<hbm>> -> memref<8x128xi32, #tpu.memory_space<hbm>>
          tpu.enqueue_dma source(%dma_start3A_323 : memref<8x128xi32, #tpu.memory_space<hbm>>) target(%arg8 : memref<8x128xi32, #tpu.memory_space<vmem>>) target_semaphore(%run_scoped3A_317 : memref<!tpu.dma_semaphore, #tpu.memory_space<semaphore_mem>>)
          %dma_wait3A_324 = arith.constant 0 : i32
          %dma_wait3A_325 = tpu.memref_slice %arg3[%run_scoped3A_140, %add3A_128, %dma_wait3A_324] : memref<2x2500x128xi32, #tpu.memory_space<hbm>> -> memref<1x8x128xi32, #tpu.memory_space<hbm>>
          %dma_wait3A_326 = tpu.memref_squeeze %dma_wait3A_325 : memref<1x8x128xi32, #tpu.memory_space<hbm>> -> memref<8x128xi32, #tpu.memory_space<hbm>>
          %dma_wait3A_327 = arith.constant 0 : i32
          %dma_wait3A_328 = tpu.memref_slice %arg3[%run_scoped3A_140, %add3A_128, %dma_wait3A_327] : memref<2x2500x128xi32, #tpu.memory_space<hbm>> -> memref<1x8x128xi32, #tpu.memory_space<hbm>>
          %dma_wait3A_329 = tpu.memref_squeeze %dma_wait3A_328 : memref<1x8x128xi32, #tpu.memory_space<hbm>> -> memref<8x128xi32, #tpu.memory_space<hbm>>
          tpu.wait_dma2 semaphore(%run_scoped3A_317 : memref<!tpu.dma_semaphore, #tpu.memory_space<semaphore_mem>>) src(%dma_wait3A_329 : memref<8x128xi32, #tpu.memory_space<hbm>>) dst(%arg8 : memref<8x128xi32, #tpu.memory_space<vmem>>)
          tpu.yield
        }) : () -> ()
        %ge3A = arith.constant 2 : i32
        %ge3A_141 = arith.cmpi sge, %scan3A_125, %ge3A : i32
        %convert_element_type3A_142 = arith.extui %ge3A_141 : i1 to i32
        %cond3A_143 = arith.constant 0 : i32
        %cond3A_144 = arith.cmpi ne, %convert_element_type3A_142, %cond3A_143 : i32
        scf.if %cond3A_144 {
          %dma_wait3A_317 = arith.constant 0 : i32
          %dma_wait3A_318 = arith.constant 0 : i32
          %dma_wait3A_319 = tpu.memref_slice %arg2[%dma_wait3A_317, %dma_wait3A_318] : memref<10000x40xf32, #tpu.memory_space<hbm>> -> memref<128x40xf32, #tpu.memory_space<hbm>>
          %dma_wait3A_320 = arith.constant 0 : i32
          %dma_wait3A_321 = arith.constant 0 : i32
          %dma_wait3A_322 = tpu.memref_slice %arg2[%dma_wait3A_320, %dma_wait3A_321] : memref<10000x40xf32, #tpu.memory_space<hbm>> -> memref<128x40xf32, #tpu.memory_space<hbm>>
          tpu.wait_dma2 semaphore(%arg43 : memref<!tpu.dma_semaphore, #tpu.memory_space<semaphore_mem>>) src(%dma_wait3A_322 : memref<128x40xf32, #tpu.memory_space<hbm>>) dst(%arg10 : memref<128x40xf32, #tpu.memory_space<vmem>>)
          %dma_wait3A_323 = arith.constant 0 : i32
          %dma_wait3A_324 = arith.constant 0 : i32
          %dma_wait3A_325 = tpu.memref_slice %arg2[%dma_wait3A_323, %dma_wait3A_324] : memref<10000x40xf32, #tpu.memory_space<hbm>> -> memref<128x40xf32, #tpu.memory_space<hbm>>
          %dma_wait3A_326 = arith.constant 0 : i32
          %dma_wait3A_327 = arith.constant 0 : i32
          %dma_wait3A_328 = tpu.memref_slice %arg2[%dma_wait3A_326, %dma_wait3A_327] : memref<10000x40xf32, #tpu.memory_space<hbm>> -> memref<128x40xf32, #tpu.memory_space<hbm>>
          tpu.wait_dma2 semaphore(%arg43 : memref<!tpu.dma_semaphore, #tpu.memory_space<semaphore_mem>>) src(%dma_wait3A_328 : memref<128x40xf32, #tpu.memory_space<hbm>>) dst(%arg10 : memref<128x40xf32, #tpu.memory_space<vmem>>)
          %dma_wait3A_329 = arith.constant 0 : i32
          %dma_wait3A_330 = arith.constant 0 : i32
          %dma_wait3A_331 = tpu.memref_slice %arg2[%dma_wait3A_329, %dma_wait3A_330] : memref<10000x40xf32, #tpu.memory_space<hbm>> -> memref<128x40xf32, #tpu.memory_space<hbm>>
          %dma_wait3A_332 = arith.constant 0 : i32
          %dma_wait3A_333 = arith.constant 0 : i32
          %dma_wait3A_334 = tpu.memref_slice %arg2[%dma_wait3A_332, %dma_wait3A_333] : memref<10000x40xf32, #tpu.memory_space<hbm>> -> memref<128x40xf32, #tpu.memory_space<hbm>>
          tpu.wait_dma2 semaphore(%arg43 : memref<!tpu.dma_semaphore, #tpu.memory_space<semaphore_mem>>) src(%dma_wait3A_334 : memref<128x40xf32, #tpu.memory_space<hbm>>) dst(%arg10 : memref<128x40xf32, #tpu.memory_space<vmem>>)
          %dma_wait3A_335 = arith.constant 0 : i32
          %dma_wait3A_336 = arith.constant 0 : i32
          %dma_wait3A_337 = tpu.memref_slice %arg2[%dma_wait3A_335, %dma_wait3A_336] : memref<10000x40xf32, #tpu.memory_space<hbm>> -> memref<128x40xf32, #tpu.memory_space<hbm>>
          %dma_wait3A_338 = arith.constant 0 : i32
          %dma_wait3A_339 = arith.constant 0 : i32
          %dma_wait3A_340 = tpu.memref_slice %arg2[%dma_wait3A_338, %dma_wait3A_339] : memref<10000x40xf32, #tpu.memory_space<hbm>> -> memref<128x40xf32, #tpu.memory_space<hbm>>
          tpu.wait_dma2 semaphore(%arg43 : memref<!tpu.dma_semaphore, #tpu.memory_space<semaphore_mem>>) src(%dma_wait3A_340 : memref<128x40xf32, #tpu.memory_space<hbm>>) dst(%arg10 : memref<128x40xf32, #tpu.memory_space<vmem>>)
        } else {
        }
        %dma_start3A = arith.constant 0 : i32
        %dma_start3A_145 = arith.constant 0 : i32
        %dma_start3A_146 = tpu.memref_slice %arg6[%dma_start3A, %dma_start3A_145] : memref<8x128xi32, #tpu.memory_space<vmem>> -> memref<1x128xi32, #tpu.memory_space<vmem>>
        %dma_start3A_147 = tpu.memref_squeeze %dma_start3A_146 : memref<1x128xi32, #tpu.memory_space<vmem>> -> memref<128xi32, #tpu.memory_space<vmem>>
        %dma_start3A_148 = arith.constant 0 : i32
        %dma_start3A_149 = arith.constant 0 : i32
        %dma_start3A_150 = tpu.memref_slice %arg2[%dma_start3A_148, %dma_start3A_149] : memref<10000x40xf32, #tpu.memory_space<hbm>> -> memref<10000x40xf32, #tpu.memory_space<hbm>>
        tpu.enqueue_indirect_dma source(%dma_start3A_150 : memref<10000x40xf32, #tpu.memory_space<hbm>>) target(%arg10 : memref<128x40xf32, #tpu.memory_space<vmem>>) offsets(%dma_start3A_147 : memref<128xi32, #tpu.memory_space<vmem>>) semaphore(%arg27 : memref<!tpu.dma_semaphore, #tpu.memory_space<semaphore_mem>>)
        %dma_start3A_151 = arith.constant 1 : i32
        %dma_start3A_152 = arith.constant 0 : i32
        %dma_start3A_153 = tpu.memref_slice %arg6[%dma_start3A_151, %dma_start3A_152] : memref<8x128xi32, #tpu.memory_space<vmem>> -> memref<1x128xi32, #tpu.memory_space<vmem>>
        %dma_start3A_154 = tpu.memref_squeeze %dma_start3A_153 : memref<1x128xi32, #tpu.memory_space<vmem>> -> memref<128xi32, #tpu.memory_space<vmem>>
        %dma_start3A_155 = arith.constant 0 : i32
        %dma_start3A_156 = arith.constant 0 : i32
        %dma_start3A_157 = tpu.memref_slice %arg2[%dma_start3A_155, %dma_start3A_156] : memref<10000x40xf32, #tpu.memory_space<hbm>> -> memref<10000x40xf32, #tpu.memory_space<hbm>>
        tpu.enqueue_indirect_dma source(%dma_start3A_157 : memref<10000x40xf32, #tpu.memory_space<hbm>>) target(%arg11 : memref<128x40xf32, #tpu.memory_space<vmem>>) offsets(%dma_start3A_154 : memref<128xi32, #tpu.memory_space<vmem>>) semaphore(%arg28 : memref<!tpu.dma_semaphore, #tpu.memory_space<semaphore_mem>>)
        %dma_start3A_158 = arith.constant 2 : i32
        %dma_start3A_159 = arith.constant 0 : i32
        %dma_start3A_160 = tpu.memref_slice %arg6[%dma_start3A_158, %dma_start3A_159] : memref<8x128xi32, #tpu.memory_space<vmem>> -> memref<1x128xi32, #tpu.memory_space<vmem>>
        %dma_start3A_161 = tpu.memref_squeeze %dma_start3A_160 : memref<1x128xi32, #tpu.memory_space<vmem>> -> memref<128xi32, #tpu.memory_space<vmem>>
        %dma_start3A_162 = arith.constant 0 : i32
        %dma_start3A_163 = arith.constant 0 : i32
        %dma_start3A_164 = tpu.memref_slice %arg2[%dma_start3A_162, %dma_start3A_163] : memref<10000x40xf32, #tpu.memory_space<hbm>> -> memref<10000x40xf32, #tpu.memory_space<hbm>>
        tpu.enqueue_indirect_dma source(%dma_start3A_164 : memref<10000x40xf32, #tpu.memory_space<hbm>>) target(%arg12 : memref<128x40xf32, #tpu.memory_space<vmem>>) offsets(%dma_start3A_161 : memref<128xi32, #tpu.memory_space<vmem>>) semaphore(%arg29 : memref<!tpu.dma_semaphore, #tpu.memory_space<semaphore_mem>>)
        %dma_start3A_165 = arith.constant 3 : i32
        %dma_start3A_166 = arith.constant 0 : i32
        %dma_start3A_167 = tpu.memref_slice %arg6[%dma_start3A_165, %dma_start3A_166] : memref<8x128xi32, #tpu.memory_space<vmem>> -> memref<1x128xi32, #tpu.memory_space<vmem>>
        %dma_start3A_168 = tpu.memref_squeeze %dma_start3A_167 : memref<1x128xi32, #tpu.memory_space<vmem>> -> memref<128xi32, #tpu.memory_space<vmem>>
        %dma_start3A_169 = arith.constant 0 : i32
        %dma_start3A_170 = arith.constant 0 : i32
        %dma_start3A_171 = tpu.memref_slice %arg2[%dma_start3A_169, %dma_start3A_170] : memref<10000x40xf32, #tpu.memory_space<hbm>> -> memref<10000x40xf32, #tpu.memory_space<hbm>>
        tpu.enqueue_indirect_dma source(%dma_start3A_171 : memref<10000x40xf32, #tpu.memory_space<hbm>>) target(%arg13 : memref<128x40xf32, #tpu.memory_space<vmem>>) offsets(%dma_start3A_168 : memref<128xi32, #tpu.memory_space<vmem>>) semaphore(%arg30 : memref<!tpu.dma_semaphore, #tpu.memory_space<semaphore_mem>>)
        %dma_wait3A_172 = arith.constant 0 : i32
        %dma_wait3A_173 = arith.constant 0 : i32
        %dma_wait3A_174 = tpu.memref_slice %arg6[%dma_wait3A_172, %dma_wait3A_173] : memref<8x128xi32, #tpu.memory_space<vmem>> -> memref<1x128xi32, #tpu.memory_space<vmem>>
        %dma_wait3A_175 = tpu.memref_squeeze %dma_wait3A_174 : memref<1x128xi32, #tpu.memory_space<vmem>> -> memref<128xi32, #tpu.memory_space<vmem>>
        %dma_wait3A_176 = arith.constant 0 : i32
        %dma_wait3A_177 = arith.constant 0 : i32
        %dma_wait3A_178 = tpu.memref_slice %arg2[%dma_wait3A_176, %dma_wait3A_177] : memref<10000x40xf32, #tpu.memory_space<hbm>> -> memref<10000x40xf32, #tpu.memory_space<hbm>>
        tpu.wait_indirect_dma semaphore(%arg27 : memref<!tpu.dma_semaphore, #tpu.memory_space<semaphore_mem>>) src(%dma_wait3A_178 : memref<10000x40xf32, #tpu.memory_space<hbm>>) dst(%arg10 : memref<128x40xf32, #tpu.memory_space<vmem>>)
        %dma_start3A_179 = arith.constant 0 : i32
        %dma_start3A_180 = arith.constant 0 : i32
        %dma_start3A_181 = tpu.memref_slice %arg8[%dma_start3A_179, %dma_start3A_180] : memref<8x128xi32, #tpu.memory_space<vmem>> -> memref<1x128xi32, #tpu.memory_space<vmem>>
        %dma_start3A_182 = tpu.memref_squeeze %dma_start3A_181 : memref<1x128xi32, #tpu.memory_space<vmem>> -> memref<128xi32, #tpu.memory_space<vmem>>
        %dma_start3A_183 = arith.constant 0 : i32
        %dma_start3A_184 = arith.constant 0 : i32
        %dma_start3A_185 = tpu.memref_slice %arg26[%dma_start3A_183, %dma_start3A_184] : memref<10240x40xf32, #tpu.memory_space<vmem_shared>> -> memref<10240x40xf32, #tpu.memory_space<vmem_shared>>
        tpu.enqueue_indirect_dma source(%arg10 : memref<128x40xf32, #tpu.memory_space<vmem>>) target(%dma_start3A_185 : memref<10240x40xf32, #tpu.memory_space<vmem_shared>>) offsets(%dma_start3A_182 : memref<128xi32, #tpu.memory_space<vmem>>) semaphore(%arg43 : memref<!tpu.dma_semaphore, #tpu.memory_space<semaphore_mem>>) {add = true}
        %dma_wait3A_186 = arith.constant 1 : i32
        %dma_wait3A_187 = arith.constant 0 : i32
        %dma_wait3A_188 = tpu.memref_slice %arg6[%dma_wait3A_186, %dma_wait3A_187] : memref<8x128xi32, #tpu.memory_space<vmem>> -> memref<1x128xi32, #tpu.memory_space<vmem>>
        %dma_wait3A_189 = tpu.memref_squeeze %dma_wait3A_188 : memref<1x128xi32, #tpu.memory_space<vmem>> -> memref<128xi32, #tpu.memory_space<vmem>>
        %dma_wait3A_190 = arith.constant 0 : i32
        %dma_wait3A_191 = arith.constant 0 : i32
        %dma_wait3A_192 = tpu.memref_slice %arg2[%dma_wait3A_190, %dma_wait3A_191] : memref<10000x40xf32, #tpu.memory_space<hbm>> -> memref<10000x40xf32, #tpu.memory_space<hbm>>
        tpu.wait_indirect_dma semaphore(%arg28 : memref<!tpu.dma_semaphore, #tpu.memory_space<semaphore_mem>>) src(%dma_wait3A_192 : memref<10000x40xf32, #tpu.memory_space<hbm>>) dst(%arg11 : memref<128x40xf32, #tpu.memory_space<vmem>>)
        %dma_start3A_193 = arith.constant 1 : i32
        %dma_start3A_194 = arith.constant 0 : i32
        %dma_start3A_195 = tpu.memref_slice %arg8[%dma_start3A_193, %dma_start3A_194] : memref<8x128xi32, #tpu.memory_space<vmem>> -> memref<1x128xi32, #tpu.memory_space<vmem>>
        %dma_start3A_196 = tpu.memref_squeeze %dma_start3A_195 : memref<1x128xi32, #tpu.memory_space<vmem>> -> memref<128xi32, #tpu.memory_space<vmem>>
        %dma_start3A_197 = arith.constant 0 : i32
        %dma_start3A_198 = arith.constant 0 : i32
        %dma_start3A_199 = tpu.memref_slice %arg26[%dma_start3A_197, %dma_start3A_198] : memref<10240x40xf32, #tpu.memory_space<vmem_shared>> -> memref<10240x40xf32, #tpu.memory_space<vmem_shared>>
        tpu.enqueue_indirect_dma source(%arg11 : memref<128x40xf32, #tpu.memory_space<vmem>>) target(%dma_start3A_199 : memref<10240x40xf32, #tpu.memory_space<vmem_shared>>) offsets(%dma_start3A_196 : memref<128xi32, #tpu.memory_space<vmem>>) semaphore(%arg43 : memref<!tpu.dma_semaphore, #tpu.memory_space<semaphore_mem>>) {add = true}
        %dma_wait3A_200 = arith.constant 2 : i32
        %dma_wait3A_201 = arith.constant 0 : i32
        %dma_wait3A_202 = tpu.memref_slice %arg6[%dma_wait3A_200, %dma_wait3A_201] : memref<8x128xi32, #tpu.memory_space<vmem>> -> memref<1x128xi32, #tpu.memory_space<vmem>>
        %dma_wait3A_203 = tpu.memref_squeeze %dma_wait3A_202 : memref<1x128xi32, #tpu.memory_space<vmem>> -> memref<128xi32, #tpu.memory_space<vmem>>
        %dma_wait3A_204 = arith.constant 0 : i32
        %dma_wait3A_205 = arith.constant 0 : i32
        %dma_wait3A_206 = tpu.memref_slice %arg2[%dma_wait3A_204, %dma_wait3A_205] : memref<10000x40xf32, #tpu.memory_space<hbm>> -> memref<10000x40xf32, #tpu.memory_space<hbm>>
        tpu.wait_indirect_dma semaphore(%arg29 : memref<!tpu.dma_semaphore, #tpu.memory_space<semaphore_mem>>) src(%dma_wait3A_206 : memref<10000x40xf32, #tpu.memory_space<hbm>>) dst(%arg12 : memref<128x40xf32, #tpu.memory_space<vmem>>)
        %dma_start3A_207 = arith.constant 2 : i32
        %dma_start3A_208 = arith.constant 0 : i32
        %dma_start3A_209 = tpu.memref_slice %arg8[%dma_start3A_207, %dma_start3A_208] : memref<8x128xi32, #tpu.memory_space<vmem>> -> memref<1x128xi32, #tpu.memory_space<vmem>>
        %dma_start3A_210 = tpu.memref_squeeze %dma_start3A_209 : memref<1x128xi32, #tpu.memory_space<vmem>> -> memref<128xi32, #tpu.memory_space<vmem>>
        %dma_start3A_211 = arith.constant 0 : i32
        %dma_start3A_212 = arith.constant 0 : i32
        %dma_start3A_213 = tpu.memref_slice %arg26[%dma_start3A_211, %dma_start3A_212] : memref<10240x40xf32, #tpu.memory_space<vmem_shared>> -> memref<10240x40xf32, #tpu.memory_space<vmem_shared>>
        tpu.enqueue_indirect_dma source(%arg12 : memref<128x40xf32, #tpu.memory_space<vmem>>) target(%dma_start3A_213 : memref<10240x40xf32, #tpu.memory_space<vmem_shared>>) offsets(%dma_start3A_210 : memref<128xi32, #tpu.memory_space<vmem>>) semaphore(%arg43 : memref<!tpu.dma_semaphore, #tpu.memory_space<semaphore_mem>>) {add = true}
        %dma_wait3A_214 = arith.constant 3 : i32
        %dma_wait3A_215 = arith.constant 0 : i32
        %dma_wait3A_216 = tpu.memref_slice %arg6[%dma_wait3A_214, %dma_wait3A_215] : memref<8x128xi32, #tpu.memory_space<vmem>> -> memref<1x128xi32, #tpu.memory_space<vmem>>
        %dma_wait3A_217 = tpu.memref_squeeze %dma_wait3A_216 : memref<1x128xi32, #tpu.memory_space<vmem>> -> memref<128xi32, #tpu.memory_space<vmem>>
        %dma_wait3A_218 = arith.constant 0 : i32
        %dma_wait3A_219 = arith.constant 0 : i32
        %dma_wait3A_220 = tpu.memref_slice %arg2[%dma_wait3A_218, %dma_wait3A_219] : memref<10000x40xf32, #tpu.memory_space<hbm>> -> memref<10000x40xf32, #tpu.memory_space<hbm>>
        tpu.wait_indirect_dma semaphore(%arg30 : memref<!tpu.dma_semaphore, #tpu.memory_space<semaphore_mem>>) src(%dma_wait3A_220 : memref<10000x40xf32, #tpu.memory_space<hbm>>) dst(%arg13 : memref<128x40xf32, #tpu.memory_space<vmem>>)
        %dma_start3A_221 = arith.constant 3 : i32
        %dma_start3A_222 = arith.constant 0 : i32
        %dma_start3A_223 = tpu.memref_slice %arg8[%dma_start3A_221, %dma_start3A_222] : memref<8x128xi32, #tpu.memory_space<vmem>> -> memref<1x128xi32, #tpu.memory_space<vmem>>
        %dma_start3A_224 = tpu.memref_squeeze %dma_start3A_223 : memref<1x128xi32, #tpu.memory_space<vmem>> -> memref<128xi32, #tpu.memory_space<vmem>>
        %dma_start3A_225 = arith.constant 0 : i32
        %dma_start3A_226 = arith.constant 0 : i32
        %dma_start3A_227 = tpu.memref_slice %arg26[%dma_start3A_225, %dma_start3A_226] : memref<10240x40xf32, #tpu.memory_space<vmem_shared>> -> memref<10240x40xf32, #tpu.memory_space<vmem_shared>>
        tpu.enqueue_indirect_dma source(%arg13 : memref<128x40xf32, #tpu.memory_space<vmem>>) target(%dma_start3A_227 : memref<10240x40xf32, #tpu.memory_space<vmem_shared>>) offsets(%dma_start3A_224 : memref<128xi32, #tpu.memory_space<vmem>>) semaphore(%arg43 : memref<!tpu.dma_semaphore, #tpu.memory_space<semaphore_mem>>) {add = true}
        %ge3A_228 = arith.constant 2 : i32
        %ge3A_229 = arith.cmpi sge, %scan3A_125, %ge3A_228 : i32
        %convert_element_type3A_230 = arith.extui %ge3A_229 : i1 to i32
        %cond3A_231 = arith.constant 0 : i32
        %cond3A_232 = arith.cmpi ne, %convert_element_type3A_230, %cond3A_231 : i32
        scf.if %cond3A_232 {
          %dma_wait3A_317 = arith.constant 0 : i32
          %dma_wait3A_318 = arith.constant 0 : i32
          %dma_wait3A_319 = tpu.memref_slice %arg2[%dma_wait3A_317, %dma_wait3A_318] : memref<10000x40xf32, #tpu.memory_space<hbm>> -> memref<128x40xf32, #tpu.memory_space<hbm>>
          %dma_wait3A_320 = arith.constant 0 : i32
          %dma_wait3A_321 = arith.constant 0 : i32
          %dma_wait3A_322 = tpu.memref_slice %arg2[%dma_wait3A_320, %dma_wait3A_321] : memref<10000x40xf32, #tpu.memory_space<hbm>> -> memref<128x40xf32, #tpu.memory_space<hbm>>
          tpu.wait_dma2 semaphore(%arg44 : memref<!tpu.dma_semaphore, #tpu.memory_space<semaphore_mem>>) src(%dma_wait3A_322 : memref<128x40xf32, #tpu.memory_space<hbm>>) dst(%arg10 : memref<128x40xf32, #tpu.memory_space<vmem>>)
          %dma_wait3A_323 = arith.constant 0 : i32
          %dma_wait3A_324 = arith.constant 0 : i32
          %dma_wait3A_325 = tpu.memref_slice %arg2[%dma_wait3A_323, %dma_wait3A_324] : memref<10000x40xf32, #tpu.memory_space<hbm>> -> memref<128x40xf32, #tpu.memory_space<hbm>>
          %dma_wait3A_326 = arith.constant 0 : i32
          %dma_wait3A_327 = arith.constant 0 : i32
          %dma_wait3A_328 = tpu.memref_slice %arg2[%dma_wait3A_326, %dma_wait3A_327] : memref<10000x40xf32, #tpu.memory_space<hbm>> -> memref<128x40xf32, #tpu.memory_space<hbm>>
          tpu.wait_dma2 semaphore(%arg44 : memref<!tpu.dma_semaphore, #tpu.memory_space<semaphore_mem>>) src(%dma_wait3A_328 : memref<128x40xf32, #tpu.memory_space<hbm>>) dst(%arg10 : memref<128x40xf32, #tpu.memory_space<vmem>>)
          %dma_wait3A_329 = arith.constant 0 : i32
          %dma_wait3A_330 = arith.constant 0 : i32
          %dma_wait3A_331 = tpu.memref_slice %arg2[%dma_wait3A_329, %dma_wait3A_330] : memref<10000x40xf32, #tpu.memory_space<hbm>> -> memref<128x40xf32, #tpu.memory_space<hbm>>
          %dma_wait3A_332 = arith.constant 0 : i32
          %dma_wait3A_333 = arith.constant 0 : i32
          %dma_wait3A_334 = tpu.memref_slice %arg2[%dma_wait3A_332, %dma_wait3A_333] : memref<10000x40xf32, #tpu.memory_space<hbm>> -> memref<128x40xf32, #tpu.memory_space<hbm>>
          tpu.wait_dma2 semaphore(%arg44 : memref<!tpu.dma_semaphore, #tpu.memory_space<semaphore_mem>>) src(%dma_wait3A_334 : memref<128x40xf32, #tpu.memory_space<hbm>>) dst(%arg10 : memref<128x40xf32, #tpu.memory_space<vmem>>)
          %dma_wait3A_335 = arith.constant 0 : i32
          %dma_wait3A_336 = arith.constant 0 : i32
          %dma_wait3A_337 = tpu.memref_slice %arg2[%dma_wait3A_335, %dma_wait3A_336] : memref<10000x40xf32, #tpu.memory_space<hbm>> -> memref<128x40xf32, #tpu.memory_space<hbm>>
          %dma_wait3A_338 = arith.constant 0 : i32
          %dma_wait3A_339 = arith.constant 0 : i32
          %dma_wait3A_340 = tpu.memref_slice %arg2[%dma_wait3A_338, %dma_wait3A_339] : memref<10000x40xf32, #tpu.memory_space<hbm>> -> memref<128x40xf32, #tpu.memory_space<hbm>>
          tpu.wait_dma2 semaphore(%arg44 : memref<!tpu.dma_semaphore, #tpu.memory_space<semaphore_mem>>) src(%dma_wait3A_340 : memref<128x40xf32, #tpu.memory_space<hbm>>) dst(%arg10 : memref<128x40xf32, #tpu.memory_space<vmem>>)
        } else {
        }
        %dma_start3A_233 = arith.constant 4 : i32
        %dma_start3A_234 = arith.constant 0 : i32
        %dma_start3A_235 = tpu.memref_slice %arg6[%dma_start3A_233, %dma_start3A_234] : memref<8x128xi32, #tpu.memory_space<vmem>> -> memref<1x128xi32, #tpu.memory_space<vmem>>
        %dma_start3A_236 = tpu.memref_squeeze %dma_start3A_235 : memref<1x128xi32, #tpu.memory_space<vmem>> -> memref<128xi32, #tpu.memory_space<vmem>>
        %dma_start3A_237 = arith.constant 0 : i32
        %dma_start3A_238 = arith.constant 0 : i32
        %dma_start3A_239 = tpu.memref_slice %arg2[%dma_start3A_237, %dma_start3A_238] : memref<10000x40xf32, #tpu.memory_space<hbm>> -> memref<10000x40xf32, #tpu.memory_space<hbm>>
        tpu.enqueue_indirect_dma source(%dma_start3A_239 : memref<10000x40xf32, #tpu.memory_space<hbm>>) target(%arg14 : memref<128x40xf32, #tpu.memory_space<vmem>>) offsets(%dma_start3A_236 : memref<128xi32, #tpu.memory_space<vmem>>) semaphore(%arg31 : memref<!tpu.dma_semaphore, #tpu.memory_space<semaphore_mem>>)
        %dma_start3A_240 = arith.constant 5 : i32
        %dma_start3A_241 = arith.constant 0 : i32
        %dma_start3A_242 = tpu.memref_slice %arg6[%dma_start3A_240, %dma_start3A_241] : memref<8x128xi32, #tpu.memory_space<vmem>> -> memref<1x128xi32, #tpu.memory_space<vmem>>
        %dma_start3A_243 = tpu.memref_squeeze %dma_start3A_242 : memref<1x128xi32, #tpu.memory_space<vmem>> -> memref<128xi32, #tpu.memory_space<vmem>>
        %dma_start3A_244 = arith.constant 0 : i32
        %dma_start3A_245 = arith.constant 0 : i32
        %dma_start3A_246 = tpu.memref_slice %arg2[%dma_start3A_244, %dma_start3A_245] : memref<10000x40xf32, #tpu.memory_space<hbm>> -> memref<10000x40xf32, #tpu.memory_space<hbm>>
        tpu.enqueue_indirect_dma source(%dma_start3A_246 : memref<10000x40xf32, #tpu.memory_space<hbm>>) target(%arg15 : memref<128x40xf32, #tpu.memory_space<vmem>>) offsets(%dma_start3A_243 : memref<128xi32, #tpu.memory_space<vmem>>) semaphore(%arg32 : memref<!tpu.dma_semaphore, #tpu.memory_space<semaphore_mem>>)
        %dma_start3A_247 = arith.constant 6 : i32
        %dma_start3A_248 = arith.constant 0 : i32
        %dma_start3A_249 = tpu.memref_slice %arg6[%dma_start3A_247, %dma_start3A_248] : memref<8x128xi32, #tpu.memory_space<vmem>> -> memref<1x128xi32, #tpu.memory_space<vmem>>
        %dma_start3A_250 = tpu.memref_squeeze %dma_start3A_249 : memref<1x128xi32, #tpu.memory_space<vmem>> -> memref<128xi32, #tpu.memory_space<vmem>>
        %dma_start3A_251 = arith.constant 0 : i32
        %dma_start3A_252 = arith.constant 0 : i32
        %dma_start3A_253 = tpu.memref_slice %arg2[%dma_start3A_251, %dma_start3A_252] : memref<10000x40xf32, #tpu.memory_space<hbm>> -> memref<10000x40xf32, #tpu.memory_space<hbm>>
        tpu.enqueue_indirect_dma source(%dma_start3A_253 : memref<10000x40xf32, #tpu.memory_space<hbm>>) target(%arg16 : memref<128x40xf32, #tpu.memory_space<vmem>>) offsets(%dma_start3A_250 : memref<128xi32, #tpu.memory_space<vmem>>) semaphore(%arg33 : memref<!tpu.dma_semaphore, #tpu.memory_space<semaphore_mem>>)
        %dma_start3A_254 = arith.constant 7 : i32
        %dma_start3A_255 = arith.constant 0 : i32
        %dma_start3A_256 = tpu.memref_slice %arg6[%dma_start3A_254, %dma_start3A_255] : memref<8x128xi32, #tpu.memory_space<vmem>> -> memref<1x128xi32, #tpu.memory_space<vmem>>
        %dma_start3A_257 = tpu.memref_squeeze %dma_start3A_256 : memref<1x128xi32, #tpu.memory_space<vmem>> -> memref<128xi32, #tpu.memory_space<vmem>>
        %dma_start3A_258 = arith.constant 0 : i32
        %dma_start3A_259 = arith.constant 0 : i32
        %dma_start3A_260 = tpu.memref_slice %arg2[%dma_start3A_258, %dma_start3A_259] : memref<10000x40xf32, #tpu.memory_space<hbm>> -> memref<10000x40xf32, #tpu.memory_space<hbm>>
        tpu.enqueue_indirect_dma source(%dma_start3A_260 : memref<10000x40xf32, #tpu.memory_space<hbm>>) target(%arg17 : memref<128x40xf32, #tpu.memory_space<vmem>>) offsets(%dma_start3A_257 : memref<128xi32, #tpu.memory_space<vmem>>) semaphore(%arg34 : memref<!tpu.dma_semaphore, #tpu.memory_space<semaphore_mem>>)
        %dma_wait3A_261 = arith.constant 4 : i32
        %dma_wait3A_262 = arith.constant 0 : i32
        %dma_wait3A_263 = tpu.memref_slice %arg6[%dma_wait3A_261, %dma_wait3A_262] : memref<8x128xi32, #tpu.memory_space<vmem>> -> memref<1x128xi32, #tpu.memory_space<vmem>>
        %dma_wait3A_264 = tpu.memref_squeeze %dma_wait3A_263 : memref<1x128xi32, #tpu.memory_space<vmem>> -> memref<128xi32, #tpu.memory_space<vmem>>
        %dma_wait3A_265 = arith.constant 0 : i32
        %dma_wait3A_266 = arith.constant 0 : i32
        %dma_wait3A_267 = tpu.memref_slice %arg2[%dma_wait3A_265, %dma_wait3A_266] : memref<10000x40xf32, #tpu.memory_space<hbm>> -> memref<10000x40xf32, #tpu.memory_space<hbm>>
        tpu.wait_indirect_dma semaphore(%arg31 : memref<!tpu.dma_semaphore, #tpu.memory_space<semaphore_mem>>) src(%dma_wait3A_267 : memref<10000x40xf32, #tpu.memory_space<hbm>>) dst(%arg14 : memref<128x40xf32, #tpu.memory_space<vmem>>)
        %dma_start3A_268 = arith.constant 4 : i32
        %dma_start3A_269 = arith.constant 0 : i32
        %dma_start3A_270 = tpu.memref_slice %arg8[%dma_start3A_268, %dma_start3A_269] : memref<8x128xi32, #tpu.memory_space<vmem>> -> memref<1x128xi32, #tpu.memory_space<vmem>>
        %dma_start3A_271 = tpu.memref_squeeze %dma_start3A_270 : memref<1x128xi32, #tpu.memory_space<vmem>> -> memref<128xi32, #tpu.memory_space<vmem>>
        %dma_start3A_272 = arith.constant 0 : i32
        %dma_start3A_273 = arith.constant 0 : i32
        %dma_start3A_274 = tpu.memref_slice %arg26[%dma_start3A_272, %dma_start3A_273] : memref<10240x40xf32, #tpu.memory_space<vmem_shared>> -> memref<10240x40xf32, #tpu.memory_space<vmem_shared>>
        tpu.enqueue_indirect_dma source(%arg14 : memref<128x40xf32, #tpu.memory_space<vmem>>) target(%dma_start3A_274 : memref<10240x40xf32, #tpu.memory_space<vmem_shared>>) offsets(%dma_start3A_271 : memref<128xi32, #tpu.memory_space<vmem>>) semaphore(%arg44 : memref<!tpu.dma_semaphore, #tpu.memory_space<semaphore_mem>>) {add = true}
        %dma_wait3A_275 = arith.constant 5 : i32
        %dma_wait3A_276 = arith.constant 0 : i32
        %dma_wait3A_277 = tpu.memref_slice %arg6[%dma_wait3A_275, %dma_wait3A_276] : memref<8x128xi32, #tpu.memory_space<vmem>> -> memref<1x128xi32, #tpu.memory_space<vmem>>
        %dma_wait3A_278 = tpu.memref_squeeze %dma_wait3A_277 : memref<1x128xi32, #tpu.memory_space<vmem>> -> memref<128xi32, #tpu.memory_space<vmem>>
        %dma_wait3A_279 = arith.constant 0 : i32
        %dma_wait3A_280 = arith.constant 0 : i32
        %dma_wait3A_281 = tpu.memref_slice %arg2[%dma_wait3A_279, %dma_wait3A_280] : memref<10000x40xf32, #tpu.memory_space<hbm>> -> memref<10000x40xf32, #tpu.memory_space<hbm>>
        tpu.wait_indirect_dma semaphore(%arg32 : memref<!tpu.dma_semaphore, #tpu.memory_space<semaphore_mem>>) src(%dma_wait3A_281 : memref<10000x40xf32, #tpu.memory_space<hbm>>) dst(%arg15 : memref<128x40xf32, #tpu.memory_space<vmem>>)
        %dma_start3A_282 = arith.constant 5 : i32
        %dma_start3A_283 = arith.constant 0 : i32
        %dma_start3A_284 = tpu.memref_slice %arg8[%dma_start3A_282, %dma_start3A_283] : memref<8x128xi32, #tpu.memory_space<vmem>> -> memref<1x128xi32, #tpu.memory_space<vmem>>
        %dma_start3A_285 = tpu.memref_squeeze %dma_start3A_284 : memref<1x128xi32, #tpu.memory_space<vmem>> -> memref<128xi32, #tpu.memory_space<vmem>>
        %dma_start3A_286 = arith.constant 0 : i32
        %dma_start3A_287 = arith.constant 0 : i32
        %dma_start3A_288 = tpu.memref_slice %arg26[%dma_start3A_286, %dma_start3A_287] : memref<10240x40xf32, #tpu.memory_space<vmem_shared>> -> memref<10240x40xf32, #tpu.memory_space<vmem_shared>>
        tpu.enqueue_indirect_dma source(%arg15 : memref<128x40xf32, #tpu.memory_space<vmem>>) target(%dma_start3A_288 : memref<10240x40xf32, #tpu.memory_space<vmem_shared>>) offsets(%dma_start3A_285 : memref<128xi32, #tpu.memory_space<vmem>>) semaphore(%arg44 : memref<!tpu.dma_semaphore, #tpu.memory_space<semaphore_mem>>) {add = true}
        %dma_wait3A_289 = arith.constant 6 : i32
        %dma_wait3A_290 = arith.constant 0 : i32
        %dma_wait3A_291 = tpu.memref_slice %arg6[%dma_wait3A_289, %dma_wait3A_290] : memref<8x128xi32, #tpu.memory_space<vmem>> -> memref<1x128xi32, #tpu.memory_space<vmem>>
        %dma_wait3A_292 = tpu.memref_squeeze %dma_wait3A_291 : memref<1x128xi32, #tpu.memory_space<vmem>> -> memref<128xi32, #tpu.memory_space<vmem>>
        %dma_wait3A_293 = arith.constant 0 : i32
        %dma_wait3A_294 = arith.constant 0 : i32
        %dma_wait3A_295 = tpu.memref_slice %arg2[%dma_wait3A_293, %dma_wait3A_294] : memref<10000x40xf32, #tpu.memory_space<hbm>> -> memref<10000x40xf32, #tpu.memory_space<hbm>>
        tpu.wait_indirect_dma semaphore(%arg33 : memref<!tpu.dma_semaphore, #tpu.memory_space<semaphore_mem>>) src(%dma_wait3A_295 : memref<10000x40xf32, #tpu.memory_space<hbm>>) dst(%arg16 : memref<128x40xf32, #tpu.memory_space<vmem>>)
        %dma_start3A_296 = arith.constant 6 : i32
        %dma_start3A_297 = arith.constant 0 : i32
        %dma_start3A_298 = tpu.memref_slice %arg8[%dma_start3A_296, %dma_start3A_297] : memref<8x128xi32, #tpu.memory_space<vmem>> -> memref<1x128xi32, #tpu.memory_space<vmem>>
        %dma_start3A_299 = tpu.memref_squeeze %dma_start3A_298 : memref<1x128xi32, #tpu.memory_space<vmem>> -> memref<128xi32, #tpu.memory_space<vmem>>
        %dma_start3A_300 = arith.constant 0 : i32
        %dma_start3A_301 = arith.constant 0 : i32
        %dma_start3A_302 = tpu.memref_slice %arg26[%dma_start3A_300, %dma_start3A_301] : memref<10240x40xf32, #tpu.memory_space<vmem_shared>> -> memref<10240x40xf32, #tpu.memory_space<vmem_shared>>
        tpu.enqueue_indirect_dma source(%arg16 : memref<128x40xf32, #tpu.memory_space<vmem>>) target(%dma_start3A_302 : memref<10240x40xf32, #tpu.memory_space<vmem_shared>>) offsets(%dma_start3A_299 : memref<128xi32, #tpu.memory_space<vmem>>) semaphore(%arg44 : memref<!tpu.dma_semaphore, #tpu.memory_space<semaphore_mem>>) {add = true}
        %dma_wait3A_303 = arith.constant 7 : i32
        %dma_wait3A_304 = arith.constant 0 : i32
        %dma_wait3A_305 = tpu.memref_slice %arg6[%dma_wait3A_303, %dma_wait3A_304] : memref<8x128xi32, #tpu.memory_space<vmem>> -> memref<1x128xi32, #tpu.memory_space<vmem>>
        %dma_wait3A_306 = tpu.memref_squeeze %dma_wait3A_305 : memref<1x128xi32, #tpu.memory_space<vmem>> -> memref<128xi32, #tpu.memory_space<vmem>>
        %dma_wait3A_307 = arith.constant 0 : i32
        %dma_wait3A_308 = arith.constant 0 : i32
        %dma_wait3A_309 = tpu.memref_slice %arg2[%dma_wait3A_307, %dma_wait3A_308] : memref<10000x40xf32, #tpu.memory_space<hbm>> -> memref<10000x40xf32, #tpu.memory_space<hbm>>
        tpu.wait_indirect_dma semaphore(%arg34 : memref<!tpu.dma_semaphore, #tpu.memory_space<semaphore_mem>>) src(%dma_wait3A_309 : memref<10000x40xf32, #tpu.memory_space<hbm>>) dst(%arg17 : memref<128x40xf32, #tpu.memory_space<vmem>>)
        %dma_start3A_310 = arith.constant 7 : i32
        %dma_start3A_311 = arith.constant 0 : i32
        %dma_start3A_312 = tpu.memref_slice %arg8[%dma_start3A_310, %dma_start3A_311] : memref<8x128xi32, #tpu.memory_space<vmem>> -> memref<1x128xi32, #tpu.memory_space<vmem>>
        %dma_start3A_313 = tpu.memref_squeeze %dma_start3A_312 : memref<1x128xi32, #tpu.memory_space<vmem>> -> memref<128xi32, #tpu.memory_space<vmem>>
        %dma_start3A_314 = arith.constant 0 : i32
        %dma_start3A_315 = arith.constant 0 : i32
        %dma_start3A_316 = tpu.memref_slice %arg26[%dma_start3A_314, %dma_start3A_315] : memref<10240x40xf32, #tpu.memory_space<vmem_shared>> -> memref<10240x40xf32, #tpu.memory_space<vmem_shared>>
        tpu.enqueue_indirect_dma source(%arg17 : memref<128x40xf32, #tpu.memory_space<vmem>>) target(%dma_start3A_316 : memref<10240x40xf32, #tpu.memory_space<vmem_shared>>) offsets(%dma_start3A_313 : memref<128xi32, #tpu.memory_space<vmem>>) semaphore(%arg44 : memref<!tpu.dma_semaphore, #tpu.memory_space<semaphore_mem>>) {add = true}
      } else {
      }
      %eq3A_134 = arith.constant 1 : i32
      %eq3A_135 = arith.cmpi eq, %rem3A_129, %eq3A_134 : i32
      %convert_element_type3A_136 = arith.extui %eq3A_135 : i1 to i32
      %cond3A_137 = arith.constant 0 : i32
      %cond3A_138 = arith.cmpi ne, %convert_element_type3A_136, %cond3A_137 : i32
      scf.if %cond3A_138 {
        %run_scoped3A_139 = arith.constant 0 : i32
        "tpu.region"() ({
          %run_scoped3A_317 = tpu.sem_alloc : memref<!tpu.dma_semaphore, #tpu.memory_space<semaphore_mem>>
          %dma_start3A_318 = arith.constant 0 : i32
          %dma_start3A_319 = tpu.memref_slice %arg3[%run_scoped3A_139, %add3A_128, %dma_start3A_318] : memref<2x2500x128xi32, #tpu.memory_space<hbm>> -> memref<1x8x128xi32, #tpu.memory_space<hbm>>
          %dma_start3A_320 = tpu.memref_squeeze %dma_start3A_319 : memref<1x8x128xi32, #tpu.memory_space<hbm>> -> memref<8x128xi32, #tpu.memory_space<hbm>>
          %dma_start3A_321 = arith.constant 0 : i32
          %dma_start3A_322 = tpu.memref_slice %arg3[%run_scoped3A_139, %add3A_128, %dma_start3A_321] : memref<2x2500x128xi32, #tpu.memory_space<hbm>> -> memref<1x8x128xi32, #tpu.memory_space<hbm>>
          %dma_start3A_323 = tpu.memref_squeeze %dma_start3A_322 : memref<1x8x128xi32, #tpu.memory_space<hbm>> -> memref<8x128xi32, #tpu.memory_space<hbm>>
          tpu.enqueue_dma source(%dma_start3A_323 : memref<8x128xi32, #tpu.memory_space<hbm>>) target(%arg7 : memref<8x128xi32, #tpu.memory_space<vmem>>) target_semaphore(%run_scoped3A_317 : memref<!tpu.dma_semaphore, #tpu.memory_space<semaphore_mem>>)
          %dma_wait3A_324 = arith.constant 0 : i32
          %dma_wait3A_325 = tpu.memref_slice %arg3[%run_scoped3A_139, %add3A_128, %dma_wait3A_324] : memref<2x2500x128xi32, #tpu.memory_space<hbm>> -> memref<1x8x128xi32, #tpu.memory_space<hbm>>
          %dma_wait3A_326 = tpu.memref_squeeze %dma_wait3A_325 : memref<1x8x128xi32, #tpu.memory_space<hbm>> -> memref<8x128xi32, #tpu.memory_space<hbm>>
          %dma_wait3A_327 = arith.constant 0 : i32
          %dma_wait3A_328 = tpu.memref_slice %arg3[%run_scoped3A_139, %add3A_128, %dma_wait3A_327] : memref<2x2500x128xi32, #tpu.memory_space<hbm>> -> memref<1x8x128xi32, #tpu.memory_space<hbm>>
          %dma_wait3A_329 = tpu.memref_squeeze %dma_wait3A_328 : memref<1x8x128xi32, #tpu.memory_space<hbm>> -> memref<8x128xi32, #tpu.memory_space<hbm>>
          tpu.wait_dma2 semaphore(%run_scoped3A_317 : memref<!tpu.dma_semaphore, #tpu.memory_space<semaphore_mem>>) src(%dma_wait3A_329 : memref<8x128xi32, #tpu.memory_space<hbm>>) dst(%arg7 : memref<8x128xi32, #tpu.memory_space<vmem>>)
          tpu.yield
        }) : () -> ()
        %run_scoped3A_140 = arith.constant 1 : i32
        "tpu.region"() ({
          %run_scoped3A_317 = tpu.sem_alloc : memref<!tpu.dma_semaphore, #tpu.memory_space<semaphore_mem>>
          %dma_start3A_318 = arith.constant 0 : i32
          %dma_start3A_319 = tpu.memref_slice %arg3[%run_scoped3A_140, %add3A_128, %dma_start3A_318] : memref<2x2500x128xi32, #tpu.memory_space<hbm>> -> memref<1x8x128xi32, #tpu.memory_space<hbm>>
          %dma_start3A_320 = tpu.memref_squeeze %dma_start3A_319 : memref<1x8x128xi32, #tpu.memory_space<hbm>> -> memref<8x128xi32, #tpu.memory_space<hbm>>
          %dma_start3A_321 = arith.constant 0 : i32
          %dma_start3A_322 = tpu.memref_slice %arg3[%run_scoped3A_140, %add3A_128, %dma_start3A_321] : memref<2x2500x128xi32, #tpu.memory_space<hbm>> -> memref<1x8x128xi32, #tpu.memory_space<hbm>>
          %dma_start3A_323 = tpu.memref_squeeze %dma_start3A_322 : memref<1x8x128xi32, #tpu.memory_space<hbm>> -> memref<8x128xi32, #tpu.memory_space<hbm>>
          tpu.enqueue_dma source(%dma_start3A_323 : memref<8x128xi32, #tpu.memory_space<hbm>>) target(%arg9 : memref<8x128xi32, #tpu.memory_space<vmem>>) target_semaphore(%run_scoped3A_317 : memref<!tpu.dma_semaphore, #tpu.memory_space<semaphore_mem>>)
          %dma_wait3A_324 = arith.constant 0 : i32
          %dma_wait3A_325 = tpu.memref_slice %arg3[%run_scoped3A_140, %add3A_128, %dma_wait3A_324] : memref<2x2500x128xi32, #tpu.memory_space<hbm>> -> memref<1x8x128xi32, #tpu.memory_space<hbm>>
          %dma_wait3A_326 = tpu.memref_squeeze %dma_wait3A_325 : memref<1x8x128xi32, #tpu.memory_space<hbm>> -> memref<8x128xi32, #tpu.memory_space<hbm>>
          %dma_wait3A_327 = arith.constant 0 : i32
          %dma_wait3A_328 = tpu.memref_slice %arg3[%run_scoped3A_140, %add3A_128, %dma_wait3A_327] : memref<2x2500x128xi32, #tpu.memory_space<hbm>> -> memref<1x8x128xi32, #tpu.memory_space<hbm>>
          %dma_wait3A_329 = tpu.memref_squeeze %dma_wait3A_328 : memref<1x8x128xi32, #tpu.memory_space<hbm>> -> memref<8x128xi32, #tpu.memory_space<hbm>>
          tpu.wait_dma2 semaphore(%run_scoped3A_317 : memref<!tpu.dma_semaphore, #tpu.memory_space<semaphore_mem>>) src(%dma_wait3A_329 : memref<8x128xi32, #tpu.memory_space<hbm>>) dst(%arg9 : memref<8x128xi32, #tpu.memory_space<vmem>>)
          tpu.yield
        }) : () -> ()
        %ge3A = arith.constant 2 : i32
        %ge3A_141 = arith.cmpi sge, %scan3A_125, %ge3A : i32
        %convert_element_type3A_142 = arith.extui %ge3A_141 : i1 to i32
        %cond3A_143 = arith.constant 0 : i32
        %cond3A_144 = arith.cmpi ne, %convert_element_type3A_142, %cond3A_143 : i32
        scf.if %cond3A_144 {
          %dma_wait3A_317 = arith.constant 0 : i32
          %dma_wait3A_318 = arith.constant 0 : i32
          %dma_wait3A_319 = tpu.memref_slice %arg2[%dma_wait3A_317, %dma_wait3A_318] : memref<10000x40xf32, #tpu.memory_space<hbm>> -> memref<128x40xf32, #tpu.memory_space<hbm>>
          %dma_wait3A_320 = arith.constant 0 : i32
          %dma_wait3A_321 = arith.constant 0 : i32
          %dma_wait3A_322 = tpu.memref_slice %arg2[%dma_wait3A_320, %dma_wait3A_321] : memref<10000x40xf32, #tpu.memory_space<hbm>> -> memref<128x40xf32, #tpu.memory_space<hbm>>
          tpu.wait_dma2 semaphore(%arg45 : memref<!tpu.dma_semaphore, #tpu.memory_space<semaphore_mem>>) src(%dma_wait3A_322 : memref<128x40xf32, #tpu.memory_space<hbm>>) dst(%arg10 : memref<128x40xf32, #tpu.memory_space<vmem>>)
          %dma_wait3A_323 = arith.constant 0 : i32
          %dma_wait3A_324 = arith.constant 0 : i32
          %dma_wait3A_325 = tpu.memref_slice %arg2[%dma_wait3A_323, %dma_wait3A_324] : memref<10000x40xf32, #tpu.memory_space<hbm>> -> memref<128x40xf32, #tpu.memory_space<hbm>>
          %dma_wait3A_326 = arith.constant 0 : i32
          %dma_wait3A_327 = arith.constant 0 : i32
          %dma_wait3A_328 = tpu.memref_slice %arg2[%dma_wait3A_326, %dma_wait3A_327] : memref<10000x40xf32, #tpu.memory_space<hbm>> -> memref<128x40xf32, #tpu.memory_space<hbm>>
          tpu.wait_dma2 semaphore(%arg45 : memref<!tpu.dma_semaphore, #tpu.memory_space<semaphore_mem>>) src(%dma_wait3A_328 : memref<128x40xf32, #tpu.memory_space<hbm>>) dst(%arg10 : memref<128x40xf32, #tpu.memory_space<vmem>>)
          %dma_wait3A_329 = arith.constant 0 : i32
          %dma_wait3A_330 = arith.constant 0 : i32
          %dma_wait3A_331 = tpu.memref_slice %arg2[%dma_wait3A_329, %dma_wait3A_330] : memref<10000x40xf32, #tpu.memory_space<hbm>> -> memref<128x40xf32, #tpu.memory_space<hbm>>
          %dma_wait3A_332 = arith.constant 0 : i32
          %dma_wait3A_333 = arith.constant 0 : i32
          %dma_wait3A_334 = tpu.memref_slice %arg2[%dma_wait3A_332, %dma_wait3A_333] : memref<10000x40xf32, #tpu.memory_space<hbm>> -> memref<128x40xf32, #tpu.memory_space<hbm>>
          tpu.wait_dma2 semaphore(%arg45 : memref<!tpu.dma_semaphore, #tpu.memory_space<semaphore_mem>>) src(%dma_wait3A_334 : memref<128x40xf32, #tpu.memory_space<hbm>>) dst(%arg10 : memref<128x40xf32, #tpu.memory_space<vmem>>)
          %dma_wait3A_335 = arith.constant 0 : i32
          %dma_wait3A_336 = arith.constant 0 : i32
          %dma_wait3A_337 = tpu.memref_slice %arg2[%dma_wait3A_335, %dma_wait3A_336] : memref<10000x40xf32, #tpu.memory_space<hbm>> -> memref<128x40xf32, #tpu.memory_space<hbm>>
          %dma_wait3A_338 = arith.constant 0 : i32
          %dma_wait3A_339 = arith.constant 0 : i32
          %dma_wait3A_340 = tpu.memref_slice %arg2[%dma_wait3A_338, %dma_wait3A_339] : memref<10000x40xf32, #tpu.memory_space<hbm>> -> memref<128x40xf32, #tpu.memory_space<hbm>>
          tpu.wait_dma2 semaphore(%arg45 : memref<!tpu.dma_semaphore, #tpu.memory_space<semaphore_mem>>) src(%dma_wait3A_340 : memref<128x40xf32, #tpu.memory_space<hbm>>) dst(%arg10 : memref<128x40xf32, #tpu.memory_space<vmem>>)
        } else {
        }
        %dma_start3A = arith.constant 0 : i32
        %dma_start3A_145 = arith.constant 0 : i32
        %dma_start3A_146 = tpu.memref_slice %arg7[%dma_start3A, %dma_start3A_145] : memref<8x128xi32, #tpu.memory_space<vmem>> -> memref<1x128xi32, #tpu.memory_space<vmem>>
        %dma_start3A_147 = tpu.memref_squeeze %dma_start3A_146 : memref<1x128xi32, #tpu.memory_space<vmem>> -> memref<128xi32, #tpu.memory_space<vmem>>
        %dma_start3A_148 = arith.constant 0 : i32
        %dma_start3A_149 = arith.constant 0 : i32
        %dma_start3A_150 = tpu.memref_slice %arg2[%dma_start3A_148, %dma_start3A_149] : memref<10000x40xf32, #tpu.memory_space<hbm>> -> memref<10000x40xf32, #tpu.memory_space<hbm>>
        tpu.enqueue_indirect_dma source(%dma_start3A_150 : memref<10000x40xf32, #tpu.memory_space<hbm>>) target(%arg18 : memref<128x40xf32, #tpu.memory_space<vmem>>) offsets(%dma_start3A_147 : memref<128xi32, #tpu.memory_space<vmem>>) semaphore(%arg35 : memref<!tpu.dma_semaphore, #tpu.memory_space<semaphore_mem>>)
        %dma_start3A_151 = arith.constant 1 : i32
        %dma_start3A_152 = arith.constant 0 : i32
        %dma_start3A_153 = tpu.memref_slice %arg7[%dma_start3A_151, %dma_start3A_152] : memref<8x128xi32, #tpu.memory_space<vmem>> -> memref<1x128xi32, #tpu.memory_space<vmem>>
        %dma_start3A_154 = tpu.memref_squeeze %dma_start3A_153 : memref<1x128xi32, #tpu.memory_space<vmem>> -> memref<128xi32, #tpu.memory_space<vmem>>
        %dma_start3A_155 = arith.constant 0 : i32
        %dma_start3A_156 = arith.constant 0 : i32
        %dma_start3A_157 = tpu.memref_slice %arg2[%dma_start3A_155, %dma_start3A_156] : memref<10000x40xf32, #tpu.memory_space<hbm>> -> memref<10000x40xf32, #tpu.memory_space<hbm>>
        tpu.enqueue_indirect_dma source(%dma_start3A_157 : memref<10000x40xf32, #tpu.memory_space<hbm>>) target(%arg19 : memref<128x40xf32, #tpu.memory_space<vmem>>) offsets(%dma_start3A_154 : memref<128xi32, #tpu.memory_space<vmem>>) semaphore(%arg36 : memref<!tpu.dma_semaphore, #tpu.memory_space<semaphore_mem>>)
        %dma_start3A_158 = arith.constant 2 : i32
        %dma_start3A_159 = arith.constant 0 : i32
        %dma_start3A_160 = tpu.memref_slice %arg7[%dma_start3A_158, %dma_start3A_159] : memref<8x128xi32, #tpu.memory_space<vmem>> -> memref<1x128xi32, #tpu.memory_space<vmem>>
        %dma_start3A_161 = tpu.memref_squeeze %dma_start3A_160 : memref<1x128xi32, #tpu.memory_space<vmem>> -> memref<128xi32, #tpu.memory_space<vmem>>
        %dma_start3A_162 = arith.constant 0 : i32
        %dma_start3A_163 = arith.constant 0 : i32
        %dma_start3A_164 = tpu.memref_slice %arg2[%dma_start3A_162, %dma_start3A_163] : memref<10000x40xf32, #tpu.memory_space<hbm>> -> memref<10000x40xf32, #tpu.memory_space<hbm>>
        tpu.enqueue_indirect_dma source(%dma_start3A_164 : memref<10000x40xf32, #tpu.memory_space<hbm>>) target(%arg20 : memref<128x40xf32, #tpu.memory_space<vmem>>) offsets(%dma_start3A_161 : memref<128xi32, #tpu.memory_space<vmem>>) semaphore(%arg37 : memref<!tpu.dma_semaphore, #tpu.memory_space<semaphore_mem>>)
        %dma_start3A_165 = arith.constant 3 : i32
        %dma_start3A_166 = arith.constant 0 : i32
        %dma_start3A_167 = tpu.memref_slice %arg7[%dma_start3A_165, %dma_start3A_166] : memref<8x128xi32, #tpu.memory_space<vmem>> -> memref<1x128xi32, #tpu.memory_space<vmem>>
        %dma_start3A_168 = tpu.memref_squeeze %dma_start3A_167 : memref<1x128xi32, #tpu.memory_space<vmem>> -> memref<128xi32, #tpu.memory_space<vmem>>
        %dma_start3A_169 = arith.constant 0 : i32
        %dma_start3A_170 = arith.constant 0 : i32
        %dma_start3A_171 = tpu.memref_slice %arg2[%dma_start3A_169, %dma_start3A_170] : memref<10000x40xf32, #tpu.memory_space<hbm>> -> memref<10000x40xf32, #tpu.memory_space<hbm>>
        tpu.enqueue_indirect_dma source(%dma_start3A_171 : memref<10000x40xf32, #tpu.memory_space<hbm>>) target(%arg21 : memref<128x40xf32, #tpu.memory_space<vmem>>) offsets(%dma_start3A_168 : memref<128xi32, #tpu.memory_space<vmem>>) semaphore(%arg38 : memref<!tpu.dma_semaphore, #tpu.memory_space<semaphore_mem>>)
        %dma_wait3A_172 = arith.constant 0 : i32
        %dma_wait3A_173 = arith.constant 0 : i32
        %dma_wait3A_174 = tpu.memref_slice %arg7[%dma_wait3A_172, %dma_wait3A_173] : memref<8x128xi32, #tpu.memory_space<vmem>> -> memref<1x128xi32, #tpu.memory_space<vmem>>
        %dma_wait3A_175 = tpu.memref_squeeze %dma_wait3A_174 : memref<1x128xi32, #tpu.memory_space<vmem>> -> memref<128xi32, #tpu.memory_space<vmem>>
        %dma_wait3A_176 = arith.constant 0 : i32
        %dma_wait3A_177 = arith.constant 0 : i32
        %dma_wait3A_178 = tpu.memref_slice %arg2[%dma_wait3A_176, %dma_wait3A_177] : memref<10000x40xf32, #tpu.memory_space<hbm>> -> memref<10000x40xf32, #tpu.memory_space<hbm>>
        tpu.wait_indirect_dma semaphore(%arg35 : memref<!tpu.dma_semaphore, #tpu.memory_space<semaphore_mem>>) src(%dma_wait3A_178 : memref<10000x40xf32, #tpu.memory_space<hbm>>) dst(%arg18 : memref<128x40xf32, #tpu.memory_space<vmem>>)
        %dma_start3A_179 = arith.constant 0 : i32
        %dma_start3A_180 = arith.constant 0 : i32
        %dma_start3A_181 = tpu.memref_slice %arg9[%dma_start3A_179, %dma_start3A_180] : memref<8x128xi32, #tpu.memory_space<vmem>> -> memref<1x128xi32, #tpu.memory_space<vmem>>
        %dma_start3A_182 = tpu.memref_squeeze %dma_start3A_181 : memref<1x128xi32, #tpu.memory_space<vmem>> -> memref<128xi32, #tpu.memory_space<vmem>>
        %dma_start3A_183 = arith.constant 0 : i32
        %dma_start3A_184 = arith.constant 0 : i32
        %dma_start3A_185 = tpu.memref_slice %arg26[%dma_start3A_183, %dma_start3A_184] : memref<10240x40xf32, #tpu.memory_space<vmem_shared>> -> memref<10240x40xf32, #tpu.memory_space<vmem_shared>>
        tpu.enqueue_indirect_dma source(%arg18 : memref<128x40xf32, #tpu.memory_space<vmem>>) target(%dma_start3A_185 : memref<10240x40xf32, #tpu.memory_space<vmem_shared>>) offsets(%dma_start3A_182 : memref<128xi32, #tpu.memory_space<vmem>>) semaphore(%arg45 : memref<!tpu.dma_semaphore, #tpu.memory_space<semaphore_mem>>) {add = true}
        %dma_wait3A_186 = arith.constant 1 : i32
        %dma_wait3A_187 = arith.constant 0 : i32
        %dma_wait3A_188 = tpu.memref_slice %arg7[%dma_wait3A_186, %dma_wait3A_187] : memref<8x128xi32, #tpu.memory_space<vmem>> -> memref<1x128xi32, #tpu.memory_space<vmem>>
        %dma_wait3A_189 = tpu.memref_squeeze %dma_wait3A_188 : memref<1x128xi32, #tpu.memory_space<vmem>> -> memref<128xi32, #tpu.memory_space<vmem>>
        %dma_wait3A_190 = arith.constant 0 : i32
        %dma_wait3A_191 = arith.constant 0 : i32
        %dma_wait3A_192 = tpu.memref_slice %arg2[%dma_wait3A_190, %dma_wait3A_191] : memref<10000x40xf32, #tpu.memory_space<hbm>> -> memref<10000x40xf32, #tpu.memory_space<hbm>>
        tpu.wait_indirect_dma semaphore(%arg36 : memref<!tpu.dma_semaphore, #tpu.memory_space<semaphore_mem>>) src(%dma_wait3A_192 : memref<10000x40xf32, #tpu.memory_space<hbm>>) dst(%arg19 : memref<128x40xf32, #tpu.memory_space<vmem>>)
        %dma_start3A_193 = arith.constant 1 : i32
        %dma_start3A_194 = arith.constant 0 : i32
        %dma_start3A_195 = tpu.memref_slice %arg9[%dma_start3A_193, %dma_start3A_194] : memref<8x128xi32, #tpu.memory_space<vmem>> -> memref<1x128xi32, #tpu.memory_space<vmem>>
        %dma_start3A_196 = tpu.memref_squeeze %dma_start3A_195 : memref<1x128xi32, #tpu.memory_space<vmem>> -> memref<128xi32, #tpu.memory_space<vmem>>
        %dma_start3A_197 = arith.constant 0 : i32
        %dma_start3A_198 = arith.constant 0 : i32
        %dma_start3A_199 = tpu.memref_slice %arg26[%dma_start3A_197, %dma_start3A_198] : memref<10240x40xf32, #tpu.memory_space<vmem_shared>> -> memref<10240x40xf32, #tpu.memory_space<vmem_shared>>
        tpu.enqueue_indirect_dma source(%arg19 : memref<128x40xf32, #tpu.memory_space<vmem>>) target(%dma_start3A_199 : memref<10240x40xf32, #tpu.memory_space<vmem_shared>>) offsets(%dma_start3A_196 : memref<128xi32, #tpu.memory_space<vmem>>) semaphore(%arg45 : memref<!tpu.dma_semaphore, #tpu.memory_space<semaphore_mem>>) {add = true}
        %dma_wait3A_200 = arith.constant 2 : i32
        %dma_wait3A_201 = arith.constant 0 : i32
        %dma_wait3A_202 = tpu.memref_slice %arg7[%dma_wait3A_200, %dma_wait3A_201] : memref<8x128xi32, #tpu.memory_space<vmem>> -> memref<1x128xi32, #tpu.memory_space<vmem>>
        %dma_wait3A_203 = tpu.memref_squeeze %dma_wait3A_202 : memref<1x128xi32, #tpu.memory_space<vmem>> -> memref<128xi32, #tpu.memory_space<vmem>>
        %dma_wait3A_204 = arith.constant 0 : i32
        %dma_wait3A_205 = arith.constant 0 : i32
        %dma_wait3A_206 = tpu.memref_slice %arg2[%dma_wait3A_204, %dma_wait3A_205] : memref<10000x40xf32, #tpu.memory_space<hbm>> -> memref<10000x40xf32, #tpu.memory_space<hbm>>
        tpu.wait_indirect_dma semaphore(%arg37 : memref<!tpu.dma_semaphore, #tpu.memory_space<semaphore_mem>>) src(%dma_wait3A_206 : memref<10000x40xf32, #tpu.memory_space<hbm>>) dst(%arg20 : memref<128x40xf32, #tpu.memory_space<vmem>>)
        %dma_start3A_207 = arith.constant 2 : i32
        %dma_start3A_208 = arith.constant 0 : i32
        %dma_start3A_209 = tpu.memref_slice %arg9[%dma_start3A_207, %dma_start3A_208] : memref<8x128xi32, #tpu.memory_space<vmem>> -> memref<1x128xi32, #tpu.memory_space<vmem>>
        %dma_start3A_210 = tpu.memref_squeeze %dma_start3A_209 : memref<1x128xi32, #tpu.memory_space<vmem>> -> memref<128xi32, #tpu.memory_space<vmem>>
        %dma_start3A_211 = arith.constant 0 : i32
        %dma_start3A_212 = arith.constant 0 : i32
        %dma_start3A_213 = tpu.memref_slice %arg26[%dma_start3A_211, %dma_start3A_212] : memref<10240x40xf32, #tpu.memory_space<vmem_shared>> -> memref<10240x40xf32, #tpu.memory_space<vmem_shared>>
        tpu.enqueue_indirect_dma source(%arg20 : memref<128x40xf32, #tpu.memory_space<vmem>>) target(%dma_start3A_213 : memref<10240x40xf32, #tpu.memory_space<vmem_shared>>) offsets(%dma_start3A_210 : memref<128xi32, #tpu.memory_space<vmem>>) semaphore(%arg45 : memref<!tpu.dma_semaphore, #tpu.memory_space<semaphore_mem>>) {add = true}
        %dma_wait3A_214 = arith.constant 3 : i32
        %dma_wait3A_215 = arith.constant 0 : i32
        %dma_wait3A_216 = tpu.memref_slice %arg7[%dma_wait3A_214, %dma_wait3A_215] : memref<8x128xi32, #tpu.memory_space<vmem>> -> memref<1x128xi32, #tpu.memory_space<vmem>>
        %dma_wait3A_217 = tpu.memref_squeeze %dma_wait3A_216 : memref<1x128xi32, #tpu.memory_space<vmem>> -> memref<128xi32, #tpu.memory_space<vmem>>
        %dma_wait3A_218 = arith.constant 0 : i32
        %dma_wait3A_219 = arith.constant 0 : i32
        %dma_wait3A_220 = tpu.memref_slice %arg2[%dma_wait3A_218, %dma_wait3A_219] : memref<10000x40xf32, #tpu.memory_space<hbm>> -> memref<10000x40xf32, #tpu.memory_space<hbm>>
        tpu.wait_indirect_dma semaphore(%arg38 : memref<!tpu.dma_semaphore, #tpu.memory_space<semaphore_mem>>) src(%dma_wait3A_220 : memref<10000x40xf32, #tpu.memory_space<hbm>>) dst(%arg21 : memref<128x40xf32, #tpu.memory_space<vmem>>)
        %dma_start3A_221 = arith.constant 3 : i32
        %dma_start3A_222 = arith.constant 0 : i32
        %dma_start3A_223 = tpu.memref_slice %arg9[%dma_start3A_221, %dma_start3A_222] : memref<8x128xi32, #tpu.memory_space<vmem>> -> memref<1x128xi32, #tpu.memory_space<vmem>>
        %dma_start3A_224 = tpu.memref_squeeze %dma_start3A_223 : memref<1x128xi32, #tpu.memory_space<vmem>> -> memref<128xi32, #tpu.memory_space<vmem>>
        %dma_start3A_225 = arith.constant 0 : i32
        %dma_start3A_226 = arith.constant 0 : i32
        %dma_start3A_227 = tpu.memref_slice %arg26[%dma_start3A_225, %dma_start3A_226] : memref<10240x40xf32, #tpu.memory_space<vmem_shared>> -> memref<10240x40xf32, #tpu.memory_space<vmem_shared>>
        tpu.enqueue_indirect_dma source(%arg21 : memref<128x40xf32, #tpu.memory_space<vmem>>) target(%dma_start3A_227 : memref<10240x40xf32, #tpu.memory_space<vmem_shared>>) offsets(%dma_start3A_224 : memref<128xi32, #tpu.memory_space<vmem>>) semaphore(%arg45 : memref<!tpu.dma_semaphore, #tpu.memory_space<semaphore_mem>>) {add = true}
        %ge3A_228 = arith.constant 2 : i32
        %ge3A_229 = arith.cmpi sge, %scan3A_125, %ge3A_228 : i32
        %convert_element_type3A_230 = arith.extui %ge3A_229 : i1 to i32
        %cond3A_231 = arith.constant 0 : i32
        %cond3A_232 = arith.cmpi ne, %convert_element_type3A_230, %cond3A_231 : i32
        scf.if %cond3A_232 {
          %dma_wait3A_317 = arith.constant 0 : i32
          %dma_wait3A_318 = arith.constant 0 : i32
          %dma_wait3A_319 = tpu.memref_slice %arg2[%dma_wait3A_317, %dma_wait3A_318] : memref<10000x40xf32, #tpu.memory_space<hbm>> -> memref<128x40xf32, #tpu.memory_space<hbm>>
          %dma_wait3A_320 = arith.constant 0 : i32
          %dma_wait3A_321 = arith.constant 0 : i32
          %dma_wait3A_322 = tpu.memref_slice %arg2[%dma_wait3A_320, %dma_wait3A_321] : memref<10000x40xf32, #tpu.memory_space<hbm>> -> memref<128x40xf32, #tpu.memory_space<hbm>>
          tpu.wait_dma2 semaphore(%arg46 : memref<!tpu.dma_semaphore, #tpu.memory_space<semaphore_mem>>) src(%dma_wait3A_322 : memref<128x40xf32, #tpu.memory_space<hbm>>) dst(%arg10 : memref<128x40xf32, #tpu.memory_space<vmem>>)
          %dma_wait3A_323 = arith.constant 0 : i32
          %dma_wait3A_324 = arith.constant 0 : i32
          %dma_wait3A_325 = tpu.memref_slice %arg2[%dma_wait3A_323, %dma_wait3A_324] : memref<10000x40xf32, #tpu.memory_space<hbm>> -> memref<128x40xf32, #tpu.memory_space<hbm>>
          %dma_wait3A_326 = arith.constant 0 : i32
          %dma_wait3A_327 = arith.constant 0 : i32
          %dma_wait3A_328 = tpu.memref_slice %arg2[%dma_wait3A_326, %dma_wait3A_327] : memref<10000x40xf32, #tpu.memory_space<hbm>> -> memref<128x40xf32, #tpu.memory_space<hbm>>
          tpu.wait_dma2 semaphore(%arg46 : memref<!tpu.dma_semaphore, #tpu.memory_space<semaphore_mem>>) src(%dma_wait3A_328 : memref<128x40xf32, #tpu.memory_space<hbm>>) dst(%arg10 : memref<128x40xf32, #tpu.memory_space<vmem>>)
          %dma_wait3A_329 = arith.constant 0 : i32
          %dma_wait3A_330 = arith.constant 0 : i32
          %dma_wait3A_331 = tpu.memref_slice %arg2[%dma_wait3A_329, %dma_wait3A_330] : memref<10000x40xf32, #tpu.memory_space<hbm>> -> memref<128x40xf32, #tpu.memory_space<hbm>>
          %dma_wait3A_332 = arith.constant 0 : i32
          %dma_wait3A_333 = arith.constant 0 : i32
          %dma_wait3A_334 = tpu.memref_slice %arg2[%dma_wait3A_332, %dma_wait3A_333] : memref<10000x40xf32, #tpu.memory_space<hbm>> -> memref<128x40xf32, #tpu.memory_space<hbm>>
          tpu.wait_dma2 semaphore(%arg46 : memref<!tpu.dma_semaphore, #tpu.memory_space<semaphore_mem>>) src(%dma_wait3A_334 : memref<128x40xf32, #tpu.memory_space<hbm>>) dst(%arg10 : memref<128x40xf32, #tpu.memory_space<vmem>>)
          %dma_wait3A_335 = arith.constant 0 : i32
          %dma_wait3A_336 = arith.constant 0 : i32
          %dma_wait3A_337 = tpu.memref_slice %arg2[%dma_wait3A_335, %dma_wait3A_336] : memref<10000x40xf32, #tpu.memory_space<hbm>> -> memref<128x40xf32, #tpu.memory_space<hbm>>
          %dma_wait3A_338 = arith.constant 0 : i32
          %dma_wait3A_339 = arith.constant 0 : i32
          %dma_wait3A_340 = tpu.memref_slice %arg2[%dma_wait3A_338, %dma_wait3A_339] : memref<10000x40xf32, #tpu.memory_space<hbm>> -> memref<128x40xf32, #tpu.memory_space<hbm>>
          tpu.wait_dma2 semaphore(%arg46 : memref<!tpu.dma_semaphore, #tpu.memory_space<semaphore_mem>>) src(%dma_wait3A_340 : memref<128x40xf32, #tpu.memory_space<hbm>>) dst(%arg10 : memref<128x40xf32, #tpu.memory_space<vmem>>)
        } else {
        }
        %dma_start3A_233 = arith.constant 4 : i32
        %dma_start3A_234 = arith.constant 0 : i32
        %dma_start3A_235 = tpu.memref_slice %arg7[%dma_start3A_233, %dma_start3A_234] : memref<8x128xi32, #tpu.memory_space<vmem>> -> memref<1x128xi32, #tpu.memory_space<vmem>>
        %dma_start3A_236 = tpu.memref_squeeze %dma_start3A_235 : memref<1x128xi32, #tpu.memory_space<vmem>> -> memref<128xi32, #tpu.memory_space<vmem>>
        %dma_start3A_237 = arith.constant 0 : i32
        %dma_start3A_238 = arith.constant 0 : i32
        %dma_start3A_239 = tpu.memref_slice %arg2[%dma_start3A_237, %dma_start3A_238] : memref<10000x40xf32, #tpu.memory_space<hbm>> -> memref<10000x40xf32, #tpu.memory_space<hbm>>
        tpu.enqueue_indirect_dma source(%dma_start3A_239 : memref<10000x40xf32, #tpu.memory_space<hbm>>) target(%arg22 : memref<128x40xf32, #tpu.memory_space<vmem>>) offsets(%dma_start3A_236 : memref<128xi32, #tpu.memory_space<vmem>>) semaphore(%arg39 : memref<!tpu.dma_semaphore, #tpu.memory_space<semaphore_mem>>)
        %dma_start3A_240 = arith.constant 5 : i32
        %dma_start3A_241 = arith.constant 0 : i32
        %dma_start3A_242 = tpu.memref_slice %arg7[%dma_start3A_240, %dma_start3A_241] : memref<8x128xi32, #tpu.memory_space<vmem>> -> memref<1x128xi32, #tpu.memory_space<vmem>>
        %dma_start3A_243 = tpu.memref_squeeze %dma_start3A_242 : memref<1x128xi32, #tpu.memory_space<vmem>> -> memref<128xi32, #tpu.memory_space<vmem>>
        %dma_start3A_244 = arith.constant 0 : i32
        %dma_start3A_245 = arith.constant 0 : i32
        %dma_start3A_246 = tpu.memref_slice %arg2[%dma_start3A_244, %dma_start3A_245] : memref<10000x40xf32, #tpu.memory_space<hbm>> -> memref<10000x40xf32, #tpu.memory_space<hbm>>
        tpu.enqueue_indirect_dma source(%dma_start3A_246 : memref<10000x40xf32, #tpu.memory_space<hbm>>) target(%arg23 : memref<128x40xf32, #tpu.memory_space<vmem>>) offsets(%dma_start3A_243 : memref<128xi32, #tpu.memory_space<vmem>>) semaphore(%arg40 : memref<!tpu.dma_semaphore, #tpu.memory_space<semaphore_mem>>)
        %dma_start3A_247 = arith.constant 6 : i32
        %dma_start3A_248 = arith.constant 0 : i32
        %dma_start3A_249 = tpu.memref_slice %arg7[%dma_start3A_247, %dma_start3A_248] : memref<8x128xi32, #tpu.memory_space<vmem>> -> memref<1x128xi32, #tpu.memory_space<vmem>>
        %dma_start3A_250 = tpu.memref_squeeze %dma_start3A_249 : memref<1x128xi32, #tpu.memory_space<vmem>> -> memref<128xi32, #tpu.memory_space<vmem>>
        %dma_start3A_251 = arith.constant 0 : i32
        %dma_start3A_252 = arith.constant 0 : i32
        %dma_start3A_253 = tpu.memref_slice %arg2[%dma_start3A_251, %dma_start3A_252] : memref<10000x40xf32, #tpu.memory_space<hbm>> -> memref<10000x40xf32, #tpu.memory_space<hbm>>
        tpu.enqueue_indirect_dma source(%dma_start3A_253 : memref<10000x40xf32, #tpu.memory_space<hbm>>) target(%arg24 : memref<128x40xf32, #tpu.memory_space<vmem>>) offsets(%dma_start3A_250 : memref<128xi32, #tpu.memory_space<vmem>>) semaphore(%arg41 : memref<!tpu.dma_semaphore, #tpu.memory_space<semaphore_mem>>)
        %dma_start3A_254 = arith.constant 7 : i32
        %dma_start3A_255 = arith.constant 0 : i32
        %dma_start3A_256 = tpu.memref_slice %arg7[%dma_start3A_254, %dma_start3A_255] : memref<8x128xi32, #tpu.memory_space<vmem>> -> memref<1x128xi32, #tpu.memory_space<vmem>>
        %dma_start3A_257 = tpu.memref_squeeze %dma_start3A_256 : memref<1x128xi32, #tpu.memory_space<vmem>> -> memref<128xi32, #tpu.memory_space<vmem>>
        %dma_start3A_258 = arith.constant 0 : i32
        %dma_start3A_259 = arith.constant 0 : i32
        %dma_start3A_260 = tpu.memref_slice %arg2[%dma_start3A_258, %dma_start3A_259] : memref<10000x40xf32, #tpu.memory_space<hbm>> -> memref<10000x40xf32, #tpu.memory_space<hbm>>
        tpu.enqueue_indirect_dma source(%dma_start3A_260 : memref<10000x40xf32, #tpu.memory_space<hbm>>) target(%arg25 : memref<128x40xf32, #tpu.memory_space<vmem>>) offsets(%dma_start3A_257 : memref<128xi32, #tpu.memory_space<vmem>>) semaphore(%arg42 : memref<!tpu.dma_semaphore, #tpu.memory_space<semaphore_mem>>)
        %dma_wait3A_261 = arith.constant 4 : i32
        %dma_wait3A_262 = arith.constant 0 : i32
        %dma_wait3A_263 = tpu.memref_slice %arg7[%dma_wait3A_261, %dma_wait3A_262] : memref<8x128xi32, #tpu.memory_space<vmem>> -> memref<1x128xi32, #tpu.memory_space<vmem>>
        %dma_wait3A_264 = tpu.memref_squeeze %dma_wait3A_263 : memref<1x128xi32, #tpu.memory_space<vmem>> -> memref<128xi32, #tpu.memory_space<vmem>>
        %dma_wait3A_265 = arith.constant 0 : i32
        %dma_wait3A_266 = arith.constant 0 : i32
        %dma_wait3A_267 = tpu.memref_slice %arg2[%dma_wait3A_265, %dma_wait3A_266] : memref<10000x40xf32, #tpu.memory_space<hbm>> -> memref<10000x40xf32, #tpu.memory_space<hbm>>
        tpu.wait_indirect_dma semaphore(%arg39 : memref<!tpu.dma_semaphore, #tpu.memory_space<semaphore_mem>>) src(%dma_wait3A_267 : memref<10000x40xf32, #tpu.memory_space<hbm>>) dst(%arg22 : memref<128x40xf32, #tpu.memory_space<vmem>>)
        %dma_start3A_268 = arith.constant 4 : i32
        %dma_start3A_269 = arith.constant 0 : i32
        %dma_start3A_270 = tpu.memref_slice %arg9[%dma_start3A_268, %dma_start3A_269] : memref<8x128xi32, #tpu.memory_space<vmem>> -> memref<1x128xi32, #tpu.memory_space<vmem>>
        %dma_start3A_271 = tpu.memref_squeeze %dma_start3A_270 : memref<1x128xi32, #tpu.memory_space<vmem>> -> memref<128xi32, #tpu.memory_space<vmem>>
        %dma_start3A_272 = arith.constant 0 : i32
        %dma_start3A_273 = arith.constant 0 : i32
        %dma_start3A_274 = tpu.memref_slice %arg26[%dma_start3A_272, %dma_start3A_273] : memref<10240x40xf32, #tpu.memory_space<vmem_shared>> -> memref<10240x40xf32, #tpu.memory_space<vmem_shared>>
        tpu.enqueue_indirect_dma source(%arg22 : memref<128x40xf32, #tpu.memory_space<vmem>>) target(%dma_start3A_274 : memref<10240x40xf32, #tpu.memory_space<vmem_shared>>) offsets(%dma_start3A_271 : memref<128xi32, #tpu.memory_space<vmem>>) semaphore(%arg46 : memref<!tpu.dma_semaphore, #tpu.memory_space<semaphore_mem>>) {add = true}
        %dma_wait3A_275 = arith.constant 5 : i32
        %dma_wait3A_276 = arith.constant 0 : i32
        %dma_wait3A_277 = tpu.memref_slice %arg7[%dma_wait3A_275, %dma_wait3A_276] : memref<8x128xi32, #tpu.memory_space<vmem>> -> memref<1x128xi32, #tpu.memory_space<vmem>>
        %dma_wait3A_278 = tpu.memref_squeeze %dma_wait3A_277 : memref<1x128xi32, #tpu.memory_space<vmem>> -> memref<128xi32, #tpu.memory_space<vmem>>
        %dma_wait3A_279 = arith.constant 0 : i32
        %dma_wait3A_280 = arith.constant 0 : i32
        %dma_wait3A_281 = tpu.memref_slice %arg2[%dma_wait3A_279, %dma_wait3A_280] : memref<10000x40xf32, #tpu.memory_space<hbm>> -> memref<10000x40xf32, #tpu.memory_space<hbm>>
        tpu.wait_indirect_dma semaphore(%arg40 : memref<!tpu.dma_semaphore, #tpu.memory_space<semaphore_mem>>) src(%dma_wait3A_281 : memref<10000x40xf32, #tpu.memory_space<hbm>>) dst(%arg23 : memref<128x40xf32, #tpu.memory_space<vmem>>)
        %dma_start3A_282 = arith.constant 5 : i32
        %dma_start3A_283 = arith.constant 0 : i32
        %dma_start3A_284 = tpu.memref_slice %arg9[%dma_start3A_282, %dma_start3A_283] : memref<8x128xi32, #tpu.memory_space<vmem>> -> memref<1x128xi32, #tpu.memory_space<vmem>>
        %dma_start3A_285 = tpu.memref_squeeze %dma_start3A_284 : memref<1x128xi32, #tpu.memory_space<vmem>> -> memref<128xi32, #tpu.memory_space<vmem>>
        %dma_start3A_286 = arith.constant 0 : i32
        %dma_start3A_287 = arith.constant 0 : i32
        %dma_start3A_288 = tpu.memref_slice %arg26[%dma_start3A_286, %dma_start3A_287] : memref<10240x40xf32, #tpu.memory_space<vmem_shared>> -> memref<10240x40xf32, #tpu.memory_space<vmem_shared>>
        tpu.enqueue_indirect_dma source(%arg23 : memref<128x40xf32, #tpu.memory_space<vmem>>) target(%dma_start3A_288 : memref<10240x40xf32, #tpu.memory_space<vmem_shared>>) offsets(%dma_start3A_285 : memref<128xi32, #tpu.memory_space<vmem>>) semaphore(%arg46 : memref<!tpu.dma_semaphore, #tpu.memory_space<semaphore_mem>>) {add = true}
        %dma_wait3A_289 = arith.constant 6 : i32
        %dma_wait3A_290 = arith.constant 0 : i32
        %dma_wait3A_291 = tpu.memref_slice %arg7[%dma_wait3A_289, %dma_wait3A_290] : memref<8x128xi32, #tpu.memory_space<vmem>> -> memref<1x128xi32, #tpu.memory_space<vmem>>
        %dma_wait3A_292 = tpu.memref_squeeze %dma_wait3A_291 : memref<1x128xi32, #tpu.memory_space<vmem>> -> memref<128xi32, #tpu.memory_space<vmem>>
        %dma_wait3A_293 = arith.constant 0 : i32
        %dma_wait3A_294 = arith.constant 0 : i32
        %dma_wait3A_295 = tpu.memref_slice %arg2[%dma_wait3A_293, %dma_wait3A_294] : memref<10000x40xf32, #tpu.memory_space<hbm>> -> memref<10000x40xf32, #tpu.memory_space<hbm>>
        tpu.wait_indirect_dma semaphore(%arg41 : memref<!tpu.dma_semaphore, #tpu.memory_space<semaphore_mem>>) src(%dma_wait3A_295 : memref<10000x40xf32, #tpu.memory_space<hbm>>) dst(%arg24 : memref<128x40xf32, #tpu.memory_space<vmem>>)
        %dma_start3A_296 = arith.constant 6 : i32
        %dma_start3A_297 = arith.constant 0 : i32
        %dma_start3A_298 = tpu.memref_slice %arg9[%dma_start3A_296, %dma_start3A_297] : memref<8x128xi32, #tpu.memory_space<vmem>> -> memref<1x128xi32, #tpu.memory_space<vmem>>
        %dma_start3A_299 = tpu.memref_squeeze %dma_start3A_298 : memref<1x128xi32, #tpu.memory_space<vmem>> -> memref<128xi32, #tpu.memory_space<vmem>>
        %dma_start3A_300 = arith.constant 0 : i32
        %dma_start3A_301 = arith.constant 0 : i32
        %dma_start3A_302 = tpu.memref_slice %arg26[%dma_start3A_300, %dma_start3A_301] : memref<10240x40xf32, #tpu.memory_space<vmem_shared>> -> memref<10240x40xf32, #tpu.memory_space<vmem_shared>>
        tpu.enqueue_indirect_dma source(%arg24 : memref<128x40xf32, #tpu.memory_space<vmem>>) target(%dma_start3A_302 : memref<10240x40xf32, #tpu.memory_space<vmem_shared>>) offsets(%dma_start3A_299 : memref<128xi32, #tpu.memory_space<vmem>>) semaphore(%arg46 : memref<!tpu.dma_semaphore, #tpu.memory_space<semaphore_mem>>) {add = true}
        %dma_wait3A_303 = arith.constant 7 : i32
        %dma_wait3A_304 = arith.constant 0 : i32
        %dma_wait3A_305 = tpu.memref_slice %arg7[%dma_wait3A_303, %dma_wait3A_304] : memref<8x128xi32, #tpu.memory_space<vmem>> -> memref<1x128xi32, #tpu.memory_space<vmem>>
        %dma_wait3A_306 = tpu.memref_squeeze %dma_wait3A_305 : memref<1x128xi32, #tpu.memory_space<vmem>> -> memref<128xi32, #tpu.memory_space<vmem>>
        %dma_wait3A_307 = arith.constant 0 : i32
        %dma_wait3A_308 = arith.constant 0 : i32
        %dma_wait3A_309 = tpu.memref_slice %arg2[%dma_wait3A_307, %dma_wait3A_308] : memref<10000x40xf32, #tpu.memory_space<hbm>> -> memref<10000x40xf32, #tpu.memory_space<hbm>>
        tpu.wait_indirect_dma semaphore(%arg42 : memref<!tpu.dma_semaphore, #tpu.memory_space<semaphore_mem>>) src(%dma_wait3A_309 : memref<10000x40xf32, #tpu.memory_space<hbm>>) dst(%arg25 : memref<128x40xf32, #tpu.memory_space<vmem>>)
        %dma_start3A_310 = arith.constant 7 : i32
        %dma_start3A_311 = arith.constant 0 : i32
        %dma_start3A_312 = tpu.memref_slice %arg9[%dma_start3A_310, %dma_start3A_311] : memref<8x128xi32, #tpu.memory_space<vmem>> -> memref<1x128xi32, #tpu.memory_space<vmem>>
        %dma_start3A_313 = tpu.memref_squeeze %dma_start3A_312 : memref<1x128xi32, #tpu.memory_space<vmem>> -> memref<128xi32, #tpu.memory_space<vmem>>
        %dma_start3A_314 = arith.constant 0 : i32
        %dma_start3A_315 = arith.constant 0 : i32
        %dma_start3A_316 = tpu.memref_slice %arg26[%dma_start3A_314, %dma_start3A_315] : memref<10240x40xf32, #tpu.memory_space<vmem_shared>> -> memref<10240x40xf32, #tpu.memory_space<vmem_shared>>
        tpu.enqueue_indirect_dma source(%arg25 : memref<128x40xf32, #tpu.memory_space<vmem>>) target(%dma_start3A_316 : memref<10240x40xf32, #tpu.memory_space<vmem_shared>>) offsets(%dma_start3A_313 : memref<128xi32, #tpu.memory_space<vmem>>) semaphore(%arg46 : memref<!tpu.dma_semaphore, #tpu.memory_space<semaphore_mem>>) {add = true}
      } else {
      }
    }
    %scan3A_9 = arith.constant 9 : i32
    %dma_wait3A = arith.constant 0 : i32
    %dma_wait3A_10 = arith.constant 0 : i32
    %dma_wait3A_11 = tpu.memref_slice %arg2[%dma_wait3A, %dma_wait3A_10] : memref<10000x40xf32, #tpu.memory_space<hbm>> -> memref<128x40xf32, #tpu.memory_space<hbm>>
    %dma_wait3A_12 = arith.constant 0 : i32
    %dma_wait3A_13 = arith.constant 0 : i32
    %dma_wait3A_14 = tpu.memref_slice %arg2[%dma_wait3A_12, %dma_wait3A_13] : memref<10000x40xf32, #tpu.memory_space<hbm>> -> memref<128x40xf32, #tpu.memory_space<hbm>>
    tpu.wait_dma2 semaphore(%arg43 : memref<!tpu.dma_semaphore, #tpu.memory_space<semaphore_mem>>) src(%dma_wait3A_14 : memref<128x40xf32, #tpu.memory_space<hbm>>) dst(%arg10 : memref<128x40xf32, #tpu.memory_space<vmem>>)
    %dma_wait3A_15 = arith.constant 0 : i32
    %dma_wait3A_16 = arith.constant 0 : i32
    %dma_wait3A_17 = tpu.memref_slice %arg2[%dma_wait3A_15, %dma_wait3A_16] : memref<10000x40xf32, #tpu.memory_space<hbm>> -> memref<128x40xf32, #tpu.memory_space<hbm>>
    %dma_wait3A_18 = arith.constant 0 : i32
    %dma_wait3A_19 = arith.constant 0 : i32
    %dma_wait3A_20 = tpu.memref_slice %arg2[%dma_wait3A_18, %dma_wait3A_19] : memref<10000x40xf32, #tpu.memory_space<hbm>> -> memref<128x40xf32, #tpu.memory_space<hbm>>
    tpu.wait_dma2 semaphore(%arg43 : memref<!tpu.dma_semaphore, #tpu.memory_space<semaphore_mem>>) src(%dma_wait3A_20 : memref<128x40xf32, #tpu.memory_space<hbm>>) dst(%arg10 : memref<128x40xf32, #tpu.memory_space<vmem>>)
    %dma_wait3A_21 = arith.constant 0 : i32
    %dma_wait3A_22 = arith.constant 0 : i32
    %dma_wait3A_23 = tpu.memref_slice %arg2[%dma_wait3A_21, %dma_wait3A_22] : memref<10000x40xf32, #tpu.memory_space<hbm>> -> memref<128x40xf32, #tpu.memory_space<hbm>>
    %dma_wait3A_24 = arith.constant 0 : i32
    %dma_wait3A_25 = arith.constant 0 : i32
    %dma_wait3A_26 = tpu.memref_slice %arg2[%dma_wait3A_24, %dma_wait3A_25] : memref<10000x40xf32, #tpu.memory_space<hbm>> -> memref<128x40xf32, #tpu.memory_space<hbm>>
    tpu.wait_dma2 semaphore(%arg43 : memref<!tpu.dma_semaphore, #tpu.memory_space<semaphore_mem>>) src(%dma_wait3A_26 : memref<128x40xf32, #tpu.memory_space<hbm>>) dst(%arg10 : memref<128x40xf32, #tpu.memory_space<vmem>>)
    %dma_wait3A_27 = arith.constant 0 : i32
    %dma_wait3A_28 = arith.constant 0 : i32
    %dma_wait3A_29 = tpu.memref_slice %arg2[%dma_wait3A_27, %dma_wait3A_28] : memref<10000x40xf32, #tpu.memory_space<hbm>> -> memref<128x40xf32, #tpu.memory_space<hbm>>
    %dma_wait3A_30 = arith.constant 0 : i32
    %dma_wait3A_31 = arith.constant 0 : i32
    %dma_wait3A_32 = tpu.memref_slice %arg2[%dma_wait3A_30, %dma_wait3A_31] : memref<10000x40xf32, #tpu.memory_space<hbm>> -> memref<128x40xf32, #tpu.memory_space<hbm>>
    tpu.wait_dma2 semaphore(%arg43 : memref<!tpu.dma_semaphore, #tpu.memory_space<semaphore_mem>>) src(%dma_wait3A_32 : memref<128x40xf32, #tpu.memory_space<hbm>>) dst(%arg10 : memref<128x40xf32, #tpu.memory_space<vmem>>)
    %dma_wait3A_33 = arith.constant 0 : i32
    %dma_wait3A_34 = arith.constant 0 : i32
    %dma_wait3A_35 = tpu.memref_slice %arg2[%dma_wait3A_33, %dma_wait3A_34] : memref<10000x40xf32, #tpu.memory_space<hbm>> -> memref<128x40xf32, #tpu.memory_space<hbm>>
    %dma_wait3A_36 = arith.constant 0 : i32
    %dma_wait3A_37 = arith.constant 0 : i32
    %dma_wait3A_38 = tpu.memref_slice %arg2[%dma_wait3A_36, %dma_wait3A_37] : memref<10000x40xf32, #tpu.memory_space<hbm>> -> memref<128x40xf32, #tpu.memory_space<hbm>>
    tpu.wait_dma2 semaphore(%arg44 : memref<!tpu.dma_semaphore, #tpu.memory_space<semaphore_mem>>) src(%dma_wait3A_38 : memref<128x40xf32, #tpu.memory_space<hbm>>) dst(%arg10 : memref<128x40xf32, #tpu.memory_space<vmem>>)
    %dma_wait3A_39 = arith.constant 0 : i32
    %dma_wait3A_40 = arith.constant 0 : i32
    %dma_wait3A_41 = tpu.memref_slice %arg2[%dma_wait3A_39, %dma_wait3A_40] : memref<10000x40xf32, #tpu.memory_space<hbm>> -> memref<128x40xf32, #tpu.memory_space<hbm>>
    %dma_wait3A_42 = arith.constant 0 : i32
    %dma_wait3A_43 = arith.constant 0 : i32
    %dma_wait3A_44 = tpu.memref_slice %arg2[%dma_wait3A_42, %dma_wait3A_43] : memref<10000x40xf32, #tpu.memory_space<hbm>> -> memref<128x40xf32, #tpu.memory_space<hbm>>
    tpu.wait_dma2 semaphore(%arg44 : memref<!tpu.dma_semaphore, #tpu.memory_space<semaphore_mem>>) src(%dma_wait3A_44 : memref<128x40xf32, #tpu.memory_space<hbm>>) dst(%arg10 : memref<128x40xf32, #tpu.memory_space<vmem>>)
    %dma_wait3A_45 = arith.constant 0 : i32
    %dma_wait3A_46 = arith.constant 0 : i32
    %dma_wait3A_47 = tpu.memref_slice %arg2[%dma_wait3A_45, %dma_wait3A_46] : memref<10000x40xf32, #tpu.memory_space<hbm>> -> memref<128x40xf32, #tpu.memory_space<hbm>>
    %dma_wait3A_48 = arith.constant 0 : i32
    %dma_wait3A_49 = arith.constant 0 : i32
    %dma_wait3A_50 = tpu.memref_slice %arg2[%dma_wait3A_48, %dma_wait3A_49] : memref<10000x40xf32, #tpu.memory_space<hbm>> -> memref<128x40xf32, #tpu.memory_space<hbm>>
    tpu.wait_dma2 semaphore(%arg44 : memref<!tpu.dma_semaphore, #tpu.memory_space<semaphore_mem>>) src(%dma_wait3A_50 : memref<128x40xf32, #tpu.memory_space<hbm>>) dst(%arg10 : memref<128x40xf32, #tpu.memory_space<vmem>>)
    %dma_wait3A_51 = arith.constant 0 : i32
    %dma_wait3A_52 = arith.constant 0 : i32
    %dma_wait3A_53 = tpu.memref_slice %arg2[%dma_wait3A_51, %dma_wait3A_52] : memref<10000x40xf32, #tpu.memory_space<hbm>> -> memref<128x40xf32, #tpu.memory_space<hbm>>
    %dma_wait3A_54 = arith.constant 0 : i32
    %dma_wait3A_55 = arith.constant 0 : i32
    %dma_wait3A_56 = tpu.memref_slice %arg2[%dma_wait3A_54, %dma_wait3A_55] : memref<10000x40xf32, #tpu.memory_space<hbm>> -> memref<128x40xf32, #tpu.memory_space<hbm>>
    tpu.wait_dma2 semaphore(%arg44 : memref<!tpu.dma_semaphore, #tpu.memory_space<semaphore_mem>>) src(%dma_wait3A_56 : memref<128x40xf32, #tpu.memory_space<hbm>>) dst(%arg10 : memref<128x40xf32, #tpu.memory_space<vmem>>)
    %dma_wait3A_57 = arith.constant 0 : i32
    %dma_wait3A_58 = arith.constant 0 : i32
    %dma_wait3A_59 = tpu.memref_slice %arg2[%dma_wait3A_57, %dma_wait3A_58] : memref<10000x40xf32, #tpu.memory_space<hbm>> -> memref<128x40xf32, #tpu.memory_space<hbm>>
    %dma_wait3A_60 = arith.constant 0 : i32
    %dma_wait3A_61 = arith.constant 0 : i32
    %dma_wait3A_62 = tpu.memref_slice %arg2[%dma_wait3A_60, %dma_wait3A_61] : memref<10000x40xf32, #tpu.memory_space<hbm>> -> memref<128x40xf32, #tpu.memory_space<hbm>>
    tpu.wait_dma2 semaphore(%arg45 : memref<!tpu.dma_semaphore, #tpu.memory_space<semaphore_mem>>) src(%dma_wait3A_62 : memref<128x40xf32, #tpu.memory_space<hbm>>) dst(%arg10 : memref<128x40xf32, #tpu.memory_space<vmem>>)
    %dma_wait3A_63 = arith.constant 0 : i32
    %dma_wait3A_64 = arith.constant 0 : i32
    %dma_wait3A_65 = tpu.memref_slice %arg2[%dma_wait3A_63, %dma_wait3A_64] : memref<10000x40xf32, #tpu.memory_space<hbm>> -> memref<128x40xf32, #tpu.memory_space<hbm>>
    %dma_wait3A_66 = arith.constant 0 : i32
    %dma_wait3A_67 = arith.constant 0 : i32
    %dma_wait3A_68 = tpu.memref_slice %arg2[%dma_wait3A_66, %dma_wait3A_67] : memref<10000x40xf32, #tpu.memory_space<hbm>> -> memref<128x40xf32, #tpu.memory_space<hbm>>
    tpu.wait_dma2 semaphore(%arg45 : memref<!tpu.dma_semaphore, #tpu.memory_space<semaphore_mem>>) src(%dma_wait3A_68 : memref<128x40xf32, #tpu.memory_space<hbm>>) dst(%arg10 : memref<128x40xf32, #tpu.memory_space<vmem>>)
    %dma_wait3A_69 = arith.constant 0 : i32
    %dma_wait3A_70 = arith.constant 0 : i32
    %dma_wait3A_71 = tpu.memref_slice %arg2[%dma_wait3A_69, %dma_wait3A_70] : memref<10000x40xf32, #tpu.memory_space<hbm>> -> memref<128x40xf32, #tpu.memory_space<hbm>>
    %dma_wait3A_72 = arith.constant 0 : i32
    %dma_wait3A_73 = arith.constant 0 : i32
    %dma_wait3A_74 = tpu.memref_slice %arg2[%dma_wait3A_72, %dma_wait3A_73] : memref<10000x40xf32, #tpu.memory_space<hbm>> -> memref<128x40xf32, #tpu.memory_space<hbm>>
    tpu.wait_dma2 semaphore(%arg45 : memref<!tpu.dma_semaphore, #tpu.memory_space<semaphore_mem>>) src(%dma_wait3A_74 : memref<128x40xf32, #tpu.memory_space<hbm>>) dst(%arg10 : memref<128x40xf32, #tpu.memory_space<vmem>>)
    %dma_wait3A_75 = arith.constant 0 : i32
    %dma_wait3A_76 = arith.constant 0 : i32
    %dma_wait3A_77 = tpu.memref_slice %arg2[%dma_wait3A_75, %dma_wait3A_76] : memref<10000x40xf32, #tpu.memory_space<hbm>> -> memref<128x40xf32, #tpu.memory_space<hbm>>
    %dma_wait3A_78 = arith.constant 0 : i32
    %dma_wait3A_79 = arith.constant 0 : i32
    %dma_wait3A_80 = tpu.memref_slice %arg2[%dma_wait3A_78, %dma_wait3A_79] : memref<10000x40xf32, #tpu.memory_space<hbm>> -> memref<128x40xf32, #tpu.memory_space<hbm>>
    tpu.wait_dma2 semaphore(%arg45 : memref<!tpu.dma_semaphore, #tpu.memory_space<semaphore_mem>>) src(%dma_wait3A_80 : memref<128x40xf32, #tpu.memory_space<hbm>>) dst(%arg10 : memref<128x40xf32, #tpu.memory_space<vmem>>)
    %dma_wait3A_81 = arith.constant 0 : i32
    %dma_wait3A_82 = arith.constant 0 : i32
    %dma_wait3A_83 = tpu.memref_slice %arg2[%dma_wait3A_81, %dma_wait3A_82] : memref<10000x40xf32, #tpu.memory_space<hbm>> -> memref<128x40xf32, #tpu.memory_space<hbm>>
    %dma_wait3A_84 = arith.constant 0 : i32
    %dma_wait3A_85 = arith.constant 0 : i32
    %dma_wait3A_86 = tpu.memref_slice %arg2[%dma_wait3A_84, %dma_wait3A_85] : memref<10000x40xf32, #tpu.memory_space<hbm>> -> memref<128x40xf32, #tpu.memory_space<hbm>>
    tpu.wait_dma2 semaphore(%arg46 : memref<!tpu.dma_semaphore, #tpu.memory_space<semaphore_mem>>) src(%dma_wait3A_86 : memref<128x40xf32, #tpu.memory_space<hbm>>) dst(%arg10 : memref<128x40xf32, #tpu.memory_space<vmem>>)
    %dma_wait3A_87 = arith.constant 0 : i32
    %dma_wait3A_88 = arith.constant 0 : i32
    %dma_wait3A_89 = tpu.memref_slice %arg2[%dma_wait3A_87, %dma_wait3A_88] : memref<10000x40xf32, #tpu.memory_space<hbm>> -> memref<128x40xf32, #tpu.memory_space<hbm>>
    %dma_wait3A_90 = arith.constant 0 : i32
    %dma_wait3A_91 = arith.constant 0 : i32
    %dma_wait3A_92 = tpu.memref_slice %arg2[%dma_wait3A_90, %dma_wait3A_91] : memref<10000x40xf32, #tpu.memory_space<hbm>> -> memref<128x40xf32, #tpu.memory_space<hbm>>
    tpu.wait_dma2 semaphore(%arg46 : memref<!tpu.dma_semaphore, #tpu.memory_space<semaphore_mem>>) src(%dma_wait3A_92 : memref<128x40xf32, #tpu.memory_space<hbm>>) dst(%arg10 : memref<128x40xf32, #tpu.memory_space<vmem>>)
    %dma_wait3A_93 = arith.constant 0 : i32
    %dma_wait3A_94 = arith.constant 0 : i32
    %dma_wait3A_95 = tpu.memref_slice %arg2[%dma_wait3A_93, %dma_wait3A_94] : memref<10000x40xf32, #tpu.memory_space<hbm>> -> memref<128x40xf32, #tpu.memory_space<hbm>>
    %dma_wait3A_96 = arith.constant 0 : i32
    %dma_wait3A_97 = arith.constant 0 : i32
    %dma_wait3A_98 = tpu.memref_slice %arg2[%dma_wait3A_96, %dma_wait3A_97] : memref<10000x40xf32, #tpu.memory_space<hbm>> -> memref<128x40xf32, #tpu.memory_space<hbm>>
    tpu.wait_dma2 semaphore(%arg46 : memref<!tpu.dma_semaphore, #tpu.memory_space<semaphore_mem>>) src(%dma_wait3A_98 : memref<128x40xf32, #tpu.memory_space<hbm>>) dst(%arg10 : memref<128x40xf32, #tpu.memory_space<vmem>>)
    %dma_wait3A_99 = arith.constant 0 : i32
    %dma_wait3A_100 = arith.constant 0 : i32
    %dma_wait3A_101 = tpu.memref_slice %arg2[%dma_wait3A_99, %dma_wait3A_100] : memref<10000x40xf32, #tpu.memory_space<hbm>> -> memref<128x40xf32, #tpu.memory_space<hbm>>
    %dma_wait3A_102 = arith.constant 0 : i32
    %dma_wait3A_103 = arith.constant 0 : i32
    %dma_wait3A_104 = tpu.memref_slice %arg2[%dma_wait3A_102, %dma_wait3A_103] : memref<10000x40xf32, #tpu.memory_space<hbm>> -> memref<128x40xf32, #tpu.memory_space<hbm>>
    tpu.wait_dma2 semaphore(%arg46 : memref<!tpu.dma_semaphore, #tpu.memory_space<semaphore_mem>>) src(%dma_wait3A_104 : memref<128x40xf32, #tpu.memory_space<hbm>>) dst(%arg10 : memref<128x40xf32, #tpu.memory_space<vmem>>)
    %mul3A_105 = arith.constant 78 : i32
    %mul3A_106 = arith.muli %add3A, %mul3A_105 : i32
    %add3A_107 = arith.constant 72 : i32
    %add3A_108 = arith.addi %mul3A_106, %add3A_107 : i32
    %run_scoped3A = arith.constant 0 : i32
    "tpu.region"() ({
      %run_scoped3A_125 = tpu.sem_alloc : memref<!tpu.dma_semaphore, #tpu.memory_space<semaphore_mem>>
      %dma_start3A = arith.constant 0 : i32
      %dma_start3A_126 = arith.constant 0 : i32
      %dma_start3A_127 = tpu.memref_slice %arg6[%dma_start3A, %dma_start3A_126] : memref<8x128xi32, #tpu.memory_space<vmem>> -> memref<6x128xi32, #tpu.memory_space<vmem>>
      %dma_start3A_128 = arith.constant 0 : i32
      %dma_start3A_129 = tpu.memref_slice %arg3[%run_scoped3A, %add3A_108, %dma_start3A_128] : memref<2x2500x128xi32, #tpu.memory_space<hbm>> -> memref<1x6x128xi32, #tpu.memory_space<hbm>>
      %dma_start3A_130 = tpu.memref_squeeze %dma_start3A_129 : memref<1x6x128xi32, #tpu.memory_space<hbm>> -> memref<6x128xi32, #tpu.memory_space<hbm>>
      %dma_start3A_131 = arith.constant 0 : i32
      %dma_start3A_132 = arith.constant 0 : i32
      %dma_start3A_133 = tpu.memref_slice %arg6[%dma_start3A_131, %dma_start3A_132] : memref<8x128xi32, #tpu.memory_space<vmem>> -> memref<6x128xi32, #tpu.memory_space<vmem>>
      %dma_start3A_134 = arith.constant 0 : i32
      %dma_start3A_135 = tpu.memref_slice %arg3[%run_scoped3A, %add3A_108, %dma_start3A_134] : memref<2x2500x128xi32, #tpu.memory_space<hbm>> -> memref<1x6x128xi32, #tpu.memory_space<hbm>>
      %dma_start3A_136 = tpu.memref_squeeze %dma_start3A_135 : memref<1x6x128xi32, #tpu.memory_space<hbm>> -> memref<6x128xi32, #tpu.memory_space<hbm>>
      tpu.enqueue_dma source(%dma_start3A_136 : memref<6x128xi32, #tpu.memory_space<hbm>>) target(%dma_start3A_133 : memref<6x128xi32, #tpu.memory_space<vmem>>) target_semaphore(%run_scoped3A_125 : memref<!tpu.dma_semaphore, #tpu.memory_space<semaphore_mem>>)
      %dma_wait3A_137 = arith.constant 0 : i32
      %dma_wait3A_138 = arith.constant 0 : i32
      %dma_wait3A_139 = tpu.memref_slice %arg6[%dma_wait3A_137, %dma_wait3A_138] : memref<8x128xi32, #tpu.memory_space<vmem>> -> memref<6x128xi32, #tpu.memory_space<vmem>>
      %dma_wait3A_140 = arith.constant 0 : i32
      %dma_wait3A_141 = tpu.memref_slice %arg3[%run_scoped3A, %add3A_108, %dma_wait3A_140] : memref<2x2500x128xi32, #tpu.memory_space<hbm>> -> memref<1x6x128xi32, #tpu.memory_space<hbm>>
      %dma_wait3A_142 = tpu.memref_squeeze %dma_wait3A_141 : memref<1x6x128xi32, #tpu.memory_space<hbm>> -> memref<6x128xi32, #tpu.memory_space<hbm>>
      %dma_wait3A_143 = arith.constant 0 : i32
      %dma_wait3A_144 = arith.constant 0 : i32
      %dma_wait3A_145 = tpu.memref_slice %arg6[%dma_wait3A_143, %dma_wait3A_144] : memref<8x128xi32, #tpu.memory_space<vmem>> -> memref<6x128xi32, #tpu.memory_space<vmem>>
      %dma_wait3A_146 = arith.constant 0 : i32
      %dma_wait3A_147 = tpu.memref_slice %arg3[%run_scoped3A, %add3A_108, %dma_wait3A_146] : memref<2x2500x128xi32, #tpu.memory_space<hbm>> -> memref<1x6x128xi32, #tpu.memory_space<hbm>>
      %dma_wait3A_148 = tpu.memref_squeeze %dma_wait3A_147 : memref<1x6x128xi32, #tpu.memory_space<hbm>> -> memref<6x128xi32, #tpu.memory_space<hbm>>
      tpu.wait_dma2 semaphore(%run_scoped3A_125 : memref<!tpu.dma_semaphore, #tpu.memory_space<semaphore_mem>>) src(%dma_wait3A_148 : memref<6x128xi32, #tpu.memory_space<hbm>>) dst(%dma_wait3A_145 : memref<6x128xi32, #tpu.memory_space<vmem>>)
      tpu.yield
    }) : () -> ()
    %run_scoped3A_109 = arith.constant 1 : i32
    "tpu.region"() ({
      %run_scoped3A_125 = tpu.sem_alloc : memref<!tpu.dma_semaphore, #tpu.memory_space<semaphore_mem>>
      %dma_start3A = arith.constant 0 : i32
      %dma_start3A_126 = arith.constant 0 : i32
      %dma_start3A_127 = tpu.memref_slice %arg8[%dma_start3A, %dma_start3A_126] : memref<8x128xi32, #tpu.memory_space<vmem>> -> memref<6x128xi32, #tpu.memory_space<vmem>>
      %dma_start3A_128 = arith.constant 0 : i32
      %dma_start3A_129 = tpu.memref_slice %arg3[%run_scoped3A_109, %add3A_108, %dma_start3A_128] : memref<2x2500x128xi32, #tpu.memory_space<hbm>> -> memref<1x6x128xi32, #tpu.memory_space<hbm>>
      %dma_start3A_130 = tpu.memref_squeeze %dma_start3A_129 : memref<1x6x128xi32, #tpu.memory_space<hbm>> -> memref<6x128xi32, #tpu.memory_space<hbm>>
      %dma_start3A_131 = arith.constant 0 : i32
      %dma_start3A_132 = arith.constant 0 : i32
      %dma_start3A_133 = tpu.memref_slice %arg8[%dma_start3A_131, %dma_start3A_132] : memref<8x128xi32, #tpu.memory_space<vmem>> -> memref<6x128xi32, #tpu.memory_space<vmem>>
      %dma_start3A_134 = arith.constant 0 : i32
      %dma_start3A_135 = tpu.memref_slice %arg3[%run_scoped3A_109, %add3A_108, %dma_start3A_134] : memref<2x2500x128xi32, #tpu.memory_space<hbm>> -> memref<1x6x128xi32, #tpu.memory_space<hbm>>
      %dma_start3A_136 = tpu.memref_squeeze %dma_start3A_135 : memref<1x6x128xi32, #tpu.memory_space<hbm>> -> memref<6x128xi32, #tpu.memory_space<hbm>>
      tpu.enqueue_dma source(%dma_start3A_136 : memref<6x128xi32, #tpu.memory_space<hbm>>) target(%dma_start3A_133 : memref<6x128xi32, #tpu.memory_space<vmem>>) target_semaphore(%run_scoped3A_125 : memref<!tpu.dma_semaphore, #tpu.memory_space<semaphore_mem>>)
      %dma_wait3A_137 = arith.constant 0 : i32
      %dma_wait3A_138 = arith.constant 0 : i32
      %dma_wait3A_139 = tpu.memref_slice %arg8[%dma_wait3A_137, %dma_wait3A_138] : memref<8x128xi32, #tpu.memory_space<vmem>> -> memref<6x128xi32, #tpu.memory_space<vmem>>
      %dma_wait3A_140 = arith.constant 0 : i32
      %dma_wait3A_141 = tpu.memref_slice %arg3[%run_scoped3A_109, %add3A_108, %dma_wait3A_140] : memref<2x2500x128xi32, #tpu.memory_space<hbm>> -> memref<1x6x128xi32, #tpu.memory_space<hbm>>
      %dma_wait3A_142 = tpu.memref_squeeze %dma_wait3A_141 : memref<1x6x128xi32, #tpu.memory_space<hbm>> -> memref<6x128xi32, #tpu.memory_space<hbm>>
      %dma_wait3A_143 = arith.constant 0 : i32
      %dma_wait3A_144 = arith.constant 0 : i32
      %dma_wait3A_145 = tpu.memref_slice %arg8[%dma_wait3A_143, %dma_wait3A_144] : memref<8x128xi32, #tpu.memory_space<vmem>> -> memref<6x128xi32, #tpu.memory_space<vmem>>
      %dma_wait3A_146 = arith.constant 0 : i32
      %dma_wait3A_147 = tpu.memref_slice %arg3[%run_scoped3A_109, %add3A_108, %dma_wait3A_146] : memref<2x2500x128xi32, #tpu.memory_space<hbm>> -> memref<1x6x128xi32, #tpu.memory_space<hbm>>
      %dma_wait3A_148 = tpu.memref_squeeze %dma_wait3A_147 : memref<1x6x128xi32, #tpu.memory_space<hbm>> -> memref<6x128xi32, #tpu.memory_space<hbm>>
      tpu.wait_dma2 semaphore(%run_scoped3A_125 : memref<!tpu.dma_semaphore, #tpu.memory_space<semaphore_mem>>) src(%dma_wait3A_148 : memref<6x128xi32, #tpu.memory_space<hbm>>) dst(%dma_wait3A_145 : memref<6x128xi32, #tpu.memory_space<vmem>>)
      tpu.yield
    }) : () -> ()
    %run_scoped3A_110 = arith.constant 0 : i32
    "tpu.region"() ({
      %run_scoped3A_125 = tpu.sem_alloc : memref<!tpu.dma_semaphore, #tpu.memory_space<semaphore_mem>>
      %dma_start3A = arith.constant 0 : i32
      %dma_start3A_126 = tpu.memref_slice %arg6[%run_scoped3A_110, %dma_start3A] : memref<8x128xi32, #tpu.memory_space<vmem>> -> memref<1x128xi32, #tpu.memory_space<vmem>>
      %dma_start3A_127 = tpu.memref_squeeze %dma_start3A_126 : memref<1x128xi32, #tpu.memory_space<vmem>> -> memref<128xi32, #tpu.memory_space<vmem>>
      %dma_start3A_128 = arith.constant 0 : i32
      %dma_start3A_129 = arith.constant 0 : i32
      %dma_start3A_130 = tpu.memref_slice %arg2[%dma_start3A_128, %dma_start3A_129] : memref<10000x40xf32, #tpu.memory_space<hbm>> -> memref<10000x40xf32, #tpu.memory_space<hbm>>
      tpu.enqueue_indirect_dma source(%dma_start3A_130 : memref<10000x40xf32, #tpu.memory_space<hbm>>) target(%arg10 : memref<128x40xf32, #tpu.memory_space<vmem>>) offsets(%dma_start3A_127 : memref<128xi32, #tpu.memory_space<vmem>>) semaphore(%run_scoped3A_125 : memref<!tpu.dma_semaphore, #tpu.memory_space<semaphore_mem>>)
      %dma_wait3A_131 = arith.constant 0 : i32
      %dma_wait3A_132 = tpu.memref_slice %arg6[%run_scoped3A_110, %dma_wait3A_131] : memref<8x128xi32, #tpu.memory_space<vmem>> -> memref<1x128xi32, #tpu.memory_space<vmem>>
      %dma_wait3A_133 = tpu.memref_squeeze %dma_wait3A_132 : memref<1x128xi32, #tpu.memory_space<vmem>> -> memref<128xi32, #tpu.memory_space<vmem>>
      %dma_wait3A_134 = arith.constant 0 : i32
      %dma_wait3A_135 = arith.constant 0 : i32
      %dma_wait3A_136 = tpu.memref_slice %arg2[%dma_wait3A_134, %dma_wait3A_135] : memref<10000x40xf32, #tpu.memory_space<hbm>> -> memref<10000x40xf32, #tpu.memory_space<hbm>>
      tpu.wait_indirect_dma semaphore(%run_scoped3A_125 : memref<!tpu.dma_semaphore, #tpu.memory_space<semaphore_mem>>) src(%dma_wait3A_136 : memref<10000x40xf32, #tpu.memory_space<hbm>>) dst(%arg10 : memref<128x40xf32, #tpu.memory_space<vmem>>)
      tpu.yield
    }) : () -> ()
    %run_scoped3A_111 = arith.constant 0 : i32
    "tpu.region"() ({
      %run_scoped3A_125 = tpu.sem_alloc : memref<!tpu.dma_semaphore, #tpu.memory_space<semaphore_mem>>
      %dma_start3A = arith.constant 0 : i32
      %dma_start3A_126 = tpu.memref_slice %arg8[%run_scoped3A_111, %dma_start3A] : memref<8x128xi32, #tpu.memory_space<vmem>> -> memref<1x128xi32, #tpu.memory_space<vmem>>
      %dma_start3A_127 = tpu.memref_squeeze %dma_start3A_126 : memref<1x128xi32, #tpu.memory_space<vmem>> -> memref<128xi32, #tpu.memory_space<vmem>>
      %dma_start3A_128 = arith.constant 0 : i32
      %dma_start3A_129 = arith.constant 0 : i32
      %dma_start3A_130 = tpu.memref_slice %arg26[%dma_start3A_128, %dma_start3A_129] : memref<10240x40xf32, #tpu.memory_space<vmem_shared>> -> memref<10240x40xf32, #tpu.memory_space<vmem_shared>>
      tpu.enqueue_indirect_dma source(%arg10 : memref<128x40xf32, #tpu.memory_space<vmem>>) target(%dma_start3A_130 : memref<10240x40xf32, #tpu.memory_space<vmem_shared>>) offsets(%dma_start3A_127 : memref<128xi32, #tpu.memory_space<vmem>>) semaphore(%run_scoped3A_125 : memref<!tpu.dma_semaphore, #tpu.memory_space<semaphore_mem>>) {add = true}
      %dma_wait3A_131 = arith.constant 0 : i32
      %dma_wait3A_132 = tpu.memref_slice %arg8[%run_scoped3A_111, %dma_wait3A_131] : memref<8x128xi32, #tpu.memory_space<vmem>> -> memref<1x128xi32, #tpu.memory_space<vmem>>
      %dma_wait3A_133 = tpu.memref_squeeze %dma_wait3A_132 : memref<1x128xi32, #tpu.memory_space<vmem>> -> memref<128xi32, #tpu.memory_space<vmem>>
      %dma_wait3A_134 = arith.constant 0 : i32
      %dma_wait3A_135 = arith.constant 0 : i32
      %dma_wait3A_136 = tpu.memref_slice %arg26[%dma_wait3A_134, %dma_wait3A_135] : memref<10240x40xf32, #tpu.memory_space<vmem_shared>> -> memref<10240x40xf32, #tpu.memory_space<vmem_shared>>
      tpu.wait_indirect_dma semaphore(%run_scoped3A_125 : memref<!tpu.dma_semaphore, #tpu.memory_space<semaphore_mem>>) src(%arg10 : memref<128x40xf32, #tpu.memory_space<vmem>>) dst(%dma_wait3A_136 : memref<10240x40xf32, #tpu.memory_space<vmem_shared>>)
      tpu.yield
    }) : () -> ()
    %run_scoped3A_112 = arith.constant 1 : i32
    "tpu.region"() ({
      %run_scoped3A_125 = tpu.sem_alloc : memref<!tpu.dma_semaphore, #tpu.memory_space<semaphore_mem>>
      %dma_start3A = arith.constant 0 : i32
      %dma_start3A_126 = tpu.memref_slice %arg6[%run_scoped3A_112, %dma_start3A] : memref<8x128xi32, #tpu.memory_space<vmem>> -> memref<1x128xi32, #tpu.memory_space<vmem>>
      %dma_start3A_127 = tpu.memref_squeeze %dma_start3A_126 : memref<1x128xi32, #tpu.memory_space<vmem>> -> memref<128xi32, #tpu.memory_space<vmem>>
      %dma_start3A_128 = arith.constant 0 : i32
      %dma_start3A_129 = arith.constant 0 : i32
      %dma_start3A_130 = tpu.memref_slice %arg2[%dma_start3A_128, %dma_start3A_129] : memref<10000x40xf32, #tpu.memory_space<hbm>> -> memref<10000x40xf32, #tpu.memory_space<hbm>>
      tpu.enqueue_indirect_dma source(%dma_start3A_130 : memref<10000x40xf32, #tpu.memory_space<hbm>>) target(%arg10 : memref<128x40xf32, #tpu.memory_space<vmem>>) offsets(%dma_start3A_127 : memref<128xi32, #tpu.memory_space<vmem>>) semaphore(%run_scoped3A_125 : memref<!tpu.dma_semaphore, #tpu.memory_space<semaphore_mem>>)
      %dma_wait3A_131 = arith.constant 0 : i32
      %dma_wait3A_132 = tpu.memref_slice %arg6[%run_scoped3A_112, %dma_wait3A_131] : memref<8x128xi32, #tpu.memory_space<vmem>> -> memref<1x128xi32, #tpu.memory_space<vmem>>
      %dma_wait3A_133 = tpu.memref_squeeze %dma_wait3A_132 : memref<1x128xi32, #tpu.memory_space<vmem>> -> memref<128xi32, #tpu.memory_space<vmem>>
      %dma_wait3A_134 = arith.constant 0 : i32
      %dma_wait3A_135 = arith.constant 0 : i32
      %dma_wait3A_136 = tpu.memref_slice %arg2[%dma_wait3A_134, %dma_wait3A_135] : memref<10000x40xf32, #tpu.memory_space<hbm>> -> memref<10000x40xf32, #tpu.memory_space<hbm>>
      tpu.wait_indirect_dma semaphore(%run_scoped3A_125 : memref<!tpu.dma_semaphore, #tpu.memory_space<semaphore_mem>>) src(%dma_wait3A_136 : memref<10000x40xf32, #tpu.memory_space<hbm>>) dst(%arg10 : memref<128x40xf32, #tpu.memory_space<vmem>>)
      tpu.yield
    }) : () -> ()
    %run_scoped3A_113 = arith.constant 1 : i32
    "tpu.region"() ({
      %run_scoped3A_125 = tpu.sem_alloc : memref<!tpu.dma_semaphore, #tpu.memory_space<semaphore_mem>>
      %dma_start3A = arith.constant 0 : i32
      %dma_start3A_126 = tpu.memref_slice %arg8[%run_scoped3A_113, %dma_start3A] : memref<8x128xi32, #tpu.memory_space<vmem>> -> memref<1x128xi32, #tpu.memory_space<vmem>>
      %dma_start3A_127 = tpu.memref_squeeze %dma_start3A_126 : memref<1x128xi32, #tpu.memory_space<vmem>> -> memref<128xi32, #tpu.memory_space<vmem>>
      %dma_start3A_128 = arith.constant 0 : i32
      %dma_start3A_129 = arith.constant 0 : i32
      %dma_start3A_130 = tpu.memref_slice %arg26[%dma_start3A_128, %dma_start3A_129] : memref<10240x40xf32, #tpu.memory_space<vmem_shared>> -> memref<10240x40xf32, #tpu.memory_space<vmem_shared>>
      tpu.enqueue_indirect_dma source(%arg10 : memref<128x40xf32, #tpu.memory_space<vmem>>) target(%dma_start3A_130 : memref<10240x40xf32, #tpu.memory_space<vmem_shared>>) offsets(%dma_start3A_127 : memref<128xi32, #tpu.memory_space<vmem>>) semaphore(%run_scoped3A_125 : memref<!tpu.dma_semaphore, #tpu.memory_space<semaphore_mem>>) {add = true}
      %dma_wait3A_131 = arith.constant 0 : i32
      %dma_wait3A_132 = tpu.memref_slice %arg8[%run_scoped3A_113, %dma_wait3A_131] : memref<8x128xi32, #tpu.memory_space<vmem>> -> memref<1x128xi32, #tpu.memory_space<vmem>>
      %dma_wait3A_133 = tpu.memref_squeeze %dma_wait3A_132 : memref<1x128xi32, #tpu.memory_space<vmem>> -> memref<128xi32, #tpu.memory_space<vmem>>
      %dma_wait3A_134 = arith.constant 0 : i32
      %dma_wait3A_135 = arith.constant 0 : i32
      %dma_wait3A_136 = tpu.memref_slice %arg26[%dma_wait3A_134, %dma_wait3A_135] : memref<10240x40xf32, #tpu.memory_space<vmem_shared>> -> memref<10240x40xf32, #tpu.memory_space<vmem_shared>>
      tpu.wait_indirect_dma semaphore(%run_scoped3A_125 : memref<!tpu.dma_semaphore, #tpu.memory_space<semaphore_mem>>) src(%arg10 : memref<128x40xf32, #tpu.memory_space<vmem>>) dst(%dma_wait3A_136 : memref<10240x40xf32, #tpu.memory_space<vmem_shared>>)
      tpu.yield
    }) : () -> ()
    %run_scoped3A_114 = arith.constant 2 : i32
    "tpu.region"() ({
      %run_scoped3A_125 = tpu.sem_alloc : memref<!tpu.dma_semaphore, #tpu.memory_space<semaphore_mem>>
      %dma_start3A = arith.constant 0 : i32
      %dma_start3A_126 = tpu.memref_slice %arg6[%run_scoped3A_114, %dma_start3A] : memref<8x128xi32, #tpu.memory_space<vmem>> -> memref<1x128xi32, #tpu.memory_space<vmem>>
      %dma_start3A_127 = tpu.memref_squeeze %dma_start3A_126 : memref<1x128xi32, #tpu.memory_space<vmem>> -> memref<128xi32, #tpu.memory_space<vmem>>
      %dma_start3A_128 = arith.constant 0 : i32
      %dma_start3A_129 = arith.constant 0 : i32
      %dma_start3A_130 = tpu.memref_slice %arg2[%dma_start3A_128, %dma_start3A_129] : memref<10000x40xf32, #tpu.memory_space<hbm>> -> memref<10000x40xf32, #tpu.memory_space<hbm>>
      tpu.enqueue_indirect_dma source(%dma_start3A_130 : memref<10000x40xf32, #tpu.memory_space<hbm>>) target(%arg10 : memref<128x40xf32, #tpu.memory_space<vmem>>) offsets(%dma_start3A_127 : memref<128xi32, #tpu.memory_space<vmem>>) semaphore(%run_scoped3A_125 : memref<!tpu.dma_semaphore, #tpu.memory_space<semaphore_mem>>)
      %dma_wait3A_131 = arith.constant 0 : i32
      %dma_wait3A_132 = tpu.memref_slice %arg6[%run_scoped3A_114, %dma_wait3A_131] : memref<8x128xi32, #tpu.memory_space<vmem>> -> memref<1x128xi32, #tpu.memory_space<vmem>>
      %dma_wait3A_133 = tpu.memref_squeeze %dma_wait3A_132 : memref<1x128xi32, #tpu.memory_space<vmem>> -> memref<128xi32, #tpu.memory_space<vmem>>
      %dma_wait3A_134 = arith.constant 0 : i32
      %dma_wait3A_135 = arith.constant 0 : i32
      %dma_wait3A_136 = tpu.memref_slice %arg2[%dma_wait3A_134, %dma_wait3A_135] : memref<10000x40xf32, #tpu.memory_space<hbm>> -> memref<10000x40xf32, #tpu.memory_space<hbm>>
      tpu.wait_indirect_dma semaphore(%run_scoped3A_125 : memref<!tpu.dma_semaphore, #tpu.memory_space<semaphore_mem>>) src(%dma_wait3A_136 : memref<10000x40xf32, #tpu.memory_space<hbm>>) dst(%arg10 : memref<128x40xf32, #tpu.memory_space<vmem>>)
      tpu.yield
    }) : () -> ()
    %run_scoped3A_115 = arith.constant 2 : i32
    "tpu.region"() ({
      %run_scoped3A_125 = tpu.sem_alloc : memref<!tpu.dma_semaphore, #tpu.memory_space<semaphore_mem>>
      %dma_start3A = arith.constant 0 : i32
      %dma_start3A_126 = tpu.memref_slice %arg8[%run_scoped3A_115, %dma_start3A] : memref<8x128xi32, #tpu.memory_space<vmem>> -> memref<1x128xi32, #tpu.memory_space<vmem>>
      %dma_start3A_127 = tpu.memref_squeeze %dma_start3A_126 : memref<1x128xi32, #tpu.memory_space<vmem>> -> memref<128xi32, #tpu.memory_space<vmem>>
      %dma_start3A_128 = arith.constant 0 : i32
      %dma_start3A_129 = arith.constant 0 : i32
      %dma_start3A_130 = tpu.memref_slice %arg26[%dma_start3A_128, %dma_start3A_129] : memref<10240x40xf32, #tpu.memory_space<vmem_shared>> -> memref<10240x40xf32, #tpu.memory_space<vmem_shared>>
      tpu.enqueue_indirect_dma source(%arg10 : memref<128x40xf32, #tpu.memory_space<vmem>>) target(%dma_start3A_130 : memref<10240x40xf32, #tpu.memory_space<vmem_shared>>) offsets(%dma_start3A_127 : memref<128xi32, #tpu.memory_space<vmem>>) semaphore(%run_scoped3A_125 : memref<!tpu.dma_semaphore, #tpu.memory_space<semaphore_mem>>) {add = true}
      %dma_wait3A_131 = arith.constant 0 : i32
      %dma_wait3A_132 = tpu.memref_slice %arg8[%run_scoped3A_115, %dma_wait3A_131] : memref<8x128xi32, #tpu.memory_space<vmem>> -> memref<1x128xi32, #tpu.memory_space<vmem>>
      %dma_wait3A_133 = tpu.memref_squeeze %dma_wait3A_132 : memref<1x128xi32, #tpu.memory_space<vmem>> -> memref<128xi32, #tpu.memory_space<vmem>>
      %dma_wait3A_134 = arith.constant 0 : i32
      %dma_wait3A_135 = arith.constant 0 : i32
      %dma_wait3A_136 = tpu.memref_slice %arg26[%dma_wait3A_134, %dma_wait3A_135] : memref<10240x40xf32, #tpu.memory_space<vmem_shared>> -> memref<10240x40xf32, #tpu.memory_space<vmem_shared>>
      tpu.wait_indirect_dma semaphore(%run_scoped3A_125 : memref<!tpu.dma_semaphore, #tpu.memory_space<semaphore_mem>>) src(%arg10 : memref<128x40xf32, #tpu.memory_space<vmem>>) dst(%dma_wait3A_136 : memref<10240x40xf32, #tpu.memory_space<vmem_shared>>)
      tpu.yield
    }) : () -> ()
    %run_scoped3A_116 = arith.constant 3 : i32
    "tpu.region"() ({
      %run_scoped3A_125 = tpu.sem_alloc : memref<!tpu.dma_semaphore, #tpu.memory_space<semaphore_mem>>
      %dma_start3A = arith.constant 0 : i32
      %dma_start3A_126 = tpu.memref_slice %arg6[%run_scoped3A_116, %dma_start3A] : memref<8x128xi32, #tpu.memory_space<vmem>> -> memref<1x128xi32, #tpu.memory_space<vmem>>
      %dma_start3A_127 = tpu.memref_squeeze %dma_start3A_126 : memref<1x128xi32, #tpu.memory_space<vmem>> -> memref<128xi32, #tpu.memory_space<vmem>>
      %dma_start3A_128 = arith.constant 0 : i32
      %dma_start3A_129 = arith.constant 0 : i32
      %dma_start3A_130 = tpu.memref_slice %arg2[%dma_start3A_128, %dma_start3A_129] : memref<10000x40xf32, #tpu.memory_space<hbm>> -> memref<10000x40xf32, #tpu.memory_space<hbm>>
      tpu.enqueue_indirect_dma source(%dma_start3A_130 : memref<10000x40xf32, #tpu.memory_space<hbm>>) target(%arg10 : memref<128x40xf32, #tpu.memory_space<vmem>>) offsets(%dma_start3A_127 : memref<128xi32, #tpu.memory_space<vmem>>) semaphore(%run_scoped3A_125 : memref<!tpu.dma_semaphore, #tpu.memory_space<semaphore_mem>>)
      %dma_wait3A_131 = arith.constant 0 : i32
      %dma_wait3A_132 = tpu.memref_slice %arg6[%run_scoped3A_116, %dma_wait3A_131] : memref<8x128xi32, #tpu.memory_space<vmem>> -> memref<1x128xi32, #tpu.memory_space<vmem>>
      %dma_wait3A_133 = tpu.memref_squeeze %dma_wait3A_132 : memref<1x128xi32, #tpu.memory_space<vmem>> -> memref<128xi32, #tpu.memory_space<vmem>>
      %dma_wait3A_134 = arith.constant 0 : i32
      %dma_wait3A_135 = arith.constant 0 : i32
      %dma_wait3A_136 = tpu.memref_slice %arg2[%dma_wait3A_134, %dma_wait3A_135] : memref<10000x40xf32, #tpu.memory_space<hbm>> -> memref<10000x40xf32, #tpu.memory_space<hbm>>
      tpu.wait_indirect_dma semaphore(%run_scoped3A_125 : memref<!tpu.dma_semaphore, #tpu.memory_space<semaphore_mem>>) src(%dma_wait3A_136 : memref<10000x40xf32, #tpu.memory_space<hbm>>) dst(%arg10 : memref<128x40xf32, #tpu.memory_space<vmem>>)
      tpu.yield
    }) : () -> ()
    %run_scoped3A_117 = arith.constant 3 : i32
    "tpu.region"() ({
      %run_scoped3A_125 = tpu.sem_alloc : memref<!tpu.dma_semaphore, #tpu.memory_space<semaphore_mem>>
      %dma_start3A = arith.constant 0 : i32
      %dma_start3A_126 = tpu.memref_slice %arg8[%run_scoped3A_117, %dma_start3A] : memref<8x128xi32, #tpu.memory_space<vmem>> -> memref<1x128xi32, #tpu.memory_space<vmem>>
      %dma_start3A_127 = tpu.memref_squeeze %dma_start3A_126 : memref<1x128xi32, #tpu.memory_space<vmem>> -> memref<128xi32, #tpu.memory_space<vmem>>
      %dma_start3A_128 = arith.constant 0 : i32
      %dma_start3A_129 = arith.constant 0 : i32
      %dma_start3A_130 = tpu.memref_slice %arg26[%dma_start3A_128, %dma_start3A_129] : memref<10240x40xf32, #tpu.memory_space<vmem_shared>> -> memref<10240x40xf32, #tpu.memory_space<vmem_shared>>
      tpu.enqueue_indirect_dma source(%arg10 : memref<128x40xf32, #tpu.memory_space<vmem>>) target(%dma_start3A_130 : memref<10240x40xf32, #tpu.memory_space<vmem_shared>>) offsets(%dma_start3A_127 : memref<128xi32, #tpu.memory_space<vmem>>) semaphore(%run_scoped3A_125 : memref<!tpu.dma_semaphore, #tpu.memory_space<semaphore_mem>>) {add = true}
      %dma_wait3A_131 = arith.constant 0 : i32
      %dma_wait3A_132 = tpu.memref_slice %arg8[%run_scoped3A_117, %dma_wait3A_131] : memref<8x128xi32, #tpu.memory_space<vmem>> -> memref<1x128xi32, #tpu.memory_space<vmem>>
      %dma_wait3A_133 = tpu.memref_squeeze %dma_wait3A_132 : memref<1x128xi32, #tpu.memory_space<vmem>> -> memref<128xi32, #tpu.memory_space<vmem>>
      %dma_wait3A_134 = arith.constant 0 : i32
      %dma_wait3A_135 = arith.constant 0 : i32
      %dma_wait3A_136 = tpu.memref_slice %arg26[%dma_wait3A_134, %dma_wait3A_135] : memref<10240x40xf32, #tpu.memory_space<vmem_shared>> -> memref<10240x40xf32, #tpu.memory_space<vmem_shared>>
      tpu.wait_indirect_dma semaphore(%run_scoped3A_125 : memref<!tpu.dma_semaphore, #tpu.memory_space<semaphore_mem>>) src(%arg10 : memref<128x40xf32, #tpu.memory_space<vmem>>) dst(%dma_wait3A_136 : memref<10240x40xf32, #tpu.memory_space<vmem_shared>>)
      tpu.yield
    }) : () -> ()
    %run_scoped3A_118 = arith.constant 4 : i32
    "tpu.region"() ({
      %run_scoped3A_125 = tpu.sem_alloc : memref<!tpu.dma_semaphore, #tpu.memory_space<semaphore_mem>>
      %dma_start3A = arith.constant 0 : i32
      %dma_start3A_126 = tpu.memref_slice %arg6[%run_scoped3A_118, %dma_start3A] : memref<8x128xi32, #tpu.memory_space<vmem>> -> memref<1x128xi32, #tpu.memory_space<vmem>>
      %dma_start3A_127 = tpu.memref_squeeze %dma_start3A_126 : memref<1x128xi32, #tpu.memory_space<vmem>> -> memref<128xi32, #tpu.memory_space<vmem>>
      %dma_start3A_128 = arith.constant 0 : i32
      %dma_start3A_129 = arith.constant 0 : i32
      %dma_start3A_130 = tpu.memref_slice %arg2[%dma_start3A_128, %dma_start3A_129] : memref<10000x40xf32, #tpu.memory_space<hbm>> -> memref<10000x40xf32, #tpu.memory_space<hbm>>
      tpu.enqueue_indirect_dma source(%dma_start3A_130 : memref<10000x40xf32, #tpu.memory_space<hbm>>) target(%arg10 : memref<128x40xf32, #tpu.memory_space<vmem>>) offsets(%dma_start3A_127 : memref<128xi32, #tpu.memory_space<vmem>>) semaphore(%run_scoped3A_125 : memref<!tpu.dma_semaphore, #tpu.memory_space<semaphore_mem>>)
      %dma_wait3A_131 = arith.constant 0 : i32
      %dma_wait3A_132 = tpu.memref_slice %arg6[%run_scoped3A_118, %dma_wait3A_131] : memref<8x128xi32, #tpu.memory_space<vmem>> -> memref<1x128xi32, #tpu.memory_space<vmem>>
      %dma_wait3A_133 = tpu.memref_squeeze %dma_wait3A_132 : memref<1x128xi32, #tpu.memory_space<vmem>> -> memref<128xi32, #tpu.memory_space<vmem>>
      %dma_wait3A_134 = arith.constant 0 : i32
      %dma_wait3A_135 = arith.constant 0 : i32
      %dma_wait3A_136 = tpu.memref_slice %arg2[%dma_wait3A_134, %dma_wait3A_135] : memref<10000x40xf32, #tpu.memory_space<hbm>> -> memref<10000x40xf32, #tpu.memory_space<hbm>>
      tpu.wait_indirect_dma semaphore(%run_scoped3A_125 : memref<!tpu.dma_semaphore, #tpu.memory_space<semaphore_mem>>) src(%dma_wait3A_136 : memref<10000x40xf32, #tpu.memory_space<hbm>>) dst(%arg10 : memref<128x40xf32, #tpu.memory_space<vmem>>)
      tpu.yield
    }) : () -> ()
    %run_scoped3A_119 = arith.constant 4 : i32
    "tpu.region"() ({
      %run_scoped3A_125 = tpu.sem_alloc : memref<!tpu.dma_semaphore, #tpu.memory_space<semaphore_mem>>
      %dma_start3A = arith.constant 0 : i32
      %dma_start3A_126 = tpu.memref_slice %arg8[%run_scoped3A_119, %dma_start3A] : memref<8x128xi32, #tpu.memory_space<vmem>> -> memref<1x128xi32, #tpu.memory_space<vmem>>
      %dma_start3A_127 = tpu.memref_squeeze %dma_start3A_126 : memref<1x128xi32, #tpu.memory_space<vmem>> -> memref<128xi32, #tpu.memory_space<vmem>>
      %dma_start3A_128 = arith.constant 0 : i32
      %dma_start3A_129 = arith.constant 0 : i32
      %dma_start3A_130 = tpu.memref_slice %arg26[%dma_start3A_128, %dma_start3A_129] : memref<10240x40xf32, #tpu.memory_space<vmem_shared>> -> memref<10240x40xf32, #tpu.memory_space<vmem_shared>>
      tpu.enqueue_indirect_dma source(%arg10 : memref<128x40xf32, #tpu.memory_space<vmem>>) target(%dma_start3A_130 : memref<10240x40xf32, #tpu.memory_space<vmem_shared>>) offsets(%dma_start3A_127 : memref<128xi32, #tpu.memory_space<vmem>>) semaphore(%run_scoped3A_125 : memref<!tpu.dma_semaphore, #tpu.memory_space<semaphore_mem>>) {add = true}
      %dma_wait3A_131 = arith.constant 0 : i32
      %dma_wait3A_132 = tpu.memref_slice %arg8[%run_scoped3A_119, %dma_wait3A_131] : memref<8x128xi32, #tpu.memory_space<vmem>> -> memref<1x128xi32, #tpu.memory_space<vmem>>
      %dma_wait3A_133 = tpu.memref_squeeze %dma_wait3A_132 : memref<1x128xi32, #tpu.memory_space<vmem>> -> memref<128xi32, #tpu.memory_space<vmem>>
      %dma_wait3A_134 = arith.constant 0 : i32
      %dma_wait3A_135 = arith.constant 0 : i32
      %dma_wait3A_136 = tpu.memref_slice %arg26[%dma_wait3A_134, %dma_wait3A_135] : memref<10240x40xf32, #tpu.memory_space<vmem_shared>> -> memref<10240x40xf32, #tpu.memory_space<vmem_shared>>
      tpu.wait_indirect_dma semaphore(%run_scoped3A_125 : memref<!tpu.dma_semaphore, #tpu.memory_space<semaphore_mem>>) src(%arg10 : memref<128x40xf32, #tpu.memory_space<vmem>>) dst(%dma_wait3A_136 : memref<10240x40xf32, #tpu.memory_space<vmem_shared>>)
      tpu.yield
    }) : () -> ()
    %run_scoped3A_120 = arith.constant 5 : i32
    "tpu.region"() ({
      %run_scoped3A_125 = tpu.sem_alloc : memref<!tpu.dma_semaphore, #tpu.memory_space<semaphore_mem>>
      %dma_start3A = arith.constant 0 : i32
      %dma_start3A_126 = tpu.memref_slice %arg6[%run_scoped3A_120, %dma_start3A] : memref<8x128xi32, #tpu.memory_space<vmem>> -> memref<1x128xi32, #tpu.memory_space<vmem>>
      %dma_start3A_127 = tpu.memref_squeeze %dma_start3A_126 : memref<1x128xi32, #tpu.memory_space<vmem>> -> memref<128xi32, #tpu.memory_space<vmem>>
      %dma_start3A_128 = arith.constant 0 : i32
      %dma_start3A_129 = arith.constant 0 : i32
      %dma_start3A_130 = tpu.memref_slice %arg2[%dma_start3A_128, %dma_start3A_129] : memref<10000x40xf32, #tpu.memory_space<hbm>> -> memref<10000x40xf32, #tpu.memory_space<hbm>>
      tpu.enqueue_indirect_dma source(%dma_start3A_130 : memref<10000x40xf32, #tpu.memory_space<hbm>>) target(%arg10 : memref<128x40xf32, #tpu.memory_space<vmem>>) offsets(%dma_start3A_127 : memref<128xi32, #tpu.memory_space<vmem>>) semaphore(%run_scoped3A_125 : memref<!tpu.dma_semaphore, #tpu.memory_space<semaphore_mem>>)
      %dma_wait3A_131 = arith.constant 0 : i32
      %dma_wait3A_132 = tpu.memref_slice %arg6[%run_scoped3A_120, %dma_wait3A_131] : memref<8x128xi32, #tpu.memory_space<vmem>> -> memref<1x128xi32, #tpu.memory_space<vmem>>
      %dma_wait3A_133 = tpu.memref_squeeze %dma_wait3A_132 : memref<1x128xi32, #tpu.memory_space<vmem>> -> memref<128xi32, #tpu.memory_space<vmem>>
      %dma_wait3A_134 = arith.constant 0 : i32
      %dma_wait3A_135 = arith.constant 0 : i32
      %dma_wait3A_136 = tpu.memref_slice %arg2[%dma_wait3A_134, %dma_wait3A_135] : memref<10000x40xf32, #tpu.memory_space<hbm>> -> memref<10000x40xf32, #tpu.memory_space<hbm>>
      tpu.wait_indirect_dma semaphore(%run_scoped3A_125 : memref<!tpu.dma_semaphore, #tpu.memory_space<semaphore_mem>>) src(%dma_wait3A_136 : memref<10000x40xf32, #tpu.memory_space<hbm>>) dst(%arg10 : memref<128x40xf32, #tpu.memory_space<vmem>>)
      tpu.yield
    }) : () -> ()
    %run_scoped3A_121 = arith.constant 5 : i32
    "tpu.region"() ({
      %run_scoped3A_125 = tpu.sem_alloc : memref<!tpu.dma_semaphore, #tpu.memory_space<semaphore_mem>>
      %dma_start3A = arith.constant 0 : i32
      %dma_start3A_126 = tpu.memref_slice %arg8[%run_scoped3A_121, %dma_start3A] : memref<8x128xi32, #tpu.memory_space<vmem>> -> memref<1x128xi32, #tpu.memory_space<vmem>>
      %dma_start3A_127 = tpu.memref_squeeze %dma_start3A_126 : memref<1x128xi32, #tpu.memory_space<vmem>> -> memref<128xi32, #tpu.memory_space<vmem>>
      %dma_start3A_128 = arith.constant 0 : i32
      %dma_start3A_129 = arith.constant 0 : i32
      %dma_start3A_130 = tpu.memref_slice %arg26[%dma_start3A_128, %dma_start3A_129] : memref<10240x40xf32, #tpu.memory_space<vmem_shared>> -> memref<10240x40xf32, #tpu.memory_space<vmem_shared>>
      tpu.enqueue_indirect_dma source(%arg10 : memref<128x40xf32, #tpu.memory_space<vmem>>) target(%dma_start3A_130 : memref<10240x40xf32, #tpu.memory_space<vmem_shared>>) offsets(%dma_start3A_127 : memref<128xi32, #tpu.memory_space<vmem>>) semaphore(%run_scoped3A_125 : memref<!tpu.dma_semaphore, #tpu.memory_space<semaphore_mem>>) {add = true}
      %dma_wait3A_131 = arith.constant 0 : i32
      %dma_wait3A_132 = tpu.memref_slice %arg8[%run_scoped3A_121, %dma_wait3A_131] : memref<8x128xi32, #tpu.memory_space<vmem>> -> memref<1x128xi32, #tpu.memory_space<vmem>>
      %dma_wait3A_133 = tpu.memref_squeeze %dma_wait3A_132 : memref<1x128xi32, #tpu.memory_space<vmem>> -> memref<128xi32, #tpu.memory_space<vmem>>
      %dma_wait3A_134 = arith.constant 0 : i32
      %dma_wait3A_135 = arith.constant 0 : i32
      %dma_wait3A_136 = tpu.memref_slice %arg26[%dma_wait3A_134, %dma_wait3A_135] : memref<10240x40xf32, #tpu.memory_space<vmem_shared>> -> memref<10240x40xf32, #tpu.memory_space<vmem_shared>>
      tpu.wait_indirect_dma semaphore(%run_scoped3A_125 : memref<!tpu.dma_semaphore, #tpu.memory_space<semaphore_mem>>) src(%arg10 : memref<128x40xf32, #tpu.memory_space<vmem>>) dst(%dma_wait3A_136 : memref<10240x40xf32, #tpu.memory_space<vmem_shared>>)
      tpu.yield
    }) : () -> ()
    %lt3A = arith.constant 4 : i32
    %lt3A_122 = arith.cmpi slt, %add3A, %lt3A : i32
    %convert_element_type3A = arith.extui %lt3A_122 : i1 to i32
    %cond3A = arith.constant 0 : i32
    %cond3A_123 = arith.cmpi ne, %convert_element_type3A, %cond3A : i32
    scf.if %cond3A_123 {
      %add3A_125 = arith.constant 2496 : i32
      %add3A_126 = arith.addi %add3A_125, %add3A : i32
      %run_scoped3A_127 = arith.constant 0 : i32
      "tpu.region"() ({
        %run_scoped3A_131 = tpu.sem_alloc : memref<!tpu.dma_semaphore, #tpu.memory_space<semaphore_mem>>
        %dma_start3A = arith.constant 0 : i32
        %dma_start3A_132 = arith.constant 0 : i32
        %dma_start3A_133 = tpu.memref_slice %arg6[%dma_start3A, %dma_start3A_132] : memref<8x128xi32, #tpu.memory_space<vmem>> -> memref<1x128xi32, #tpu.memory_space<vmem>>
        %dma_start3A_134 = arith.constant 0 : i32
        %dma_start3A_135 = tpu.memref_slice %arg3[%run_scoped3A_127, %add3A_126, %dma_start3A_134] : memref<2x2500x128xi32, #tpu.memory_space<hbm>> -> memref<1x1x128xi32, #tpu.memory_space<hbm>>
        %dma_start3A_136 = tpu.memref_squeeze %dma_start3A_135 : memref<1x1x128xi32, #tpu.memory_space<hbm>> -> memref<1x128xi32, #tpu.memory_space<hbm>>
        %dma_start3A_137 = arith.constant 0 : i32
        %dma_start3A_138 = arith.constant 0 : i32
        %dma_start3A_139 = tpu.memref_slice %arg6[%dma_start3A_137, %dma_start3A_138] : memref<8x128xi32, #tpu.memory_space<vmem>> -> memref<1x128xi32, #tpu.memory_space<vmem>>
        %dma_start3A_140 = arith.constant 0 : i32
        %dma_start3A_141 = tpu.memref_slice %arg3[%run_scoped3A_127, %add3A_126, %dma_start3A_140] : memref<2x2500x128xi32, #tpu.memory_space<hbm>> -> memref<1x1x128xi32, #tpu.memory_space<hbm>>
        %dma_start3A_142 = tpu.memref_squeeze %dma_start3A_141 : memref<1x1x128xi32, #tpu.memory_space<hbm>> -> memref<1x128xi32, #tpu.memory_space<hbm>>
        tpu.enqueue_dma source(%dma_start3A_142 : memref<1x128xi32, #tpu.memory_space<hbm>>) target(%dma_start3A_139 : memref<1x128xi32, #tpu.memory_space<vmem>>) target_semaphore(%run_scoped3A_131 : memref<!tpu.dma_semaphore, #tpu.memory_space<semaphore_mem>>)
        %dma_wait3A_143 = arith.constant 0 : i32
        %dma_wait3A_144 = arith.constant 0 : i32
        %dma_wait3A_145 = tpu.memref_slice %arg6[%dma_wait3A_143, %dma_wait3A_144] : memref<8x128xi32, #tpu.memory_space<vmem>> -> memref<1x128xi32, #tpu.memory_space<vmem>>
        %dma_wait3A_146 = arith.constant 0 : i32
        %dma_wait3A_147 = tpu.memref_slice %arg3[%run_scoped3A_127, %add3A_126, %dma_wait3A_146] : memref<2x2500x128xi32, #tpu.memory_space<hbm>> -> memref<1x1x128xi32, #tpu.memory_space<hbm>>
        %dma_wait3A_148 = tpu.memref_squeeze %dma_wait3A_147 : memref<1x1x128xi32, #tpu.memory_space<hbm>> -> memref<1x128xi32, #tpu.memory_space<hbm>>
        %dma_wait3A_149 = arith.constant 0 : i32
        %dma_wait3A_150 = arith.constant 0 : i32
        %dma_wait3A_151 = tpu.memref_slice %arg6[%dma_wait3A_149, %dma_wait3A_150] : memref<8x128xi32, #tpu.memory_space<vmem>> -> memref<1x128xi32, #tpu.memory_space<vmem>>
        %dma_wait3A_152 = arith.constant 0 : i32
        %dma_wait3A_153 = tpu.memref_slice %arg3[%run_scoped3A_127, %add3A_126, %dma_wait3A_152] : memref<2x2500x128xi32, #tpu.memory_space<hbm>> -> memref<1x1x128xi32, #tpu.memory_space<hbm>>
        %dma_wait3A_154 = tpu.memref_squeeze %dma_wait3A_153 : memref<1x1x128xi32, #tpu.memory_space<hbm>> -> memref<1x128xi32, #tpu.memory_space<hbm>>
        tpu.wait_dma2 semaphore(%run_scoped3A_131 : memref<!tpu.dma_semaphore, #tpu.memory_space<semaphore_mem>>) src(%dma_wait3A_154 : memref<1x128xi32, #tpu.memory_space<hbm>>) dst(%dma_wait3A_151 : memref<1x128xi32, #tpu.memory_space<vmem>>)
        tpu.yield
      }) : () -> ()
      %run_scoped3A_128 = arith.constant 1 : i32
      "tpu.region"() ({
        %run_scoped3A_131 = tpu.sem_alloc : memref<!tpu.dma_semaphore, #tpu.memory_space<semaphore_mem>>
        %dma_start3A = arith.constant 0 : i32
        %dma_start3A_132 = arith.constant 0 : i32
        %dma_start3A_133 = tpu.memref_slice %arg8[%dma_start3A, %dma_start3A_132] : memref<8x128xi32, #tpu.memory_space<vmem>> -> memref<1x128xi32, #tpu.memory_space<vmem>>
        %dma_start3A_134 = arith.constant 0 : i32
        %dma_start3A_135 = tpu.memref_slice %arg3[%run_scoped3A_128, %add3A_126, %dma_start3A_134] : memref<2x2500x128xi32, #tpu.memory_space<hbm>> -> memref<1x1x128xi32, #tpu.memory_space<hbm>>
        %dma_start3A_136 = tpu.memref_squeeze %dma_start3A_135 : memref<1x1x128xi32, #tpu.memory_space<hbm>> -> memref<1x128xi32, #tpu.memory_space<hbm>>
        %dma_start3A_137 = arith.constant 0 : i32
        %dma_start3A_138 = arith.constant 0 : i32
        %dma_start3A_139 = tpu.memref_slice %arg8[%dma_start3A_137, %dma_start3A_138] : memref<8x128xi32, #tpu.memory_space<vmem>> -> memref<1x128xi32, #tpu.memory_space<vmem>>
        %dma_start3A_140 = arith.constant 0 : i32
        %dma_start3A_141 = tpu.memref_slice %arg3[%run_scoped3A_128, %add3A_126, %dma_start3A_140] : memref<2x2500x128xi32, #tpu.memory_space<hbm>> -> memref<1x1x128xi32, #tpu.memory_space<hbm>>
        %dma_start3A_142 = tpu.memref_squeeze %dma_start3A_141 : memref<1x1x128xi32, #tpu.memory_space<hbm>> -> memref<1x128xi32, #tpu.memory_space<hbm>>
        tpu.enqueue_dma source(%dma_start3A_142 : memref<1x128xi32, #tpu.memory_space<hbm>>) target(%dma_start3A_139 : memref<1x128xi32, #tpu.memory_space<vmem>>) target_semaphore(%run_scoped3A_131 : memref<!tpu.dma_semaphore, #tpu.memory_space<semaphore_mem>>)
        %dma_wait3A_143 = arith.constant 0 : i32
        %dma_wait3A_144 = arith.constant 0 : i32
        %dma_wait3A_145 = tpu.memref_slice %arg8[%dma_wait3A_143, %dma_wait3A_144] : memref<8x128xi32, #tpu.memory_space<vmem>> -> memref<1x128xi32, #tpu.memory_space<vmem>>
        %dma_wait3A_146 = arith.constant 0 : i32
        %dma_wait3A_147 = tpu.memref_slice %arg3[%run_scoped3A_128, %add3A_126, %dma_wait3A_146] : memref<2x2500x128xi32, #tpu.memory_space<hbm>> -> memref<1x1x128xi32, #tpu.memory_space<hbm>>
        %dma_wait3A_148 = tpu.memref_squeeze %dma_wait3A_147 : memref<1x1x128xi32, #tpu.memory_space<hbm>> -> memref<1x128xi32, #tpu.memory_space<hbm>>
        %dma_wait3A_149 = arith.constant 0 : i32
        %dma_wait3A_150 = arith.constant 0 : i32
        %dma_wait3A_151 = tpu.memref_slice %arg8[%dma_wait3A_149, %dma_wait3A_150] : memref<8x128xi32, #tpu.memory_space<vmem>> -> memref<1x128xi32, #tpu.memory_space<vmem>>
        %dma_wait3A_152 = arith.constant 0 : i32
        %dma_wait3A_153 = tpu.memref_slice %arg3[%run_scoped3A_128, %add3A_126, %dma_wait3A_152] : memref<2x2500x128xi32, #tpu.memory_space<hbm>> -> memref<1x1x128xi32, #tpu.memory_space<hbm>>
        %dma_wait3A_154 = tpu.memref_squeeze %dma_wait3A_153 : memref<1x1x128xi32, #tpu.memory_space<hbm>> -> memref<1x128xi32, #tpu.memory_space<hbm>>
        tpu.wait_dma2 semaphore(%run_scoped3A_131 : memref<!tpu.dma_semaphore, #tpu.memory_space<semaphore_mem>>) src(%dma_wait3A_154 : memref<1x128xi32, #tpu.memory_space<hbm>>) dst(%dma_wait3A_151 : memref<1x128xi32, #tpu.memory_space<vmem>>)
        tpu.yield
      }) : () -> ()
      %run_scoped3A_129 = arith.constant 0 : i32
      "tpu.region"() ({
        %run_scoped3A_131 = tpu.sem_alloc : memref<!tpu.dma_semaphore, #tpu.memory_space<semaphore_mem>>
        %dma_start3A = arith.constant 0 : i32
        %dma_start3A_132 = tpu.memref_slice %arg6[%run_scoped3A_129, %dma_start3A] : memref<8x128xi32, #tpu.memory_space<vmem>> -> memref<1x128xi32, #tpu.memory_space<vmem>>
        %dma_start3A_133 = tpu.memref_squeeze %dma_start3A_132 : memref<1x128xi32, #tpu.memory_space<vmem>> -> memref<128xi32, #tpu.memory_space<vmem>>
        %dma_start3A_134 = arith.constant 0 : i32
        %dma_start3A_135 = arith.constant 0 : i32
        %dma_start3A_136 = tpu.memref_slice %arg2[%dma_start3A_134, %dma_start3A_135] : memref<10000x40xf32, #tpu.memory_space<hbm>> -> memref<10000x40xf32, #tpu.memory_space<hbm>>
        tpu.enqueue_indirect_dma source(%dma_start3A_136 : memref<10000x40xf32, #tpu.memory_space<hbm>>) target(%arg10 : memref<128x40xf32, #tpu.memory_space<vmem>>) offsets(%dma_start3A_133 : memref<128xi32, #tpu.memory_space<vmem>>) semaphore(%run_scoped3A_131 : memref<!tpu.dma_semaphore, #tpu.memory_space<semaphore_mem>>)
        %dma_wait3A_137 = arith.constant 0 : i32
        %dma_wait3A_138 = tpu.memref_slice %arg6[%run_scoped3A_129, %dma_wait3A_137] : memref<8x128xi32, #tpu.memory_space<vmem>> -> memref<1x128xi32, #tpu.memory_space<vmem>>
        %dma_wait3A_139 = tpu.memref_squeeze %dma_wait3A_138 : memref<1x128xi32, #tpu.memory_space<vmem>> -> memref<128xi32, #tpu.memory_space<vmem>>
        %dma_wait3A_140 = arith.constant 0 : i32
        %dma_wait3A_141 = arith.constant 0 : i32
        %dma_wait3A_142 = tpu.memref_slice %arg2[%dma_wait3A_140, %dma_wait3A_141] : memref<10000x40xf32, #tpu.memory_space<hbm>> -> memref<10000x40xf32, #tpu.memory_space<hbm>>
        tpu.wait_indirect_dma semaphore(%run_scoped3A_131 : memref<!tpu.dma_semaphore, #tpu.memory_space<semaphore_mem>>) src(%dma_wait3A_142 : memref<10000x40xf32, #tpu.memory_space<hbm>>) dst(%arg10 : memref<128x40xf32, #tpu.memory_space<vmem>>)
        tpu.yield
      }) : () -> ()
      %run_scoped3A_130 = arith.constant 0 : i32
      "tpu.region"() ({
        %run_scoped3A_131 = tpu.sem_alloc : memref<!tpu.dma_semaphore, #tpu.memory_space<semaphore_mem>>
        %dma_start3A = arith.constant 0 : i32
        %dma_start3A_132 = tpu.memref_slice %arg8[%run_scoped3A_130, %dma_start3A] : memref<8x128xi32, #tpu.memory_space<vmem>> -> memref<1x128xi32, #tpu.memory_space<vmem>>
        %dma_start3A_133 = tpu.memref_squeeze %dma_start3A_132 : memref<1x128xi32, #tpu.memory_space<vmem>> -> memref<128xi32, #tpu.memory_space<vmem>>
        %dma_start3A_134 = arith.constant 0 : i32
        %dma_start3A_135 = arith.constant 0 : i32
        %dma_start3A_136 = tpu.memref_slice %arg26[%dma_start3A_134, %dma_start3A_135] : memref<10240x40xf32, #tpu.memory_space<vmem_shared>> -> memref<10240x40xf32, #tpu.memory_space<vmem_shared>>
        tpu.enqueue_indirect_dma source(%arg10 : memref<128x40xf32, #tpu.memory_space<vmem>>) target(%dma_start3A_136 : memref<10240x40xf32, #tpu.memory_space<vmem_shared>>) offsets(%dma_start3A_133 : memref<128xi32, #tpu.memory_space<vmem>>) semaphore(%run_scoped3A_131 : memref<!tpu.dma_semaphore, #tpu.memory_space<semaphore_mem>>) {add = true}
        %dma_wait3A_137 = arith.constant 0 : i32
        %dma_wait3A_138 = tpu.memref_slice %arg8[%run_scoped3A_130, %dma_wait3A_137] : memref<8x128xi32, #tpu.memory_space<vmem>> -> memref<1x128xi32, #tpu.memory_space<vmem>>
        %dma_wait3A_139 = tpu.memref_squeeze %dma_wait3A_138 : memref<1x128xi32, #tpu.memory_space<vmem>> -> memref<128xi32, #tpu.memory_space<vmem>>
        %dma_wait3A_140 = arith.constant 0 : i32
        %dma_wait3A_141 = arith.constant 0 : i32
        %dma_wait3A_142 = tpu.memref_slice %arg26[%dma_wait3A_140, %dma_wait3A_141] : memref<10240x40xf32, #tpu.memory_space<vmem_shared>> -> memref<10240x40xf32, #tpu.memory_space<vmem_shared>>
        tpu.wait_indirect_dma semaphore(%run_scoped3A_131 : memref<!tpu.dma_semaphore, #tpu.memory_space<semaphore_mem>>) src(%arg10 : memref<128x40xf32, #tpu.memory_space<vmem>>) dst(%dma_wait3A_142 : memref<10240x40xf32, #tpu.memory_space<vmem_shared>>)
        tpu.yield
      }) : () -> ()
    } else {
    }
    %barrier3A_124 = arith.constant 0 : index
    tpu.barrier barrier_id(%barrier3A_124)
    "tpu.region"() ({
      %run_scoped3A_125 = tpu.sem_alloc : memref<!tpu.dma_semaphore, #tpu.memory_space<semaphore_mem>>
      %dma_start3A = arith.constant 0 : i32
      %dma_start3A_126 = tpu.memref_slice %arg5[%arg0, %mul3A_0, %dma_start3A] : memref<2x10240x40xf32, #tpu.memory_space<hbm>> -> memref<1x640x40xf32, #tpu.memory_space<hbm>>
      %dma_start3A_127 = tpu.memref_squeeze %dma_start3A_126 : memref<1x640x40xf32, #tpu.memory_space<hbm>> -> memref<640x40xf32, #tpu.memory_space<hbm>>
      %dma_start3A_128 = arith.constant 0 : i32
      %dma_start3A_129 = tpu.memref_slice %arg26[%mul3A_0, %dma_start3A_128] : memref<10240x40xf32, #tpu.memory_space<vmem_shared>> -> memref<640x40xf32, #tpu.memory_space<vmem_shared>>
      tpu.enqueue_dma source(%dma_start3A_129 : memref<640x40xf32, #tpu.memory_space<vmem_shared>>) target(%dma_start3A_127 : memref<640x40xf32, #tpu.memory_space<hbm>>) target_semaphore(%run_scoped3A_125 : memref<!tpu.dma_semaphore, #tpu.memory_space<semaphore_mem>>)
      %dma_wait3A_130 = arith.constant 0 : i32
      %dma_wait3A_131 = tpu.memref_slice %arg5[%arg0, %mul3A_0, %dma_wait3A_130] : memref<2x10240x40xf32, #tpu.memory_space<hbm>> -> memref<1x640x40xf32, #tpu.memory_space<hbm>>
      %dma_wait3A_132 = tpu.memref_squeeze %dma_wait3A_131 : memref<1x640x40xf32, #tpu.memory_space<hbm>> -> memref<640x40xf32, #tpu.memory_space<hbm>>
      %dma_wait3A_133 = arith.constant 0 : i32
      %dma_wait3A_134 = tpu.memref_slice %arg26[%mul3A_0, %dma_wait3A_133] : memref<10240x40xf32, #tpu.memory_space<vmem_shared>> -> memref<640x40xf32, #tpu.memory_space<vmem_shared>>
      tpu.wait_dma2 semaphore(%run_scoped3A_125 : memref<!tpu.dma_semaphore, #tpu.memory_space<semaphore_mem>>) src(%dma_wait3A_134 : memref<640x40xf32, #tpu.memory_space<vmem_shared>>) dst(%dma_wait3A_132 : memref<640x40xf32, #tpu.memory_space<hbm>>)
      tpu.yield
    }) : () -> ()
    return
  }
}

module attributes {stable_mosaic.version = 14 : i64} {
  func.func @_tc0_body(%arg0: memref<10000x128xf32, #tpu.memory_space<vmem>>, %arg1: memref<128x16xf32, #tpu.memory_space<vmem>>, %arg2: memref<10000x16xf32, #tpu.memory_space<vmem>>) attributes {dimension_semantics = [], scalar_prefetch = 0 : i64, scratch_operands = 0 : i64, tpu.core_type = #tpu.core_type<tc>} {
    %get3A = arith.constant 0 : index
    %get3A_0 = arith.constant 0 : index
    %get3A_1 = vector.load %arg0[%get3A, %get3A_0] : memref<10000x128xf32, #tpu.memory_space<vmem>>, vector<10000x128xf32>
    %get3A_2 = arith.constant 0 : index
    %get3A_3 = arith.constant 0 : index
    %get3A_4 = vector.load %arg1[%get3A_2, %get3A_3] : memref<128x16xf32, #tpu.memory_space<vmem>>, vector<128x16xf32>
    %dot_general3A = arith.constant dense<0.000000e+00> : vector<10000x16xf32>
    %dot_general3A_5 = tpu.matmul %get3A_1, %get3A_4, %dot_general3A {dimension_numbers = #tpu.dot_dimension_numbers<[1], [0], [0], [1], [0, 0, 1, 1], [], []>, transpose_lhs_hint = false} : vector<10000x128xf32>, vector<128x16xf32>, vector<10000x16xf32> -> vector<10000x16xf32>
    %swap3A = arith.constant 0 : index
    %swap3A_6 = arith.constant 0 : index
    %swap3A_7 = vector.load %arg2[%swap3A, %swap3A_6] : memref<10000x16xf32, #tpu.memory_space<vmem>>, vector<10000x16xf32>
    tpu.vector_store %arg2[%swap3A, %swap3A_6], %dot_general3A_5 {strides = array<i32>} : memref<10000x16xf32, #tpu.memory_space<vmem>>, vector<10000x16xf32>,
    return
  }
}

module attributes {stable_mosaic.version = 14 : i64} {
  func.func @_tc1_body(%arg0: memref<10000x16xf32, #tpu.memory_space<vmem>>, %arg1: memref<10000x2xf32, #tpu.memory_space<vmem>>, %arg2: memref<10000x16xf32, #tpu.memory_space<vmem>>, %arg3: memref<10000x1xf32, #tpu.memory_space<vmem>>) attributes {dimension_semantics = [], scalar_prefetch = 0 : i64, scratch_operands = 0 : i64, tpu.core_type = #tpu.core_type<tc>} {
    %get3A = arith.constant 0 : index
    %get3A_0 = arith.constant 0 : index
    %get3A_1 = vector.load %arg1[%get3A, %get3A_0] : memref<10000x2xf32, #tpu.memory_space<vmem>>, vector<10000x1xf32>
    %get3A_2 = arith.constant 0 : index
    %get3A_3 = arith.constant 1 : index
    %get3A_4 = vector.load %arg1[%get3A_2, %get3A_3] : memref<10000x2xf32, #tpu.memory_space<vmem>>, vector<10000x1xf32>
    %add3A = arith.addf %get3A_1, %get3A_4 : vector<10000x1xf32>
    %add3A_5 = arith.constant 1.000000e+00 : f32
    %add3A_6 = vector.broadcast %add3A_5 : f32 to vector<10000x1xf32>
    %add3A_7 = arith.addf %add3A, %add3A_6 : vector<10000x1xf32>
    %rsqrt3A = math.rsqrt %add3A_7 : vector<10000x1xf32>
    %swap3A = arith.constant 0 : index
    %swap3A_8 = arith.constant 0 : index
    %swap3A_9 = vector.load %arg3[%swap3A, %swap3A_8] : memref<10000x1xf32, #tpu.memory_space<vmem>>, vector<10000x1xf32>
    tpu.vector_store %arg3[%swap3A, %swap3A_8], %rsqrt3A {strides = array<i32>} : memref<10000x1xf32, #tpu.memory_space<vmem>>, vector<10000x1xf32>,
    %get3A_10 = arith.constant 0 : index
    %get3A_11 = arith.constant 0 : index
    %get3A_12 = vector.load %arg0[%get3A_10, %get3A_11] : memref<10000x16xf32, #tpu.memory_space<vmem>>, vector<10000x16xf32>
    %mul3A = vector.broadcast %rsqrt3A : vector<10000x1xf32> to vector<10000x16xf32>
    %mul3A_13 = arith.mulf %get3A_12, %mul3A : vector<10000x16xf32>
    %swap3A_14 = arith.constant 0 : index
    %swap3A_15 = arith.constant 0 : index
    %swap3A_16 = vector.load %arg2[%swap3A_14, %swap3A_15] : memref<10000x16xf32, #tpu.memory_space<vmem>>, vector<10000x16xf32>
    tpu.vector_store %arg2[%swap3A_14, %swap3A_15], %mul3A_13 {strides = array<i32>} : memref<10000x16xf32, #tpu.memory_space<vmem>>, vector<10000x16xf32>,
    return
  }
}

module attributes {stable_mosaic.version = 14 : i64} {
  func.func @_tc2_body(%arg0: memref<2x10240x16xf32, #tpu.memory_space<vmem>>, %arg1: memref<10000x16xf32, #tpu.memory_space<vmem>>, %arg2: memref<10000x1xf32, #tpu.memory_space<vmem>>, %arg3: memref<1x16xf32, #tpu.memory_space<vmem>>, %arg4: memref<16x40xf32, #tpu.memory_space<vmem>>, %arg5: memref<10000x40xf32, #tpu.memory_space<vmem>>) attributes {dimension_semantics = [], scalar_prefetch = 0 : i64, scratch_operands = 0 : i64, tpu.core_type = #tpu.core_type<tc>} {
    %get3A = arith.constant 0 : index
    %get3A_0 = arith.constant 0 : index
    %get3A_1 = arith.constant 0 : index
    %get3A_2 = vector.load %arg0[%get3A, %get3A_0, %get3A_1] : memref<2x10240x16xf32, #tpu.memory_space<vmem>>, vector<1x10000x16xf32>
    %get3A_3 = vector.shape_cast %get3A_2 : vector<1x10000x16xf32> to vector<10000x16xf32>
    %get3A_4 = arith.constant 1 : index
    %get3A_5 = arith.constant 0 : index
    %get3A_6 = arith.constant 0 : index
    %get3A_7 = vector.load %arg0[%get3A_4, %get3A_5, %get3A_6] : memref<2x10240x16xf32, #tpu.memory_space<vmem>>, vector<1x10000x16xf32>
    %get3A_8 = vector.shape_cast %get3A_7 : vector<1x10000x16xf32> to vector<10000x16xf32>
    %add3A = arith.addf %get3A_3, %get3A_8 : vector<10000x16xf32>
    %get3A_9 = arith.constant 0 : index
    %get3A_10 = arith.constant 0 : index
    %get3A_11 = vector.load %arg1[%get3A_9, %get3A_10] : memref<10000x16xf32, #tpu.memory_space<vmem>>, vector<10000x16xf32>
    %add3A_12 = arith.addf %add3A, %get3A_11 : vector<10000x16xf32>
    %get3A_13 = arith.constant 0 : index
    %get3A_14 = arith.constant 0 : index
    %get3A_15 = vector.load %arg2[%get3A_13, %get3A_14] : memref<10000x1xf32, #tpu.memory_space<vmem>>, vector<10000x1xf32>
    %mul3A = vector.broadcast %get3A_15 : vector<10000x1xf32> to vector<10000x16xf32>
    %mul3A_16 = arith.mulf %add3A_12, %mul3A : vector<10000x16xf32>
    %get3A_17 = arith.constant 0 : index
    %get3A_18 = arith.constant 0 : index
    %get3A_19 = vector.load %arg3[%get3A_17, %get3A_18] : memref<1x16xf32, #tpu.memory_space<vmem>>, vector<1x16xf32>
    %add3A_20 = vector.broadcast %get3A_19 : vector<1x16xf32> to vector<10000x16xf32>
    %add3A_21 = arith.addf %mul3A_16, %add3A_20 : vector<10000x16xf32>
    %max3A = arith.constant 0.000000e+00 : f32
    %max3A_22 = vector.broadcast %max3A : f32 to vector<10000x16xf32>
    %max3A_23 = arith.maximumf %add3A_21, %max3A_22 : vector<10000x16xf32>
    %get3A_24 = arith.constant 0 : index
    %get3A_25 = arith.constant 0 : index
    %get3A_26 = vector.load %arg4[%get3A_24, %get3A_25] : memref<16x40xf32, #tpu.memory_space<vmem>>, vector<16x40xf32>
    %dot_general3A = arith.constant dense<0.000000e+00> : vector<10000x40xf32>
    %dot_general3A_27 = tpu.matmul %max3A_23, %get3A_26, %dot_general3A {dimension_numbers = #tpu.dot_dimension_numbers<[1], [0], [0], [1], [0, 0, 1, 1], [], []>, transpose_lhs_hint = false} : vector<10000x16xf32>, vector<16x40xf32>, vector<10000x40xf32> -> vector<10000x40xf32>
    %mul3A_28 = vector.broadcast %get3A_15 : vector<10000x1xf32> to vector<10000x40xf32>
    %mul3A_29 = arith.mulf %dot_general3A_27, %mul3A_28 : vector<10000x40xf32>
    %swap3A = arith.constant 0 : index
    %swap3A_30 = arith.constant 0 : index
    %swap3A_31 = vector.load %arg5[%swap3A, %swap3A_30] : memref<10000x40xf32, #tpu.memory_space<vmem>>, vector<10000x40xf32>
    tpu.vector_store %arg5[%swap3A, %swap3A_30], %mul3A_29 {strides = array<i32>} : memref<10000x40xf32, #tpu.memory_space<vmem>>, vector<10000x40xf32>,
    return
  }
}

module attributes {stable_mosaic.version = 14 : i64} {
  func.func @_tc3_body(%arg0: memref<2x10240x40xf32, #tpu.memory_space<vmem>>, %arg1: memref<10000x40xf32, #tpu.memory_space<vmem>>, %arg2: memref<10000x1xf32, #tpu.memory_space<vmem>>, %arg3: memref<1x40xf32, #tpu.memory_space<vmem>>, %arg4: memref<10000x40xf32, #tpu.memory_space<vmem>>) attributes {dimension_semantics = [], scalar_prefetch = 0 : i64, scratch_operands = 0 : i64, tpu.core_type = #tpu.core_type<tc>} {
    %get3A = arith.constant 0 : index
    %get3A_0 = arith.constant 0 : index
    %get3A_1 = arith.constant 0 : index
    %get3A_2 = vector.load %arg0[%get3A, %get3A_0, %get3A_1] : memref<2x10240x40xf32, #tpu.memory_space<vmem>>, vector<1x10000x40xf32>
    %get3A_3 = vector.shape_cast %get3A_2 : vector<1x10000x40xf32> to vector<10000x40xf32>
    %get3A_4 = arith.constant 1 : index
    %get3A_5 = arith.constant 0 : index
    %get3A_6 = arith.constant 0 : index
    %get3A_7 = vector.load %arg0[%get3A_4, %get3A_5, %get3A_6] : memref<2x10240x40xf32, #tpu.memory_space<vmem>>, vector<1x10000x40xf32>
    %get3A_8 = vector.shape_cast %get3A_7 : vector<1x10000x40xf32> to vector<10000x40xf32>
    %add3A = arith.addf %get3A_3, %get3A_8 : vector<10000x40xf32>
    %get3A_9 = arith.constant 0 : index
    %get3A_10 = arith.constant 0 : index
    %get3A_11 = vector.load %arg1[%get3A_9, %get3A_10] : memref<10000x40xf32, #tpu.memory_space<vmem>>, vector<10000x40xf32>
    %add3A_12 = arith.addf %add3A, %get3A_11 : vector<10000x40xf32>
    %get3A_13 = arith.constant 0 : index
    %get3A_14 = arith.constant 0 : index
    %get3A_15 = vector.load %arg2[%get3A_13, %get3A_14] : memref<10000x1xf32, #tpu.memory_space<vmem>>, vector<10000x1xf32>
    %mul3A = vector.broadcast %get3A_15 : vector<10000x1xf32> to vector<10000x40xf32>
    %mul3A_16 = arith.mulf %add3A_12, %mul3A : vector<10000x40xf32>
    %get3A_17 = arith.constant 0 : index
    %get3A_18 = arith.constant 0 : index
    %get3A_19 = vector.load %arg3[%get3A_17, %get3A_18] : memref<1x40xf32, #tpu.memory_space<vmem>>, vector<1x40xf32>
    %add3A_20 = vector.broadcast %get3A_19 : vector<1x40xf32> to vector<10000x40xf32>
    %add3A_21 = arith.addf %mul3A_16, %add3A_20 : vector<10000x40xf32>
    %reduce_max3A = arith.constant dense<0xFF800000> : vector<10000xf32>
    %reduce_max3A_22 = vector.multi_reduction <maximumf>, %add3A_21, %reduce_max3A [1] : vector<10000x40xf32> to vector<10000xf32>
    %broadcast_in_dim3A = vector.shape_cast %reduce_max3A_22 : vector<10000xf32> to vector<10000x1xf32>
    %sub3A = vector.broadcast %broadcast_in_dim3A : vector<10000x1xf32> to vector<10000x40xf32>
    %sub3A_23 = arith.subf %add3A_21, %sub3A : vector<10000x40xf32>
    %exp3A = math.exp %sub3A_23 : vector<10000x40xf32>
    %reduce_sum3A = arith.constant dense<0.000000e+00> : vector<10000xf32>
    %reduce_sum3A_24 = vector.multi_reduction <add>, %exp3A, %reduce_sum3A [1] : vector<10000x40xf32> to vector<10000xf32>
    %broadcast_in_dim3A_25 = vector.shape_cast %reduce_sum3A_24 : vector<10000xf32> to vector<10000x1xf32>
    %log3A = math.log %broadcast_in_dim3A_25 : vector<10000x1xf32>
    %add3A_26 = arith.addf %broadcast_in_dim3A, %log3A : vector<10000x1xf32>
    %sub3A_27 = vector.broadcast %add3A_26 : vector<10000x1xf32> to vector<10000x40xf32>
    %sub3A_28 = arith.subf %add3A_21, %sub3A_27 : vector<10000x40xf32>
    %swap3A = arith.constant 0 : index
    %swap3A_29 = arith.constant 0 : index
    %swap3A_30 = vector.load %arg4[%swap3A, %swap3A_29] : memref<10000x40xf32, #tpu.memory_space<vmem>>, vector<10000x40xf32>
    tpu.vector_store %arg4[%swap3A, %swap3A_29], %sub3A_28 {strides = array<i32>} : memref<10000x40xf32, #tpu.memory_space<vmem>>, vector<10000x40xf32>,
    return
  }
}

</mosaic_0001>

<sc_bundles>
// kernel: kernel.12.cloned.1.call-start
scs
__scs_entry_jumppad:
0x0: {  	(pc) =	sbr.rel $0x88, $3  }
0x1: {  	(tag) =	ssettag $0x0;
	lr =	simm.s32 $0x1  }
0x2: {  	[smem:$0x3F9B] =	sst lr;
	_ =	strace $0xD0000000  }
0x3: {  	_ = 	snop  }
0x4: {  	_ = 	snop  }
0x5: {  	_ = 	snop  }
0x6: {  	_ = 	snop  }
0x7: {  	_ = 	snop  }
__scs_overlays_trampoline_lowered:
0x8: {  	[smem:$0x3FAA] =	sst s0  }
0x9: {  	[smem:$0x3FAB] =	sst s1  }
0xa: {  	[smem:$0x3FAC] =	sst s2  }
0xb: {  	[smem:$0x3FAD] =	sst s3  }
0xc: {  	[smem:$0x3FAE] =	sst s4  }
0xd: {  	[smem:$0x3FAF] =	sst s5  }
0xe: {  	[smem:$0x3FB0] =	sst s6  }
0xf: {  	[smem:$0x3FB1] =	sst s7  }
0x10: {  	[smem:$0x3FB2] =	sst s8  }
0x11: {  	[smem:$0x3FB3] =	sst s9;
	s0 =	simm.s32 @!p0 $0x0  }
0x12: {  	s1 =	sld [smem:$0x3F99];
	s0 =	simm.s32 @p0 $0x1  }
0x13: {  	[smem:$0x3FB4] =	sst s0;
	s0 =	simm.s32 @!p1 $0x0  }
0x14: {  	s2 =	sld [smem:$0x3F98];
	s0 =	simm.s32 @p1 $0x1  }
0x15: {  	[smem:$0x3FB5] =	sst s0;
	s0 =	simm.s32 @!p2 $0x0  }
0x16: {  	s3 =	sld [smem:$0x3FDB];
	s0 =	simm.s32 @p2 $0x1  }
0x17: {  	s4 =	simm.s32 $0x1BF5;
	[smem:$0x3FB7] =	sst s0  }
0x18: {  	s0 =	sld [smem:$0x3F9A];
	_ =	swait.ge [sflag:s4], $0x0  }
0x19: {  	s7 =	sld [smem:$0x3F9B]  }
0x1a: {  	s8 =	sadd.s32 $0xFFFFE003, lr  }
0x1b: {  	s9 =	sadd.s32 $0xFFFFFEF7, lr;
	s5 =	simm.s32 $0xFFFFFFFF;
	p2 =	slt.u32 s8, $0xFFFFF086  }
0x1c: {  	p1 =	slt.u32 s9, $0xF7A;
	s5 =	simm.s32 @!p2 $0x0  }
0x1d: {  	s5 =	simm.s32 @p1 $0x1;
	p0 =	seq.s32 s7, s2  }
0x1e: {  	s7 =	smul.u32 @!p0 $0xF7A, s2;
	p2 =	seq.s32 @!p0 s5, $0x0  }
0x1f: {  	s9 =	smul.u32 $0xF7A, s1;
	s8 =	simm.s32 @!p0 $0x1BF5;
	p2 =	por !p2, p0  }
0x20: {  	[sflag:s8] =	ssyncset.s32 @!p0 $0xFFFFF086;
	s6 =	sadd.s32 @!p0 s3, s7;
	s7 =	simm.s32 @!p0 $0x108  }
0x21: {  	s3 =	sadd.s32 s3, s9;
	s6 =	sadd.s32 @!p0 $0x88, s6;
	s7 =	simm.s32 @p2 $0x1082  }
0x22: {  	[simem:s7], [sflag:s8] =	dma.local @!p0 [hbm:s6], $0xF7A  }
0x23: {  	s9 =	sor.u32 $0xD0000000, s2;
	s6 =	simm.s32 $0x108;
	_ =	swait.ge @!p0 [sflag:s8], $0x0  }
0x24: {  	s3 =	sadd.s32 $0x88, s3;
	s6 =	simm.s32 @!p1 $0x1082;
	[sflag:s4] =	ssyncset.s32 $0xFFFFF086  }
0x25: {  	[simem:s6], [sflag:s4] =	dma.local [hbm:s3], $0xF7A  }
0x26: {  	[smem:$0x3F9B] =	sst s1;
	(tag) =	ssettag s2;
	_ =	strace s9  }
0x27: {  	s1 =	sld [smem:$0x3FAB]  }
0x28: {  	s2 =	sld [smem:$0x3FAC]  }
0x29: {  	s4 =	sld [smem:$0x3FAE]  }
0x2a: {  	p0 =	seq.s32 s5, $0x0;
	s5 =	sld [smem:$0x3FAF]  }
0x2b: {  	s6 =	sld [smem:$0x3FB0]  }
0x2c: {  	s7 =	sld [smem:$0x3FB1]  }
0x2d: {  	s3 =	simm.s32 $0x108;
	s8 =	sld [smem:$0x3FB2]  }
0x2e: {  	s3 =	simm.s32 @!p0 $0x1082;
	s9 =	sld [smem:$0x3FB3]  }
0x2f: {  	lr =	sadd.s32 s0, s3;
	s0 =	sld [smem:$0x3FAA]  }
0x30: {  	s3 =	sld [smem:$0x3FAD]  }
0x31: {  	[smem:$0x3FB6] =	sst s10  }
0x32: {  	s10 =	sld [smem:$0x3FB4];
	_ =	sdelay $0x3  }
0x33: {  	p0 =	seq.s32 s10, $0x1;
	s10 =	sld [smem:$0x3FB6];
	_ =	sdelay $0x3  }
0x34: {  	[smem:$0x3FB6] =	sst s10  }
0x35: {  	s10 =	sld [smem:$0x3FB5];
	_ =	sdelay $0x3  }
0x36: {  	p1 =	seq.s32 s10, $0x1;
	s10 =	sld [smem:$0x3FB6];
	_ =	sdelay $0x3  }
0x37: {  	[smem:$0x3FB6] =	sst s10  }
0x38: {  	s10 =	sld [smem:$0x3FB7]  }
0x39: {  	_ = 	snop;
	(pc) =	sbr.ind lr, $3  }
0x3a: {  	_ = 	snop  }
0x3b: {  	_ = 	snop  }
0x3c: {  	p2 =	seq.s32 s10, $0x1;
	s10 =	sld [smem:$0x3FB6]  }
0x3d: {  	_ =	shalt  }
0x3e: {  	_ =	shalt  }
0x3f: {  	_ =	shalt  }
0x40: {  	_ =	shalt  }
0x41: {  	_ =	shalt  }
0x42: {  	_ =	shalt  }
0x43: {  	_ =	shalt  }
0x44: {  	_ =	shalt  }
0x45: {  	_ =	shalt  }
0x46: {  	_ =	shalt  }
0x47: {  	_ =	shalt  }
0x48: {  	_ =	shalt  }
0x49: {  	_ =	shalt  }
0x4a: {  	_ =	shalt  }
0x4b: {  	_ =	shalt  }
0x4c: {  	_ =	shalt  }
0x4d: {  	_ =	shalt  }
0x4e: {  	_ =	shalt  }
0x4f: {  	_ =	shalt  }
0x50: {  	_ =	shalt  }
0x51: {  	_ =	shalt  }
0x52: {  	_ =	shalt  }
0x53: {  	_ =	shalt  }
0x54: {  	_ =	shalt  }
0x55: {  	_ =	shalt  }
0x56: {  	_ =	shalt  }
0x57: {  	_ =	shalt  }
0x58: {  	_ =	shalt  }
0x59: {  	_ =	shalt  }
0x5a: {  	_ =	shalt  }
0x5b: {  	_ =	shalt  }
0x5c: {  	_ =	shalt  }
0x5d: {  	_ =	shalt  }
0x5e: {  	_ =	shalt  }
0x5f: {  	_ =	shalt  }
0x60: {  	_ =	shalt  }
0x61: {  	_ =	shalt  }
0x62: {  	_ =	shalt  }
0x63: {  	_ =	shalt  }
0x64: {  	_ =	shalt  }
0x65: {  	_ =	shalt  }
0x66: {  	_ =	shalt  }
0x67: {  	_ =	shalt  }
0x68: {  	_ =	shalt  }
0x69: {  	_ =	shalt  }
0x6a: {  	_ =	shalt  }
0x6b: {  	_ =	shalt  }
0x6c: {  	_ =	shalt  }
0x6d: {  	_ =	shalt  }
0x6e: {  	_ =	shalt  }
0x6f: {  	_ =	shalt  }
0x70: {  	_ =	shalt  }
0x71: {  	_ =	shalt  }
0x72: {  	_ =	shalt  }
0x73: {  	_ =	shalt  }
0x74: {  	_ =	shalt  }
0x75: {  	_ =	shalt  }
0x76: {  	_ =	shalt  }
0x77: {  	_ =	shalt  }
0x78: {  	_ =	shalt  }
0x79: {  	_ =	shalt  }
0x7a: {  	_ =	shalt  }
0x7b: {  	_ =	shalt  }
0x7c: {  	_ =	shalt  }
0x7d: {  	_ =	shalt  }
0x7e: {  	_ =	shalt  }
0x7f: {  	_ =	shalt  }
0x80: {  	_ =	shalt  }
0x81: {  	_ =	shalt  }
0x82: {  	_ =	shalt  }
0x83: {  	_ =	shalt  }
0x84: {  	_ =	shalt  }
0x85: {  	_ =	shalt  }
0x86: {  	_ =	shalt  }
0x87: {  	_ =	shalt  }
.Lfunc_end0:
.L_simem_size_0:
called_computation.1_lowered:
.L_overlay_start_0:
0x88: {  	s2 =	sld [smem:$0x3FD9]  }
0x89: {  	s3 =	sld [smem:$0x3FFE];
	_ =	sdelay $0x1  }
0x8a: {  	s1 =	srdreg.scid  }
0x8b: {  	s0 =	sand.u32 $0x1, s1  }
0x8c: {  	s17 =	sshll.u32 s0, $0xA;
	s2 =	sadd.s32 s3, s2  }
0x8d: {  	s2 =	sadd.s32 s2, s17  }
0x8e: {  	[smem:$0x3FC2] =	sst s2  }
0x8f: {  	_ = 	snop  }
0x90: {  	s2 =	sld [smem:$0x3FD0];
	(tm) =	ssettm $0x1  }
0x91: {  	s18 =	sld [smem:$0x3FFB];
	_ =	sdelay $0x3  }
0x92: {  	_ =	strace s18  }
0x93: {  	s3 =	sld [smem:$0x3FFC];
	_ =	sdelay $0x3  }
0x94: {  	_ =	strace s3  }
0x95: {  	s3 =	sld [smem:$0x3FFD];
	_ =	sdelay $0x3  }
0x96: {  	_ =	strace s3  }
0x97: {  	_ =	strace $0x8FFFFFFF  }
0x98: {  	s19 =	sld [smem:$0x3FDB];
	_ =	sdelay $0x1  }
0x99: {  	s4 =	simm.s32 $_scs_section_size  }
0x9a: {  	s5 =	simm.s32 $_size__tile_overlayer_lowered;
	s6 =	simm.s32 $_tile_overlayer_lowered  }
0x9b: {  	s22 =	simm.s32 $0x1BFF;
	s21 =	sshll.u32 s6, $0x1;
	s3 =	sadd.s32 s4, s19  }
0x9c: {  	s7 =	simm.s32 $0x0;
	s20 =	sshll.u32 s5, $0x1;
	s5 =	sadd.s32 s21, s3  }
0x9d: {  	[timem:s7], [sflag:s22] =	dma.local [hbm:s5], s20  }
0x9e: {  	_ =	swait.ge [sflag:s22], s20  }
0x9f: {  	s4 =	ssub.s32 $0x0, s20;
	[sflag:s22] =	ssyncset.done $0x0  }
0xa0: {  	[sflag:s22] =	ssyncadd.s32 s4;
	_ =	sdelay $0x1  }
0xa1: {  	s23 =	simm.s32 $0x1B8B  }
0xa2: {  	_ =	swait.ge [sflag:s23], $0x1  }
0xa3: {  	[sflag:s23] =	ssyncset.done $0x0  }
0xa4: {  	s25 =	simm.s32 $0x1B8E;
	s24 =	sld [smem:$0x3FFE];
	[sflag:s23] =	ssyncadd.s32 $0xFFFFFFFF  }
0xa5: {  	s26 =	simm.s32 $execute0_lowered;
	[smem:$0x3FD2] =	sst s25  }
0xa6: {  	s5 =	sshll.u32 s26, $0x1;
	_ =	strace $0x80000049;
	[dreg:$0x1] =	wrdreg $0xFFFFFFFF  }
0xa7: {  	s28 =	simm.s32 $_size_execute0_lowered;
	s3 =	sadd.s32 s3, s5;
	[dreg:$0x0] =	wrdreg $0x0  }
0xa8: {  	s5 =	sshll.u32 s28, $0x1;
	[dreg:$0x2] =	wrdreg s3  }
0xa9: {  	[dreg:$0x3] =	wrdreg s5  }
0xaa: {  	[dreg:$0x4] =	wrdreg $0xC0  }
0xab: {  	_ =	task [dreg:s7], $0x5FFFF  }
0xac: {  	[dreg:$0x1] =	wrdreg $0xFFFFFFFF  }
0xad: {  	[dreg:$0x0] =	wrdreg $0x60  }
0xae: {  	[dreg:$0x2] =	wrdreg s24  }
0xaf: {  	[dreg:$0x3] =	wrdreg s2  }
0xb0: {  	[dreg:$0x4] =	wrdreg $0x90000  }
0xb1: {  	[dreg:$0x5] =	wrdreg $0x9  }
0xb2: {  	_ =	task.clear_ibuf [dreg:s7], $0x6FFFF;
	_ =	strace $0x90000049  }
0xb3: {  	s29 =	simm.s32 $0x9;
	_ =	strace $0x8000004B  }
0xb4: {  	_ =	swait.ge [sflag:s29], $0x1  }
0xb5: {  	[sflag:s29] =	ssyncadd.s32 $0xFFFFFFFF  }
0xb6: {  	_ =	strace $0x9000004B  }
0xb7: {  	_ =	sfence  }
0xb8: {  	s30 =	sld [smem:$0x0];
	_ =	sdelay $0x2  }
0xb9: {  	s31 =	sshll.u32 s1, $0xD;
	s1 =	sshrl.u32 s1, $0x2  }
0xba: {  	s3 =	sand.u32 $0x4000, s31;
	s1 =	sadd.s32 s1, s30  }
0xbb: {  	s0 =	sor.u32 s3, s0;
	s1 =	sshll.u32 s1, $0x11  }
0xbc: {  	s0 =	sor.u32 s1, s0  }
0xbd: {  	s0 =	sadd.s32 $0x8F2B, s0  }
0xbe: {  	[sflag:s0] =	ssyncadd.remote.s32 $0x1  }
0xbf: {  	_ =	sfence.sel $0xFFFF  }
0xc0: {  	[dreg:$0x0] =	wrdreg $0xFFFFFFFF;
	(pc) =	sbr.abs _section_cstart, $3  }
0xc1: {  	[dreg:$0x1] =	wrdreg $0xFFFFFFFF  }
0xc2: {  	_ =	task.clear_ibuf [dreg:s7], $0x2FFFF;
	_ =	strace $0x9FFFFFFF  }
0xc3: {  	(tm) =	ssettm $0x7FFFFFFF  }
tec
execute0_lowered:
.L_overlay_start_1:
0x0: {  	(tag) =	ssettag $0x1  }
0x1: {  	s0 =	rddreg [dreg:$0x0]  }
0x2: {  	s1 =	rddreg [dreg:$0x1]  }
0x3: {  	s2 =	rddreg [dreg:$0x2];
	s3 =	simm.s32 $0x0;
	s13 =	stileid.u32  }
0x4: {  	s4 =	srdreg.scid;
	s15 =	simm.s32 $0x15;
	s28 =	simm.s32 $0xA  }
0x5: {  	s30 =	simm.s32 $0xB;
	s31 =	simm.s32 $0x10;
	s16 =	simm.s32 $0x4  }
0x6: {  	[smem:$0x7FF] =	sst s3;
	s5 =	smul.u32 $0x2800, s13;
	s6 =	sand.u32 $0x1, s4  }
0x7: {  	s4 =	sadd.s32 $0x3D400, s0;
	s7 =	sadd.s32 $0x2800, s0;
	s12 =	sshll.u32 s13, $0x6  }
0x8: {  	s21 =	sshll.u32 s13, $0x4;
	s25 =	smul.u32 $0x4E0, s13;
	_ =	strace $0x8000004A  }
0x9: {  	s8 =	sshll.u32 s6, $0x4;
	s10 =	ssub.s32 $0x2, s6;
	s22 =	smul.u32 $0x28000, s6  }
0xa: {  	s17 =	sor.u32 $0x1C15, s12;
	s23 =	sadd.s32 s21, s7;
	s6 =	smul.u32 $0x4E00, s6  }
0xb: {  	s12 =	simm.s32 $0x2;
	s9 =	sshrl.u32 s5, $0x3;
	s8 =	sor.u32 s13, s8  }
0xc: {  	s18 =	sshrl.u32 s10, $0x1;
	s19 =	sadd.s32 s5, s2;
	[dreg:$0x5] =	wrdreg s17  }
0xd: {  	s0 =	sadd.s32 s9, s0;
	s11 =	smul.u32 $0x2700, s8;
	s9 =	ssub.s32 s10, s18  }
0xe: {  	s5 =	sadd.s32 s5, s22;
	s29 =	sadd.s32 s6, s7;
	s13 =	sshrl.u32 s19, $0x3  }
0xf: {  	s18 =	simm.s32 $0x80;
	p0 =	sgt.u32 s8, $0x3;
	s6 =	simm.s32 $0xD  }
0x10: {  	s8 =	simm.s32 $0x1000;
	s10 =	simm.s32 $0x1;
	s0 =	sadd.s32 $0x42400, s0  }
0x11: {  	s24 =	sshrl.u32 s5, $0x3;
	s26 =	smax.u32 s9, $0x1;
	[dreg:$0xd] =	wrdreg s13  }
0x12: {  	s9 =	simm.s32 $0x7;
	s5 =	simm.s32 $0x0;
	[dreg:$0x4] =	wrdreg s0  }
0x13: {  	s20 =	sshrl.u32 s11, $0x3;
	s11 =	sadd.s32 $0x9C00, s23;
	[dreg:$0xb] =	wrdreg s26  }
0x14: {  	s26 =	simm.s32 $0x9;
	s0 =	sadd.s32 s7, s20;
	[dreg:$0x8] =	wrdreg s11  }
0x15: {  	s20 =	simm.s32 $0xE;
	s7 =	simm.s32 $0x6;
	s14 =	sadd.s32 $0x480, s0  }
.Ltmp0:
0x16: {  	s0 =	sadd.s32 $0xA0C0, s0;
	[dreg:$0x6] =	wrdreg s14;
	(pc) =	sbr.rel .LBB2_1-.Ltmp0, $4  }
0x17: {  	s11 =	simm.s32 $0x8;
	[dreg:$0x7] =	wrdreg s0;
	s0 =	sadd.s32 $0x13840, s23  }
0x18: {  	s14 =	simm.s32 $0x3;
	[dreg:$0x9] =	wrdreg s0;
	s0 =	sadd.s32 s1, s24  }
0x19: {  	s24 =	simm.s32 $0xF;
	[dreg:$0xa] =	wrdreg s0;
	s0 =	sadd.s32 s25, s29  }
0x1a: {  	s25 =	simm.s32 $0x5;
	[dreg:$0xc] =	wrdreg s0;
	s0 =	simm.s32 $0xC  }
.LBB2_6:
0x1b: {  	s1 =	simm.s32 $0x11  }
0x1c: {  	_ =	swait.ge [sflag:s1], $0x800  }
0x1d: {  	[sflag:s1] =	ssyncset.done $0x0  }
0x1e: {  	[sflag:s1] =	ssyncadd.s32 $0xFFFFF800  }
0x1f: {  	_ =	swait.ge [sflag:s1], $0x800  }
0x20: {  	[sflag:s1] =	ssyncset.done $0x0  }
0x21: {  	[sflag:s1] =	ssyncadd.s32 $0xFFFFF800  }
0x22: {  	_ =	swait.ge [sflag:s1], $0x800  }
0x23: {  	[sflag:s1] =	ssyncset.done $0x0  }
0x24: {  	[sflag:s1] =	ssyncadd.s32 $0xFFFFF800  }
0x25: {  	_ =	swait.ge [sflag:s1], $0x800  }
0x26: {  	[sflag:s1] =	ssyncset.done $0x0  }
0x27: {  	s29 =	simm.s32 $0x12;
	[sflag:s1] =	ssyncadd.s32 $0xFFFFF800  }
0x28: {  	_ =	swait.ge [sflag:s29], $0x800  }
0x29: {  	[sflag:s29] =	ssyncset.done $0x0  }
0x2a: {  	[sflag:s29] =	ssyncadd.s32 $0xFFFFF800  }
0x2b: {  	_ =	swait.ge [sflag:s29], $0x800  }
0x2c: {  	[sflag:s29] =	ssyncset.done $0x0  }
0x2d: {  	[sflag:s29] =	ssyncadd.s32 $0xFFFFF800  }
0x2e: {  	_ =	swait.ge [sflag:s29], $0x800  }
0x2f: {  	[sflag:s29] =	ssyncset.done $0x0  }
0x30: {  	[sflag:s29] =	ssyncadd.s32 $0xFFFFF800  }
0x31: {  	_ =	swait.ge [sflag:s29], $0x800  }
0x32: {  	[sflag:s29] =	ssyncset.done $0x0  }
0x33: {  	s5 =	simm.s32 $0x13;
	[sflag:s29] =	ssyncadd.s32 $0xFFFFF800  }
0x34: {  	_ =	swait.ge [sflag:s5], $0x800  }
0x35: {  	[sflag:s5] =	ssyncset.done $0x0  }
0x36: {  	[sflag:s5] =	ssyncadd.s32 $0xFFFFF800  }
0x37: {  	_ =	swait.ge [sflag:s5], $0x800  }
0x38: {  	[sflag:s5] =	ssyncset.done $0x0  }
0x39: {  	[sflag:s5] =	ssyncadd.s32 $0xFFFFF800  }
0x3a: {  	_ =	swait.ge [sflag:s5], $0x800  }
0x3b: {  	[sflag:s5] =	ssyncset.done $0x0  }
0x3c: {  	[sflag:s5] =	ssyncadd.s32 $0xFFFFF800  }
0x3d: {  	_ =	swait.ge [sflag:s5], $0x800  }
0x3e: {  	[sflag:s5] =	ssyncset.done $0x0  }
0x3f: {  	s13 =	simm.s32 $0x14;
	[sflag:s5] =	ssyncadd.s32 $0xFFFFF800  }
0x40: {  	_ =	swait.ge [sflag:s13], $0x800  }
0x41: {  	[sflag:s13] =	ssyncset.done $0x0  }
0x42: {  	[sflag:s13] =	ssyncadd.s32 $0xFFFFF800  }
0x43: {  	_ =	swait.ge [sflag:s13], $0x800  }
0x44: {  	[sflag:s13] =	ssyncset.done $0x0  }
0x45: {  	[sflag:s13] =	ssyncadd.s32 $0xFFFFF800  }
0x46: {  	_ =	swait.ge [sflag:s13], $0x800  }
0x47: {  	[sflag:s13] =	ssyncset.done $0x0  }
0x48: {  	[sflag:s13] =	ssyncadd.s32 $0xFFFFF800  }
0x49: {  	_ =	swait.ge [sflag:s13], $0x800  }
0x4a: {  	[sflag:s13] =	ssyncset.done $0x0  }
0x4b: {  	s17 =	rddreg [dreg:$0x6];
	[sflag:s13] =	ssyncadd.s32 $0xFFFFF800  }
0x4c: {  	[tilespmem:s3], [sflag:$0x15] =	stream.linear.gather [hbm4b:s17+s3], $0x300, $0x38;
	[tilespmem:$0xB800] =	vst v63  }
0x4d: {  	_ =	swait.ge [sflag:s15], $0x300  }
0x4e: {  	[sflag:s15] =	ssyncset.done $0x0  }
0x4f: {  	s5 =	simm.s32 $0x800;
	s19 =	rddreg [dreg:$0x7];
	[sflag:s15] =	ssyncadd.s32 $0xFFFFFD00  }
0x50: {  	[tilespmem:s5], [sflag:$0x15] =	stream.linear.gather [hbm4b:s19+s3], $0x300, $0x38;
	[tilespmem:$0xB800] =	vst v63  }
0x51: {  	_ =	swait.ge [sflag:s15], $0x300  }
0x52: {  	[sflag:s15] =	ssyncset.done $0x0  }
0x53: {  	[sflag:s15] =	ssyncadd.s32 $0xFFFFFD00  }
0x54: {  	[tilespmem:s8], [sflag:$0x15] =	stream.indirect.gather [hbm4b:s4+s18], $0x10, s3, s18, $0xb8;
	[tilespmem:$0xB800] =	vst v63  }
0x55: {  	_ =	swait.ge [sflag:s15], $0x800  }
0x56: {  	[sflag:s15] =	ssyncset.done $0x0  }
0x57: {  	[sflag:s15] =	ssyncadd.s32 $0xFFFFF800  }
0x58: {  	[spmem:s2] =	stream.indirect.scatter.add.f32 [tilespmem:s8], [sflag:$0x15], $0x10, s5, s18, $0xb8;
	[tilespmem:$0xB800] =	vst v63  }
0x59: {  	_ =	swait.ge [sflag:s15], $0x800  }
0x5a: {  	[sflag:s15] =	ssyncset.done $0x0  }
0x5b: {  	[sflag:s15] =	ssyncadd.s32 $0xFFFFF800  }
0x5c: {  	[tilespmem:s8], [sflag:$0x15] =	stream.indirect.gather [hbm4b:s4+s18], $0x10, s18, s18, $0xb8;
	[tilespmem:$0xB800] =	vst v63  }
0x5d: {  	_ =	swait.ge [sflag:s15], $0x800  }
0x5e: {  	[sflag:s15] =	ssyncset.done $0x0  }
0x5f: {  	s21 =	simm.s32 $0x880;
	[sflag:s15] =	ssyncadd.s32 $0xFFFFF800  }
0x60: {  	[spmem:s2] =	stream.indirect.scatter.add.f32 [tilespmem:s8], [sflag:$0x15], $0x10, s21, s18, $0xb8;
	[tilespmem:$0xB800] =	vst v63  }
0x61: {  	_ =	swait.ge [sflag:s15], $0x800  }
0x62: {  	[sflag:s15] =	ssyncset.done $0x0  }
0x63: {  	s22 =	simm.s32 $0x100;
	[sflag:s15] =	ssyncadd.s32 $0xFFFFF800  }
0x64: {  	[tilespmem:s8], [sflag:$0x15] =	stream.indirect.gather [hbm4b:s4+s18], $0x10, s22, s18, $0xb8;
	[tilespmem:$0xB800] =	vst v63  }
0x65: {  	_ =	swait.ge [sflag:s15], $0x800  }
0x66: {  	[sflag:s15] =	ssyncset.done $0x0  }
0x67: {  	s23 =	simm.s32 $0x900;
	[sflag:s15] =	ssyncadd.s32 $0xFFFFF800  }
0x68: {  	[spmem:s2] =	stream.indirect.scatter.add.f32 [tilespmem:s8], [sflag:$0x15], $0x10, s23, s18, $0xb8;
	[tilespmem:$0xB800] =	vst v63  }
0x69: {  	_ =	swait.ge [sflag:s15], $0x800  }
0x6a: {  	[sflag:s15] =	ssyncset.done $0x0  }
0x6b: {  	s29 =	simm.s32 $0x180;
	[sflag:s15] =	ssyncadd.s32 $0xFFFFF800  }
0x6c: {  	[tilespmem:s8], [sflag:$0x15] =	stream.indirect.gather [hbm4b:s4+s18], $0x10, s29, s18, $0xb8;
	[tilespmem:$0xB800] =	vst v63  }
0x6d: {  	_ =	swait.ge [sflag:s15], $0x800  }
0x6e: {  	[sflag:s15] =	ssyncset.done $0x0  }
0x6f: {  	s5 =	simm.s32 $0x980;
	[sflag:s15] =	ssyncadd.s32 $0xFFFFF800  }
0x70: {  	[spmem:s2] =	stream.indirect.scatter.add.f32 [tilespmem:s8], [sflag:$0x15], $0x10, s5, s18, $0xb8;
	[tilespmem:$0xB800] =	vst v63  }
0x71: {  	_ =	swait.ge [sflag:s15], $0x800  }
0x72: {  	[sflag:s15] =	ssyncset.done $0x0  }
0x73: {  	s13 =	simm.s32 $0x200;
	[sflag:s15] =	ssyncadd.s32 $0xFFFFF800  }
0x74: {  	[tilespmem:s8], [sflag:$0x15] =	stream.indirect.gather [hbm4b:s4+s18], $0x10, s13, s18, $0xb8;
	[tilespmem:$0xB800] =	vst v63  }
0x75: {  	_ =	swait.ge [sflag:s15], $0x800  }
0x76: {  	[sflag:s15] =	ssyncset.done $0x0  }
0x77: {  	s17 =	simm.s32 $0xA00;
	[sflag:s15] =	ssyncadd.s32 $0xFFFFF800  }
0x78: {  	[spmem:s2] =	stream.indirect.scatter.add.f32 [tilespmem:s8], [sflag:$0x15], $0x10, s17, s18, $0xb8;
	[tilespmem:$0xB800] =	vst v63  }
0x79: {  	_ =	swait.ge [sflag:s15], $0x800  }
0x7a: {  	[sflag:s15] =	ssyncset.done $0x0  }
0x7b: {  	s19 =	simm.s32 $0x280;
	[sflag:s15] =	ssyncadd.s32 $0xFFFFF800  }
0x7c: {  	[tilespmem:s8], [sflag:$0x15] =	stream.indirect.gather [hbm4b:s4+s18], $0x10, s19, s18, $0xb8;
	[tilespmem:$0xB800] =	vst v63  }
0x7d: {  	_ =	swait.ge [sflag:s15], $0x800  }
0x7e: {  	[sflag:s15] =	ssyncset.done $0x0  }
0x7f: {  	s21 =	simm.s32 $0xA80;
	[sflag:s15] =	ssyncadd.s32 $0xFFFFF800  }
0x80: {  	[spmem:s2] =	stream.indirect.scatter.add.f32 [tilespmem:s8], [sflag:$0x15], $0x10, s21, s18, $0xb8;
	[tilespmem:$0xB800] =	vst v63  }
0x81: {  	_ =	swait.ge [sflag:s15], $0x800  }
0x82: {  	s22 =	simm.s32 @!p0 $0x15;
	[sflag:s15] =	ssyncset.done $0x0  }
0x83: {  	s13 =	simm.s32 @!p0 $0x0;
	s1 =	rddreg [dreg:$0x8];
	[sflag:s15] =	ssyncadd.s32 $0xFFFFF800  }
0x84: {  	[tilespmem:s13], [sflag:$0x15] =	stream.linear.gather @!p0 [hbm4b:s1+s13], $0x80, $0x38;
	[tilespmem:$0xB800] =	vst v63  }
0x85: {  	_ =	swait.ge @!p0 [sflag:s22], $0x80  }
0x86: {  	[sflag:s22] =	ssyncset.done @!p0 $0x0  }
0x87: {  	s29 =	simm.s32 @!p0 $0x800;
	s1 =	rddreg [dreg:$0x9];
	[sflag:s22] =	ssyncadd.s32 @!p0 $0xFFFFFF80  }
0x88: {  	[tilespmem:s29], [sflag:$0x15] =	stream.linear.gather @!p0 [hbm4b:s1+s13], $0x80, $0x38;
	[tilespmem:$0xB800] =	vst v63  }
0x89: {  	_ =	swait.ge @!p0 [sflag:s22], $0x80  }
0x8a: {  	[sflag:s22] =	ssyncset.done @!p0 $0x0  }
0x8b: {  	s17 =	simm.s32 @!p0 $0x1000;
	s1 =	simm.s32 @!p0 $0x80;
	[sflag:s22] =	ssyncadd.s32 @!p0 $0xFFFFFF80  }
0x8c: {  	[tilespmem:s17], [sflag:$0x15] =	stream.indirect.gather @!p0 [hbm4b:s4+s1], $0x10, s13, s1, $0xb8;
	[tilespmem:$0xB800] =	vst v63  }
0x8d: {  	_ =	swait.ge @!p0 [sflag:s22], $0x800  }
0x8e: {  	[sflag:s22] =	ssyncset.done @!p0 $0x0  }
0x8f: {  	[sflag:s22] =	ssyncadd.s32 @!p0 $0xFFFFF800  }
0x90: {  	[spmem:s2] =	stream.indirect.scatter.add.f32 @!p0 [tilespmem:s17], [sflag:$0x15], $0x10, s29, s1, $0xb8;
	[tilespmem:$0xB800] =	vst v63  }
0x91: {  	_ =	swait.ge @!p0 [sflag:s22], $0x800  }
0x92: {  	[sflag:s22] =	ssyncset.done @!p0 $0x0  }
0x93: {  	[sflag:s22] =	ssyncadd.s32 @!p0 $0xFFFFF800  }
0x94: {  	[bflag:$0x0] =	sbarrier.arrive $0xFFFF  }
0x95: {  	s17 =	rddreg [dreg:$0x5]  }
0x96: {  	s22 =	rddreg [dreg:$0xa]  }
0x97: {  	s13 =	rddreg [dreg:$0xd]  }
0x98: {  	[hbm:s22], [sflag:s17] =	dma.local [spmem:s13], $0x500  }
0x99: {  	_ =	swait.ge [sflag:s15], $0x500  }
0x9a: {  	s23 =	rddreg [dreg:$0xe]  }
0x9b: {  	s29 =	rddreg [dreg:$0xb];
	s5 =	sadd.s32 $0x1, s23  }
0x9c: {  	p1 =	sne.s32 s5, s29  }
.Ltmp1:
0x9d: {  	_ = 	snop;
	(pc) =	sbr.rel @!p1 .LBB2_7-.Ltmp1, $3  }
0x9e: {  	_ =	sdelay $0x1  }
0x9f: {  	[sflag:s15] =	ssyncset.done $0x0  }
0xa0: {  	[sflag:s15] =	ssyncadd.s32 $0xFFFFFB00  }
.LBB2_1:
0xa1: {  	[dreg:$0xe] =	wrdreg s5  }
0xa2: {  	s1 =	rddreg [dreg:$0x4]  }
0xa3: {  	[spmem:s13], [sflag:s17] =	dma.local [hbm:s1], $0x500  }
.Ltmp2:
0xa4: {  	_ =	swait.ge [sflag:s15], $0x500;
	(pc) =	sbr.rel .LBB2_2-.Ltmp2, $4  }
0xa5: {  	[sflag:s15] =	ssyncset.done $0x0  }
0xa6: {  	[sflag:s15] =	ssyncadd.s32 $0xFFFFFB00  }
0xa7: {  	s22 =	simm.s32 $0x0;
	[bflag:$0x0] =	sbarrier.arrive $0xFFFF  }
0xa8: {  	s1 =	simm.s32 $0x400;
	s17 =	simm.s32 $0xC00;
	s13 =	rddreg [dreg:$0xc]  }
.LBB2_4:
0xa9: {  	[tilespmem:s1], [sflag:$0x15] =	stream.linear.gather [hbm4b:s13+s3], $0x400, $0x38;
	[tilespmem:$0xB800] =	vst v63  }
0xaa: {  	_ =	swait.ge [sflag:s15], $0x400  }
0xab: {  	[sflag:s15] =	ssyncset.done $0x0  }
0xac: {  	[sflag:s15] =	ssyncadd.s32 $0xFFFFFC00  }
0xad: {  	[tilespmem:s17], [sflag:$0x15] =	stream.linear.gather [hbm4b:s29+s3], $0x400, $0x38;
	[tilespmem:$0xB800] =	vst v63  }
0xae: {  	_ =	swait.ge [sflag:s15], $0x400  }
0xaf: {  	[sflag:s15] =	ssyncset.done $0x0  }
0xb0: {  	s29 =	simm.s32 @!p1 $0x13;
	[sflag:s15] =	ssyncadd.s32 $0xFFFFFC00  }
0xb1: {  	_ =	swait.ge @!p1 [sflag:s29], $0x800  }
0xb2: {  	[sflag:s29] =	ssyncset.done @!p1 $0x0  }
0xb3: {  	[sflag:s29] =	ssyncadd.s32 @!p1 $0xFFFFF800  }
0xb4: {  	_ =	swait.ge @!p1 [sflag:s29], $0x800  }
0xb5: {  	[sflag:s29] =	ssyncset.done @!p1 $0x0  }
0xb6: {  	[sflag:s29] =	ssyncadd.s32 @!p1 $0xFFFFF800  }
0xb7: {  	_ =	swait.ge @!p1 [sflag:s29], $0x800  }
0xb8: {  	[sflag:s29] =	ssyncset.done @!p1 $0x0  }
0xb9: {  	[sflag:s29] =	ssyncadd.s32 @!p1 $0xFFFFF800  }
0xba: {  	_ =	swait.ge @!p1 [sflag:s29], $0x800  }
0xbb: {  	[sflag:s29] =	ssyncset.done @!p1 $0x0  }
0xbc: {  	[sflag:s29] =	ssyncadd.s32 @!p1 $0xFFFFF800;
	s29 =	simm.s32 $0x5000  }
0xbd: {  	[tilespmem:s29], [sflag:$0x9] =	stream.indirect.gather [hbm4b:s4+s18], $0x10, s1, s18, $0xb8;
	[tilespmem:$0xB800] =	vst v63  }
0xbe: {  	s19 =	simm.s32 $0x480;
	s21 =	simm.s32 $0x5800  }
0xbf: {  	[tilespmem:s21], [sflag:$0xA] =	stream.indirect.gather [hbm4b:s4+s18], $0x10, s19, s18, $0xb8;
	[tilespmem:$0xB800] =	vst v63  }
0xc0: {  	s23 =	simm.s32 $0x500;
	s5 =	simm.s32 $0x6000  }
0xc1: {  	[tilespmem:s5], [sflag:$0xB] =	stream.indirect.gather [hbm4b:s4+s18], $0x10, s23, s18, $0xb8;
	[tilespmem:$0xB800] =	vst v63  }
0xc2: {  	s19 =	simm.s32 $0x580;
	s23 =	simm.s32 $0x6800  }
0xc3: {  	[tilespmem:s23], [sflag:$0xC] =	stream.indirect.gather [hbm4b:s4+s18], $0x10, s19, s18, $0xb8;
	[tilespmem:$0xB800] =	vst v63  }
0xc4: {  	_ =	swait.ge [sflag:s26], $0x800  }
0xc5: {  	[sflag:s26] =	ssyncset.done $0x0  }
0xc6: {  	[sflag:s26] =	ssyncadd.s32 $0xFFFFF800  }
0xc7: {  	[spmem:s2] =	stream.indirect.scatter.add.f32 [tilespmem:s29], [sflag:$0x13], $0x10, s17, s18, $0xb8;
	[tilespmem:$0xB800] =	vst v63  }
0xc8: {  	_ =	swait.ge [sflag:s28], $0x800  }
0xc9: {  	[sflag:s28] =	ssyncset.done $0x0  }
0xca: {  	s29 =	simm.s32 $0xC80;
	[sflag:s28] =	ssyncadd.s32 $0xFFFFF800  }
0xcb: {  	[spmem:s2] =	stream.indirect.scatter.add.f32 [tilespmem:s21], [sflag:$0x13], $0x10, s29, s18, $0xb8;
	[tilespmem:$0xB800] =	vst v63  }
0xcc: {  	_ =	swait.ge [sflag:s30], $0x800  }
0xcd: {  	[sflag:s30] =	ssyncset.done $0x0  }
0xce: {  	s29 =	simm.s32 $0xD00;
	[sflag:s30] =	ssyncadd.s32 $0xFFFFF800  }
0xcf: {  	[spmem:s2] =	stream.indirect.scatter.add.f32 [tilespmem:s5], [sflag:$0x13], $0x10, s29, s18, $0xb8;
	[tilespmem:$0xB800] =	vst v63  }
0xd0: {  	_ =	swait.ge [sflag:s0], $0x800  }
0xd1: {  	[sflag:s0] =	ssyncset.done $0x0  }
0xd2: {  	s19 =	simm.s32 $0xD80;
	s29 =	simm.s32 @!p1 $0x14;
	[sflag:s0] =	ssyncadd.s32 $0xFFFFF800  }
0xd3: {  	[spmem:s2] =	stream.indirect.scatter.add.f32 [tilespmem:s23], [sflag:$0x13], $0x10, s19, s18, $0xb8;
	[tilespmem:$0xB800] =	vst v63  }
0xd4: {  	_ =	swait.ge @!p1 [sflag:s29], $0x800  }
0xd5: {  	[sflag:s29] =	ssyncset.done @!p1 $0x0  }
0xd6: {  	[sflag:s29] =	ssyncadd.s32 @!p1 $0xFFFFF800  }
0xd7: {  	_ =	swait.ge @!p1 [sflag:s29], $0x800  }
0xd8: {  	[sflag:s29] =	ssyncset.done @!p1 $0x0  }
0xd9: {  	[sflag:s29] =	ssyncadd.s32 @!p1 $0xFFFFF800  }
0xda: {  	_ =	swait.ge @!p1 [sflag:s29], $0x800  }
0xdb: {  	[sflag:s29] =	ssyncset.done @!p1 $0x0  }
0xdc: {  	[sflag:s29] =	ssyncadd.s32 @!p1 $0xFFFFF800  }
0xdd: {  	_ =	swait.ge @!p1 [sflag:s29], $0x800  }
0xde: {  	[sflag:s29] =	ssyncset.done @!p1 $0x0  }
0xdf: {  	s21 =	simm.s32 $0x600;
	s19 =	simm.s32 $0x7000;
	[sflag:s29] =	ssyncadd.s32 @!p1 $0xFFFFF800  }
0xe0: {  	[tilespmem:s19], [sflag:$0xD] =	stream.indirect.gather [hbm4b:s4+s18], $0x10, s21, s18, $0xb8;
	[tilespmem:$0xB800] =	vst v63  }
0xe1: {  	s23 =	simm.s32 $0x680;
	s21 =	simm.s32 $0x7800  }
0xe2: {  	[tilespmem:s21], [sflag:$0xE] =	stream.indirect.gather [hbm4b:s4+s18], $0x10, s23, s18, $0xb8;
	[tilespmem:$0xB800] =	vst v63  }
0xe3: {  	s29 =	simm.s32 $0x700;
	s23 =	simm.s32 $0x8000  }
0xe4: {  	[tilespmem:s23], [sflag:$0xF] =	stream.indirect.gather [hbm4b:s4+s18], $0x10, s29, s18, $0xb8;
	[tilespmem:$0xB800] =	vst v63  }
0xe5: {  	s5 =	simm.s32 $0x780;
	s29 =	simm.s32 $0x8800  }
0xe6: {  	[tilespmem:s29], [sflag:$0x10] =	stream.indirect.gather [hbm4b:s4+s18], $0x10, s5, s18, $0xb8;
	[tilespmem:$0xB800] =	vst v63  }
0xe7: {  	_ =	swait.ge [sflag:s6], $0x800  }
0xe8: {  	[sflag:s6] =	ssyncset.done $0x0  }
0xe9: {  	s5 =	simm.s32 $0xE00;
	[sflag:s6] =	ssyncadd.s32 $0xFFFFF800  }
0xea: {  	[spmem:s2] =	stream.indirect.scatter.add.f32 [tilespmem:s19], [sflag:$0x14], $0x10, s5, s18, $0xb8;
	[tilespmem:$0xB800] =	vst v63  }
0xeb: {  	_ =	swait.ge [sflag:s20], $0x800  }
0xec: {  	[sflag:s20] =	ssyncset.done $0x0  }
0xed: {  	s19 =	simm.s32 $0xE80;
	[sflag:s20] =	ssyncadd.s32 $0xFFFFF800  }
0xee: {  	[spmem:s2] =	stream.indirect.scatter.add.f32 [tilespmem:s21], [sflag:$0x14], $0x10, s19, s18, $0xb8;
	[tilespmem:$0xB800] =	vst v63  }
0xef: {  	_ =	swait.ge [sflag:s24], $0x800  }
0xf0: {  	[sflag:s24] =	ssyncset.done $0x0  }
0xf1: {  	s21 =	simm.s32 $0xF00;
	[sflag:s24] =	ssyncadd.s32 $0xFFFFF800  }
0xf2: {  	[spmem:s2] =	stream.indirect.scatter.add.f32 [tilespmem:s23], [sflag:$0x14], $0x10, s21, s18, $0xb8;
	[tilespmem:$0xB800] =	vst v63  }
0xf3: {  	_ =	swait.ge [sflag:s31], $0x800  }
0xf4: {  	[sflag:s31] =	ssyncset.done $0x0  }
0xf5: {  	s23 =	simm.s32 $0xF80;
	[sflag:s31] =	ssyncadd.s32 $0xFFFFF800  }
0xf6: {  	[spmem:s2] =	stream.indirect.scatter.add.f32 [tilespmem:s29], [sflag:$0x14], $0x10, s23, s18, $0xb8;
	[tilespmem:$0xB800] =	vst v63  }
.LBB2_5:
0xf7: {  	s22 =	sadd.s32 $0x1, s22  }
0xf8: {  	p1 =	sne.s32 s22, $0x9  }
.Ltmp3:
0xf9: {  	_ = 	snop;
	(pc) =	sbr.rel @!p1 .LBB2_6-.Ltmp3, $2  }
0xfa: {  	_ =	sdelay $0x2  }
0xfb: {  	s13 =	sadd.s32 $0x80, s13  }
.LBB2_2:
0xfc: {  	s29 =	sand.u32 $0x1, s22  }
0xfd: {  	p2 =	seq.s32 s29, $0x1  }
.Ltmp4:
0xfe: {  	_ = 	snop;
	(pc) =	sbr.rel @p2 .LBB2_4-.Ltmp4, $2  }
0xff: {  	_ =	sdelay $0x2  }
0x100: {  	p1 =	slt.u32 s22, $0x2;
	s29 =	sadd.s32 $0x9C40, s13  }
0x101: {  	[tilespmem:s3], [sflag:$0x15] =	stream.linear.gather [hbm4b:s13+s3], $0x400, $0x38;
	[tilespmem:$0xB800] =	vst v63  }
0x102: {  	_ =	swait.ge [sflag:s15], $0x400  }
0x103: {  	[sflag:s15] =	ssyncset.done $0x0  }
0x104: {  	s5 =	simm.s32 $0x800;
	[sflag:s15] =	ssyncadd.s32 $0xFFFFFC00  }
0x105: {  	[tilespmem:s5], [sflag:$0x15] =	stream.linear.gather [hbm4b:s29+s3], $0x400, $0x38;
	[tilespmem:$0xB800] =	vst v63  }
0x106: {  	_ =	swait.ge [sflag:s15], $0x400  }
0x107: {  	[sflag:s15] =	ssyncset.done $0x0  }
0x108: {  	s29 =	simm.s32 @!p1 $0x11;
	[sflag:s15] =	ssyncadd.s32 $0xFFFFFC00  }
0x109: {  	_ =	swait.ge @!p1 [sflag:s29], $0x800  }
0x10a: {  	[sflag:s29] =	ssyncset.done @!p1 $0x0  }
0x10b: {  	[sflag:s29] =	ssyncadd.s32 @!p1 $0xFFFFF800  }
0x10c: {  	_ =	swait.ge @!p1 [sflag:s29], $0x800  }
0x10d: {  	[sflag:s29] =	ssyncset.done @!p1 $0x0  }
0x10e: {  	[sflag:s29] =	ssyncadd.s32 @!p1 $0xFFFFF800  }
0x10f: {  	_ =	swait.ge @!p1 [sflag:s29], $0x800  }
0x110: {  	[sflag:s29] =	ssyncset.done @!p1 $0x0  }
0x111: {  	[sflag:s29] =	ssyncadd.s32 @!p1 $0xFFFFF800  }
0x112: {  	_ =	swait.ge @!p1 [sflag:s29], $0x800  }
0x113: {  	[sflag:s29] =	ssyncset.done @!p1 $0x0  }
0x114: {  	[sflag:s29] =	ssyncadd.s32 @!p1 $0xFFFFF800  }
0x115: {  	[tilespmem:s8], [sflag:$0x1] =	stream.indirect.gather [hbm4b:s4+s18], $0x10, s3, s18, $0xb8;
	[tilespmem:$0xB800] =	vst v63  }
0x116: {  	s21 =	simm.s32 $0x1800  }
0x117: {  	[tilespmem:s21], [sflag:$0x2] =	stream.indirect.gather [hbm4b:s4+s18], $0x10, s18, s18, $0xb8;
	[tilespmem:$0xB800] =	vst v63  }
0x118: {  	s19 =	simm.s32 $0x100;
	s23 =	simm.s32 $0x2000  }
0x119: {  	[tilespmem:s23], [sflag:$0x3] =	stream.indirect.gather [hbm4b:s4+s18], $0x10, s19, s18, $0xb8;
	[tilespmem:$0xB800] =	vst v63  }
0x11a: {  	s29 =	simm.s32 $0x2800;
	s19 =	simm.s32 $0x180  }
0x11b: {  	[tilespmem:s29], [sflag:$0x4] =	stream.indirect.gather [hbm4b:s4+s18], $0x10, s19, s18, $0xb8;
	[tilespmem:$0xB800] =	vst v63  }
0x11c: {  	_ =	swait.ge [sflag:s10], $0x800  }
0x11d: {  	[sflag:s10] =	ssyncset.done $0x0  }
0x11e: {  	[sflag:s10] =	ssyncadd.s32 $0xFFFFF800  }
0x11f: {  	[spmem:s2] =	stream.indirect.scatter.add.f32 [tilespmem:s8], [sflag:$0x11], $0x10, s5, s18, $0xb8;
	[tilespmem:$0xB800] =	vst v63  }
0x120: {  	_ =	swait.ge [sflag:s12], $0x800  }
0x121: {  	[sflag:s12] =	ssyncset.done $0x0  }
0x122: {  	s19 =	simm.s32 $0x880;
	[sflag:s12] =	ssyncadd.s32 $0xFFFFF800  }
0x123: {  	[spmem:s2] =	stream.indirect.scatter.add.f32 [tilespmem:s21], [sflag:$0x11], $0x10, s19, s18, $0xb8;
	[tilespmem:$0xB800] =	vst v63  }
0x124: {  	_ =	swait.ge [sflag:s14], $0x800  }
0x125: {  	[sflag:s14] =	ssyncset.done $0x0  }
0x126: {  	s21 =	simm.s32 $0x900;
	[sflag:s14] =	ssyncadd.s32 $0xFFFFF800  }
0x127: {  	[spmem:s2] =	stream.indirect.scatter.add.f32 [tilespmem:s23], [sflag:$0x11], $0x10, s21, s18, $0xb8;
	[tilespmem:$0xB800] =	vst v63  }
0x128: {  	_ =	swait.ge [sflag:s16], $0x800  }
0x129: {  	[sflag:s16] =	ssyncset.done $0x0  }
0x12a: {  	s19 =	simm.s32 $0x980;
	[sflag:s16] =	ssyncadd.s32 $0xFFFFF800  }
0x12b: {  	[spmem:s2] =	stream.indirect.scatter.add.f32 [tilespmem:s29], [sflag:$0x11], $0x10, s19, s18, $0xb8;
	[tilespmem:$0xB800] =	vst v63  }
0x12c: {  	s29 =	simm.s32 @!p1 $0x12  }
0x12d: {  	_ =	swait.ge @!p1 [sflag:s29], $0x800  }
0x12e: {  	[sflag:s29] =	ssyncset.done @!p1 $0x0  }
0x12f: {  	[sflag:s29] =	ssyncadd.s32 @!p1 $0xFFFFF800  }
0x130: {  	_ =	swait.ge @!p1 [sflag:s29], $0x800  }
0x131: {  	[sflag:s29] =	ssyncset.done @!p1 $0x0  }
0x132: {  	[sflag:s29] =	ssyncadd.s32 @!p1 $0xFFFFF800  }
0x133: {  	_ =	swait.ge @!p1 [sflag:s29], $0x800  }
0x134: {  	[sflag:s29] =	ssyncset.done @!p1 $0x0  }
0x135: {  	[sflag:s29] =	ssyncadd.s32 @!p1 $0xFFFFF800  }
0x136: {  	_ =	swait.ge @!p1 [sflag:s29], $0x800  }
0x137: {  	[sflag:s29] =	ssyncset.done @!p1 $0x0  }
0x138: {  	s21 =	simm.s32 $0x200;
	s19 =	simm.s32 $0x3000;
	[sflag:s29] =	ssyncadd.s32 @!p1 $0xFFFFF800  }
0x139: {  	[tilespmem:s19], [sflag:$0x5] =	stream.indirect.gather [hbm4b:s4+s18], $0x10, s21, s18, $0xb8;
	[tilespmem:$0xB800] =	vst v63  }
0x13a: {  	s23 =	simm.s32 $0x280;
	s21 =	simm.s32 $0x3800  }
0x13b: {  	[tilespmem:s21], [sflag:$0x6] =	stream.indirect.gather [hbm4b:s4+s18], $0x10, s23, s18, $0xb8;
	[tilespmem:$0xB800] =	vst v63  }
0x13c: {  	s29 =	simm.s32 $0x300;
	s23 =	simm.s32 $0x4000  }
0x13d: {  	[tilespmem:s23], [sflag:$0x7] =	stream.indirect.gather [hbm4b:s4+s18], $0x10, s29, s18, $0xb8;
	[tilespmem:$0xB800] =	vst v63  }
0x13e: {  	s5 =	simm.s32 $0x380;
	s29 =	simm.s32 $0x4800  }
0x13f: {  	[tilespmem:s29], [sflag:$0x8] =	stream.indirect.gather [hbm4b:s4+s18], $0x10, s5, s18, $0xb8;
	[tilespmem:$0xB800] =	vst v63  }
0x140: {  	_ =	swait.ge [sflag:s25], $0x800  }
0x141: {  	[sflag:s25] =	ssyncset.done $0x0  }
0x142: {  	s5 =	simm.s32 $0xA00;
	[sflag:s25] =	ssyncadd.s32 $0xFFFFF800  }
0x143: {  	[spmem:s2] =	stream.indirect.scatter.add.f32 [tilespmem:s19], [sflag:$0x12], $0x10, s5, s18, $0xb8;
	[tilespmem:$0xB800] =	vst v63  }
0x144: {  	_ =	swait.ge [sflag:s7], $0x800  }
0x145: {  	[sflag:s7] =	ssyncset.done $0x0  }
0x146: {  	s19 =	simm.s32 $0xA80;
	[sflag:s7] =	ssyncadd.s32 $0xFFFFF800  }
0x147: {  	[spmem:s2] =	stream.indirect.scatter.add.f32 [tilespmem:s21], [sflag:$0x12], $0x10, s19, s18, $0xb8;
	[tilespmem:$0xB800] =	vst v63  }
0x148: {  	_ =	swait.ge [sflag:s9], $0x800  }
0x149: {  	[sflag:s9] =	ssyncset.done $0x0  }
0x14a: {  	s21 =	simm.s32 $0xB00;
	[sflag:s9] =	ssyncadd.s32 $0xFFFFF800  }
0x14b: {  	[spmem:s2] =	stream.indirect.scatter.add.f32 [tilespmem:s23], [sflag:$0x12], $0x10, s21, s18, $0xb8;
	[tilespmem:$0xB800] =	vst v63  }
.Ltmp5:
0x14c: {  	_ = 	snop;
	(pc) =	sbr.rel .LBB2_5-.Ltmp5, $4  }
0x14d: {  	_ =	swait.ge [sflag:s11], $0x800  }
0x14e: {  	[sflag:s11] =	ssyncset.done $0x0  }
0x14f: {  	s23 =	simm.s32 $0xB80;
	[sflag:s11] =	ssyncadd.s32 $0xFFFFF800  }
0x150: {  	[spmem:s2] =	stream.indirect.scatter.add.f32 [tilespmem:s29], [sflag:$0x12], $0x10, s23, s18, $0xb8;
	[tilespmem:$0xB800] =	vst v63  }
.LBB2_7:
0x151: {  	_ =	sfence.sel $0x180000  }
0x152: {  	[bflag:$0x0] =	sbarrier.arrive $0xFFFF  }
0x153: {  	_ =	strace $0x9000004A  }
0x154: {  	s0 =	stileid.u32;
	[bflag:$0x2] =	sbarrier.arrive $0xFFFF  }
0x155: {  	p0 =	sne.s32 s0, $0x0;
	s0 =	rddreg [dreg:$0x3]  }
0x156: {  	s0 =	sadd.s32 @!p0 $0x100000, s0  }
0x157: {  	[sflag:s0] =	ssyncadd.tile.s32 @!p0 $0x1;
	_ =	shalt  }
.Lfunc_end2:
_tile_overlayer_lowered:
.L_overlay_start_2:
0x158: {  	(tag) =	ssettag $0x2  }
0x159: {  	s0 =	rddreg [dreg:$0x0];
	s2 =	stileid.u32  }
0x15a: {  	s1 =	rddreg [dreg:$0x1];
	p0 =	sne.s32 s2, $0x0  }
0x15b: {  	s3 =	rddreg [dreg:$0x2];
	[bflag:$0x3] =	sbarrier.arrive $0xFFFF;
	s2 =	simm.s32 @!p0 $0x1C15  }
0x15c: {  	[timem:s3], [sflag:s2] =	dma.local @!p0 [hbm:s0], s1  }
0x15d: {  	s0 =	simm.s32 @!p0 $0x15  }
0x15e: {  	_ =	swait.ge @!p0 [sflag:s0], s1  }
0x15f: {  	s1 =	ssub.s32 @!p0 $0x0, s1;
	[sflag:s0] =	ssyncset.done @!p0 $0x0  }
0x160: {  	[sflag:s0] =	ssyncadd.s32 @!p0 s1  }
0x161: {  	[bflag:$0x3] =	sbarrier.arrive $0xFFFF  }
0x162: {  	_ =	shalt  }

// kernel: kernel.15.cloned.1.call-start
scs
__scs_entry_jumppad:
0x0: {  	(pc) =	sbr.rel $0x88, $3  }
0x1: {  	(tag) =	ssettag $0x0;
	lr =	simm.s32 $0x1  }
0x2: {  	[smem:$0x3F9B] =	sst lr;
	_ =	strace $0xD0000000  }
0x3: {  	_ = 	snop  }
0x4: {  	_ = 	snop  }
0x5: {  	_ = 	snop  }
0x6: {  	_ = 	snop  }
0x7: {  	_ = 	snop  }
__scs_overlays_trampoline_lowered:
0x8: {  	[smem:$0x3FAA] =	sst s0  }
0x9: {  	[smem:$0x3FAB] =	sst s1  }
0xa: {  	[smem:$0x3FAC] =	sst s2  }
0xb: {  	[smem:$0x3FAD] =	sst s3  }
0xc: {  	[smem:$0x3FAE] =	sst s4  }
0xd: {  	[smem:$0x3FAF] =	sst s5  }
0xe: {  	[smem:$0x3FB0] =	sst s6  }
0xf: {  	[smem:$0x3FB1] =	sst s7  }
0x10: {  	[smem:$0x3FB2] =	sst s8  }
0x11: {  	[smem:$0x3FB3] =	sst s9;
	s0 =	simm.s32 @!p0 $0x0  }
0x12: {  	s1 =	sld [smem:$0x3F99];
	s0 =	simm.s32 @p0 $0x1  }
0x13: {  	[smem:$0x3FB4] =	sst s0;
	s0 =	simm.s32 @!p1 $0x0  }
0x14: {  	s2 =	sld [smem:$0x3F98];
	s0 =	simm.s32 @p1 $0x1  }
0x15: {  	[smem:$0x3FB5] =	sst s0;
	s0 =	simm.s32 @!p2 $0x0  }
0x16: {  	s3 =	sld [smem:$0x3FDB];
	s0 =	simm.s32 @p2 $0x1  }
0x17: {  	s4 =	simm.s32 $0x1BF5;
	[smem:$0x3FB7] =	sst s0  }
0x18: {  	s0 =	sld [smem:$0x3F9A];
	_ =	swait.ge [sflag:s4], $0x0  }
0x19: {  	s7 =	sld [smem:$0x3F9B]  }
0x1a: {  	s8 =	sadd.s32 $0xFFFFE003, lr  }
0x1b: {  	s9 =	sadd.s32 $0xFFFFFEF7, lr;
	s5 =	simm.s32 $0xFFFFFFFF;
	p2 =	slt.u32 s8, $0xFFFFF086  }
0x1c: {  	p1 =	slt.u32 s9, $0xF7A;
	s5 =	simm.s32 @!p2 $0x0  }
0x1d: {  	s5 =	simm.s32 @p1 $0x1;
	p0 =	seq.s32 s7, s2  }
0x1e: {  	s7 =	smul.u32 @!p0 $0xF7A, s2;
	p2 =	seq.s32 @!p0 s5, $0x0  }
0x1f: {  	s9 =	smul.u32 $0xF7A, s1;
	s8 =	simm.s32 @!p0 $0x1BF5;
	p2 =	por !p2, p0  }
0x20: {  	[sflag:s8] =	ssyncset.s32 @!p0 $0xFFFFF086;
	s6 =	sadd.s32 @!p0 s3, s7;
	s7 =	simm.s32 @!p0 $0x108  }
0x21: {  	s3 =	sadd.s32 s3, s9;
	s6 =	sadd.s32 @!p0 $0x88, s6;
	s7 =	simm.s32 @p2 $0x1082  }
0x22: {  	[simem:s7], [sflag:s8] =	dma.local @!p0 [hbm:s6], $0xF7A  }
0x23: {  	s9 =	sor.u32 $0xD0000000, s2;
	s6 =	simm.s32 $0x108;
	_ =	swait.ge @!p0 [sflag:s8], $0x0  }
0x24: {  	s3 =	sadd.s32 $0x88, s3;
	s6 =	simm.s32 @!p1 $0x1082;
	[sflag:s4] =	ssyncset.s32 $0xFFFFF086  }
0x25: {  	[simem:s6], [sflag:s4] =	dma.local [hbm:s3], $0xF7A  }
0x26: {  	[smem:$0x3F9B] =	sst s1;
	(tag) =	ssettag s2;
	_ =	strace s9  }
0x27: {  	s1 =	sld [smem:$0x3FAB]  }
0x28: {  	s2 =	sld [smem:$0x3FAC]  }
0x29: {  	s4 =	sld [smem:$0x3FAE]  }
0x2a: {  	p0 =	seq.s32 s5, $0x0;
	s5 =	sld [smem:$0x3FAF]  }
0x2b: {  	s6 =	sld [smem:$0x3FB0]  }
0x2c: {  	s7 =	sld [smem:$0x3FB1]  }
0x2d: {  	s3 =	simm.s32 $0x108;
	s8 =	sld [smem:$0x3FB2]  }
0x2e: {  	s3 =	simm.s32 @!p0 $0x1082;
	s9 =	sld [smem:$0x3FB3]  }
0x2f: {  	lr =	sadd.s32 s0, s3;
	s0 =	sld [smem:$0x3FAA]  }
0x30: {  	s3 =	sld [smem:$0x3FAD]  }
0x31: {  	[smem:$0x3FB6] =	sst s10  }
0x32: {  	s10 =	sld [smem:$0x3FB4];
	_ =	sdelay $0x3  }
0x33: {  	p0 =	seq.s32 s10, $0x1;
	s10 =	sld [smem:$0x3FB6];
	_ =	sdelay $0x3  }
0x34: {  	[smem:$0x3FB6] =	sst s10  }
0x35: {  	s10 =	sld [smem:$0x3FB5];
	_ =	sdelay $0x3  }
0x36: {  	p1 =	seq.s32 s10, $0x1;
	s10 =	sld [smem:$0x3FB6];
	_ =	sdelay $0x3  }
0x37: {  	[smem:$0x3FB6] =	sst s10  }
0x38: {  	s10 =	sld [smem:$0x3FB7]  }
0x39: {  	_ = 	snop;
	(pc) =	sbr.ind lr, $3  }
0x3a: {  	_ = 	snop  }
0x3b: {  	_ = 	snop  }
0x3c: {  	p2 =	seq.s32 s10, $0x1;
	s10 =	sld [smem:$0x3FB6]  }
0x3d: {  	_ =	shalt  }
0x3e: {  	_ =	shalt  }
0x3f: {  	_ =	shalt  }
0x40: {  	_ =	shalt  }
0x41: {  	_ =	shalt  }
0x42: {  	_ =	shalt  }
0x43: {  	_ =	shalt  }
0x44: {  	_ =	shalt  }
0x45: {  	_ =	shalt  }
0x46: {  	_ =	shalt  }
0x47: {  	_ =	shalt  }
0x48: {  	_ =	shalt  }
0x49: {  	_ =	shalt  }
0x4a: {  	_ =	shalt  }
0x4b: {  	_ =	shalt  }
0x4c: {  	_ =	shalt  }
0x4d: {  	_ =	shalt  }
0x4e: {  	_ =	shalt  }
0x4f: {  	_ =	shalt  }
0x50: {  	_ =	shalt  }
0x51: {  	_ =	shalt  }
0x52: {  	_ =	shalt  }
0x53: {  	_ =	shalt  }
0x54: {  	_ =	shalt  }
0x55: {  	_ =	shalt  }
0x56: {  	_ =	shalt  }
0x57: {  	_ =	shalt  }
0x58: {  	_ =	shalt  }
0x59: {  	_ =	shalt  }
0x5a: {  	_ =	shalt  }
0x5b: {  	_ =	shalt  }
0x5c: {  	_ =	shalt  }
0x5d: {  	_ =	shalt  }
0x5e: {  	_ =	shalt  }
0x5f: {  	_ =	shalt  }
0x60: {  	_ =	shalt  }
0x61: {  	_ =	shalt  }
0x62: {  	_ =	shalt  }
0x63: {  	_ =	shalt  }
0x64: {  	_ =	shalt  }
0x65: {  	_ =	shalt  }
0x66: {  	_ =	shalt  }
0x67: {  	_ =	shalt  }
0x68: {  	_ =	shalt  }
0x69: {  	_ =	shalt  }
0x6a: {  	_ =	shalt  }
0x6b: {  	_ =	shalt  }
0x6c: {  	_ =	shalt  }
0x6d: {  	_ =	shalt  }
0x6e: {  	_ =	shalt  }
0x6f: {  	_ =	shalt  }
0x70: {  	_ =	shalt  }
0x71: {  	_ =	shalt  }
0x72: {  	_ =	shalt  }
0x73: {  	_ =	shalt  }
0x74: {  	_ =	shalt  }
0x75: {  	_ =	shalt  }
0x76: {  	_ =	shalt  }
0x77: {  	_ =	shalt  }
0x78: {  	_ =	shalt  }
0x79: {  	_ =	shalt  }
0x7a: {  	_ =	shalt  }
0x7b: {  	_ =	shalt  }
0x7c: {  	_ =	shalt  }
0x7d: {  	_ =	shalt  }
0x7e: {  	_ =	shalt  }
0x7f: {  	_ =	shalt  }
0x80: {  	_ =	shalt  }
0x81: {  	_ =	shalt  }
0x82: {  	_ =	shalt  }
0x83: {  	_ =	shalt  }
0x84: {  	_ =	shalt  }
0x85: {  	_ =	shalt  }
0x86: {  	_ =	shalt  }
0x87: {  	_ =	shalt  }
.Lfunc_end0:
.L_simem_size_0:
called_computation.2_lowered:
.L_overlay_start_0:
0x88: {  	s2 =	sld [smem:$0x3FD9]  }
0x89: {  	s3 =	sld [smem:$0x3FFE];
	_ =	sdelay $0x1  }
0x8a: {  	s1 =	srdreg.scid  }
0x8b: {  	s0 =	sand.u32 $0x1, s1  }
0x8c: {  	s17 =	sshll.u32 s0, $0xA;
	s2 =	sadd.s32 s3, s2  }
0x8d: {  	s2 =	sadd.s32 s2, s17  }
0x8e: {  	[smem:$0x3FC2] =	sst s2  }
0x8f: {  	_ = 	snop  }
0x90: {  	s2 =	sld [smem:$0x3FD0];
	(tm) =	ssettm $0x1  }
0x91: {  	s18 =	sld [smem:$0x3FFB];
	_ =	sdelay $0x3  }
0x92: {  	_ =	strace s18  }
0x93: {  	s3 =	sld [smem:$0x3FFC];
	_ =	sdelay $0x3  }
0x94: {  	_ =	strace s3  }
0x95: {  	s3 =	sld [smem:$0x3FFD];
	_ =	sdelay $0x3  }
0x96: {  	_ =	strace s3  }
0x97: {  	_ =	strace $0x8FFFFFFF  }
0x98: {  	s19 =	sld [smem:$0x3FDB];
	_ =	sdelay $0x1  }
0x99: {  	s4 =	simm.s32 $_scs_section_size  }
0x9a: {  	s5 =	simm.s32 $_size__tile_overlayer_lowered;
	s6 =	simm.s32 $_tile_overlayer_lowered  }
0x9b: {  	s22 =	simm.s32 $0x1BFF;
	s21 =	sshll.u32 s6, $0x1;
	s3 =	sadd.s32 s4, s19  }
0x9c: {  	s7 =	simm.s32 $0x0;
	s20 =	sshll.u32 s5, $0x1;
	s5 =	sadd.s32 s21, s3  }
0x9d: {  	[timem:s7], [sflag:s22] =	dma.local [hbm:s5], s20  }
0x9e: {  	_ =	swait.ge [sflag:s22], s20  }
0x9f: {  	s4 =	ssub.s32 $0x0, s20;
	[sflag:s22] =	ssyncset.done $0x0  }
0xa0: {  	[sflag:s22] =	ssyncadd.s32 s4;
	_ =	sdelay $0x1  }
0xa1: {  	s23 =	simm.s32 $0x1B8B  }
0xa2: {  	_ =	swait.ge [sflag:s23], $0x1  }
0xa3: {  	[sflag:s23] =	ssyncset.done $0x0  }
0xa4: {  	s25 =	simm.s32 $0x1B8E;
	s24 =	sld [smem:$0x3FFE];
	[sflag:s23] =	ssyncadd.s32 $0xFFFFFFFF  }
0xa5: {  	s26 =	simm.s32 $execute0_lowered;
	[smem:$0x3FD2] =	sst s25  }
0xa6: {  	s5 =	sshll.u32 s26, $0x1;
	_ =	strace $0x8000004C;
	[dreg:$0x1] =	wrdreg $0xFFFFFFFF  }
0xa7: {  	s28 =	simm.s32 $_size_execute0_lowered;
	s3 =	sadd.s32 s3, s5;
	[dreg:$0x0] =	wrdreg $0x0  }
0xa8: {  	s5 =	sshll.u32 s28, $0x1;
	[dreg:$0x2] =	wrdreg s3  }
0xa9: {  	[dreg:$0x3] =	wrdreg s5  }
0xaa: {  	[dreg:$0x4] =	wrdreg $0xC0  }
0xab: {  	_ =	task [dreg:s7], $0x5FFFF  }
0xac: {  	[dreg:$0x1] =	wrdreg $0xFFFFFFFF  }
0xad: {  	[dreg:$0x0] =	wrdreg $0x60  }
0xae: {  	[dreg:$0x2] =	wrdreg s2  }
0xaf: {  	[dreg:$0x3] =	wrdreg s24  }
0xb0: {  	[dreg:$0x4] =	wrdreg $0x150000  }
0xb1: {  	[dreg:$0x5] =	wrdreg $0x9  }
0xb2: {  	_ =	task.clear_ibuf [dreg:s7], $0x6FFFF;
	_ =	strace $0x9000004C  }
0xb3: {  	s29 =	simm.s32 $0x9;
	_ =	strace $0x8000004E  }
0xb4: {  	_ =	swait.ge [sflag:s29], $0x1  }
0xb5: {  	[sflag:s29] =	ssyncadd.s32 $0xFFFFFFFF  }
0xb6: {  	_ =	strace $0x9000004E  }
0xb7: {  	_ =	sfence  }
0xb8: {  	s30 =	sld [smem:$0x0];
	_ =	sdelay $0x2  }
0xb9: {  	s31 =	sshll.u32 s1, $0xD;
	s1 =	sshrl.u32 s1, $0x2  }
0xba: {  	s3 =	sand.u32 $0x4000, s31;
	s1 =	sadd.s32 s1, s30  }
0xbb: {  	s0 =	sor.u32 s3, s0;
	s1 =	sshll.u32 s1, $0x11  }
0xbc: {  	s0 =	sor.u32 s1, s0  }
0xbd: {  	s0 =	sadd.s32 $0x8F2B, s0  }
0xbe: {  	[sflag:s0] =	ssyncadd.remote.s32 $0x1  }
0xbf: {  	_ =	sfence.sel $0xFFFF  }
0xc0: {  	[dreg:$0x0] =	wrdreg $0xFFFFFFFF;
	(pc) =	sbr.abs _section_cstart, $3  }
0xc1: {  	[dreg:$0x1] =	wrdreg $0xFFFFFFFF  }
0xc2: {  	_ =	task.clear_ibuf [dreg:s7], $0x2FFFF;
	_ =	strace $0x9FFFFFFF  }
0xc3: {  	(tm) =	ssettm $0x7FFFFFFF  }
tec
execute0_lowered:
.L_overlay_start_1:
0x0: {  	(tag) =	ssettag $0x1  }
0x1: {  	s2 =	rddreg [dreg:$0x0]  }
0x2: {  	s0 =	rddreg [dreg:$0x1]  }
0x3: {  	s3 =	rddreg [dreg:$0x2]  }
0x4: {  	s12 =	stileid.u32;
	s1 =	srdreg.scid  }
0x5: {  	s4 =	simm.s32 $0x0;
	s15 =	simm.s32 $0x15;
	s18 =	simm.s32 $0x80  }
0x6: {  	s28 =	simm.s32 $0xA;
	s30 =	simm.s32 $0xB;
	s31 =	simm.s32 $0x10  }
0x7: {  	s14 =	simm.s32 $0x3;
	s16 =	simm.s32 $0x4;
	s5 =	smul.u32 $0x6400, s12  }
0x8: {  	s1 =	sand.u32 $0x1, s1;
	[smem:$0x7FF] =	sst s4;
	s7 =	sadd.s32 $0x2800, s0  }
0x9: {  	s21 =	sshll.u32 s12, $0x6;
	s23 =	sshll.u32 s12, $0x4;
	s25 =	smul.u32 $0x4E0, s12  }
0xa: {  	s6 =	smul.u32 $0x64000, s1;
	_ =	strace $0x8000004D;
	s8 =	sshll.u32 s1, $0x4  }
0xb: {  	s10 =	ssub.s32 $0x2, s1;
	s13 =	sor.u32 $0x1C15, s21;
	s1 =	smul.u32 $0x4E00, s1  }
0xc: {  	s9 =	sshrl.u32 s5, $0x3;
	s8 =	sor.u32 s12, s8;
	s19 =	sshrl.u32 s10, $0x1  }
0xd: {  	s12 =	simm.s32 $0x2;
	[dreg:$0x5] =	wrdreg s13;
	s6 =	sadd.s32 s5, s6  }
0xe: {  	s11 =	smul.u32 $0x2700, s8;
	s9 =	sadd.s32 s9, s0;
	s5 =	sadd.s32 s5, s3  }
0xf: {  	s29 =	sadd.s32 s1, s7;
	p0 =	sgt.u32 s8, $0x3;
	s8 =	simm.s32 $0x1000  }
0x10: {  	s6 =	sshrl.u32 s6, $0x3;
	s9 =	sadd.s32 $0x3D400, s9;
	s17 =	sshrl.u32 s5, $0x3  }
0x11: {  	s5 =	simm.s32 $0x0;
	s0 =	sadd.s32 s6, s0;
	s6 =	ssub.s32 s10, s19  }
0x12: {  	s20 =	sshrl.u32 s11, $0x3;
	[dreg:$0x4] =	wrdreg s9;
	s9 =	sadd.s32 s23, s7  }
0x13: {  	s11 =	simm.s32 $0x8;
	[dreg:$0xd] =	wrdreg s17;
	s10 =	sadd.s32 s7, s20  }
0x14: {  	s24 =	sadd.s32 $0x9C00, s9;
	s9 =	sadd.s32 $0x13840, s9;
	s0 =	sadd.s32 $0x49C00, s0  }
0x15: {  	s26 =	smax.u32 s6, $0x1;
	s6 =	simm.s32 $0xD;
	[dreg:$0x8] =	wrdreg s24  }
0x16: {  	s20 =	simm.s32 $0xE;
	s7 =	simm.s32 $0x6;
	[dreg:$0x9] =	wrdreg s9  }
.Ltmp0:
0x17: {  	s22 =	sadd.s32 $0x480, s10;
	[dreg:$0xa] =	wrdreg s0;
	(pc) =	sbr.rel .LBB2_1-.Ltmp0, $4  }
0x18: {  	s10 =	sadd.s32 $0xA0C0, s10;
	[dreg:$0xb] =	wrdreg s26;
	s0 =	sadd.s32 s25, s29  }
0x19: {  	s26 =	simm.s32 $0x9;
	s24 =	simm.s32 $0xF;
	[dreg:$0x6] =	wrdreg s22  }
0x1a: {  	s25 =	simm.s32 $0x5;
	s9 =	simm.s32 $0x7;
	[dreg:$0x7] =	wrdreg s10  }
0x1b: {  	[dreg:$0xc] =	wrdreg s0;
	s0 =	simm.s32 $0xC;
	s10 =	simm.s32 $0x1  }
.LBB2_6:
0x1c: {  	s1 =	simm.s32 $0x11  }
0x1d: {  	_ =	swait.ge [sflag:s1], $0x1400  }
0x1e: {  	[sflag:s1] =	ssyncset.done $0x0  }
0x1f: {  	[sflag:s1] =	ssyncadd.s32 $0xFFFFEC00  }
0x20: {  	_ =	swait.ge [sflag:s1], $0x1400  }
0x21: {  	[sflag:s1] =	ssyncset.done $0x0  }
0x22: {  	[sflag:s1] =	ssyncadd.s32 $0xFFFFEC00  }
0x23: {  	_ =	swait.ge [sflag:s1], $0x1400  }
0x24: {  	[sflag:s1] =	ssyncset.done $0x0  }
0x25: {  	[sflag:s1] =	ssyncadd.s32 $0xFFFFEC00  }
0x26: {  	_ =	swait.ge [sflag:s1], $0x1400  }
0x27: {  	[sflag:s1] =	ssyncset.done $0x0  }
0x28: {  	s29 =	simm.s32 $0x12;
	[sflag:s1] =	ssyncadd.s32 $0xFFFFEC00  }
0x29: {  	_ =	swait.ge [sflag:s29], $0x1400  }
0x2a: {  	[sflag:s29] =	ssyncset.done $0x0  }
0x2b: {  	[sflag:s29] =	ssyncadd.s32 $0xFFFFEC00  }
0x2c: {  	_ =	swait.ge [sflag:s29], $0x1400  }
0x2d: {  	[sflag:s29] =	ssyncset.done $0x0  }
0x2e: {  	[sflag:s29] =	ssyncadd.s32 $0xFFFFEC00  }
0x2f: {  	_ =	swait.ge [sflag:s29], $0x1400  }
0x30: {  	[sflag:s29] =	ssyncset.done $0x0  }
0x31: {  	[sflag:s29] =	ssyncadd.s32 $0xFFFFEC00  }
0x32: {  	_ =	swait.ge [sflag:s29], $0x1400  }
0x33: {  	[sflag:s29] =	ssyncset.done $0x0  }
0x34: {  	s5 =	simm.s32 $0x13;
	[sflag:s29] =	ssyncadd.s32 $0xFFFFEC00  }
0x35: {  	_ =	swait.ge [sflag:s5], $0x1400  }
0x36: {  	[sflag:s5] =	ssyncset.done $0x0  }
0x37: {  	[sflag:s5] =	ssyncadd.s32 $0xFFFFEC00  }
0x38: {  	_ =	swait.ge [sflag:s5], $0x1400  }
0x39: {  	[sflag:s5] =	ssyncset.done $0x0  }
0x3a: {  	[sflag:s5] =	ssyncadd.s32 $0xFFFFEC00  }
0x3b: {  	_ =	swait.ge [sflag:s5], $0x1400  }
0x3c: {  	[sflag:s5] =	ssyncset.done $0x0  }
0x3d: {  	[sflag:s5] =	ssyncadd.s32 $0xFFFFEC00  }
0x3e: {  	_ =	swait.ge [sflag:s5], $0x1400  }
0x3f: {  	[sflag:s5] =	ssyncset.done $0x0  }
0x40: {  	s13 =	simm.s32 $0x14;
	[sflag:s5] =	ssyncadd.s32 $0xFFFFEC00  }
0x41: {  	_ =	swait.ge [sflag:s13], $0x1400  }
0x42: {  	[sflag:s13] =	ssyncset.done $0x0  }
0x43: {  	[sflag:s13] =	ssyncadd.s32 $0xFFFFEC00  }
0x44: {  	_ =	swait.ge [sflag:s13], $0x1400  }
0x45: {  	[sflag:s13] =	ssyncset.done $0x0  }
0x46: {  	[sflag:s13] =	ssyncadd.s32 $0xFFFFEC00  }
0x47: {  	_ =	swait.ge [sflag:s13], $0x1400  }
0x48: {  	[sflag:s13] =	ssyncset.done $0x0  }
0x49: {  	[sflag:s13] =	ssyncadd.s32 $0xFFFFEC00  }
0x4a: {  	_ =	swait.ge [sflag:s13], $0x1400  }
0x4b: {  	[sflag:s13] =	ssyncset.done $0x0  }
0x4c: {  	s17 =	rddreg [dreg:$0x6];
	[sflag:s13] =	ssyncadd.s32 $0xFFFFEC00  }
0x4d: {  	[tilespmem:s4], [sflag:$0x15] =	stream.linear.gather [hbm4b:s17+s4], $0x300, $0x38;
	[tilespmem:$0x1B400] =	vst v63  }
0x4e: {  	_ =	swait.ge [sflag:s15], $0x300  }
0x4f: {  	[sflag:s15] =	ssyncset.done $0x0  }
0x50: {  	s5 =	simm.s32 $0x800;
	s19 =	rddreg [dreg:$0x7];
	[sflag:s15] =	ssyncadd.s32 $0xFFFFFD00  }
0x51: {  	[tilespmem:s5], [sflag:$0x15] =	stream.linear.gather [hbm4b:s19+s4], $0x300, $0x38;
	[tilespmem:$0x1B400] =	vst v63  }
0x52: {  	_ =	swait.ge [sflag:s15], $0x300  }
0x53: {  	[sflag:s15] =	ssyncset.done $0x0  }
0x54: {  	[sflag:s15] =	ssyncadd.s32 $0xFFFFFD00  }
0x55: {  	[tilespmem:s8], [sflag:$0x15] =	stream.indirect.gather [hbm4b:s2+s18], $0x28, s4, s18, $0xb8;
	[tilespmem:$0x1B400] =	vst v63  }
0x56: {  	_ =	swait.ge [sflag:s15], $0x1400  }
0x57: {  	[sflag:s15] =	ssyncset.done $0x0  }
0x58: {  	[sflag:s15] =	ssyncadd.s32 $0xFFFFEC00  }
0x59: {  	[spmem:s3] =	stream.indirect.scatter.add.f32 [tilespmem:s8], [sflag:$0x15], $0x28, s5, s18, $0xb8;
	[tilespmem:$0x1B400] =	vst v63  }
0x5a: {  	_ =	swait.ge [sflag:s15], $0x1400  }
0x5b: {  	[sflag:s15] =	ssyncset.done $0x0  }
0x5c: {  	[sflag:s15] =	ssyncadd.s32 $0xFFFFEC00  }
0x5d: {  	[tilespmem:s8], [sflag:$0x15] =	stream.indirect.gather [hbm4b:s2+s18], $0x28, s18, s18, $0xb8;
	[tilespmem:$0x1B400] =	vst v63  }
0x5e: {  	_ =	swait.ge [sflag:s15], $0x1400  }
0x5f: {  	[sflag:s15] =	ssyncset.done $0x0  }
0x60: {  	s21 =	simm.s32 $0x880;
	[sflag:s15] =	ssyncadd.s32 $0xFFFFEC00  }
0x61: {  	[spmem:s3] =	stream.indirect.scatter.add.f32 [tilespmem:s8], [sflag:$0x15], $0x28, s21, s18, $0xb8;
	[tilespmem:$0x1B400] =	vst v63  }
0x62: {  	_ =	swait.ge [sflag:s15], $0x1400  }
0x63: {  	[sflag:s15] =	ssyncset.done $0x0  }
0x64: {  	s22 =	simm.s32 $0x100;
	[sflag:s15] =	ssyncadd.s32 $0xFFFFEC00  }
0x65: {  	[tilespmem:s8], [sflag:$0x15] =	stream.indirect.gather [hbm4b:s2+s18], $0x28, s22, s18, $0xb8;
	[tilespmem:$0x1B400] =	vst v63  }
0x66: {  	_ =	swait.ge [sflag:s15], $0x1400  }
0x67: {  	[sflag:s15] =	ssyncset.done $0x0  }
0x68: {  	s23 =	simm.s32 $0x900;
	[sflag:s15] =	ssyncadd.s32 $0xFFFFEC00  }
0x69: {  	[spmem:s3] =	stream.indirect.scatter.add.f32 [tilespmem:s8], [sflag:$0x15], $0x28, s23, s18, $0xb8;
	[tilespmem:$0x1B400] =	vst v63  }
0x6a: {  	_ =	swait.ge [sflag:s15], $0x1400  }
0x6b: {  	[sflag:s15] =	ssyncset.done $0x0  }
0x6c: {  	s29 =	simm.s32 $0x180;
	[sflag:s15] =	ssyncadd.s32 $0xFFFFEC00  }
0x6d: {  	[tilespmem:s8], [sflag:$0x15] =	stream.indirect.gather [hbm4b:s2+s18], $0x28, s29, s18, $0xb8;
	[tilespmem:$0x1B400] =	vst v63  }
0x6e: {  	_ =	swait.ge [sflag:s15], $0x1400  }
0x6f: {  	[sflag:s15] =	ssyncset.done $0x0  }
0x70: {  	s5 =	simm.s32 $0x980;
	[sflag:s15] =	ssyncadd.s32 $0xFFFFEC00  }
0x71: {  	[spmem:s3] =	stream.indirect.scatter.add.f32 [tilespmem:s8], [sflag:$0x15], $0x28, s5, s18, $0xb8;
	[tilespmem:$0x1B400] =	vst v63  }
0x72: {  	_ =	swait.ge [sflag:s15], $0x1400  }
0x73: {  	[sflag:s15] =	ssyncset.done $0x0  }
0x74: {  	s13 =	simm.s32 $0x200;
	[sflag:s15] =	ssyncadd.s32 $0xFFFFEC00  }
0x75: {  	[tilespmem:s8], [sflag:$0x15] =	stream.indirect.gather [hbm4b:s2+s18], $0x28, s13, s18, $0xb8;
	[tilespmem:$0x1B400] =	vst v63  }
0x76: {  	_ =	swait.ge [sflag:s15], $0x1400  }
0x77: {  	[sflag:s15] =	ssyncset.done $0x0  }
0x78: {  	s17 =	simm.s32 $0xA00;
	[sflag:s15] =	ssyncadd.s32 $0xFFFFEC00  }
0x79: {  	[spmem:s3] =	stream.indirect.scatter.add.f32 [tilespmem:s8], [sflag:$0x15], $0x28, s17, s18, $0xb8;
	[tilespmem:$0x1B400] =	vst v63  }
0x7a: {  	_ =	swait.ge [sflag:s15], $0x1400  }
0x7b: {  	[sflag:s15] =	ssyncset.done $0x0  }
0x7c: {  	s19 =	simm.s32 $0x280;
	[sflag:s15] =	ssyncadd.s32 $0xFFFFEC00  }
0x7d: {  	[tilespmem:s8], [sflag:$0x15] =	stream.indirect.gather [hbm4b:s2+s18], $0x28, s19, s18, $0xb8;
	[tilespmem:$0x1B400] =	vst v63  }
0x7e: {  	_ =	swait.ge [sflag:s15], $0x1400  }
0x7f: {  	[sflag:s15] =	ssyncset.done $0x0  }
0x80: {  	s21 =	simm.s32 $0xA80;
	[sflag:s15] =	ssyncadd.s32 $0xFFFFEC00  }
0x81: {  	[spmem:s3] =	stream.indirect.scatter.add.f32 [tilespmem:s8], [sflag:$0x15], $0x28, s21, s18, $0xb8;
	[tilespmem:$0x1B400] =	vst v63  }
0x82: {  	_ =	swait.ge [sflag:s15], $0x1400  }
0x83: {  	s22 =	simm.s32 @!p0 $0x15;
	[sflag:s15] =	ssyncset.done $0x0  }
0x84: {  	s13 =	simm.s32 @!p0 $0x0;
	s1 =	rddreg [dreg:$0x8];
	[sflag:s15] =	ssyncadd.s32 $0xFFFFEC00  }
0x85: {  	[tilespmem:s13], [sflag:$0x15] =	stream.linear.gather @!p0 [hbm4b:s1+s13], $0x80, $0x38;
	[tilespmem:$0x1B400] =	vst v63  }
0x86: {  	_ =	swait.ge @!p0 [sflag:s22], $0x80  }
0x87: {  	[sflag:s22] =	ssyncset.done @!p0 $0x0  }
0x88: {  	s29 =	simm.s32 @!p0 $0x800;
	s1 =	rddreg [dreg:$0x9];
	[sflag:s22] =	ssyncadd.s32 @!p0 $0xFFFFFF80  }
0x89: {  	[tilespmem:s29], [sflag:$0x15] =	stream.linear.gather @!p0 [hbm4b:s1+s13], $0x80, $0x38;
	[tilespmem:$0x1B400] =	vst v63  }
0x8a: {  	_ =	swait.ge @!p0 [sflag:s22], $0x80  }
0x8b: {  	[sflag:s22] =	ssyncset.done @!p0 $0x0  }
0x8c: {  	s17 =	simm.s32 @!p0 $0x1000;
	s1 =	simm.s32 @!p0 $0x80;
	[sflag:s22] =	ssyncadd.s32 @!p0 $0xFFFFFF80  }
0x8d: {  	[tilespmem:s17], [sflag:$0x15] =	stream.indirect.gather @!p0 [hbm4b:s2+s1], $0x28, s13, s1, $0xb8;
	[tilespmem:$0x1B400] =	vst v63  }
0x8e: {  	_ =	swait.ge @!p0 [sflag:s22], $0x1400  }
0x8f: {  	[sflag:s22] =	ssyncset.done @!p0 $0x0  }
0x90: {  	[sflag:s22] =	ssyncadd.s32 @!p0 $0xFFFFEC00  }
0x91: {  	[spmem:s3] =	stream.indirect.scatter.add.f32 @!p0 [tilespmem:s17], [sflag:$0x15], $0x28, s29, s1, $0xb8;
	[tilespmem:$0x1B400] =	vst v63  }
0x92: {  	_ =	swait.ge @!p0 [sflag:s22], $0x1400  }
0x93: {  	[sflag:s22] =	ssyncset.done @!p0 $0x0  }
0x94: {  	[sflag:s22] =	ssyncadd.s32 @!p0 $0xFFFFEC00  }
0x95: {  	[bflag:$0x0] =	sbarrier.arrive $0xFFFF  }
0x96: {  	s13 =	rddreg [dreg:$0x5]  }
0x97: {  	s22 =	rddreg [dreg:$0xa]  }
0x98: {  	s17 =	rddreg [dreg:$0xd]  }
0x99: {  	[hbm:s22], [sflag:s13] =	dma.local [spmem:s17], $0xC80  }
0x9a: {  	_ =	swait.ge [sflag:s15], $0xC80  }
0x9b: {  	s23 =	rddreg [dreg:$0xe]  }
0x9c: {  	s29 =	rddreg [dreg:$0xb];
	s5 =	sadd.s32 $0x1, s23  }
0x9d: {  	p1 =	sne.s32 s5, s29  }
.Ltmp1:
0x9e: {  	_ = 	snop;
	(pc) =	sbr.rel @!p1 .LBB2_7-.Ltmp1, $3  }
0x9f: {  	_ =	sdelay $0x1  }
0xa0: {  	[sflag:s15] =	ssyncset.done $0x0  }
0xa1: {  	[sflag:s15] =	ssyncadd.s32 $0xFFFFF380  }
.LBB2_1:
0xa2: {  	[dreg:$0xe] =	wrdreg s5  }
0xa3: {  	s1 =	rddreg [dreg:$0x4]  }
0xa4: {  	[spmem:s17], [sflag:s13] =	dma.local [hbm:s1], $0xC80  }
.Ltmp2:
0xa5: {  	_ =	swait.ge [sflag:s15], $0xC80;
	(pc) =	sbr.rel .LBB2_2-.Ltmp2, $4  }
0xa6: {  	[sflag:s15] =	ssyncset.done $0x0  }
0xa7: {  	[sflag:s15] =	ssyncadd.s32 $0xFFFFF380  }
0xa8: {  	s22 =	simm.s32 $0x0;
	[bflag:$0x0] =	sbarrier.arrive $0xFFFF  }
0xa9: {  	s1 =	simm.s32 $0x400;
	s17 =	simm.s32 $0xC00;
	s13 =	rddreg [dreg:$0xc]  }
.LBB2_4:
0xaa: {  	[tilespmem:s1], [sflag:$0x15] =	stream.linear.gather [hbm4b:s13+s4], $0x400, $0x38;
	[tilespmem:$0x1B400] =	vst v63  }
0xab: {  	_ =	swait.ge [sflag:s15], $0x400  }
0xac: {  	[sflag:s15] =	ssyncset.done $0x0  }
0xad: {  	[sflag:s15] =	ssyncadd.s32 $0xFFFFFC00  }
0xae: {  	[tilespmem:s17], [sflag:$0x15] =	stream.linear.gather [hbm4b:s29+s4], $0x400, $0x38;
	[tilespmem:$0x1B400] =	vst v63  }
0xaf: {  	_ =	swait.ge [sflag:s15], $0x400  }
0xb0: {  	[sflag:s15] =	ssyncset.done $0x0  }
0xb1: {  	s29 =	simm.s32 @!p1 $0x13;
	[sflag:s15] =	ssyncadd.s32 $0xFFFFFC00  }
0xb2: {  	_ =	swait.ge @!p1 [sflag:s29], $0x1400  }
0xb3: {  	[sflag:s29] =	ssyncset.done @!p1 $0x0  }
0xb4: {  	[sflag:s29] =	ssyncadd.s32 @!p1 $0xFFFFEC00  }
0xb5: {  	_ =	swait.ge @!p1 [sflag:s29], $0x1400  }
0xb6: {  	[sflag:s29] =	ssyncset.done @!p1 $0x0  }
0xb7: {  	[sflag:s29] =	ssyncadd.s32 @!p1 $0xFFFFEC00  }
0xb8: {  	_ =	swait.ge @!p1 [sflag:s29], $0x1400  }
0xb9: {  	[sflag:s29] =	ssyncset.done @!p1 $0x0  }
0xba: {  	[sflag:s29] =	ssyncadd.s32 @!p1 $0xFFFFEC00  }
0xbb: {  	_ =	swait.ge @!p1 [sflag:s29], $0x1400  }
0xbc: {  	[sflag:s29] =	ssyncset.done @!p1 $0x0  }
0xbd: {  	[sflag:s29] =	ssyncadd.s32 @!p1 $0xFFFFEC00;
	s29 =	simm.s32 $0xB000  }
0xbe: {  	[tilespmem:s29], [sflag:$0x9] =	stream.indirect.gather [hbm4b:s2+s18], $0x28, s1, s18, $0xb8;
	[tilespmem:$0x1B400] =	vst v63  }
0xbf: {  	s19 =	simm.s32 $0x480;
	s21 =	simm.s32 $0xC400  }
0xc0: {  	[tilespmem:s21], [sflag:$0xA] =	stream.indirect.gather [hbm4b:s2+s18], $0x28, s19, s18, $0xb8;
	[tilespmem:$0x1B400] =	vst v63  }
0xc1: {  	s23 =	simm.s32 $0x500;
	s5 =	simm.s32 $0xD800  }
0xc2: {  	[tilespmem:s5], [sflag:$0xB] =	stream.indirect.gather [hbm4b:s2+s18], $0x28, s23, s18, $0xb8;
	[tilespmem:$0x1B400] =	vst v63  }
0xc3: {  	s19 =	simm.s32 $0x580;
	s23 =	simm.s32 $0xEC00  }
0xc4: {  	[tilespmem:s23], [sflag:$0xC] =	stream.indirect.gather [hbm4b:s2+s18], $0x28, s19, s18, $0xb8;
	[tilespmem:$0x1B400] =	vst v63  }
0xc5: {  	_ =	swait.ge [sflag:s26], $0x1400  }
0xc6: {  	[sflag:s26] =	ssyncset.done $0x0  }
0xc7: {  	[sflag:s26] =	ssyncadd.s32 $0xFFFFEC00  }
0xc8: {  	[spmem:s3] =	stream.indirect.scatter.add.f32 [tilespmem:s29], [sflag:$0x13], $0x28, s17, s18, $0xb8;
	[tilespmem:$0x1B400] =	vst v63  }
0xc9: {  	_ =	swait.ge [sflag:s28], $0x1400  }
0xca: {  	[sflag:s28] =	ssyncset.done $0x0  }
0xcb: {  	s29 =	simm.s32 $0xC80;
	[sflag:s28] =	ssyncadd.s32 $0xFFFFEC00  }
0xcc: {  	[spmem:s3] =	stream.indirect.scatter.add.f32 [tilespmem:s21], [sflag:$0x13], $0x28, s29, s18, $0xb8;
	[tilespmem:$0x1B400] =	vst v63  }
0xcd: {  	_ =	swait.ge [sflag:s30], $0x1400  }
0xce: {  	[sflag:s30] =	ssyncset.done $0x0  }
0xcf: {  	s29 =	simm.s32 $0xD00;
	[sflag:s30] =	ssyncadd.s32 $0xFFFFEC00  }
0xd0: {  	[spmem:s3] =	stream.indirect.scatter.add.f32 [tilespmem:s5], [sflag:$0x13], $0x28, s29, s18, $0xb8;
	[tilespmem:$0x1B400] =	vst v63  }
0xd1: {  	_ =	swait.ge [sflag:s0], $0x1400  }
0xd2: {  	[sflag:s0] =	ssyncset.done $0x0  }
0xd3: {  	s19 =	simm.s32 $0xD80;
	s29 =	simm.s32 @!p1 $0x14;
	[sflag:s0] =	ssyncadd.s32 $0xFFFFEC00  }
0xd4: {  	[spmem:s3] =	stream.indirect.scatter.add.f32 [tilespmem:s23], [sflag:$0x13], $0x28, s19, s18, $0xb8;
	[tilespmem:$0x1B400] =	vst v63  }
0xd5: {  	_ =	swait.ge @!p1 [sflag:s29], $0x1400  }
0xd6: {  	[sflag:s29] =	ssyncset.done @!p1 $0x0  }
0xd7: {  	[sflag:s29] =	ssyncadd.s32 @!p1 $0xFFFFEC00  }
0xd8: {  	_ =	swait.ge @!p1 [sflag:s29], $0x1400  }
0xd9: {  	[sflag:s29] =	ssyncset.done @!p1 $0x0  }
0xda: {  	[sflag:s29] =	ssyncadd.s32 @!p1 $0xFFFFEC00  }
0xdb: {  	_ =	swait.ge @!p1 [sflag:s29], $0x1400  }
0xdc: {  	[sflag:s29] =	ssyncset.done @!p1 $0x0  }
0xdd: {  	[sflag:s29] =	ssyncadd.s32 @!p1 $0xFFFFEC00  }
0xde: {  	_ =	swait.ge @!p1 [sflag:s29], $0x1400  }
0xdf: {  	[sflag:s29] =	ssyncset.done @!p1 $0x0  }
0xe0: {  	s21 =	simm.s32 $0x600;
	s19 =	simm.s32 $0x10000;
	[sflag:s29] =	ssyncadd.s32 @!p1 $0xFFFFEC00  }
0xe1: {  	[tilespmem:s19], [sflag:$0xD] =	stream.indirect.gather [hbm4b:s2+s18], $0x28, s21, s18, $0xb8;
	[tilespmem:$0x1B400] =	vst v63  }
0xe2: {  	s23 =	simm.s32 $0x680;
	s21 =	simm.s32 $0x11400  }
0xe3: {  	[tilespmem:s21], [sflag:$0xE] =	stream.indirect.gather [hbm4b:s2+s18], $0x28, s23, s18, $0xb8;
	[tilespmem:$0x1B400] =	vst v63  }
0xe4: {  	s29 =	simm.s32 $0x700;
	s23 =	simm.s32 $0x12800  }
0xe5: {  	[tilespmem:s23], [sflag:$0xF] =	stream.indirect.gather [hbm4b:s2+s18], $0x28, s29, s18, $0xb8;
	[tilespmem:$0x1B400] =	vst v63  }
0xe6: {  	s5 =	simm.s32 $0x780;
	s29 =	simm.s32 $0x13C00  }
0xe7: {  	[tilespmem:s29], [sflag:$0x10] =	stream.indirect.gather [hbm4b:s2+s18], $0x28, s5, s18, $0xb8;
	[tilespmem:$0x1B400] =	vst v63  }
0xe8: {  	_ =	swait.ge [sflag:s6], $0x1400  }
0xe9: {  	[sflag:s6] =	ssyncset.done $0x0  }
0xea: {  	s5 =	simm.s32 $0xE00;
	[sflag:s6] =	ssyncadd.s32 $0xFFFFEC00  }
0xeb: {  	[spmem:s3] =	stream.indirect.scatter.add.f32 [tilespmem:s19], [sflag:$0x14], $0x28, s5, s18, $0xb8;
	[tilespmem:$0x1B400] =	vst v63  }
0xec: {  	_ =	swait.ge [sflag:s20], $0x1400  }
0xed: {  	[sflag:s20] =	ssyncset.done $0x0  }
0xee: {  	s19 =	simm.s32 $0xE80;
	[sflag:s20] =	ssyncadd.s32 $0xFFFFEC00  }
0xef: {  	[spmem:s3] =	stream.indirect.scatter.add.f32 [tilespmem:s21], [sflag:$0x14], $0x28, s19, s18, $0xb8;
	[tilespmem:$0x1B400] =	vst v63  }
0xf0: {  	_ =	swait.ge [sflag:s24], $0x1400  }
0xf1: {  	[sflag:s24] =	ssyncset.done $0x0  }
0xf2: {  	s21 =	simm.s32 $0xF00;
	[sflag:s24] =	ssyncadd.s32 $0xFFFFEC00  }
0xf3: {  	[spmem:s3] =	stream.indirect.scatter.add.f32 [tilespmem:s23], [sflag:$0x14], $0x28, s21, s18, $0xb8;
	[tilespmem:$0x1B400] =	vst v63  }
0xf4: {  	_ =	swait.ge [sflag:s31], $0x1400  }
0xf5: {  	[sflag:s31] =	ssyncset.done $0x0  }
0xf6: {  	s23 =	simm.s32 $0xF80;
	[sflag:s31] =	ssyncadd.s32 $0xFFFFEC00  }
0xf7: {  	[spmem:s3] =	stream.indirect.scatter.add.f32 [tilespmem:s29], [sflag:$0x14], $0x28, s23, s18, $0xb8;
	[tilespmem:$0x1B400] =	vst v63  }
.LBB2_5:
0xf8: {  	s22 =	sadd.s32 $0x1, s22  }
0xf9: {  	p1 =	sne.s32 s22, $0x9  }
.Ltmp3:
0xfa: {  	_ = 	snop;
	(pc) =	sbr.rel @!p1 .LBB2_6-.Ltmp3, $2  }
0xfb: {  	_ =	sdelay $0x2  }
0xfc: {  	s13 =	sadd.s32 $0x80, s13  }
.LBB2_2:
0xfd: {  	s29 =	sand.u32 $0x1, s22  }
0xfe: {  	p2 =	seq.s32 s29, $0x1  }
.Ltmp4:
0xff: {  	_ = 	snop;
	(pc) =	sbr.rel @p2 .LBB2_4-.Ltmp4, $2  }
0x100: {  	_ =	sdelay $0x2  }
0x101: {  	p1 =	slt.u32 s22, $0x2;
	s29 =	sadd.s32 $0x9C40, s13  }
0x102: {  	[tilespmem:s4], [sflag:$0x15] =	stream.linear.gather [hbm4b:s13+s4], $0x400, $0x38;
	[tilespmem:$0x1B400] =	vst v63  }
0x103: {  	_ =	swait.ge [sflag:s15], $0x400  }
0x104: {  	[sflag:s15] =	ssyncset.done $0x0  }
0x105: {  	s5 =	simm.s32 $0x800;
	[sflag:s15] =	ssyncadd.s32 $0xFFFFFC00  }
0x106: {  	[tilespmem:s5], [sflag:$0x15] =	stream.linear.gather [hbm4b:s29+s4], $0x400, $0x38;
	[tilespmem:$0x1B400] =	vst v63  }
0x107: {  	_ =	swait.ge [sflag:s15], $0x400  }
0x108: {  	[sflag:s15] =	ssyncset.done $0x0  }
0x109: {  	s29 =	simm.s32 @!p1 $0x11;
	[sflag:s15] =	ssyncadd.s32 $0xFFFFFC00  }
0x10a: {  	_ =	swait.ge @!p1 [sflag:s29], $0x1400  }
0x10b: {  	[sflag:s29] =	ssyncset.done @!p1 $0x0  }
0x10c: {  	[sflag:s29] =	ssyncadd.s32 @!p1 $0xFFFFEC00  }
0x10d: {  	_ =	swait.ge @!p1 [sflag:s29], $0x1400  }
0x10e: {  	[sflag:s29] =	ssyncset.done @!p1 $0x0  }
0x10f: {  	[sflag:s29] =	ssyncadd.s32 @!p1 $0xFFFFEC00  }
0x110: {  	_ =	swait.ge @!p1 [sflag:s29], $0x1400  }
0x111: {  	[sflag:s29] =	ssyncset.done @!p1 $0x0  }
0x112: {  	[sflag:s29] =	ssyncadd.s32 @!p1 $0xFFFFEC00  }
0x113: {  	_ =	swait.ge @!p1 [sflag:s29], $0x1400  }
0x114: {  	[sflag:s29] =	ssyncset.done @!p1 $0x0  }
0x115: {  	[sflag:s29] =	ssyncadd.s32 @!p1 $0xFFFFEC00  }
0x116: {  	[tilespmem:s8], [sflag:$0x1] =	stream.indirect.gather [hbm4b:s2+s18], $0x28, s4, s18, $0xb8;
	[tilespmem:$0x1B400] =	vst v63  }
0x117: {  	s21 =	simm.s32 $0x2400  }
0x118: {  	[tilespmem:s21], [sflag:$0x2] =	stream.indirect.gather [hbm4b:s2+s18], $0x28, s18, s18, $0xb8;
	[tilespmem:$0x1B400] =	vst v63  }
0x119: {  	s19 =	simm.s32 $0x100;
	s23 =	simm.s32 $0x3800  }
0x11a: {  	[tilespmem:s23], [sflag:$0x3] =	stream.indirect.gather [hbm4b:s2+s18], $0x28, s19, s18, $0xb8;
	[tilespmem:$0x1B400] =	vst v63  }
0x11b: {  	s29 =	simm.s32 $0x4C00;
	s19 =	simm.s32 $0x180  }
0x11c: {  	[tilespmem:s29], [sflag:$0x4] =	stream.indirect.gather [hbm4b:s2+s18], $0x28, s19, s18, $0xb8;
	[tilespmem:$0x1B400] =	vst v63  }
0x11d: {  	_ =	swait.ge [sflag:s10], $0x1400  }
0x11e: {  	[sflag:s10] =	ssyncset.done $0x0  }
0x11f: {  	[sflag:s10] =	ssyncadd.s32 $0xFFFFEC00  }
0x120: {  	[spmem:s3] =	stream.indirect.scatter.add.f32 [tilespmem:s8], [sflag:$0x11], $0x28, s5, s18, $0xb8;
	[tilespmem:$0x1B400] =	vst v63  }
0x121: {  	_ =	swait.ge [sflag:s12], $0x1400  }
0x122: {  	[sflag:s12] =	ssyncset.done $0x0  }
0x123: {  	s19 =	simm.s32 $0x880;
	[sflag:s12] =	ssyncadd.s32 $0xFFFFEC00  }
0x124: {  	[spmem:s3] =	stream.indirect.scatter.add.f32 [tilespmem:s21], [sflag:$0x11], $0x28, s19, s18, $0xb8;
	[tilespmem:$0x1B400] =	vst v63  }
0x125: {  	_ =	swait.ge [sflag:s14], $0x1400  }
0x126: {  	[sflag:s14] =	ssyncset.done $0x0  }
0x127: {  	s21 =	simm.s32 $0x900;
	[sflag:s14] =	ssyncadd.s32 $0xFFFFEC00  }
0x128: {  	[spmem:s3] =	stream.indirect.scatter.add.f32 [tilespmem:s23], [sflag:$0x11], $0x28, s21, s18, $0xb8;
	[tilespmem:$0x1B400] =	vst v63  }
0x129: {  	_ =	swait.ge [sflag:s16], $0x1400  }
0x12a: {  	[sflag:s16] =	ssyncset.done $0x0  }
0x12b: {  	s19 =	simm.s32 $0x980;
	[sflag:s16] =	ssyncadd.s32 $0xFFFFEC00  }
0x12c: {  	[spmem:s3] =	stream.indirect.scatter.add.f32 [tilespmem:s29], [sflag:$0x11], $0x28, s19, s18, $0xb8;
	[tilespmem:$0x1B400] =	vst v63  }
0x12d: {  	s29 =	simm.s32 @!p1 $0x12  }
0x12e: {  	_ =	swait.ge @!p1 [sflag:s29], $0x1400  }
0x12f: {  	[sflag:s29] =	ssyncset.done @!p1 $0x0  }
0x130: {  	[sflag:s29] =	ssyncadd.s32 @!p1 $0xFFFFEC00  }
0x131: {  	_ =	swait.ge @!p1 [sflag:s29], $0x1400  }
0x132: {  	[sflag:s29] =	ssyncset.done @!p1 $0x0  }
0x133: {  	[sflag:s29] =	ssyncadd.s32 @!p1 $0xFFFFEC00  }
0x134: {  	_ =	swait.ge @!p1 [sflag:s29], $0x1400  }
0x135: {  	[sflag:s29] =	ssyncset.done @!p1 $0x0  }
0x136: {  	[sflag:s29] =	ssyncadd.s32 @!p1 $0xFFFFEC00  }
0x137: {  	_ =	swait.ge @!p1 [sflag:s29], $0x1400  }
0x138: {  	[sflag:s29] =	ssyncset.done @!p1 $0x0  }
0x139: {  	s21 =	simm.s32 $0x200;
	s19 =	simm.s32 $0x6000;
	[sflag:s29] =	ssyncadd.s32 @!p1 $0xFFFFEC00  }
0x13a: {  	[tilespmem:s19], [sflag:$0x5] =	stream.indirect.gather [hbm4b:s2+s18], $0x28, s21, s18, $0xb8;
	[tilespmem:$0x1B400] =	vst v63  }
0x13b: {  	s23 =	simm.s32 $0x280;
	s21 =	simm.s32 $0x7400  }
0x13c: {  	[tilespmem:s21], [sflag:$0x6] =	stream.indirect.gather [hbm4b:s2+s18], $0x28, s23, s18, $0xb8;
	[tilespmem:$0x1B400] =	vst v63  }
0x13d: {  	s29 =	simm.s32 $0x300;
	s23 =	simm.s32 $0x8800  }
0x13e: {  	[tilespmem:s23], [sflag:$0x7] =	stream.indirect.gather [hbm4b:s2+s18], $0x28, s29, s18, $0xb8;
	[tilespmem:$0x1B400] =	vst v63  }
0x13f: {  	s5 =	simm.s32 $0x380;
	s29 =	simm.s32 $0x9C00  }
0x140: {  	[tilespmem:s29], [sflag:$0x8] =	stream.indirect.gather [hbm4b:s2+s18], $0x28, s5, s18, $0xb8;
	[tilespmem:$0x1B400] =	vst v63  }
0x141: {  	_ =	swait.ge [sflag:s25], $0x1400  }
0x142: {  	[sflag:s25] =	ssyncset.done $0x0  }
0x143: {  	s5 =	simm.s32 $0xA00;
	[sflag:s25] =	ssyncadd.s32 $0xFFFFEC00  }
0x144: {  	[spmem:s3] =	stream.indirect.scatter.add.f32 [tilespmem:s19], [sflag:$0x12], $0x28, s5, s18, $0xb8;
	[tilespmem:$0x1B400] =	vst v63  }
0x145: {  	_ =	swait.ge [sflag:s7], $0x1400  }
0x146: {  	[sflag:s7] =	ssyncset.done $0x0  }
0x147: {  	s19 =	simm.s32 $0xA80;
	[sflag:s7] =	ssyncadd.s32 $0xFFFFEC00  }
0x148: {  	[spmem:s3] =	stream.indirect.scatter.add.f32 [tilespmem:s21], [sflag:$0x12], $0x28, s19, s18, $0xb8;
	[tilespmem:$0x1B400] =	vst v63  }
0x149: {  	_ =	swait.ge [sflag:s9], $0x1400  }
0x14a: {  	[sflag:s9] =	ssyncset.done $0x0  }
0x14b: {  	s21 =	simm.s32 $0xB00;
	[sflag:s9] =	ssyncadd.s32 $0xFFFFEC00  }
0x14c: {  	[spmem:s3] =	stream.indirect.scatter.add.f32 [tilespmem:s23], [sflag:$0x12], $0x28, s21, s18, $0xb8;
	[tilespmem:$0x1B400] =	vst v63  }
.Ltmp5:
0x14d: {  	_ = 	snop;
	(pc) =	sbr.rel .LBB2_5-.Ltmp5, $4  }
0x14e: {  	_ =	swait.ge [sflag:s11], $0x1400  }
0x14f: {  	[sflag:s11] =	ssyncset.done $0x0  }
0x150: {  	s23 =	simm.s32 $0xB80;
	[sflag:s11] =	ssyncadd.s32 $0xFFFFEC00  }
0x151: {  	[spmem:s3] =	stream.indirect.scatter.add.f32 [tilespmem:s29], [sflag:$0x12], $0x28, s23, s18, $0xb8;
	[tilespmem:$0x1B400] =	vst v63  }
.LBB2_7:
0x152: {  	_ =	sfence.sel $0x180000  }
0x153: {  	[bflag:$0x0] =	sbarrier.arrive $0xFFFF  }
0x154: {  	_ =	strace $0x9000004D  }
0x155: {  	s0 =	stileid.u32;
	[bflag:$0x2] =	sbarrier.arrive $0xFFFF  }
0x156: {  	p0 =	sne.s32 s0, $0x0;
	s0 =	rddreg [dreg:$0x3]  }
0x157: {  	s0 =	sadd.s32 @!p0 $0x100000, s0  }
0x158: {  	[sflag:s0] =	ssyncadd.tile.s32 @!p0 $0x1;
	_ =	shalt  }
.Lfunc_end2:
_tile_overlayer_lowered:
.L_overlay_start_2:
0x159: {  	(tag) =	ssettag $0x2  }
0x15a: {  	s0 =	rddreg [dreg:$0x0];
	s2 =	stileid.u32  }
0x15b: {  	s1 =	rddreg [dreg:$0x1];
	p0 =	sne.s32 s2, $0x0  }
0x15c: {  	s3 =	rddreg [dreg:$0x2];
	[bflag:$0x3] =	sbarrier.arrive $0xFFFF;
	s2 =	simm.s32 @!p0 $0x1C15  }
0x15d: {  	[timem:s3], [sflag:s2] =	dma.local @!p0 [hbm:s0], s1  }
0x15e: {  	s0 =	simm.s32 @!p0 $0x15  }
0x15f: {  	_ =	swait.ge @!p0 [sflag:s0], s1  }
0x160: {  	s1 =	ssub.s32 @!p0 $0x0, s1;
	[sflag:s0] =	ssyncset.done @!p0 $0x0  }
0x161: {  	[sflag:s0] =	ssyncadd.s32 @!p0 s1  }
0x162: {  	[bflag:$0x3] =	sbarrier.arrive $0xFFFF  }
0x163: {  	_ =	shalt  }

// kernel: kernel.9.cloned.1.call-start
scs
__scs_entry_jumppad:
0x0: {  	(pc) =	sbr.rel $0x88, $3  }
0x1: {  	(tag) =	ssettag $0x0;
	lr =	simm.s32 $0x1  }
0x2: {  	[smem:$0x3F9B] =	sst lr;
	_ =	strace $0xD0000000  }
0x3: {  	_ = 	snop  }
0x4: {  	_ = 	snop  }
0x5: {  	_ = 	snop  }
0x6: {  	_ = 	snop  }
0x7: {  	_ = 	snop  }
__scs_overlays_trampoline_lowered:
0x8: {  	[smem:$0x3FAA] =	sst s0  }
0x9: {  	[smem:$0x3FAB] =	sst s1  }
0xa: {  	[smem:$0x3FAC] =	sst s2  }
0xb: {  	[smem:$0x3FAD] =	sst s3  }
0xc: {  	[smem:$0x3FAE] =	sst s4  }
0xd: {  	[smem:$0x3FAF] =	sst s5  }
0xe: {  	[smem:$0x3FB0] =	sst s6  }
0xf: {  	[smem:$0x3FB1] =	sst s7  }
0x10: {  	[smem:$0x3FB2] =	sst s8  }
0x11: {  	[smem:$0x3FB3] =	sst s9;
	s0 =	simm.s32 @!p0 $0x0  }
0x12: {  	s1 =	sld [smem:$0x3F99];
	s0 =	simm.s32 @p0 $0x1  }
0x13: {  	[smem:$0x3FB4] =	sst s0;
	s0 =	simm.s32 @!p1 $0x0  }
0x14: {  	s2 =	sld [smem:$0x3F98];
	s0 =	simm.s32 @p1 $0x1  }
0x15: {  	[smem:$0x3FB5] =	sst s0;
	s0 =	simm.s32 @!p2 $0x0  }
0x16: {  	s3 =	sld [smem:$0x3FDB];
	s0 =	simm.s32 @p2 $0x1  }
0x17: {  	s4 =	simm.s32 $0x1BF5;
	[smem:$0x3FB7] =	sst s0  }
0x18: {  	s0 =	sld [smem:$0x3F9A];
	_ =	swait.ge [sflag:s4], $0x0  }
0x19: {  	s7 =	sld [smem:$0x3F9B]  }
0x1a: {  	s8 =	sadd.s32 $0xFFFFE003, lr  }
0x1b: {  	s9 =	sadd.s32 $0xFFFFFEF7, lr;
	s5 =	simm.s32 $0xFFFFFFFF;
	p2 =	slt.u32 s8, $0xFFFFF086  }
0x1c: {  	p1 =	slt.u32 s9, $0xF7A;
	s5 =	simm.s32 @!p2 $0x0  }
0x1d: {  	s5 =	simm.s32 @p1 $0x1;
	p0 =	seq.s32 s7, s2  }
0x1e: {  	s7 =	smul.u32 @!p0 $0xF7A, s2;
	p2 =	seq.s32 @!p0 s5, $0x0  }
0x1f: {  	s9 =	smul.u32 $0xF7A, s1;
	s8 =	simm.s32 @!p0 $0x1BF5;
	p2 =	por !p2, p0  }
0x20: {  	[sflag:s8] =	ssyncset.s32 @!p0 $0xFFFFF086;
	s6 =	sadd.s32 @!p0 s3, s7;
	s7 =	simm.s32 @!p0 $0x108  }
0x21: {  	s3 =	sadd.s32 s3, s9;
	s6 =	sadd.s32 @!p0 $0x88, s6;
	s7 =	simm.s32 @p2 $0x1082  }
0x22: {  	[simem:s7], [sflag:s8] =	dma.local @!p0 [hbm:s6], $0xF7A  }
0x23: {  	s9 =	sor.u32 $0xD0000000, s2;
	s6 =	simm.s32 $0x108;
	_ =	swait.ge @!p0 [sflag:s8], $0x0  }
0x24: {  	s3 =	sadd.s32 $0x88, s3;
	s6 =	simm.s32 @!p1 $0x1082;
	[sflag:s4] =	ssyncset.s32 $0xFFFFF086  }
0x25: {  	[simem:s6], [sflag:s4] =	dma.local [hbm:s3], $0xF7A  }
0x26: {  	[smem:$0x3F9B] =	sst s1;
	(tag) =	ssettag s2;
	_ =	strace s9  }
0x27: {  	s1 =	sld [smem:$0x3FAB]  }
0x28: {  	s2 =	sld [smem:$0x3FAC]  }
0x29: {  	s4 =	sld [smem:$0x3FAE]  }
0x2a: {  	p0 =	seq.s32 s5, $0x0;
	s5 =	sld [smem:$0x3FAF]  }
0x2b: {  	s6 =	sld [smem:$0x3FB0]  }
0x2c: {  	s7 =	sld [smem:$0x3FB1]  }
0x2d: {  	s3 =	simm.s32 $0x108;
	s8 =	sld [smem:$0x3FB2]  }
0x2e: {  	s3 =	simm.s32 @!p0 $0x1082;
	s9 =	sld [smem:$0x3FB3]  }
0x2f: {  	lr =	sadd.s32 s0, s3;
	s0 =	sld [smem:$0x3FAA]  }
0x30: {  	s3 =	sld [smem:$0x3FAD]  }
0x31: {  	[smem:$0x3FB6] =	sst s10  }
0x32: {  	s10 =	sld [smem:$0x3FB4];
	_ =	sdelay $0x3  }
0x33: {  	p0 =	seq.s32 s10, $0x1;
	s10 =	sld [smem:$0x3FB6];
	_ =	sdelay $0x3  }
0x34: {  	[smem:$0x3FB6] =	sst s10  }
0x35: {  	s10 =	sld [smem:$0x3FB5];
	_ =	sdelay $0x3  }
0x36: {  	p1 =	seq.s32 s10, $0x1;
	s10 =	sld [smem:$0x3FB6];
	_ =	sdelay $0x3  }
0x37: {  	[smem:$0x3FB6] =	sst s10  }
0x38: {  	s10 =	sld [smem:$0x3FB7]  }
0x39: {  	_ = 	snop;
	(pc) =	sbr.ind lr, $3  }
0x3a: {  	_ = 	snop  }
0x3b: {  	_ = 	snop  }
0x3c: {  	p2 =	seq.s32 s10, $0x1;
	s10 =	sld [smem:$0x3FB6]  }
0x3d: {  	_ =	shalt  }
0x3e: {  	_ =	shalt  }
0x3f: {  	_ =	shalt  }
0x40: {  	_ =	shalt  }
0x41: {  	_ =	shalt  }
0x42: {  	_ =	shalt  }
0x43: {  	_ =	shalt  }
0x44: {  	_ =	shalt  }
0x45: {  	_ =	shalt  }
0x46: {  	_ =	shalt  }
0x47: {  	_ =	shalt  }
0x48: {  	_ =	shalt  }
0x49: {  	_ =	shalt  }
0x4a: {  	_ =	shalt  }
0x4b: {  	_ =	shalt  }
0x4c: {  	_ =	shalt  }
0x4d: {  	_ =	shalt  }
0x4e: {  	_ =	shalt  }
0x4f: {  	_ =	shalt  }
0x50: {  	_ =	shalt  }
0x51: {  	_ =	shalt  }
0x52: {  	_ =	shalt  }
0x53: {  	_ =	shalt  }
0x54: {  	_ =	shalt  }
0x55: {  	_ =	shalt  }
0x56: {  	_ =	shalt  }
0x57: {  	_ =	shalt  }
0x58: {  	_ =	shalt  }
0x59: {  	_ =	shalt  }
0x5a: {  	_ =	shalt  }
0x5b: {  	_ =	shalt  }
0x5c: {  	_ =	shalt  }
0x5d: {  	_ =	shalt  }
0x5e: {  	_ =	shalt  }
0x5f: {  	_ =	shalt  }
0x60: {  	_ =	shalt  }
0x61: {  	_ =	shalt  }
0x62: {  	_ =	shalt  }
0x63: {  	_ =	shalt  }
0x64: {  	_ =	shalt  }
0x65: {  	_ =	shalt  }
0x66: {  	_ =	shalt  }
0x67: {  	_ =	shalt  }
0x68: {  	_ =	shalt  }
0x69: {  	_ =	shalt  }
0x6a: {  	_ =	shalt  }
0x6b: {  	_ =	shalt  }
0x6c: {  	_ =	shalt  }
0x6d: {  	_ =	shalt  }
0x6e: {  	_ =	shalt  }
0x6f: {  	_ =	shalt  }
0x70: {  	_ =	shalt  }
0x71: {  	_ =	shalt  }
0x72: {  	_ =	shalt  }
0x73: {  	_ =	shalt  }
0x74: {  	_ =	shalt  }
0x75: {  	_ =	shalt  }
0x76: {  	_ =	shalt  }
0x77: {  	_ =	shalt  }
0x78: {  	_ =	shalt  }
0x79: {  	_ =	shalt  }
0x7a: {  	_ =	shalt  }
0x7b: {  	_ =	shalt  }
0x7c: {  	_ =	shalt  }
0x7d: {  	_ =	shalt  }
0x7e: {  	_ =	shalt  }
0x7f: {  	_ =	shalt  }
0x80: {  	_ =	shalt  }
0x81: {  	_ =	shalt  }
0x82: {  	_ =	shalt  }
0x83: {  	_ =	shalt  }
0x84: {  	_ =	shalt  }
0x85: {  	_ =	shalt  }
0x86: {  	_ =	shalt  }
0x87: {  	_ =	shalt  }
.Lfunc_end0:
.L_simem_size_0:
called_computation_lowered:
.L_overlay_start_0:
0x88: {  	s2 =	sld [smem:$0x3FD9]  }
0x89: {  	s3 =	sld [smem:$0x3FFE];
	_ =	sdelay $0x1  }
0x8a: {  	s1 =	srdreg.scid  }
0x8b: {  	s0 =	sand.u32 $0x1, s1  }
0x8c: {  	s17 =	sshll.u32 s0, $0xA;
	s2 =	sadd.s32 s3, s2  }
0x8d: {  	s2 =	sadd.s32 s2, s17  }
0x8e: {  	[smem:$0x3FC2] =	sst s2  }
0x8f: {  	_ = 	snop  }
0x90: {  	s2 =	sld [smem:$0x3FD0];
	(tm) =	ssettm $0x1  }
0x91: {  	s18 =	sld [smem:$0x3FFB];
	_ =	sdelay $0x3  }
0x92: {  	_ =	strace s18  }
0x93: {  	s3 =	sld [smem:$0x3FFC];
	_ =	sdelay $0x3  }
0x94: {  	_ =	strace s3  }
0x95: {  	s3 =	sld [smem:$0x3FFD];
	_ =	sdelay $0x3  }
0x96: {  	_ =	strace s3  }
0x97: {  	_ =	strace $0x8FFFFFFF  }
0x98: {  	s19 =	sld [smem:$0x3FDB];
	_ =	sdelay $0x1  }
0x99: {  	s4 =	simm.s32 $_scs_section_size  }
0x9a: {  	s5 =	simm.s32 $_size__tile_overlayer_lowered;
	s6 =	simm.s32 $_tile_overlayer_lowered  }
0x9b: {  	s22 =	simm.s32 $0x1BFF;
	s21 =	sshll.u32 s6, $0x1;
	s3 =	sadd.s32 s4, s19  }
0x9c: {  	s7 =	simm.s32 $0x0;
	s20 =	sshll.u32 s5, $0x1;
	s5 =	sadd.s32 s21, s3  }
0x9d: {  	[timem:s7], [sflag:s22] =	dma.local [hbm:s5], s20  }
0x9e: {  	_ =	swait.ge [sflag:s22], s20  }
0x9f: {  	s4 =	ssub.s32 $0x0, s20;
	[sflag:s22] =	ssyncset.done $0x0  }
0xa0: {  	[sflag:s22] =	ssyncadd.s32 s4;
	_ =	sdelay $0x1  }
0xa1: {  	s23 =	simm.s32 $0x1B8B  }
0xa2: {  	_ =	swait.ge [sflag:s23], $0x1  }
0xa3: {  	[sflag:s23] =	ssyncset.done $0x0  }
0xa4: {  	s25 =	simm.s32 $0x1B8E;
	s24 =	sld [smem:$0x3FFE];
	[sflag:s23] =	ssyncadd.s32 $0xFFFFFFFF  }
0xa5: {  	s26 =	simm.s32 $execute0_lowered;
	[smem:$0x3FD2] =	sst s25  }
0xa6: {  	s5 =	sshll.u32 s26, $0x1;
	_ =	strace $0x80000046;
	[dreg:$0x1] =	wrdreg $0xFFFFFFFF  }
0xa7: {  	s28 =	simm.s32 $_size_execute0_lowered;
	s3 =	sadd.s32 s3, s5;
	[dreg:$0x0] =	wrdreg $0x0  }
0xa8: {  	s5 =	sshll.u32 s28, $0x1;
	[dreg:$0x2] =	wrdreg s3  }
0xa9: {  	[dreg:$0x3] =	wrdreg s5  }
0xaa: {  	[dreg:$0x4] =	wrdreg $0xC0  }
0xab: {  	_ =	task [dreg:s7], $0x5FFFF  }
0xac: {  	[dreg:$0x1] =	wrdreg $0xFFFFFFFF  }
0xad: {  	[dreg:$0x0] =	wrdreg $0x60  }
0xae: {  	[dreg:$0x2] =	wrdreg s24  }
0xaf: {  	[dreg:$0x3] =	wrdreg s2  }
0xb0: {  	[dreg:$0x4] =	wrdreg $0x4800  }
0xb1: {  	[dreg:$0x5] =	wrdreg $0x9  }
0xb2: {  	_ =	task.clear_ibuf [dreg:s7], $0x6FFFF;
	_ =	strace $0x90000046  }
0xb3: {  	s29 =	simm.s32 $0x9;
	_ =	strace $0x80000048  }
0xb4: {  	_ =	swait.ge [sflag:s29], $0x1  }
0xb5: {  	[sflag:s29] =	ssyncadd.s32 $0xFFFFFFFF  }
0xb6: {  	_ =	strace $0x90000048  }
0xb7: {  	_ =	sfence  }
0xb8: {  	s30 =	sld [smem:$0x0];
	_ =	sdelay $0x2  }
0xb9: {  	s31 =	sshll.u32 s1, $0xD;
	s1 =	sshrl.u32 s1, $0x2  }
0xba: {  	s3 =	sand.u32 $0x4000, s31;
	s1 =	sadd.s32 s1, s30  }
0xbb: {  	s0 =	sor.u32 s3, s0;
	s1 =	sshll.u32 s1, $0x11  }
0xbc: {  	s0 =	sor.u32 s1, s0  }
0xbd: {  	s0 =	sadd.s32 $0x8F2B, s0  }
0xbe: {  	[sflag:s0] =	ssyncadd.remote.s32 $0x1  }
0xbf: {  	_ =	sfence.sel $0xFFFF  }
0xc0: {  	[dreg:$0x0] =	wrdreg $0xFFFFFFFF;
	(pc) =	sbr.abs _section_cstart, $3  }
0xc1: {  	[dreg:$0x1] =	wrdreg $0xFFFFFFFF  }
0xc2: {  	_ =	task.clear_ibuf [dreg:s7], $0x2FFFF;
	_ =	strace $0x9FFFFFFF  }
0xc3: {  	(tm) =	ssettm $0x7FFFFFFF  }
tec
execute0_lowered:
.L_overlay_start_1:
0x0: {  	(tag) =	ssettag $0x1  }
0x1: {  	s4 =	rddreg [dreg:$0x0]  }
0x2: {  	s8 =	rddreg [dreg:$0x1]  }
0x3: {  	s2 =	rddreg [dreg:$0x2]  }
0x4: {  	s0 =	rddreg [dreg:$0x3];
	s3 =	simm.s32 $0x0  }
0x5: {  	s1 =	stileid.u32;
	s5 =	srdreg.scid;
	s16 =	simm.s32 $0x180  }
0x6: {  	s17 =	simm.s32 $0x200;
	s18 =	simm.s32 $0x280;
	s19 =	simm.s32 $0x300  }
0x7: {  	s20 =	simm.s32 $0x380;
	[smem:$0x7FF] =	sst s3;
	s7 =	smul.u32 $0x280, s1  }
0x8: {  	s6 =	sand.u32 $0x1, s5;
	s10 =	sadd.s32 $0x2800, s4;
	s13 =	sshll.u32 s1, $0x6  }
0x9: {  	s15 =	smul.u32 $0x2700, s1;
	s30 =	sshll.u32 s1, $0x4;
	_ =	strace $0x80000047  }
0xa: {  	s5 =	ssub.s32 $0x2, s6;
	s9 =	sshll.u32 s6, $0x4;
	s26 =	smul.u32 $0x27000, s6  }
0xb: {  	s29 =	smul.u32 $0x2800, s6;
	s11 =	sshrl.u32 s7, $0x3;
	s12 =	sshrl.u32 s5, $0x1  }
0xc: {  	s21 =	sor.u32 s1, s9;
	s25 =	sadd.s32 s7, s2;
	s4 =	sadd.s32 s11, s4  }
0xd: {  	s23 =	ssub.s32 s5, s12;
	s24 =	smul.u32 $0x2700, s21;
	s5 =	sor.u32 $0x1C01, s13  }
0xe: {  	s12 =	sadd.s32 s15, s26;
	s13 =	sadd.s32 s30, s10;
	s11 =	sshrl.u32 s25, $0x3  }
0xf: {  	s15 =	simm.s32 $0x100;
	p0 =	sgt.u32 s21, $0x3;
	s21 =	simm.s32 $0x0  }
0x10: {  	s4 =	sadd.s32 $0x16200, s4;
	s12 =	sadd.s32 $0x4E200, s12;
	s14 =	sshrl.u32 s24, $0x3  }
0x11: {  	s9 =	smax.u32 s23, $0x1;
	s12 =	sshrl.u32 s12, $0x3;
	s28 =	sadd.s32 s10, s14  }
0x12: {  	s14 =	sadd.s32 s7, s29;
	s7 =	sadd.s32 $0x13840, s13;
	s10 =	sadd.s32 s12, s10  }
0x13: {  	s12 =	simm.s32 $0x1;
	s13 =	simm.s32 $0x80;
	s31 =	sshrl.u32 s14, $0x3  }
0x14: {  	v0 =	vimm.f32 $1.000000000e+00;
	s6 =	sadd.s32 $0xA0C0, s28;
	s14 =	simm.s32 $0x400;
	s8 =	sadd.s32 s8, s31  }
.LBB2_1:
0x15: {  	[tilespmem:$0x400] =	vst v0  }
0x16: {  	[tilespmem:$0x410] =	vst v0  }
0x17: {  	[tilespmem:$0x420] =	vst v0  }
0x18: {  	[tilespmem:$0x430] =	vst v0  }
0x19: {  	[tilespmem:$0x440] =	vst v0  }
0x1a: {  	[tilespmem:$0x450] =	vst v0  }
0x1b: {  	[tilespmem:$0x460] =	vst v0  }
0x1c: {  	[tilespmem:$0x470] =	vst v0  }
0x1d: {  	[spmem:s11], [sflag:s5] =	dma.local [hbm:s4], $0x50  }
0x1e: {  	_ =	swait.ge [sflag:s12], $0x50  }
0x1f: {  	[sflag:s12] =	ssyncset.done $0x0  }
0x20: {  	[sflag:s12] =	ssyncadd.s32 $0xFFFFFFB0  }
0x21: {  	s22 =	sadd.s32 $0x0, s10;
	[bflag:$0x0] =	sbarrier.arrive $0xFFFF  }
0x22: {  	[tilespmem:s3], [sflag:$0x1] =	stream.linear.gather [hbm4b:s22+s3], $0x400, $0x38;
	[tilespmem:$0x700] =	vst v63  }
0x23: {  	_ =	swait.ge [sflag:s12], $0x400  }
0x24: {  	[sflag:s12] =	ssyncset.done $0x0  }
0x25: {  	[sflag:s12] =	ssyncadd.s32 $0xFFFFFC00  }
0x26: {  	[spmem:s2] =	stream.indirect.scatter.add.f32 [tilespmem:s14], [sflag:$0x1], $0x1, s3, s13, $0xb8;
	[tilespmem:$0x700] =	vst v63  }
0x27: {  	_ =	swait.ge [sflag:s12], $0x80  }
0x28: {  	[sflag:s12] =	ssyncset.done $0x0  }
0x29: {  	[sflag:s12] =	ssyncadd.s32 $0xFFFFFF80  }
0x2a: {  	[spmem:s2] =	stream.indirect.scatter.add.f32 [tilespmem:s14], [sflag:$0x1], $0x1, s13, s13, $0xb8;
	[tilespmem:$0x700] =	vst v63  }
0x2b: {  	_ =	swait.ge [sflag:s12], $0x80  }
0x2c: {  	[sflag:s12] =	ssyncset.done $0x0  }
0x2d: {  	[sflag:s12] =	ssyncadd.s32 $0xFFFFFF80  }
0x2e: {  	[spmem:s2] =	stream.indirect.scatter.add.f32 [tilespmem:s14], [sflag:$0x1], $0x1, s15, s13, $0xb8;
	[tilespmem:$0x700] =	vst v63  }
0x2f: {  	_ =	swait.ge [sflag:s12], $0x80  }
0x30: {  	[sflag:s12] =	ssyncset.done $0x0  }
0x31: {  	[sflag:s12] =	ssyncadd.s32 $0xFFFFFF80  }
0x32: {  	[spmem:s2] =	stream.indirect.scatter.add.f32 [tilespmem:s14], [sflag:$0x1], $0x1, s16, s13, $0xb8;
	[tilespmem:$0x700] =	vst v63  }
0x33: {  	_ =	swait.ge [sflag:s12], $0x80  }
0x34: {  	[sflag:s12] =	ssyncset.done $0x0  }
0x35: {  	[sflag:s12] =	ssyncadd.s32 $0xFFFFFF80  }
0x36: {  	[spmem:s2] =	stream.indirect.scatter.add.f32 [tilespmem:s14], [sflag:$0x1], $0x1, s17, s13, $0xb8;
	[tilespmem:$0x700] =	vst v63  }
0x37: {  	_ =	swait.ge [sflag:s12], $0x80  }
0x38: {  	[sflag:s12] =	ssyncset.done $0x0  }
0x39: {  	[sflag:s12] =	ssyncadd.s32 $0xFFFFFF80  }
0x3a: {  	[spmem:s2] =	stream.indirect.scatter.add.f32 [tilespmem:s14], [sflag:$0x1], $0x1, s18, s13, $0xb8;
	[tilespmem:$0x700] =	vst v63  }
0x3b: {  	_ =	swait.ge [sflag:s12], $0x80  }
0x3c: {  	[sflag:s12] =	ssyncset.done $0x0  }
0x3d: {  	[sflag:s12] =	ssyncadd.s32 $0xFFFFFF80  }
0x3e: {  	[spmem:s2] =	stream.indirect.scatter.add.f32 [tilespmem:s14], [sflag:$0x1], $0x1, s19, s13, $0xb8;
	[tilespmem:$0x700] =	vst v63  }
0x3f: {  	_ =	swait.ge [sflag:s12], $0x80  }
0x40: {  	[sflag:s12] =	ssyncset.done $0x0  }
0x41: {  	[sflag:s12] =	ssyncadd.s32 $0xFFFFFF80  }
0x42: {  	[spmem:s2] =	stream.indirect.scatter.add.f32 [tilespmem:s14], [sflag:$0x1], $0x1, s20, s13, $0xb8;
	[tilespmem:$0x700] =	vst v63  }
0x43: {  	_ =	swait.ge [sflag:s12], $0x80  }
0x44: {  	s24 =	simm.s32 $0x100;
	s22 =	simm.s32 $0x80;
	[sflag:s12] =	ssyncset.done $0x0  }
.LBB2_2:
0x45: {  	s25 =	sadd.s32 s22, s10  }
0x46: {  	[sflag:s12] =	ssyncadd.s32 $0xFFFFFF80;
	s22 =	smov.u32 s24;
	s23 =	sadd.s32 $0x80, s24  }
0x47: {  	[tilespmem:s3], [sflag:$0x1] =	stream.linear.gather [hbm4b:s25+s3], $0x400, $0x38;
	[tilespmem:$0x700] =	vst v63  }
0x48: {  	p1 =	sne.s32 s24, $0x400;
	_ =	swait.ge [sflag:s12], $0x400  }
0x49: {  	[sflag:s12] =	ssyncset.done $0x0  }
0x4a: {  	[sflag:s12] =	ssyncadd.s32 $0xFFFFFC00  }
0x4b: {  	[spmem:s2] =	stream.indirect.scatter.add.f32 [tilespmem:s14], [sflag:$0x1], $0x1, s3, s13, $0xb8;
	[tilespmem:$0x700] =	vst v63  }
0x4c: {  	_ =	swait.ge [sflag:s12], $0x80  }
0x4d: {  	[sflag:s12] =	ssyncset.done $0x0  }
0x4e: {  	[sflag:s12] =	ssyncadd.s32 $0xFFFFFF80  }
0x4f: {  	[spmem:s2] =	stream.indirect.scatter.add.f32 [tilespmem:s14], [sflag:$0x1], $0x1, s13, s13, $0xb8;
	[tilespmem:$0x700] =	vst v63  }
0x50: {  	_ =	swait.ge [sflag:s12], $0x80  }
0x51: {  	[sflag:s12] =	ssyncset.done $0x0  }
0x52: {  	[sflag:s12] =	ssyncadd.s32 $0xFFFFFF80  }
0x53: {  	[spmem:s2] =	stream.indirect.scatter.add.f32 [tilespmem:s14], [sflag:$0x1], $0x1, s15, s13, $0xb8;
	[tilespmem:$0x700] =	vst v63  }
0x54: {  	_ =	swait.ge [sflag:s12], $0x80  }
0x55: {  	[sflag:s12] =	ssyncset.done $0x0  }
0x56: {  	[sflag:s12] =	ssyncadd.s32 $0xFFFFFF80  }
0x57: {  	[spmem:s2] =	stream.indirect.scatter.add.f32 [tilespmem:s14], [sflag:$0x1], $0x1, s16, s13, $0xb8;
	[tilespmem:$0x700] =	vst v63  }
0x58: {  	_ =	swait.ge [sflag:s12], $0x80  }
0x59: {  	[sflag:s12] =	ssyncset.done $0x0  }
0x5a: {  	[sflag:s12] =	ssyncadd.s32 $0xFFFFFF80  }
0x5b: {  	[spmem:s2] =	stream.indirect.scatter.add.f32 [tilespmem:s14], [sflag:$0x1], $0x1, s17, s13, $0xb8;
	[tilespmem:$0x700] =	vst v63  }
0x5c: {  	_ =	swait.ge [sflag:s12], $0x80  }
0x5d: {  	[sflag:s12] =	ssyncset.done $0x0  }
0x5e: {  	[sflag:s12] =	ssyncadd.s32 $0xFFFFFF80  }
0x5f: {  	[spmem:s2] =	stream.indirect.scatter.add.f32 [tilespmem:s14], [sflag:$0x1], $0x1, s18, s13, $0xb8;
	[tilespmem:$0x700] =	vst v63  }
0x60: {  	_ =	swait.ge [sflag:s12], $0x80  }
0x61: {  	[sflag:s12] =	ssyncset.done $0x0  }
0x62: {  	[sflag:s12] =	ssyncadd.s32 $0xFFFFFF80  }
0x63: {  	[spmem:s2] =	stream.indirect.scatter.add.f32 [tilespmem:s14], [sflag:$0x1], $0x1, s19, s13, $0xb8;
	[tilespmem:$0x700] =	vst v63  }
0x64: {  	_ =	swait.ge [sflag:s12], $0x80  }
.Ltmp0:
0x65: {  	[sflag:s12] =	ssyncset.done $0x0;
	(pc) =	sbr.rel @p1 .LBB2_2-.Ltmp0, $4  }
0x66: {  	[sflag:s12] =	ssyncadd.s32 $0xFFFFFF80  }
0x67: {  	[spmem:s2] =	stream.indirect.scatter.add.f32 [tilespmem:s14], [sflag:$0x1], $0x1, s20, s13, $0xb8;
	[tilespmem:$0x700] =	vst v63  }
0x68: {  	_ =	swait.ge [sflag:s12], $0x80  }
0x69: {  	s24 =	smov.u32 s23;
	[sflag:s12] =	ssyncset.done $0x0  }
0x6a: {  	s22 =	sadd.s32 s22, s10;
	[sflag:s12] =	ssyncadd.s32 $0xFFFFFF80  }
0x6b: {  	[tilespmem:s3], [sflag:$0x1] =	stream.linear.gather [hbm4b:s22+s3], $0x400, $0x38;
	[tilespmem:$0x700] =	vst v63  }
0x6c: {  	_ =	swait.ge [sflag:s12], $0x400  }
0x6d: {  	[sflag:s12] =	ssyncset.done $0x0  }
0x6e: {  	[sflag:s12] =	ssyncadd.s32 $0xFFFFFC00  }
0x6f: {  	[spmem:s2] =	stream.indirect.scatter.add.f32 [tilespmem:s14], [sflag:$0x1], $0x1, s3, s13, $0xb8;
	[tilespmem:$0x700] =	vst v63  }
0x70: {  	_ =	swait.ge [sflag:s12], $0x80  }
0x71: {  	[sflag:s12] =	ssyncset.done $0x0  }
0x72: {  	[sflag:s12] =	ssyncadd.s32 $0xFFFFFF80  }
0x73: {  	[spmem:s2] =	stream.indirect.scatter.add.f32 [tilespmem:s14], [sflag:$0x1], $0x1, s13, s13, $0xb8;
	[tilespmem:$0x700] =	vst v63  }
0x74: {  	_ =	swait.ge [sflag:s12], $0x80  }
0x75: {  	[sflag:s12] =	ssyncset.done $0x0  }
0x76: {  	[sflag:s12] =	ssyncadd.s32 $0xFFFFFF80  }
0x77: {  	[spmem:s2] =	stream.indirect.scatter.add.f32 [tilespmem:s14], [sflag:$0x1], $0x1, s15, s13, $0xb8;
	[tilespmem:$0x700] =	vst v63  }
0x78: {  	_ =	swait.ge [sflag:s12], $0x80  }
0x79: {  	[sflag:s12] =	ssyncset.done $0x0  }
0x7a: {  	[sflag:s12] =	ssyncadd.s32 $0xFFFFFF80  }
0x7b: {  	[spmem:s2] =	stream.indirect.scatter.add.f32 [tilespmem:s14], [sflag:$0x1], $0x1, s16, s13, $0xb8;
	[tilespmem:$0x700] =	vst v63  }
0x7c: {  	_ =	swait.ge [sflag:s12], $0x80  }
0x7d: {  	[sflag:s12] =	ssyncset.done $0x0  }
0x7e: {  	[sflag:s12] =	ssyncadd.s32 $0xFFFFFF80  }
0x7f: {  	[spmem:s2] =	stream.indirect.scatter.add.f32 [tilespmem:s14], [sflag:$0x1], $0x1, s17, s13, $0xb8;
	[tilespmem:$0x700] =	vst v63  }
0x80: {  	_ =	swait.ge [sflag:s12], $0x80  }
0x81: {  	[sflag:s12] =	ssyncset.done $0x0  }
0x82: {  	[sflag:s12] =	ssyncadd.s32 $0xFFFFFF80  }
0x83: {  	[spmem:s2] =	stream.indirect.scatter.add.f32 [tilespmem:s14], [sflag:$0x1], $0x1, s18, s13, $0xb8;
	[tilespmem:$0x700] =	vst v63  }
0x84: {  	_ =	swait.ge [sflag:s12], $0x80  }
0x85: {  	[sflag:s12] =	ssyncset.done $0x0  }
0x86: {  	[sflag:s12] =	ssyncadd.s32 $0xFFFFFF80  }
0x87: {  	[spmem:s2] =	stream.indirect.scatter.add.f32 [tilespmem:s14], [sflag:$0x1], $0x1, s19, s13, $0xb8;
	[tilespmem:$0x700] =	vst v63  }
0x88: {  	_ =	swait.ge [sflag:s12], $0x80  }
0x89: {  	[sflag:s12] =	ssyncset.done $0x0  }
0x8a: {  	[sflag:s12] =	ssyncadd.s32 $0xFFFFFF80  }
0x8b: {  	[spmem:s2] =	stream.indirect.scatter.add.f32 [tilespmem:s14], [sflag:$0x1], $0x1, s20, s13, $0xb8;
	[tilespmem:$0x700] =	vst v63  }
0x8c: {  	_ =	swait.ge [sflag:s12], $0x80  }
0x8d: {  	[sflag:s12] =	ssyncset.done $0x0  }
0x8e: {  	[sflag:s12] =	ssyncadd.s32 $0xFFFFFF80  }
0x8f: {  	[tilespmem:s3], [sflag:$0x1] =	stream.linear.gather [hbm4b:s6+s3], $0x300, $0x38;
	[tilespmem:$0x700] =	vst v63  }
0x90: {  	_ =	swait.ge [sflag:s12], $0x300  }
0x91: {  	[sflag:s12] =	ssyncset.done $0x0  }
0x92: {  	[sflag:s12] =	ssyncadd.s32 $0xFFFFFD00  }
0x93: {  	[spmem:s2] =	stream.indirect.scatter.add.f32 [tilespmem:s14], [sflag:$0x1], $0x1, s3, s13, $0xb8;
	[tilespmem:$0x700] =	vst v63  }
0x94: {  	_ =	swait.ge [sflag:s12], $0x80  }
0x95: {  	[sflag:s12] =	ssyncset.done $0x0  }
0x96: {  	[sflag:s12] =	ssyncadd.s32 $0xFFFFFF80  }
0x97: {  	[spmem:s2] =	stream.indirect.scatter.add.f32 [tilespmem:s14], [sflag:$0x1], $0x1, s13, s13, $0xb8;
	[tilespmem:$0x700] =	vst v63  }
0x98: {  	_ =	swait.ge [sflag:s12], $0x80  }
0x99: {  	[sflag:s12] =	ssyncset.done $0x0  }
0x9a: {  	[sflag:s12] =	ssyncadd.s32 $0xFFFFFF80  }
0x9b: {  	[spmem:s2] =	stream.indirect.scatter.add.f32 [tilespmem:s14], [sflag:$0x1], $0x1, s15, s13, $0xb8;
	[tilespmem:$0x700] =	vst v63  }
0x9c: {  	_ =	swait.ge [sflag:s12], $0x80  }
0x9d: {  	[sflag:s12] =	ssyncset.done $0x0  }
0x9e: {  	[sflag:s12] =	ssyncadd.s32 $0xFFFFFF80  }
0x9f: {  	[spmem:s2] =	stream.indirect.scatter.add.f32 [tilespmem:s14], [sflag:$0x1], $0x1, s16, s13, $0xb8;
	[tilespmem:$0x700] =	vst v63  }
0xa0: {  	_ =	swait.ge [sflag:s12], $0x80  }
0xa1: {  	[sflag:s12] =	ssyncset.done $0x0  }
0xa2: {  	[sflag:s12] =	ssyncadd.s32 $0xFFFFFF80  }
0xa3: {  	[spmem:s2] =	stream.indirect.scatter.add.f32 [tilespmem:s14], [sflag:$0x1], $0x1, s17, s13, $0xb8;
	[tilespmem:$0x700] =	vst v63  }
0xa4: {  	_ =	swait.ge [sflag:s12], $0x80  }
0xa5: {  	[sflag:s12] =	ssyncset.done $0x0  }
0xa6: {  	[sflag:s12] =	ssyncadd.s32 $0xFFFFFF80  }
0xa7: {  	[spmem:s2] =	stream.indirect.scatter.add.f32 [tilespmem:s14], [sflag:$0x1], $0x1, s18, s13, $0xb8;
	[tilespmem:$0x700] =	vst v63  }
0xa8: {  	_ =	swait.ge [sflag:s12], $0x80  }
0xa9: {  	[sflag:s12] =	ssyncset.done $0x0  }
0xaa: {  	s23 =	simm.s32 @!p0 $0x1;
	s22 =	simm.s32 @!p0 $0x0;
	[sflag:s12] =	ssyncadd.s32 $0xFFFFFF80  }
0xab: {  	[tilespmem:s22], [sflag:$0x1] =	stream.linear.gather @!p0 [hbm4b:s7+s22], $0x80, $0x38;
	[tilespmem:$0x700] =	vst v63  }
0xac: {  	_ =	swait.ge @!p0 [sflag:s23], $0x80  }
0xad: {  	[sflag:s23] =	ssyncset.done @!p0 $0x0  }
0xae: {  	s24 =	simm.s32 @!p0 $0x80;
	s25 =	simm.s32 @!p0 $0x400;
	[sflag:s23] =	ssyncadd.s32 @!p0 $0xFFFFFF80  }
0xaf: {  	[spmem:s2] =	stream.indirect.scatter.add.f32 @!p0 [tilespmem:s25], [sflag:$0x1], $0x1, s22, s24, $0xb8;
	[tilespmem:$0x700] =	vst v63  }
0xb0: {  	_ =	swait.ge @!p0 [sflag:s23], $0x80  }
0xb1: {  	s21 =	sadd.s32 $0x1, s21;
	[sflag:s23] =	ssyncset.done @!p0 $0x0  }
0xb2: {  	p1 =	sne.s32 s21, s9;
	[sflag:s23] =	ssyncadd.s32 @!p0 $0xFFFFFF80  }
.Ltmp1:
0xb3: {  	[bflag:$0x0] =	sbarrier.arrive $0xFFFF;
	(pc) =	sbr.rel @p1 .LBB2_1-.Ltmp1, $4  }
0xb4: {  	[hbm:s8], [sflag:s5] =	dma.local [spmem:s11], $0x50  }
0xb5: {  	_ =	swait.ge [sflag:s12], $0x50  }
0xb6: {  	[sflag:s12] =	ssyncset.done $0x0  }
0xb7: {  	[sflag:s12] =	ssyncadd.s32 $0xFFFFFFB0  }
0xb8: {  	_ =	sfence.sel $0x180000  }
0xb9: {  	[bflag:$0x0] =	sbarrier.arrive $0xFFFF  }
0xba: {  	p0 =	sne.s32 s1, $0x0;
	_ =	strace $0x90000047  }
0xbb: {  	s0 =	sadd.s32 @!p0 $0x100000, s0;
	[bflag:$0x2] =	sbarrier.arrive $0xFFFF  }
0xbc: {  	[sflag:s0] =	ssyncadd.tile.s32 @!p0 $0x1;
	_ =	shalt  }
.Lfunc_end2:
_tile_overlayer_lowered:
.L_overlay_start_2:
0xbd: {  	(tag) =	ssettag $0x2  }
0xbe: {  	s0 =	rddreg [dreg:$0x0];
	s2 =	stileid.u32  }
0xbf: {  	s1 =	rddreg [dreg:$0x1];
	p0 =	sne.s32 s2, $0x0  }
0xc0: {  	s3 =	rddreg [dreg:$0x2];
	[bflag:$0x3] =	sbarrier.arrive $0xFFFF;
	s2 =	simm.s32 @!p0 $0x1C01  }
0xc1: {  	[timem:s3], [sflag:s2] =	dma.local @!p0 [hbm:s0], s1  }
0xc2: {  	s0 =	simm.s32 @!p0 $0x1  }
0xc3: {  	_ =	swait.ge @!p0 [sflag:s0], s1  }
0xc4: {  	s1 =	ssub.s32 @!p0 $0x0, s1;
	[sflag:s0] =	ssyncset.done @!p0 $0x0  }
0xc5: {  	[sflag:s0] =	ssyncadd.s32 @!p0 s1  }
0xc6: {  	[bflag:$0x3] =	sbarrier.arrive $0xFFFF  }
0xc7: {  	_ =	shalt  }

</sc_bundles>
